<compile_context>
chip_gen: v7x
topology: tpu7x:2x2x1
jax: 0.10.2.dev20260603
libtpu: 0.0.44.dev20260713+nightly
codegen_flags: <defaults>
</compile_context>

<pallas_src>
import functools

import jax
import jax.numpy as jnp
import numpy as np
from jax import lax
from jax.experimental import pallas as pl
from jax.experimental.pallas import tpu as pltpu
from jax.experimental.pallas import tpu_sc as plsc

N = 10000
E = 320000
G = 64
VOCAB = 512
EMB = 128
HID = 256

NC = 2
NS = 16

ROWS = 2560
EPAD = ROWS * 128
ACC_ROWS = 10240
DUMP = N

DG_ROWS = ROWS // (NC * NS)
EP_R0 = 80
EP_R1 = 80
ISLAB = 40
NSLAB1 = EP_R1 // ISLAB
CH = 128
HALF = HID // NC

_EP = np.zeros((HID, HID // 2), np.float32)
_OP = np.zeros((HID, HID // 2), np.float32)
for _w in range(HID // 2):
  _EP[2 * _w, _w] = 1.0
  _OP[2 * _w + 1, _w] = 1.0
_EPT = _EP.T.copy()
_OPT = _OP.T.copy()


@functools.cache
def _sc_mesh():
  return plsc.VectorSubcoreMesh(
      core_axis_name="c", subcore_axis_name="s", num_cores=NC, num_subcores=NS)


def _fill_f32(ref, start, n16, value):
  @pl.loop(0, n16)
  def _(i):
    ref[pl.ds(start + i * 16, 16)] = jnp.full((16,), value, jnp.float32)


def _sc_deg_body(dst2d, outp, dstbuf, vbuf, acc):
  c = lax.axis_index("c")
  s = lax.axis_index("s")
  w = c * NS + s

  _fill_f32(vbuf, 0, 40, 0.0)
  pltpu.sync_copy(vbuf, acc.at[pl.ds(s * 640, 640)])
  plsc.subcore_barrier()

  _fill_f32(vbuf, 0, 8, 1.0)

  base = w * DG_ROWS
  pltpu.sync_copy(dst2d.at[pl.ds(base, DG_ROWS)], dstbuf)

  @pl.loop(0, DG_ROWS)
  def _(j):
    pltpu.sync_copy(vbuf.at[pl.ds(0, 128)], acc.at[dstbuf.at[j]], add=True)

  plsc.subcore_barrier()
  pltpu.sync_copy(acc.at[pl.ds(s * 640, 640)], outp.at[c, pl.ds(s * 640, 640)])


def _sc_deg(dst2d):
  return pl.kernel(
      _sc_deg_body,
      out_type=jax.ShapeDtypeStruct((NC, ACC_ROWS), jnp.float32),
      mesh=_sc_mesh(),
      scratch_types=[
          pltpu.VMEM((DG_ROWS, 128), jnp.int32),
          pltpu.VMEM((640,), jnp.float32),
          pltpu.VMEM_SHARED((ACC_ROWS,), jnp.float32),
      ],
  )(dst2d)


def _sc_ep_body(gq32, src2d, dst2d, outp, srcbuf, dstbuf, rbuf,
                sem_g, sem_s, acc):
  c = lax.axis_index("c")
  s = lax.axis_index("s")
  w = c * NS + s

  @pl.loop(0, 1024)
  def _(i):
    rbuf[0, i // 8, pl.ds((i % 8) * 16, 16)] = jnp.zeros((16,), jnp.int32)
  for t in range(5):
    pltpu.sync_copy(rbuf.at[0], acc.at[pl.ds(s * 640 + t * 128, 128)])
  plsc.subcore_barrier()

  base = jnp.where(c == 0, s * EP_R0, NS * EP_R0 + s * EP_R1)

  def gather(j, b):
    return pltpu.make_async_copy(gq32.at[srcbuf.at[j]], rbuf.at[b],
                                 sem_g.at[b])

  def scatter(j, b):
    return pltpu.make_async_copy(rbuf.at[b], acc.at[dstbuf.at[j]],
                                 sem_s.at[b])

  for p in range(NSLAB1):
    @pl.when((c == 1) | (p < EP_R0 // ISLAB))
    def _():
      pltpu.sync_copy(src2d.at[pl.ds(base + p * ISLAB, ISLAB)], srcbuf)
      pltpu.sync_copy(dst2d.at[pl.ds(base + p * ISLAB, ISLAB)], dstbuf)

      gather(0, 0).start()

      @pl.loop(0, ISLAB // 2)
      def _(i):
        for b in (0, 1):
          j = i * 2 + b

          @pl.when(j + 1 < ISLAB)
          def _():
            @pl.when(j >= 1)
            def _():
              scatter(j - 1, 1 - b).wait()
            gather(j + 1, 1 - b).start()

          gather(j, b).wait()
          scatter(j, b).start(add=True)

      scatter(ISLAB - 2, 0).wait()
      scatter(ISLAB - 1, 1).wait()

  plsc.subcore_barrier()
  pltpu.sync_copy(acc.at[pl.ds(s * 640, 640)], outp.at[c, pl.ds(s * 640, 640)])


def _sc_edge_pass(gq32, src2d, dst2d):
  return pl.kernel(
      _sc_ep_body,
      out_type=jax.ShapeDtypeStruct((NC, ACC_ROWS, 128), jnp.int32),
      mesh=_sc_mesh(),
      scratch_types=[
          pltpu.VMEM((ISLAB, 128), jnp.int32),
          pltpu.VMEM((ISLAB, 128), jnp.int32),
          pltpu.VMEM((2, CH, 128), jnp.int32),
          pltpu.SemaphoreType.DMA((2,)),
          pltpu.SemaphoreType.DMA((2,)),
          pltpu.VMEM_SHARED((ACC_ROWS, 128), jnp.int32),
      ],
  )(gq32, src2d, dst2d)


BM = 2000
GRID_M = N // BM


def _tc1(x_ref, emb_ref, w1a_ref, w1f_ref, degp_ref,
         g_ref, dis_ref, bmax_ref, dmax_ref):
  m = pl.program_id(0)
  xb = x_ref[...]
  ids = xb[:, 0:1].astype(jnp.int32)
  oh = (ids == lax.broadcasted_iota(jnp.int32, (BM, VOCAB), 1)).astype(
      jnp.float32)
  er = jnp.dot(oh, emb_ref[...], preferred_element_type=jnp.float32)
  hw = (jnp.dot(er, w1a_ref[...], preferred_element_type=jnp.float32)
        + jnp.dot(xb, w1f_ref[...], preferred_element_type=jnp.float32))
  degsum = degp_ref[0] + degp_ref[1]
  deg = degsum + 1.0
  dis = lax.rsqrt(deg)
  dis_ref[...] = dis
  gg = hw * dis
  g_ref[...] = gg
  bmax_ref[...] = jnp.max(jnp.abs(gg)).reshape(1, 1, 1)
  dmax_ref[...] = jnp.max(degsum).reshape(1, 1, 1)


def _tc_quant(g_ref, bmax_ref, dmax_ref, ep_ref, op_ref,
              gq_ref, inv_ref, bb_ref):
  gmax = jnp.max(bmax_ref[...])
  dmax = jnp.maximum(jnp.max(dmax_ref[...]), 1.0)
  bias = jnp.floor(32768.0 / dmax)
  scale = (bias - 1.5) / jnp.maximum(gmax, 1e-20)
  y = jnp.clip(g_ref[...] * scale, 1.5 - bias, bias - 1.5)
  u = (y + bias + 0.5).astype(jnp.int32).astype(jnp.float32)
  even = jnp.dot(u, ep_ref[...], preferred_element_type=jnp.float32)
  odd = jnp.dot(u, op_ref[...], preferred_element_type=jnp.float32)
  gq_ref[...] = jnp.bitwise_or(
      even.astype(jnp.int32), lax.shift_left(odd.astype(jnp.int32), 16))
  inv_ref[...] = (1.0 / scale).reshape(1, 1)
  bb_ref[...] = bias.reshape(1, 1)


def _decode(acc_ref, degp_ref, inv, bias, ept, opt):
  accf = jnp.zeros((BM, HID), jnp.float32)
  for ci in range(NC):
    a = acc_ref[ci]
    cnt = degp_ref[ci]
    lo = (a & 0xFFFF).astype(jnp.float32) - cnt * bias
    hi = lax.shift_right_logical(a, 16).astype(jnp.float32) - cnt * bias
    accf += (jnp.dot(lo, ept, preferred_element_type=jnp.float32)
             + jnp.dot(hi, opt, preferred_element_type=jnp.float32))
  return accf * inv


def _tc_mid(do_relu, acc_ref, degp_ref, g_ref, dis_ref, inv_ref, bb_ref,
            ept_ref, opt_ref, w_ref, b_ref, gout_ref, bmax_ref):
  accf = _decode(acc_ref, degp_ref, inv_ref[...], bb_ref[...],
                 ept_ref[...], opt_ref[...])
  dis = dis_ref[...]
  z = (accf + g_ref[...]) * dis + b_ref[...]
  if do_relu:
    z = jnp.maximum(z, 0.0)
  hw = jnp.dot(z, w_ref[...], preferred_element_type=jnp.float32)
  gg = hw * dis
  gout_ref[...] = gg
  bmax_ref[...] = jnp.max(jnp.abs(gg)).reshape(1, 1, 1)


def _tc4(acc_ref, degp_ref, g_ref, dis_ref, inv_ref, bb_ref, ept_ref,
         opt_ref, b_ref, batch_ref, fcw_ref, fcb_ref, out_ref, psum, cnt):
  m = pl.program_id(0)

  @pl.when(m == 0)
  def _():
    psum[...] = jnp.zeros((G, HID), jnp.float32)
    cnt[...] = jnp.zeros((G, 1), jnp.float32)

  accf = _decode(acc_ref, degp_ref, inv_ref[...], bb_ref[...],
                 ept_ref[...], opt_ref[...])
  dis = dis_ref[...]
  z = (accf + g_ref[...]) * dis + b_ref[...]
  oh = (batch_ref[...] == lax.broadcasted_iota(jnp.int32, (BM, G), 1)).astype(
      jnp.float32)
  dn = (((0,), (0,)), ((), ()))
  psum[...] += lax.dot_general(oh, z, dn, preferred_element_type=jnp.float32)
  cnt[...] += lax.dot_general(oh, jnp.ones((BM, 1), jnp.float32), dn,
                              preferred_element_type=jnp.float32)

  @pl.when(m == GRID_M - 1)
  def _():
    pooled = psum[...] * (1.0 / jnp.maximum(cnt[...], 1.0))
    out_ref[...] = (jnp.dot(pooled, fcw_ref[...],
                            preferred_element_type=jnp.float32)
                    + fcb_ref[...])


def kernel(x, edge_index, batch, emb, W1, b1, W2, b2, W3, b3, fcW, fcb):
  src = edge_index[0].astype(jnp.int32)
  dst = edge_index[1].astype(jnp.int32)
  srcp = jnp.concatenate([src, jnp.zeros((EPAD - E,), jnp.int32)])
  dstp = jnp.concatenate(
      [dst, DUMP + (jnp.arange(EPAD - E, dtype=jnp.int32) % (ACC_ROWS - N))])
  src2d = srcp.reshape(ROWS, 128)
  dst2d = dstp.reshape(ROWS, 128)
  batch2d = batch.astype(jnp.int32).reshape(N, 1)

  w1a = W1[:EMB]
  w1f = jnp.concatenate([jnp.zeros((1, HID), W1.dtype), W1[EMB:]], axis=0)
  b1s = b1.reshape(1, HID)
  b2s = b2.reshape(1, HID)
  b3s = b3.reshape(1, HID)
  fcb2 = fcb.reshape(1, 2)

  degp = _sc_deg(dst2d).reshape(NC, ACC_ROWS, 1)

  full = lambda shp: pl.BlockSpec(shp, lambda m: tuple(0 for _ in shp))
  rowblk = lambda *shp: pl.BlockSpec(shp, (lambda m: (m, 0) if len(shp) == 2
                                           else (0, m, 0)))
  perm = pl.BlockSpec((1, 1, 1), lambda m: (m, 0, 0))

  g1, dis, bmax1, dmaxb = pl.pallas_call(
      _tc1,
      grid=(GRID_M,),
      in_specs=[
          rowblk(BM, 128),
          full((VOCAB, EMB)),
          full((EMB, HID)),
          full((EMB, HID)),
          rowblk(NC, BM, 1),
      ],
      out_specs=[rowblk(BM, HID), rowblk(BM, 1), perm, perm],
      out_shape=[jax.ShapeDtypeStruct((N, HID), jnp.float32),
                 jax.ShapeDtypeStruct((N, 1), jnp.float32),
                 jax.ShapeDtypeStruct((GRID_M, 1, 1), jnp.float32),
                 jax.ShapeDtypeStruct((GRID_M, 1, 1), jnp.float32)],
  )(x, emb, w1a, w1f, degp)

  ep_m = jnp.asarray(_EP)
  op_m = jnp.asarray(_OP)
  ept_m = jnp.asarray(_EPT)
  opt_m = jnp.asarray(_OPT)

  def quant(g, bmax):
    return pl.pallas_call(
        _tc_quant,
        grid=(GRID_M,),
        in_specs=[rowblk(BM, HID), full((GRID_M, 1, 1)), full((GRID_M, 1, 1)),
                  full((HID, HID // 2)), full((HID, HID // 2))],
        out_specs=[rowblk(BM, 128), full((1, 1)), full((1, 1))],
        out_shape=[jax.ShapeDtypeStruct((N, 128), jnp.int32),
                   jax.ShapeDtypeStruct((1, 1), jnp.float32),
                   jax.ShapeDtypeStruct((1, 1), jnp.float32)],
    )(g, bmax, dmaxb, ep_m, op_m)

  def edge(g, bmax):
    gq32, inv, bb = quant(g, bmax)
    return _sc_edge_pass(gq32, src2d, dst2d), inv, bb

  def mid(g, bmax, w, b, do_relu):
    acc, inv, bb = edge(g, bmax)
    return pl.pallas_call(
        functools.partial(_tc_mid, do_relu),
        grid=(GRID_M,),
        in_specs=[
            rowblk(NC, BM, 128),
            rowblk(NC, BM, 1),
            rowblk(BM, HID),
            rowblk(BM, 1),
            full((1, 1)),
            full((1, 1)),
            full((128, HID)),
            full((128, HID)),
            full((HID, HID)),
            full((1, HID)),
        ],
        out_specs=[rowblk(BM, HID), perm],
        out_shape=[jax.ShapeDtypeStruct((N, HID), jnp.float32),
                   jax.ShapeDtypeStruct((GRID_M, 1, 1), jnp.float32)],
    )(acc, degp, g, dis, inv, bb, ept_m, opt_m, w, b)

  g2, bmax2 = mid(g1, bmax1, W2, b1s, True)
  g3, bmax3 = mid(g2, bmax2, W3, b2s, True)
  acc3, inv3, bb3 = edge(g3, bmax3)

  out = pl.pallas_call(
      _tc4,
      grid=(GRID_M,),
      in_specs=[
          rowblk(NC, BM, 128),
          rowblk(NC, BM, 1),
          rowblk(BM, HID),
          rowblk(BM, 1),
          full((1, 1)),
          full((1, 1)),
          full((128, HID)),
          full((128, HID)),
          full((1, HID)),
          rowblk(BM, 1),
          full((HID, 2)),
          full((1, 2)),
      ],
      out_specs=full((G, 2)),
      out_shape=jax.ShapeDtypeStruct((G, 2), jnp.float32),
      scratch_shapes=[pltpu.VMEM((G, HID), jnp.float32),
                      pltpu.VMEM((G, 1), jnp.float32)],
  )(acc3, degp, g3, dis, inv3, bb3, ept_m, opt_m, b3s, batch2d, fcW, fcb2)

  return out

# --- scband reference (transcript-rebuilt; emitter-appended) ---
"""Pipeline reference for scband-gnnmodel-53876069761486 (READ-ONLY COPY).

The authoritative reference and input builder live on the scoring server;
editing this copy changes nothing except your own understanding.
"""

import jax, jax.numpy as jnp
import numpy as np

VOCAB = 512
EMB = 128
IN_CH = 128
HID = 256
OUT = 2
N = 10000
E = 320000
G = 64
ADJ_IN = IN_CH - 1 + EMB  # 255


def setup_inputs(seed: int = 0) -> dict:
    key = jax.random.key(seed)
    ks = jax.random.split(key, 13)
    # x: column 0 holds syscall ids (as float), remaining columns are dense features
    ids = jax.random.randint(ks[0], (N,), 0, VOCAB).astype(jnp.float32)
    feats = jax.random.uniform(ks[1], (N, IN_CH - 1), dtype=jnp.float32)
    x = jnp.concatenate([ids[:, None], feats], axis=1)
    edge_index = jax.random.randint(ks[2], (2, E), 0, N)
    batch = jnp.sort(jax.random.randint(ks[3], (N,), 0, G))
    emb = jax.random.normal(ks[4], (VOCAB, EMB), dtype=jnp.float32) * 0.05
    W1 = jax.random.normal(ks[5], (ADJ_IN, HID), dtype=jnp.float32) * 0.05
    b1 = jnp.zeros((HID,), dtype=jnp.float32)
    W2 = jax.random.normal(ks[6], (HID, HID), dtype=jnp.float32) * 0.05
    b2 = jnp.zeros((HID,), dtype=jnp.float32)
    W3 = jax.random.normal(ks[7], (HID, HID), dtype=jnp.float32) * 0.05
    b3 = jnp.zeros((HID,), dtype=jnp.float32)
    fcW = jax.random.normal(ks[8], (HID, OUT), dtype=jnp.float32) * 0.05
    fcb = jnp.zeros((OUT,), dtype=jnp.float32)
    return {"x": x, "edge_index": edge_index, "batch": batch, "emb": emb,
            "W1": W1, "b1": b1, "W2": W2, "b2": b2, "W3": W3, "b3": b3,
            "fcW": fcW, "fcb": fcb}


def gcn_conv(h, W, b, src, dst, n):
    # GCNConv with add_self_loops=True, symmetric normalization, bias
    loop = jnp.arange(n)
    s = jnp.concatenate([src, loop])
    d = jnp.concatenate([dst, loop])
    deg = jax.ops.segment_sum(jnp.ones(s.shape[0], h.dtype), d, num_segments=n)
    deg_safe = jnp.where(deg > 0, deg, 1.0)
    dis = jnp.where(deg > 0, 1.0 / jnp.sqrt(deg_safe), 0.0)
    norm = dis[s] * dis[d]
    hw = h @ W
    out = jax.ops.segment_sum(hw[s] * norm[:, None], d, num_segments=n)
    return out + b


def reference(x, edge_index, batch, emb, W1, b1, W2, b2, W3, b3, fcW, fcb):
    ids = x[:, 0].astype(jnp.int32)
    h = jnp.concatenate([jnp.take(emb, ids, axis=0), x[:, 1:]], axis=1)
    src = edge_index[0]
    dst = edge_index[1]
    h = jax.nn.relu(gcn_conv(h, W1, b1, src, dst, N))
    h = jax.nn.relu(gcn_conv(h, W2, b2, src, dst, N))
    h = gcn_conv(h, W3, b3, src, dst, N)  # no act after last layer (PyG BasicGNN)
    # global_mean_pool over batch (dropout is identity in eval / p=0.0)
    sums = jax.ops.segment_sum(h, batch, num_segments=G)
    cnt = jax.ops.segment_sum(jnp.ones(N, h.dtype), batch, num_segments=G)
    pooled = sums / jnp.clip(cnt, 1.0)[:, None]
    return pooled @ fcW + fcb

if __name__ == "__main__":
    import jax
    _d = setup_inputs()
    print(jax.jit(kernel)(*tuple(_d.values())))

</pallas_src>

<mosaic_0001>
#map = affine_map<(d0, d1) -> (0, 0)>
#map1 = affine_map<(d0, d1) -> (0, 0, 0)>
module attributes {stable_mosaic.version = 14 : i64} {
  func.func @_sc_ep_body(%arg0: i32, %arg1: i32, %arg2: memref<10000x128xi32, #tpu.memory_space<hbm>>, %arg3: memref<2560x128xi32, #tpu.memory_space<hbm>>, %arg4: memref<2560x128xi32, #tpu.memory_space<hbm>>, %arg5: memref<2x10240x128xi32, #tpu.memory_space<hbm>>, %arg6: memref<40x128xi32, #tpu.memory_space<vmem>>, %arg7: memref<40x128xi32, #tpu.memory_space<vmem>>, %arg8: memref<2x128x128xi32, #tpu.memory_space<vmem>>, %arg9: memref<2x!tpu.dma_semaphore, #tpu.memory_space<semaphore_mem>>, %arg10: memref<2x!tpu.dma_semaphore, #tpu.memory_space<semaphore_mem>>, %arg11: memref<10240x128xi32, #tpu.memory_space<vmem_shared>>) attributes {dimension_semantics = [#tpu.dimension_semantics<core_parallel>, #tpu.dimension_semantics<subcore_parallel>], iteration_bounds = array<i64: 2, 16>, scalar_prefetch = 0 : i64, scratch_operands = 6 : i64, tpu.core_type = #tpu.core_type<sc_vector_subcore>, window_params = [{transform_indices = #map}, {transform_indices = #map}, {transform_indices = #map}, {transform_indices = #map1}]} {
    %mul3A = arith.constant 16 : i32
    %mul3A_0 = arith.muli %arg0, %mul3A : i32
    %add3A = arith.addi %mul3A_0, %arg1 : i32
    %scan3A = arith.constant 0 : i32
    %scan3A_1 = arith.constant 1024 : i32
    %scan3A_2 = arith.addi %scan3A, %scan3A_1 : i32
    %scan3A_3 = arith.constant 1 : i32
    scf.for %scan3A_52 = %scan3A to %scan3A_2 step %scan3A_3  : i32 {
      %mul3A_53 = arith.constant 1 : i32
      %mul3A_54 = arith.muli %scan3A_52, %mul3A_53 : i32
      %add3A_55 = arith.constant 0 : i32
      %add3A_56 = arith.addi %add3A_55, %mul3A_54 : i32
      %broadcast_in_dim3A = arith.constant 0 : i32
      %broadcast_in_dim3A_57 = vector.broadcast %broadcast_in_dim3A : i32 to vector<16xi32>
      %jit3A = arith.constant 8 : i32
      %div3A = arith.divsi %add3A_56, %jit3A : i32
      %sign3A = arith.constant 0 : i32
      %sign3A_58 = arith.cmpi sgt, %add3A_56, %sign3A : i32
      %sign3A_59 = arith.extui %sign3A_58 : i1 to i32
      %sign3A_60 = arith.constant 0 : i32
      %sign3A_61 = arith.cmpi slt, %add3A_56, %sign3A_60 : i32
      %sign3A_62 = arith.extui %sign3A_61 : i1 to i32
      %sign3A_63 = arith.subi %sign3A_59, %sign3A_62 : i32
      %sign3A_64 = arith.constant 0 : i32
      %sign3A_65 = arith.cmpi sgt, %jit3A, %sign3A_64 : i32
      %sign3A_66 = arith.extui %sign3A_65 : i1 to i32
      %sign3A_67 = arith.constant 0 : i32
      %sign3A_68 = arith.cmpi slt, %jit3A, %sign3A_67 : i32
      %sign3A_69 = arith.extui %sign3A_68 : i1 to i32
      %sign3A_70 = arith.subi %sign3A_66, %sign3A_69 : i32
      %ne3A = arith.cmpi ne, %sign3A_63, %sign3A_70 : i32
      %rem3A = arith.remsi %add3A_56, %jit3A : i32
      %ne3A_71 = arith.constant 0 : i32
      %ne3A_72 = arith.cmpi ne, %rem3A, %ne3A_71 : i32
      %and3A = arith.andi %ne3A, %ne3A_72 : i1
      %sub3A = arith.constant 1 : i32
      %sub3A_73 = arith.subi %div3A, %sub3A : i32
      %select_n3A_74 = arith.select %and3A, %sub3A_73, %div3A : i32
      %jit3A_75 = arith.constant 8 : i32
      %eq3A_76 = arith.constant 0 : i32
      %eq3A_77 = arith.cmpi eq, %jit3A_75, %eq3A_76 : i32
      %jit3A_78 = arith.constant 1 : i32
      %select_n3A_79 = arith.select %eq3A_77, %jit3A_78, %jit3A_75 : i32
      %rem3A_80 = arith.remsi %add3A_56, %select_n3A_79 : i32
      %ne3A_81 = arith.constant 0 : i32
      %ne3A_82 = arith.cmpi ne, %rem3A_80, %ne3A_81 : i32
      %lt3A = arith.constant 0 : i32
      %lt3A_83 = arith.cmpi slt, %rem3A_80, %lt3A : i32
      %lt3A_84 = arith.constant 0 : i32
      %lt3A_85 = arith.cmpi slt, %select_n3A_79, %lt3A_84 : i32
      %ne3A_86 = arith.xori %lt3A_83, %lt3A_85 : i1
      %and3A_87 = arith.andi %ne3A_86, %ne3A_82 : i1
      %add3A_88 = arith.addi %rem3A_80, %select_n3A_79 : i32
      %select_n3A_89 = arith.select %and3A_87, %add3A_88, %rem3A_80 : i32
      %mul3A_90 = arith.constant 16 : i32
      %mul3A_91 = arith.muli %select_n3A_89, %mul3A_90 : i32
      %swap3A = arith.constant 0 : i32
      %swap3A_92 = arith.index_cast %swap3A : i32 to index
      %swap3A_93 = arith.index_cast %select_n3A_74 : i32 to index
      %swap3A_94 = arith.index_cast %mul3A_91 : i32 to index
      %swap3A_95 = tpu.vector_load %arg8[%swap3A_92, %swap3A_93, %swap3A_94] {strides = array<i32>} : memref<2x128x128xi32, #tpu.memory_space<vmem>>, vector<1x1x16xi32>,
      %swap3A_96 = vector.shape_cast %swap3A_95 : vector<1x1x16xi32> to vector<16xi32>
      %swap3A_97 = vector.shape_cast %broadcast_in_dim3A_57 : vector<16xi32> to vector<1x1x16xi32>
      tpu.vector_store %arg8[%swap3A_92, %swap3A_93, %swap3A_94], %swap3A_97 {strides = array<i32>} : memref<2x128x128xi32, #tpu.memory_space<vmem>>, vector<1x1x16xi32>,
    }
    %scan3A_4 = arith.constant 1024 : i32
    %mul3A_5 = arith.constant 640 : i32
    %mul3A_6 = arith.muli %arg1, %mul3A_5 : i32
    %add3A_7 = arith.constant 0 : i32
    %add3A_8 = arith.addi %mul3A_6, %add3A_7 : i32
    %run_scoped3A = arith.constant 0 : i32
    "tpu.region"() ({
      %run_scoped3A_52 = tpu.sem_alloc : memref<!tpu.dma_semaphore, #tpu.memory_space<semaphore_mem>>
      %dma_start3A = arith.constant 0 : i32
      %dma_start3A_53 = arith.constant 0 : i32
      %dma_start3A_54 = tpu.memref_slice %arg8[%run_scoped3A, %dma_start3A, %dma_start3A_53] : memref<2x128x128xi32, #tpu.memory_space<vmem>> -> memref<1x128x128xi32, #tpu.memory_space<vmem>>
      %dma_start3A_55 = tpu.memref_squeeze %dma_start3A_54 : memref<1x128x128xi32, #tpu.memory_space<vmem>> -> memref<128x128xi32, #tpu.memory_space<vmem>>
      %dma_start3A_56 = arith.constant 0 : i32
      %dma_start3A_57 = tpu.memref_slice %arg11[%add3A_8, %dma_start3A_56] : memref<10240x128xi32, #tpu.memory_space<vmem_shared>> -> memref<128x128xi32, #tpu.memory_space<vmem_shared>>
      %dma_start3A_58 = arith.constant 0 : i32
      %dma_start3A_59 = tpu.memref_slice %arg11[%add3A_8, %dma_start3A_58] : memref<10240x128xi32, #tpu.memory_space<vmem_shared>> -> memref<128x128xi32, #tpu.memory_space<vmem_shared>>
      %dma_start3A_60 = arith.constant 0 : i32
      %dma_start3A_61 = arith.constant 0 : i32
      %dma_start3A_62 = tpu.memref_slice %arg8[%run_scoped3A, %dma_start3A_60, %dma_start3A_61] : memref<2x128x128xi32, #tpu.memory_space<vmem>> -> memref<1x128x128xi32, #tpu.memory_space<vmem>>
      %dma_start3A_63 = tpu.memref_squeeze %dma_start3A_62 : memref<1x128x128xi32, #tpu.memory_space<vmem>> -> memref<128x128xi32, #tpu.memory_space<vmem>>
      tpu.enqueue_dma source(%dma_start3A_63 : memref<128x128xi32, #tpu.memory_space<vmem>>) target(%dma_start3A_59 : memref<128x128xi32, #tpu.memory_space<vmem_shared>>) target_semaphore(%run_scoped3A_52 : memref<!tpu.dma_semaphore, #tpu.memory_space<semaphore_mem>>)
      %dma_wait3A = arith.constant 0 : i32
      %dma_wait3A_64 = arith.constant 0 : i32
      %dma_wait3A_65 = tpu.memref_slice %arg8[%run_scoped3A, %dma_wait3A, %dma_wait3A_64] : memref<2x128x128xi32, #tpu.memory_space<vmem>> -> memref<1x128x128xi32, #tpu.memory_space<vmem>>
      %dma_wait3A_66 = tpu.memref_squeeze %dma_wait3A_65 : memref<1x128x128xi32, #tpu.memory_space<vmem>> -> memref<128x128xi32, #tpu.memory_space<vmem>>
      %dma_wait3A_67 = arith.constant 0 : i32
      %dma_wait3A_68 = tpu.memref_slice %arg11[%add3A_8, %dma_wait3A_67] : memref<10240x128xi32, #tpu.memory_space<vmem_shared>> -> memref<128x128xi32, #tpu.memory_space<vmem_shared>>
      %dma_wait3A_69 = arith.constant 0 : i32
      %dma_wait3A_70 = tpu.memref_slice %arg11[%add3A_8, %dma_wait3A_69] : memref<10240x128xi32, #tpu.memory_space<vmem_shared>> -> memref<128x128xi32, #tpu.memory_space<vmem_shared>>
      %dma_wait3A_71 = arith.constant 0 : i32
      %dma_wait3A_72 = arith.constant 0 : i32
      %dma_wait3A_73 = tpu.memref_slice %arg8[%run_scoped3A, %dma_wait3A_71, %dma_wait3A_72] : memref<2x128x128xi32, #tpu.memory_space<vmem>> -> memref<1x128x128xi32, #tpu.memory_space<vmem>>
      %dma_wait3A_74 = tpu.memref_squeeze %dma_wait3A_73 : memref<1x128x128xi32, #tpu.memory_space<vmem>> -> memref<128x128xi32, #tpu.memory_space<vmem>>
      tpu.wait_dma2 semaphore(%run_scoped3A_52 : memref<!tpu.dma_semaphore, #tpu.memory_space<semaphore_mem>>) src(%dma_wait3A_74 : memref<128x128xi32, #tpu.memory_space<vmem>>) dst(%dma_wait3A_70 : memref<128x128xi32, #tpu.memory_space<vmem_shared>>)
      tpu.yield
    }) : () -> ()
    %mul3A_9 = arith.constant 640 : i32
    %mul3A_10 = arith.muli %arg1, %mul3A_9 : i32
    %add3A_11 = arith.constant 128 : i32
    %add3A_12 = arith.addi %mul3A_10, %add3A_11 : i32
    %run_scoped3A_13 = arith.constant 0 : i32
    "tpu.region"() ({
      %run_scoped3A_52 = tpu.sem_alloc : memref<!tpu.dma_semaphore, #tpu.memory_space<semaphore_mem>>
      %dma_start3A = arith.constant 0 : i32
      %dma_start3A_53 = arith.constant 0 : i32
      %dma_start3A_54 = tpu.memref_slice %arg8[%run_scoped3A_13, %dma_start3A, %dma_start3A_53] : memref<2x128x128xi32, #tpu.memory_space<vmem>> -> memref<1x128x128xi32, #tpu.memory_space<vmem>>
      %dma_start3A_55 = tpu.memref_squeeze %dma_start3A_54 : memref<1x128x128xi32, #tpu.memory_space<vmem>> -> memref<128x128xi32, #tpu.memory_space<vmem>>
      %dma_start3A_56 = arith.constant 0 : i32
      %dma_start3A_57 = tpu.memref_slice %arg11[%add3A_12, %dma_start3A_56] : memref<10240x128xi32, #tpu.memory_space<vmem_shared>> -> memref<128x128xi32, #tpu.memory_space<vmem_shared>>
      %dma_start3A_58 = arith.constant 0 : i32
      %dma_start3A_59 = tpu.memref_slice %arg11[%add3A_12, %dma_start3A_58] : memref<10240x128xi32, #tpu.memory_space<vmem_shared>> -> memref<128x128xi32, #tpu.memory_space<vmem_shared>>
      %dma_start3A_60 = arith.constant 0 : i32
      %dma_start3A_61 = arith.constant 0 : i32
      %dma_start3A_62 = tpu.memref_slice %arg8[%run_scoped3A_13, %dma_start3A_60, %dma_start3A_61] : memref<2x128x128xi32, #tpu.memory_space<vmem>> -> memref<1x128x128xi32, #tpu.memory_space<vmem>>
      %dma_start3A_63 = tpu.memref_squeeze %dma_start3A_62 : memref<1x128x128xi32, #tpu.memory_space<vmem>> -> memref<128x128xi32, #tpu.memory_space<vmem>>
      tpu.enqueue_dma source(%dma_start3A_63 : memref<128x128xi32, #tpu.memory_space<vmem>>) target(%dma_start3A_59 : memref<128x128xi32, #tpu.memory_space<vmem_shared>>) target_semaphore(%run_scoped3A_52 : memref<!tpu.dma_semaphore, #tpu.memory_space<semaphore_mem>>)
      %dma_wait3A = arith.constant 0 : i32
      %dma_wait3A_64 = arith.constant 0 : i32
      %dma_wait3A_65 = tpu.memref_slice %arg8[%run_scoped3A_13, %dma_wait3A, %dma_wait3A_64] : memref<2x128x128xi32, #tpu.memory_space<vmem>> -> memref<1x128x128xi32, #tpu.memory_space<vmem>>
      %dma_wait3A_66 = tpu.memref_squeeze %dma_wait3A_65 : memref<1x128x128xi32, #tpu.memory_space<vmem>> -> memref<128x128xi32, #tpu.memory_space<vmem>>
      %dma_wait3A_67 = arith.constant 0 : i32
      %dma_wait3A_68 = tpu.memref_slice %arg11[%add3A_12, %dma_wait3A_67] : memref<10240x128xi32, #tpu.memory_space<vmem_shared>> -> memref<128x128xi32, #tpu.memory_space<vmem_shared>>
      %dma_wait3A_69 = arith.constant 0 : i32
      %dma_wait3A_70 = tpu.memref_slice %arg11[%add3A_12, %dma_wait3A_69] : memref<10240x128xi32, #tpu.memory_space<vmem_shared>> -> memref<128x128xi32, #tpu.memory_space<vmem_shared>>
      %dma_wait3A_71 = arith.constant 0 : i32
      %dma_wait3A_72 = arith.constant 0 : i32
      %dma_wait3A_73 = tpu.memref_slice %arg8[%run_scoped3A_13, %dma_wait3A_71, %dma_wait3A_72] : memref<2x128x128xi32, #tpu.memory_space<vmem>> -> memref<1x128x128xi32, #tpu.memory_space<vmem>>
      %dma_wait3A_74 = tpu.memref_squeeze %dma_wait3A_73 : memref<1x128x128xi32, #tpu.memory_space<vmem>> -> memref<128x128xi32, #tpu.memory_space<vmem>>
      tpu.wait_dma2 semaphore(%run_scoped3A_52 : memref<!tpu.dma_semaphore, #tpu.memory_space<semaphore_mem>>) src(%dma_wait3A_74 : memref<128x128xi32, #tpu.memory_space<vmem>>) dst(%dma_wait3A_70 : memref<128x128xi32, #tpu.memory_space<vmem_shared>>)
      tpu.yield
    }) : () -> ()
    %mul3A_14 = arith.constant 640 : i32
    %mul3A_15 = arith.muli %arg1, %mul3A_14 : i32
    %add3A_16 = arith.constant 256 : i32
    %add3A_17 = arith.addi %mul3A_15, %add3A_16 : i32
    %run_scoped3A_18 = arith.constant 0 : i32
    "tpu.region"() ({
      %run_scoped3A_52 = tpu.sem_alloc : memref<!tpu.dma_semaphore, #tpu.memory_space<semaphore_mem>>
      %dma_start3A = arith.constant 0 : i32
      %dma_start3A_53 = arith.constant 0 : i32
      %dma_start3A_54 = tpu.memref_slice %arg8[%run_scoped3A_18, %dma_start3A, %dma_start3A_53] : memref<2x128x128xi32, #tpu.memory_space<vmem>> -> memref<1x128x128xi32, #tpu.memory_space<vmem>>
      %dma_start3A_55 = tpu.memref_squeeze %dma_start3A_54 : memref<1x128x128xi32, #tpu.memory_space<vmem>> -> memref<128x128xi32, #tpu.memory_space<vmem>>
      %dma_start3A_56 = arith.constant 0 : i32
      %dma_start3A_57 = tpu.memref_slice %arg11[%add3A_17, %dma_start3A_56] : memref<10240x128xi32, #tpu.memory_space<vmem_shared>> -> memref<128x128xi32, #tpu.memory_space<vmem_shared>>
      %dma_start3A_58 = arith.constant 0 : i32
      %dma_start3A_59 = tpu.memref_slice %arg11[%add3A_17, %dma_start3A_58] : memref<10240x128xi32, #tpu.memory_space<vmem_shared>> -> memref<128x128xi32, #tpu.memory_space<vmem_shared>>
      %dma_start3A_60 = arith.constant 0 : i32
      %dma_start3A_61 = arith.constant 0 : i32
      %dma_start3A_62 = tpu.memref_slice %arg8[%run_scoped3A_18, %dma_start3A_60, %dma_start3A_61] : memref<2x128x128xi32, #tpu.memory_space<vmem>> -> memref<1x128x128xi32, #tpu.memory_space<vmem>>
      %dma_start3A_63 = tpu.memref_squeeze %dma_start3A_62 : memref<1x128x128xi32, #tpu.memory_space<vmem>> -> memref<128x128xi32, #tpu.memory_space<vmem>>
      tpu.enqueue_dma source(%dma_start3A_63 : memref<128x128xi32, #tpu.memory_space<vmem>>) target(%dma_start3A_59 : memref<128x128xi32, #tpu.memory_space<vmem_shared>>) target_semaphore(%run_scoped3A_52 : memref<!tpu.dma_semaphore, #tpu.memory_space<semaphore_mem>>)
      %dma_wait3A = arith.constant 0 : i32
      %dma_wait3A_64 = arith.constant 0 : i32
      %dma_wait3A_65 = tpu.memref_slice %arg8[%run_scoped3A_18, %dma_wait3A, %dma_wait3A_64] : memref<2x128x128xi32, #tpu.memory_space<vmem>> -> memref<1x128x128xi32, #tpu.memory_space<vmem>>
      %dma_wait3A_66 = tpu.memref_squeeze %dma_wait3A_65 : memref<1x128x128xi32, #tpu.memory_space<vmem>> -> memref<128x128xi32, #tpu.memory_space<vmem>>
      %dma_wait3A_67 = arith.constant 0 : i32
      %dma_wait3A_68 = tpu.memref_slice %arg11[%add3A_17, %dma_wait3A_67] : memref<10240x128xi32, #tpu.memory_space<vmem_shared>> -> memref<128x128xi32, #tpu.memory_space<vmem_shared>>
      %dma_wait3A_69 = arith.constant 0 : i32
      %dma_wait3A_70 = tpu.memref_slice %arg11[%add3A_17, %dma_wait3A_69] : memref<10240x128xi32, #tpu.memory_space<vmem_shared>> -> memref<128x128xi32, #tpu.memory_space<vmem_shared>>
      %dma_wait3A_71 = arith.constant 0 : i32
      %dma_wait3A_72 = arith.constant 0 : i32
      %dma_wait3A_73 = tpu.memref_slice %arg8[%run_scoped3A_18, %dma_wait3A_71, %dma_wait3A_72] : memref<2x128x128xi32, #tpu.memory_space<vmem>> -> memref<1x128x128xi32, #tpu.memory_space<vmem>>
      %dma_wait3A_74 = tpu.memref_squeeze %dma_wait3A_73 : memref<1x128x128xi32, #tpu.memory_space<vmem>> -> memref<128x128xi32, #tpu.memory_space<vmem>>
      tpu.wait_dma2 semaphore(%run_scoped3A_52 : memref<!tpu.dma_semaphore, #tpu.memory_space<semaphore_mem>>) src(%dma_wait3A_74 : memref<128x128xi32, #tpu.memory_space<vmem>>) dst(%dma_wait3A_70 : memref<128x128xi32, #tpu.memory_space<vmem_shared>>)
      tpu.yield
    }) : () -> ()
    %mul3A_19 = arith.constant 640 : i32
    %mul3A_20 = arith.muli %arg1, %mul3A_19 : i32
    %add3A_21 = arith.constant 384 : i32
    %add3A_22 = arith.addi %mul3A_20, %add3A_21 : i32
    %run_scoped3A_23 = arith.constant 0 : i32
    "tpu.region"() ({
      %run_scoped3A_52 = tpu.sem_alloc : memref<!tpu.dma_semaphore, #tpu.memory_space<semaphore_mem>>
      %dma_start3A = arith.constant 0 : i32
      %dma_start3A_53 = arith.constant 0 : i32
      %dma_start3A_54 = tpu.memref_slice %arg8[%run_scoped3A_23, %dma_start3A, %dma_start3A_53] : memref<2x128x128xi32, #tpu.memory_space<vmem>> -> memref<1x128x128xi32, #tpu.memory_space<vmem>>
      %dma_start3A_55 = tpu.memref_squeeze %dma_start3A_54 : memref<1x128x128xi32, #tpu.memory_space<vmem>> -> memref<128x128xi32, #tpu.memory_space<vmem>>
      %dma_start3A_56 = arith.constant 0 : i32
      %dma_start3A_57 = tpu.memref_slice %arg11[%add3A_22, %dma_start3A_56] : memref<10240x128xi32, #tpu.memory_space<vmem_shared>> -> memref<128x128xi32, #tpu.memory_space<vmem_shared>>
      %dma_start3A_58 = arith.constant 0 : i32
      %dma_start3A_59 = tpu.memref_slice %arg11[%add3A_22, %dma_start3A_58] : memref<10240x128xi32, #tpu.memory_space<vmem_shared>> -> memref<128x128xi32, #tpu.memory_space<vmem_shared>>
      %dma_start3A_60 = arith.constant 0 : i32
      %dma_start3A_61 = arith.constant 0 : i32
      %dma_start3A_62 = tpu.memref_slice %arg8[%run_scoped3A_23, %dma_start3A_60, %dma_start3A_61] : memref<2x128x128xi32, #tpu.memory_space<vmem>> -> memref<1x128x128xi32, #tpu.memory_space<vmem>>
      %dma_start3A_63 = tpu.memref_squeeze %dma_start3A_62 : memref<1x128x128xi32, #tpu.memory_space<vmem>> -> memref<128x128xi32, #tpu.memory_space<vmem>>
      tpu.enqueue_dma source(%dma_start3A_63 : memref<128x128xi32, #tpu.memory_space<vmem>>) target(%dma_start3A_59 : memref<128x128xi32, #tpu.memory_space<vmem_shared>>) target_semaphore(%run_scoped3A_52 : memref<!tpu.dma_semaphore, #tpu.memory_space<semaphore_mem>>)
      %dma_wait3A = arith.constant 0 : i32
      %dma_wait3A_64 = arith.constant 0 : i32
      %dma_wait3A_65 = tpu.memref_slice %arg8[%run_scoped3A_23, %dma_wait3A, %dma_wait3A_64] : memref<2x128x128xi32, #tpu.memory_space<vmem>> -> memref<1x128x128xi32, #tpu.memory_space<vmem>>
      %dma_wait3A_66 = tpu.memref_squeeze %dma_wait3A_65 : memref<1x128x128xi32, #tpu.memory_space<vmem>> -> memref<128x128xi32, #tpu.memory_space<vmem>>
      %dma_wait3A_67 = arith.constant 0 : i32
      %dma_wait3A_68 = tpu.memref_slice %arg11[%add3A_22, %dma_wait3A_67] : memref<10240x128xi32, #tpu.memory_space<vmem_shared>> -> memref<128x128xi32, #tpu.memory_space<vmem_shared>>
      %dma_wait3A_69 = arith.constant 0 : i32
      %dma_wait3A_70 = tpu.memref_slice %arg11[%add3A_22, %dma_wait3A_69] : memref<10240x128xi32, #tpu.memory_space<vmem_shared>> -> memref<128x128xi32, #tpu.memory_space<vmem_shared>>
      %dma_wait3A_71 = arith.constant 0 : i32
      %dma_wait3A_72 = arith.constant 0 : i32
      %dma_wait3A_73 = tpu.memref_slice %arg8[%run_scoped3A_23, %dma_wait3A_71, %dma_wait3A_72] : memref<2x128x128xi32, #tpu.memory_space<vmem>> -> memref<1x128x128xi32, #tpu.memory_space<vmem>>
      %dma_wait3A_74 = tpu.memref_squeeze %dma_wait3A_73 : memref<1x128x128xi32, #tpu.memory_space<vmem>> -> memref<128x128xi32, #tpu.memory_space<vmem>>
      tpu.wait_dma2 semaphore(%run_scoped3A_52 : memref<!tpu.dma_semaphore, #tpu.memory_space<semaphore_mem>>) src(%dma_wait3A_74 : memref<128x128xi32, #tpu.memory_space<vmem>>) dst(%dma_wait3A_70 : memref<128x128xi32, #tpu.memory_space<vmem_shared>>)
      tpu.yield
    }) : () -> ()
    %mul3A_24 = arith.constant 640 : i32
    %mul3A_25 = arith.muli %arg1, %mul3A_24 : i32
    %add3A_26 = arith.constant 512 : i32
    %add3A_27 = arith.addi %mul3A_25, %add3A_26 : i32
    %run_scoped3A_28 = arith.constant 0 : i32
    "tpu.region"() ({
      %run_scoped3A_52 = tpu.sem_alloc : memref<!tpu.dma_semaphore, #tpu.memory_space<semaphore_mem>>
      %dma_start3A = arith.constant 0 : i32
      %dma_start3A_53 = arith.constant 0 : i32
      %dma_start3A_54 = tpu.memref_slice %arg8[%run_scoped3A_28, %dma_start3A, %dma_start3A_53] : memref<2x128x128xi32, #tpu.memory_space<vmem>> -> memref<1x128x128xi32, #tpu.memory_space<vmem>>
      %dma_start3A_55 = tpu.memref_squeeze %dma_start3A_54 : memref<1x128x128xi32, #tpu.memory_space<vmem>> -> memref<128x128xi32, #tpu.memory_space<vmem>>
      %dma_start3A_56 = arith.constant 0 : i32
      %dma_start3A_57 = tpu.memref_slice %arg11[%add3A_27, %dma_start3A_56] : memref<10240x128xi32, #tpu.memory_space<vmem_shared>> -> memref<128x128xi32, #tpu.memory_space<vmem_shared>>
      %dma_start3A_58 = arith.constant 0 : i32
      %dma_start3A_59 = tpu.memref_slice %arg11[%add3A_27, %dma_start3A_58] : memref<10240x128xi32, #tpu.memory_space<vmem_shared>> -> memref<128x128xi32, #tpu.memory_space<vmem_shared>>
      %dma_start3A_60 = arith.constant 0 : i32
      %dma_start3A_61 = arith.constant 0 : i32
      %dma_start3A_62 = tpu.memref_slice %arg8[%run_scoped3A_28, %dma_start3A_60, %dma_start3A_61] : memref<2x128x128xi32, #tpu.memory_space<vmem>> -> memref<1x128x128xi32, #tpu.memory_space<vmem>>
      %dma_start3A_63 = tpu.memref_squeeze %dma_start3A_62 : memref<1x128x128xi32, #tpu.memory_space<vmem>> -> memref<128x128xi32, #tpu.memory_space<vmem>>
      tpu.enqueue_dma source(%dma_start3A_63 : memref<128x128xi32, #tpu.memory_space<vmem>>) target(%dma_start3A_59 : memref<128x128xi32, #tpu.memory_space<vmem_shared>>) target_semaphore(%run_scoped3A_52 : memref<!tpu.dma_semaphore, #tpu.memory_space<semaphore_mem>>)
      %dma_wait3A = arith.constant 0 : i32
      %dma_wait3A_64 = arith.constant 0 : i32
      %dma_wait3A_65 = tpu.memref_slice %arg8[%run_scoped3A_28, %dma_wait3A, %dma_wait3A_64] : memref<2x128x128xi32, #tpu.memory_space<vmem>> -> memref<1x128x128xi32, #tpu.memory_space<vmem>>
      %dma_wait3A_66 = tpu.memref_squeeze %dma_wait3A_65 : memref<1x128x128xi32, #tpu.memory_space<vmem>> -> memref<128x128xi32, #tpu.memory_space<vmem>>
      %dma_wait3A_67 = arith.constant 0 : i32
      %dma_wait3A_68 = tpu.memref_slice %arg11[%add3A_27, %dma_wait3A_67] : memref<10240x128xi32, #tpu.memory_space<vmem_shared>> -> memref<128x128xi32, #tpu.memory_space<vmem_shared>>
      %dma_wait3A_69 = arith.constant 0 : i32
      %dma_wait3A_70 = tpu.memref_slice %arg11[%add3A_27, %dma_wait3A_69] : memref<10240x128xi32, #tpu.memory_space<vmem_shared>> -> memref<128x128xi32, #tpu.memory_space<vmem_shared>>
      %dma_wait3A_71 = arith.constant 0 : i32
      %dma_wait3A_72 = arith.constant 0 : i32
      %dma_wait3A_73 = tpu.memref_slice %arg8[%run_scoped3A_28, %dma_wait3A_71, %dma_wait3A_72] : memref<2x128x128xi32, #tpu.memory_space<vmem>> -> memref<1x128x128xi32, #tpu.memory_space<vmem>>
      %dma_wait3A_74 = tpu.memref_squeeze %dma_wait3A_73 : memref<1x128x128xi32, #tpu.memory_space<vmem>> -> memref<128x128xi32, #tpu.memory_space<vmem>>
      tpu.wait_dma2 semaphore(%run_scoped3A_52 : memref<!tpu.dma_semaphore, #tpu.memory_space<semaphore_mem>>) src(%dma_wait3A_74 : memref<128x128xi32, #tpu.memory_space<vmem>>) dst(%dma_wait3A_70 : memref<128x128xi32, #tpu.memory_space<vmem_shared>>)
      tpu.yield
    }) : () -> ()
    %barrier3A = arith.constant 0 : index
    tpu.barrier barrier_id(%barrier3A)
    %eq3A = arith.constant 0 : i32
    %eq3A_29 = arith.cmpi eq, %arg0, %eq3A : i32
    %mul3A_30 = arith.constant 80 : i32
    %mul3A_31 = arith.muli %arg1, %mul3A_30 : i32
    %mul3A_32 = arith.constant 80 : i32
    %mul3A_33 = arith.muli %arg1, %mul3A_32 : i32
    %add3A_34 = arith.constant 1280 : i32
    %add3A_35 = arith.addi %add3A_34, %mul3A_33 : i32
    %select_n3A = arith.select %eq3A_29, %mul3A_31, %add3A_35 : i32
    %eq3A_36 = arith.constant 1 : i32
    %eq3A_37 = arith.cmpi eq, %arg0, %eq3A_36 : i32
    %or3A = arith.constant true
    %or3A_38 = arith.ori %eq3A_37, %or3A : i1
    %convert_element_type3A = arith.extui %or3A_38 : i1 to i32
    %cond3A = arith.constant 0 : i32
    %cond3A_39 = arith.cmpi ne, %convert_element_type3A, %cond3A : i32
    scf.if %cond3A_39 {
      %add3A_52 = arith.constant 0 : i32
      %add3A_53 = arith.addi %select_n3A, %add3A_52 : i32
      "tpu.region"() ({
        %run_scoped3A_104 = tpu.sem_alloc : memref<!tpu.dma_semaphore, #tpu.memory_space<semaphore_mem>>
        %dma_start3A_105 = arith.constant 0 : i32
        %dma_start3A_106 = tpu.memref_slice %arg3[%add3A_53, %dma_start3A_105] : memref<2560x128xi32, #tpu.memory_space<hbm>> -> memref<40x128xi32, #tpu.memory_space<hbm>>
        %dma_start3A_107 = arith.constant 0 : i32
        %dma_start3A_108 = tpu.memref_slice %arg3[%add3A_53, %dma_start3A_107] : memref<2560x128xi32, #tpu.memory_space<hbm>> -> memref<40x128xi32, #tpu.memory_space<hbm>>
        tpu.enqueue_dma source(%dma_start3A_108 : memref<40x128xi32, #tpu.memory_space<hbm>>) target(%arg6 : memref<40x128xi32, #tpu.memory_space<vmem>>) target_semaphore(%run_scoped3A_104 : memref<!tpu.dma_semaphore, #tpu.memory_space<semaphore_mem>>)
        %dma_wait3A_109 = arith.constant 0 : i32
        %dma_wait3A_110 = tpu.memref_slice %arg3[%add3A_53, %dma_wait3A_109] : memref<2560x128xi32, #tpu.memory_space<hbm>> -> memref<40x128xi32, #tpu.memory_space<hbm>>
        %dma_wait3A_111 = arith.constant 0 : i32
        %dma_wait3A_112 = tpu.memref_slice %arg3[%add3A_53, %dma_wait3A_111] : memref<2560x128xi32, #tpu.memory_space<hbm>> -> memref<40x128xi32, #tpu.memory_space<hbm>>
        tpu.wait_dma2 semaphore(%run_scoped3A_104 : memref<!tpu.dma_semaphore, #tpu.memory_space<semaphore_mem>>) src(%dma_wait3A_112 : memref<40x128xi32, #tpu.memory_space<hbm>>) dst(%arg6 : memref<40x128xi32, #tpu.memory_space<vmem>>)
        tpu.yield
      }) : () -> ()
      %add3A_54 = arith.constant 0 : i32
      %add3A_55 = arith.addi %select_n3A, %add3A_54 : i32
      "tpu.region"() ({
        %run_scoped3A_104 = tpu.sem_alloc : memref<!tpu.dma_semaphore, #tpu.memory_space<semaphore_mem>>
        %dma_start3A_105 = arith.constant 0 : i32
        %dma_start3A_106 = tpu.memref_slice %arg4[%add3A_55, %dma_start3A_105] : memref<2560x128xi32, #tpu.memory_space<hbm>> -> memref<40x128xi32, #tpu.memory_space<hbm>>
        %dma_start3A_107 = arith.constant 0 : i32
        %dma_start3A_108 = tpu.memref_slice %arg4[%add3A_55, %dma_start3A_107] : memref<2560x128xi32, #tpu.memory_space<hbm>> -> memref<40x128xi32, #tpu.memory_space<hbm>>
        tpu.enqueue_dma source(%dma_start3A_108 : memref<40x128xi32, #tpu.memory_space<hbm>>) target(%arg7 : memref<40x128xi32, #tpu.memory_space<vmem>>) target_semaphore(%run_scoped3A_104 : memref<!tpu.dma_semaphore, #tpu.memory_space<semaphore_mem>>)
        %dma_wait3A_109 = arith.constant 0 : i32
        %dma_wait3A_110 = tpu.memref_slice %arg4[%add3A_55, %dma_wait3A_109] : memref<2560x128xi32, #tpu.memory_space<hbm>> -> memref<40x128xi32, #tpu.memory_space<hbm>>
        %dma_wait3A_111 = arith.constant 0 : i32
        %dma_wait3A_112 = tpu.memref_slice %arg4[%add3A_55, %dma_wait3A_111] : memref<2560x128xi32, #tpu.memory_space<hbm>> -> memref<40x128xi32, #tpu.memory_space<hbm>>
        tpu.wait_dma2 semaphore(%run_scoped3A_104 : memref<!tpu.dma_semaphore, #tpu.memory_space<semaphore_mem>>) src(%dma_wait3A_112 : memref<40x128xi32, #tpu.memory_space<hbm>>) dst(%arg7 : memref<40x128xi32, #tpu.memory_space<vmem>>)
        tpu.yield
      }) : () -> ()
      %dma_start3A = arith.constant 0 : i32
      %dma_start3A_56 = arith.constant 0 : i32
      %dma_start3A_57 = arith.constant 0 : i32
      %dma_start3A_58 = arith.constant 0 : i32
      %dma_start3A_59 = arith.constant 0 : i32
      %dma_start3A_60 = tpu.memref_slice %arg8[%dma_start3A_56, %dma_start3A_58, %dma_start3A_59] : memref<2x128x128xi32, #tpu.memory_space<vmem>> -> memref<1x128x128xi32, #tpu.memory_space<vmem>>
      %dma_start3A_61 = tpu.memref_squeeze %dma_start3A_60 : memref<1x128x128xi32, #tpu.memory_space<vmem>> -> memref<128x128xi32, #tpu.memory_space<vmem>>
      %dma_start3A_62 = arith.constant 0 : i32
      %dma_start3A_63 = tpu.memref_slice %arg6[%dma_start3A, %dma_start3A_62] : memref<40x128xi32, #tpu.memory_space<vmem>> -> memref<1x128xi32, #tpu.memory_space<vmem>>
      %dma_start3A_64 = tpu.memref_squeeze %dma_start3A_63 : memref<1x128xi32, #tpu.memory_space<vmem>> -> memref<128xi32, #tpu.memory_space<vmem>>
      %dma_start3A_65 = arith.constant 0 : i32
      %dma_start3A_66 = arith.constant 0 : i32
      %dma_start3A_67 = tpu.memref_slice %arg2[%dma_start3A_65, %dma_start3A_66] : memref<10000x128xi32, #tpu.memory_space<hbm>> -> memref<10000x128xi32, #tpu.memory_space<hbm>>
      %dma_start3A_68 = tpu.memref_slice %arg9[%dma_start3A_57] : memref<2x!tpu.dma_semaphore, #tpu.memory_space<semaphore_mem>> -> memref<1x!tpu.dma_semaphore, #tpu.memory_space<semaphore_mem>>
      %dma_start3A_69 = tpu.memref_squeeze %dma_start3A_68 : memref<1x!tpu.dma_semaphore, #tpu.memory_space<semaphore_mem>> -> memref<!tpu.dma_semaphore, #tpu.memory_space<semaphore_mem>>
      tpu.enqueue_indirect_dma source(%dma_start3A_67 : memref<10000x128xi32, #tpu.memory_space<hbm>>) target(%dma_start3A_61 : memref<128x128xi32, #tpu.memory_space<vmem>>) offsets(%dma_start3A_64 : memref<128xi32, #tpu.memory_space<vmem>>) semaphore(%dma_start3A_69 : memref<!tpu.dma_semaphore, #tpu.memory_space<semaphore_mem>>)
      %scan3A_70 = arith.constant 0 : i32
      %scan3A_71 = arith.constant 20 : i32
      %scan3A_72 = arith.addi %scan3A_70, %scan3A_71 : i32
      %scan3A_73 = arith.constant 1 : i32
      scf.for %scan3A_104 = %scan3A_70 to %scan3A_72 step %scan3A_73  : i32 {
        %mul3A_105 = arith.constant 1 : i32
        %mul3A_106 = arith.muli %scan3A_104, %mul3A_105 : i32
        %add3A_107 = arith.constant 0 : i32
        %add3A_108 = arith.addi %add3A_107, %mul3A_106 : i32
        %mul3A_109 = arith.constant 2 : i32
        %mul3A_110 = arith.muli %add3A_108, %mul3A_109 : i32
        %add3A_111 = arith.constant 0 : i32
        %add3A_112 = arith.addi %mul3A_110, %add3A_111 : i32
        %add3A_113 = arith.constant 1 : i32
        %add3A_114 = arith.addi %add3A_112, %add3A_113 : i32
        %lt3A = arith.constant 40 : i32
        %lt3A_115 = arith.cmpi slt, %add3A_114, %lt3A : i32
        %convert_element_type3A_116 = arith.extui %lt3A_115 : i1 to i32
        %cond3A_117 = arith.constant 0 : i32
        %cond3A_118 = arith.cmpi ne, %convert_element_type3A_116, %cond3A_117 : i32
        scf.if %cond3A_118 {
          %ge3A = arith.constant 1 : i32
          %ge3A_186 = arith.cmpi sge, %add3A_112, %ge3A : i32
          %convert_element_type3A_187 = arith.extui %ge3A_186 : i1 to i32
          %cond3A_188 = arith.constant 0 : i32
          %cond3A_189 = arith.cmpi ne, %convert_element_type3A_187, %cond3A_188 : i32
          scf.if %cond3A_189 {
            %sub3A = arith.constant 1 : i32
            %sub3A_206 = arith.subi %add3A_112, %sub3A : i32
            %dma_wait3A_207 = arith.constant 1 : i32
            %dma_wait3A_208 = arith.constant 1 : i32
            %dma_wait3A_209 = arith.constant 0 : i32
            %dma_wait3A_210 = arith.constant 0 : i32
            %dma_wait3A_211 = tpu.memref_slice %arg8[%dma_wait3A_207, %dma_wait3A_209, %dma_wait3A_210] : memref<2x128x128xi32, #tpu.memory_space<vmem>> -> memref<1x128x128xi32, #tpu.memory_space<vmem>>
            %dma_wait3A_212 = tpu.memref_squeeze %dma_wait3A_211 : memref<1x128x128xi32, #tpu.memory_space<vmem>> -> memref<128x128xi32, #tpu.memory_space<vmem>>
            %dma_wait3A_213 = arith.constant 0 : i32
            %dma_wait3A_214 = tpu.memref_slice %arg7[%sub3A_206, %dma_wait3A_213] : memref<40x128xi32, #tpu.memory_space<vmem>> -> memref<1x128xi32, #tpu.memory_space<vmem>>
            %dma_wait3A_215 = tpu.memref_squeeze %dma_wait3A_214 : memref<1x128xi32, #tpu.memory_space<vmem>> -> memref<128xi32, #tpu.memory_space<vmem>>
            %dma_wait3A_216 = arith.constant 0 : i32
            %dma_wait3A_217 = arith.constant 0 : i32
            %dma_wait3A_218 = tpu.memref_slice %arg11[%dma_wait3A_216, %dma_wait3A_217] : memref<10240x128xi32, #tpu.memory_space<vmem_shared>> -> memref<10240x128xi32, #tpu.memory_space<vmem_shared>>
            %dma_wait3A_219 = tpu.memref_slice %arg10[%dma_wait3A_208] : memref<2x!tpu.dma_semaphore, #tpu.memory_space<semaphore_mem>> -> memref<1x!tpu.dma_semaphore, #tpu.memory_space<semaphore_mem>>
            %dma_wait3A_220 = tpu.memref_squeeze %dma_wait3A_219 : memref<1x!tpu.dma_semaphore, #tpu.memory_space<semaphore_mem>> -> memref<!tpu.dma_semaphore, #tpu.memory_space<semaphore_mem>>
            tpu.wait_indirect_dma semaphore(%dma_wait3A_220 : memref<!tpu.dma_semaphore, #tpu.memory_space<semaphore_mem>>) src(%dma_wait3A_212 : memref<128x128xi32, #tpu.memory_space<vmem>>) dst(%dma_wait3A_218 : memref<10240x128xi32, #tpu.memory_space<vmem_shared>>)
          } else {
          }
          %add3A_190 = arith.constant 1 : i32
          %add3A_191 = arith.addi %add3A_112, %add3A_190 : i32
          %dma_start3A_192 = arith.constant 1 : i32
          %dma_start3A_193 = arith.constant 1 : i32
          %dma_start3A_194 = arith.constant 0 : i32
          %dma_start3A_195 = arith.constant 0 : i32
          %dma_start3A_196 = tpu.memref_slice %arg8[%dma_start3A_192, %dma_start3A_194, %dma_start3A_195] : memref<2x128x128xi32, #tpu.memory_space<vmem>> -> memref<1x128x128xi32, #tpu.memory_space<vmem>>
          %dma_start3A_197 = tpu.memref_squeeze %dma_start3A_196 : memref<1x128x128xi32, #tpu.memory_space<vmem>> -> memref<128x128xi32, #tpu.memory_space<vmem>>
          %dma_start3A_198 = arith.constant 0 : i32
          %dma_start3A_199 = tpu.memref_slice %arg6[%add3A_191, %dma_start3A_198] : memref<40x128xi32, #tpu.memory_space<vmem>> -> memref<1x128xi32, #tpu.memory_space<vmem>>
          %dma_start3A_200 = tpu.memref_squeeze %dma_start3A_199 : memref<1x128xi32, #tpu.memory_space<vmem>> -> memref<128xi32, #tpu.memory_space<vmem>>
          %dma_start3A_201 = arith.constant 0 : i32
          %dma_start3A_202 = arith.constant 0 : i32
          %dma_start3A_203 = tpu.memref_slice %arg2[%dma_start3A_201, %dma_start3A_202] : memref<10000x128xi32, #tpu.memory_space<hbm>> -> memref<10000x128xi32, #tpu.memory_space<hbm>>
          %dma_start3A_204 = tpu.memref_slice %arg9[%dma_start3A_193] : memref<2x!tpu.dma_semaphore, #tpu.memory_space<semaphore_mem>> -> memref<1x!tpu.dma_semaphore, #tpu.memory_space<semaphore_mem>>
          %dma_start3A_205 = tpu.memref_squeeze %dma_start3A_204 : memref<1x!tpu.dma_semaphore, #tpu.memory_space<semaphore_mem>> -> memref<!tpu.dma_semaphore, #tpu.memory_space<semaphore_mem>>
          tpu.enqueue_indirect_dma source(%dma_start3A_203 : memref<10000x128xi32, #tpu.memory_space<hbm>>) target(%dma_start3A_197 : memref<128x128xi32, #tpu.memory_space<vmem>>) offsets(%dma_start3A_200 : memref<128xi32, #tpu.memory_space<vmem>>) semaphore(%dma_start3A_205 : memref<!tpu.dma_semaphore, #tpu.memory_space<semaphore_mem>>)
        } else {
        }
        %dma_wait3A_119 = arith.constant 0 : i32
        %dma_wait3A_120 = arith.constant 0 : i32
        %dma_wait3A_121 = arith.constant 0 : i32
        %dma_wait3A_122 = arith.constant 0 : i32
        %dma_wait3A_123 = tpu.memref_slice %arg8[%dma_wait3A_119, %dma_wait3A_121, %dma_wait3A_122] : memref<2x128x128xi32, #tpu.memory_space<vmem>> -> memref<1x128x128xi32, #tpu.memory_space<vmem>>
        %dma_wait3A_124 = tpu.memref_squeeze %dma_wait3A_123 : memref<1x128x128xi32, #tpu.memory_space<vmem>> -> memref<128x128xi32, #tpu.memory_space<vmem>>
        %dma_wait3A_125 = arith.constant 0 : i32
        %dma_wait3A_126 = tpu.memref_slice %arg6[%add3A_112, %dma_wait3A_125] : memref<40x128xi32, #tpu.memory_space<vmem>> -> memref<1x128xi32, #tpu.memory_space<vmem>>
        %dma_wait3A_127 = tpu.memref_squeeze %dma_wait3A_126 : memref<1x128xi32, #tpu.memory_space<vmem>> -> memref<128xi32, #tpu.memory_space<vmem>>
        %dma_wait3A_128 = arith.constant 0 : i32
        %dma_wait3A_129 = arith.constant 0 : i32
        %dma_wait3A_130 = tpu.memref_slice %arg2[%dma_wait3A_128, %dma_wait3A_129] : memref<10000x128xi32, #tpu.memory_space<hbm>> -> memref<10000x128xi32, #tpu.memory_space<hbm>>
        %dma_wait3A_131 = tpu.memref_slice %arg9[%dma_wait3A_120] : memref<2x!tpu.dma_semaphore, #tpu.memory_space<semaphore_mem>> -> memref<1x!tpu.dma_semaphore, #tpu.memory_space<semaphore_mem>>
        %dma_wait3A_132 = tpu.memref_squeeze %dma_wait3A_131 : memref<1x!tpu.dma_semaphore, #tpu.memory_space<semaphore_mem>> -> memref<!tpu.dma_semaphore, #tpu.memory_space<semaphore_mem>>
        tpu.wait_indirect_dma semaphore(%dma_wait3A_132 : memref<!tpu.dma_semaphore, #tpu.memory_space<semaphore_mem>>) src(%dma_wait3A_130 : memref<10000x128xi32, #tpu.memory_space<hbm>>) dst(%dma_wait3A_124 : memref<128x128xi32, #tpu.memory_space<vmem>>)
        %dma_start3A_133 = arith.constant 0 : i32
        %dma_start3A_134 = arith.constant 0 : i32
        %dma_start3A_135 = arith.constant 0 : i32
        %dma_start3A_136 = arith.constant 0 : i32
        %dma_start3A_137 = tpu.memref_slice %arg8[%dma_start3A_133, %dma_start3A_135, %dma_start3A_136] : memref<2x128x128xi32, #tpu.memory_space<vmem>> -> memref<1x128x128xi32, #tpu.memory_space<vmem>>
        %dma_start3A_138 = tpu.memref_squeeze %dma_start3A_137 : memref<1x128x128xi32, #tpu.memory_space<vmem>> -> memref<128x128xi32, #tpu.memory_space<vmem>>
        %dma_start3A_139 = arith.constant 0 : i32
        %dma_start3A_140 = tpu.memref_slice %arg7[%add3A_112, %dma_start3A_139] : memref<40x128xi32, #tpu.memory_space<vmem>> -> memref<1x128xi32, #tpu.memory_space<vmem>>
        %dma_start3A_141 = tpu.memref_squeeze %dma_start3A_140 : memref<1x128xi32, #tpu.memory_space<vmem>> -> memref<128xi32, #tpu.memory_space<vmem>>
        %dma_start3A_142 = arith.constant 0 : i32
        %dma_start3A_143 = arith.constant 0 : i32
        %dma_start3A_144 = tpu.memref_slice %arg11[%dma_start3A_142, %dma_start3A_143] : memref<10240x128xi32, #tpu.memory_space<vmem_shared>> -> memref<10240x128xi32, #tpu.memory_space<vmem_shared>>
        %dma_start3A_145 = tpu.memref_slice %arg10[%dma_start3A_134] : memref<2x!tpu.dma_semaphore, #tpu.memory_space<semaphore_mem>> -> memref<1x!tpu.dma_semaphore, #tpu.memory_space<semaphore_mem>>
        %dma_start3A_146 = tpu.memref_squeeze %dma_start3A_145 : memref<1x!tpu.dma_semaphore, #tpu.memory_space<semaphore_mem>> -> memref<!tpu.dma_semaphore, #tpu.memory_space<semaphore_mem>>
        tpu.enqueue_indirect_dma source(%dma_start3A_138 : memref<128x128xi32, #tpu.memory_space<vmem>>) target(%dma_start3A_144 : memref<10240x128xi32, #tpu.memory_space<vmem_shared>>) offsets(%dma_start3A_141 : memref<128xi32, #tpu.memory_space<vmem>>) semaphore(%dma_start3A_146 : memref<!tpu.dma_semaphore, #tpu.memory_space<semaphore_mem>>) {add = true}
        %mul3A_147 = arith.constant 2 : i32
        %mul3A_148 = arith.muli %add3A_108, %mul3A_147 : i32
        %add3A_149 = arith.constant 1 : i32
        %add3A_150 = arith.addi %mul3A_148, %add3A_149 : i32
        %add3A_151 = arith.constant 1 : i32
        %add3A_152 = arith.addi %add3A_150, %add3A_151 : i32
        %lt3A_153 = arith.constant 40 : i32
        %lt3A_154 = arith.cmpi slt, %add3A_152, %lt3A_153 : i32
        %convert_element_type3A_155 = arith.extui %lt3A_154 : i1 to i32
        %cond3A_156 = arith.constant 0 : i32
        %cond3A_157 = arith.cmpi ne, %convert_element_type3A_155, %cond3A_156 : i32
        scf.if %cond3A_157 {
          %ge3A = arith.constant 1 : i32
          %ge3A_186 = arith.cmpi sge, %add3A_150, %ge3A : i32
          %convert_element_type3A_187 = arith.extui %ge3A_186 : i1 to i32
          %cond3A_188 = arith.constant 0 : i32
          %cond3A_189 = arith.cmpi ne, %convert_element_type3A_187, %cond3A_188 : i32
          scf.if %cond3A_189 {
            %sub3A = arith.constant 1 : i32
            %sub3A_206 = arith.subi %add3A_150, %sub3A : i32
            %dma_wait3A_207 = arith.constant 0 : i32
            %dma_wait3A_208 = arith.constant 0 : i32
            %dma_wait3A_209 = arith.constant 0 : i32
            %dma_wait3A_210 = arith.constant 0 : i32
            %dma_wait3A_211 = tpu.memref_slice %arg8[%dma_wait3A_207, %dma_wait3A_209, %dma_wait3A_210] : memref<2x128x128xi32, #tpu.memory_space<vmem>> -> memref<1x128x128xi32, #tpu.memory_space<vmem>>
            %dma_wait3A_212 = tpu.memref_squeeze %dma_wait3A_211 : memref<1x128x128xi32, #tpu.memory_space<vmem>> -> memref<128x128xi32, #tpu.memory_space<vmem>>
            %dma_wait3A_213 = arith.constant 0 : i32
            %dma_wait3A_214 = tpu.memref_slice %arg7[%sub3A_206, %dma_wait3A_213] : memref<40x128xi32, #tpu.memory_space<vmem>> -> memref<1x128xi32, #tpu.memory_space<vmem>>
            %dma_wait3A_215 = tpu.memref_squeeze %dma_wait3A_214 : memref<1x128xi32, #tpu.memory_space<vmem>> -> memref<128xi32, #tpu.memory_space<vmem>>
            %dma_wait3A_216 = arith.constant 0 : i32
            %dma_wait3A_217 = arith.constant 0 : i32
            %dma_wait3A_218 = tpu.memref_slice %arg11[%dma_wait3A_216, %dma_wait3A_217] : memref<10240x128xi32, #tpu.memory_space<vmem_shared>> -> memref<10240x128xi32, #tpu.memory_space<vmem_shared>>
            %dma_wait3A_219 = tpu.memref_slice %arg10[%dma_wait3A_208] : memref<2x!tpu.dma_semaphore, #tpu.memory_space<semaphore_mem>> -> memref<1x!tpu.dma_semaphore, #tpu.memory_space<semaphore_mem>>
            %dma_wait3A_220 = tpu.memref_squeeze %dma_wait3A_219 : memref<1x!tpu.dma_semaphore, #tpu.memory_space<semaphore_mem>> -> memref<!tpu.dma_semaphore, #tpu.memory_space<semaphore_mem>>
            tpu.wait_indirect_dma semaphore(%dma_wait3A_220 : memref<!tpu.dma_semaphore, #tpu.memory_space<semaphore_mem>>) src(%dma_wait3A_212 : memref<128x128xi32, #tpu.memory_space<vmem>>) dst(%dma_wait3A_218 : memref<10240x128xi32, #tpu.memory_space<vmem_shared>>)
          } else {
          }
          %add3A_190 = arith.constant 1 : i32
          %add3A_191 = arith.addi %add3A_150, %add3A_190 : i32
          %dma_start3A_192 = arith.constant 0 : i32
          %dma_start3A_193 = arith.constant 0 : i32
          %dma_start3A_194 = arith.constant 0 : i32
          %dma_start3A_195 = arith.constant 0 : i32
          %dma_start3A_196 = tpu.memref_slice %arg8[%dma_start3A_192, %dma_start3A_194, %dma_start3A_195] : memref<2x128x128xi32, #tpu.memory_space<vmem>> -> memref<1x128x128xi32, #tpu.memory_space<vmem>>
          %dma_start3A_197 = tpu.memref_squeeze %dma_start3A_196 : memref<1x128x128xi32, #tpu.memory_space<vmem>> -> memref<128x128xi32, #tpu.memory_space<vmem>>
          %dma_start3A_198 = arith.constant 0 : i32
          %dma_start3A_199 = tpu.memref_slice %arg6[%add3A_191, %dma_start3A_198] : memref<40x128xi32, #tpu.memory_space<vmem>> -> memref<1x128xi32, #tpu.memory_space<vmem>>
          %dma_start3A_200 = tpu.memref_squeeze %dma_start3A_199 : memref<1x128xi32, #tpu.memory_space<vmem>> -> memref<128xi32, #tpu.memory_space<vmem>>
          %dma_start3A_201 = arith.constant 0 : i32
          %dma_start3A_202 = arith.constant 0 : i32
          %dma_start3A_203 = tpu.memref_slice %arg2[%dma_start3A_201, %dma_start3A_202] : memref<10000x128xi32, #tpu.memory_space<hbm>> -> memref<10000x128xi32, #tpu.memory_space<hbm>>
          %dma_start3A_204 = tpu.memref_slice %arg9[%dma_start3A_193] : memref<2x!tpu.dma_semaphore, #tpu.memory_space<semaphore_mem>> -> memref<1x!tpu.dma_semaphore, #tpu.memory_space<semaphore_mem>>
          %dma_start3A_205 = tpu.memref_squeeze %dma_start3A_204 : memref<1x!tpu.dma_semaphore, #tpu.memory_space<semaphore_mem>> -> memref<!tpu.dma_semaphore, #tpu.memory_space<semaphore_mem>>
          tpu.enqueue_indirect_dma source(%dma_start3A_203 : memref<10000x128xi32, #tpu.memory_space<hbm>>) target(%dma_start3A_197 : memref<128x128xi32, #tpu.memory_space<vmem>>) offsets(%dma_start3A_200 : memref<128xi32, #tpu.memory_space<vmem>>) semaphore(%dma_start3A_205 : memref<!tpu.dma_semaphore, #tpu.memory_space<semaphore_mem>>)
        } else {
        }
        %dma_wait3A_158 = arith.constant 1 : i32
        %dma_wait3A_159 = arith.constant 1 : i32
        %dma_wait3A_160 = arith.constant 0 : i32
        %dma_wait3A_161 = arith.constant 0 : i32
        %dma_wait3A_162 = tpu.memref_slice %arg8[%dma_wait3A_158, %dma_wait3A_160, %dma_wait3A_161] : memref<2x128x128xi32, #tpu.memory_space<vmem>> -> memref<1x128x128xi32, #tpu.memory_space<vmem>>
        %dma_wait3A_163 = tpu.memref_squeeze %dma_wait3A_162 : memref<1x128x128xi32, #tpu.memory_space<vmem>> -> memref<128x128xi32, #tpu.memory_space<vmem>>
        %dma_wait3A_164 = arith.constant 0 : i32
        %dma_wait3A_165 = tpu.memref_slice %arg6[%add3A_150, %dma_wait3A_164] : memref<40x128xi32, #tpu.memory_space<vmem>> -> memref<1x128xi32, #tpu.memory_space<vmem>>
        %dma_wait3A_166 = tpu.memref_squeeze %dma_wait3A_165 : memref<1x128xi32, #tpu.memory_space<vmem>> -> memref<128xi32, #tpu.memory_space<vmem>>
        %dma_wait3A_167 = arith.constant 0 : i32
        %dma_wait3A_168 = arith.constant 0 : i32
        %dma_wait3A_169 = tpu.memref_slice %arg2[%dma_wait3A_167, %dma_wait3A_168] : memref<10000x128xi32, #tpu.memory_space<hbm>> -> memref<10000x128xi32, #tpu.memory_space<hbm>>
        %dma_wait3A_170 = tpu.memref_slice %arg9[%dma_wait3A_159] : memref<2x!tpu.dma_semaphore, #tpu.memory_space<semaphore_mem>> -> memref<1x!tpu.dma_semaphore, #tpu.memory_space<semaphore_mem>>
        %dma_wait3A_171 = tpu.memref_squeeze %dma_wait3A_170 : memref<1x!tpu.dma_semaphore, #tpu.memory_space<semaphore_mem>> -> memref<!tpu.dma_semaphore, #tpu.memory_space<semaphore_mem>>
        tpu.wait_indirect_dma semaphore(%dma_wait3A_171 : memref<!tpu.dma_semaphore, #tpu.memory_space<semaphore_mem>>) src(%dma_wait3A_169 : memref<10000x128xi32, #tpu.memory_space<hbm>>) dst(%dma_wait3A_163 : memref<128x128xi32, #tpu.memory_space<vmem>>)
        %dma_start3A_172 = arith.constant 1 : i32
        %dma_start3A_173 = arith.constant 1 : i32
        %dma_start3A_174 = arith.constant 0 : i32
        %dma_start3A_175 = arith.constant 0 : i32
        %dma_start3A_176 = tpu.memref_slice %arg8[%dma_start3A_172, %dma_start3A_174, %dma_start3A_175] : memref<2x128x128xi32, #tpu.memory_space<vmem>> -> memref<1x128x128xi32, #tpu.memory_space<vmem>>
        %dma_start3A_177 = tpu.memref_squeeze %dma_start3A_176 : memref<1x128x128xi32, #tpu.memory_space<vmem>> -> memref<128x128xi32, #tpu.memory_space<vmem>>
        %dma_start3A_178 = arith.constant 0 : i32
        %dma_start3A_179 = tpu.memref_slice %arg7[%add3A_150, %dma_start3A_178] : memref<40x128xi32, #tpu.memory_space<vmem>> -> memref<1x128xi32, #tpu.memory_space<vmem>>
        %dma_start3A_180 = tpu.memref_squeeze %dma_start3A_179 : memref<1x128xi32, #tpu.memory_space<vmem>> -> memref<128xi32, #tpu.memory_space<vmem>>
        %dma_start3A_181 = arith.constant 0 : i32
        %dma_start3A_182 = arith.constant 0 : i32
        %dma_start3A_183 = tpu.memref_slice %arg11[%dma_start3A_181, %dma_start3A_182] : memref<10240x128xi32, #tpu.memory_space<vmem_shared>> -> memref<10240x128xi32, #tpu.memory_space<vmem_shared>>
        %dma_start3A_184 = tpu.memref_slice %arg10[%dma_start3A_173] : memref<2x!tpu.dma_semaphore, #tpu.memory_space<semaphore_mem>> -> memref<1x!tpu.dma_semaphore, #tpu.memory_space<semaphore_mem>>
        %dma_start3A_185 = tpu.memref_squeeze %dma_start3A_184 : memref<1x!tpu.dma_semaphore, #tpu.memory_space<semaphore_mem>> -> memref<!tpu.dma_semaphore, #tpu.memory_space<semaphore_mem>>
        tpu.enqueue_indirect_dma source(%dma_start3A_177 : memref<128x128xi32, #tpu.memory_space<vmem>>) target(%dma_start3A_183 : memref<10240x128xi32, #tpu.memory_space<vmem_shared>>) offsets(%dma_start3A_180 : memref<128xi32, #tpu.memory_space<vmem>>) semaphore(%dma_start3A_185 : memref<!tpu.dma_semaphore, #tpu.memory_space<semaphore_mem>>) {add = true}
      }
      %scan3A_74 = arith.constant 20 : i32
      %dma_wait3A = arith.constant 0 : i32
      %dma_wait3A_75 = arith.constant 38 : i32
      %dma_wait3A_76 = arith.constant 0 : i32
      %dma_wait3A_77 = arith.constant 0 : i32
      %dma_wait3A_78 = arith.constant 0 : i32
      %dma_wait3A_79 = tpu.memref_slice %arg8[%dma_wait3A, %dma_wait3A_77, %dma_wait3A_78] : memref<2x128x128xi32, #tpu.memory_space<vmem>> -> memref<1x128x128xi32, #tpu.memory_space<vmem>>
      %dma_wait3A_80 = tpu.memref_squeeze %dma_wait3A_79 : memref<1x128x128xi32, #tpu.memory_space<vmem>> -> memref<128x128xi32, #tpu.memory_space<vmem>>
      %dma_wait3A_81 = arith.constant 0 : i32
      %dma_wait3A_82 = tpu.memref_slice %arg7[%dma_wait3A_75, %dma_wait3A_81] : memref<40x128xi32, #tpu.memory_space<vmem>> -> memref<1x128xi32, #tpu.memory_space<vmem>>
      %dma_wait3A_83 = tpu.memref_squeeze %dma_wait3A_82 : memref<1x128xi32, #tpu.memory_space<vmem>> -> memref<128xi32, #tpu.memory_space<vmem>>
      %dma_wait3A_84 = arith.constant 0 : i32
      %dma_wait3A_85 = arith.constant 0 : i32
      %dma_wait3A_86 = tpu.memref_slice %arg11[%dma_wait3A_84, %dma_wait3A_85] : memref<10240x128xi32, #tpu.memory_space<vmem_shared>> -> memref<10240x128xi32, #tpu.memory_space<vmem_shared>>
      %dma_wait3A_87 = tpu.memref_slice %arg10[%dma_wait3A_76] : memref<2x!tpu.dma_semaphore, #tpu.memory_space<semaphore_mem>> -> memref<1x!tpu.dma_semaphore, #tpu.memory_space<semaphore_mem>>
      %dma_wait3A_88 = tpu.memref_squeeze %dma_wait3A_87 : memref<1x!tpu.dma_semaphore, #tpu.memory_space<semaphore_mem>> -> memref<!tpu.dma_semaphore, #tpu.memory_space<semaphore_mem>>
      tpu.wait_indirect_dma semaphore(%dma_wait3A_88 : memref<!tpu.dma_semaphore, #tpu.memory_space<semaphore_mem>>) src(%dma_wait3A_80 : memref<128x128xi32, #tpu.memory_space<vmem>>) dst(%dma_wait3A_86 : memref<10240x128xi32, #tpu.memory_space<vmem_shared>>)
      %dma_wait3A_89 = arith.constant 1 : i32
      %dma_wait3A_90 = arith.constant 39 : i32
      %dma_wait3A_91 = arith.constant 1 : i32
      %dma_wait3A_92 = arith.constant 0 : i32
      %dma_wait3A_93 = arith.constant 0 : i32
      %dma_wait3A_94 = tpu.memref_slice %arg8[%dma_wait3A_89, %dma_wait3A_92, %dma_wait3A_93] : memref<2x128x128xi32, #tpu.memory_space<vmem>> -> memref<1x128x128xi32, #tpu.memory_space<vmem>>
      %dma_wait3A_95 = tpu.memref_squeeze %dma_wait3A_94 : memref<1x128x128xi32, #tpu.memory_space<vmem>> -> memref<128x128xi32, #tpu.memory_space<vmem>>
      %dma_wait3A_96 = arith.constant 0 : i32
      %dma_wait3A_97 = tpu.memref_slice %arg7[%dma_wait3A_90, %dma_wait3A_96] : memref<40x128xi32, #tpu.memory_space<vmem>> -> memref<1x128xi32, #tpu.memory_space<vmem>>
      %dma_wait3A_98 = tpu.memref_squeeze %dma_wait3A_97 : memref<1x128xi32, #tpu.memory_space<vmem>> -> memref<128xi32, #tpu.memory_space<vmem>>
      %dma_wait3A_99 = arith.constant 0 : i32
      %dma_wait3A_100 = arith.constant 0 : i32
      %dma_wait3A_101 = tpu.memref_slice %arg11[%dma_wait3A_99, %dma_wait3A_100] : memref<10240x128xi32, #tpu.memory_space<vmem_shared>> -> memref<10240x128xi32, #tpu.memory_space<vmem_shared>>
      %dma_wait3A_102 = tpu.memref_slice %arg10[%dma_wait3A_91] : memref<2x!tpu.dma_semaphore, #tpu.memory_space<semaphore_mem>> -> memref<1x!tpu.dma_semaphore, #tpu.memory_space<semaphore_mem>>
      %dma_wait3A_103 = tpu.memref_squeeze %dma_wait3A_102 : memref<1x!tpu.dma_semaphore, #tpu.memory_space<semaphore_mem>> -> memref<!tpu.dma_semaphore, #tpu.memory_space<semaphore_mem>>
      tpu.wait_indirect_dma semaphore(%dma_wait3A_103 : memref<!tpu.dma_semaphore, #tpu.memory_space<semaphore_mem>>) src(%dma_wait3A_95 : memref<128x128xi32, #tpu.memory_space<vmem>>) dst(%dma_wait3A_101 : memref<10240x128xi32, #tpu.memory_space<vmem_shared>>)
    } else {
    }
    %eq3A_40 = arith.constant 1 : i32
    %eq3A_41 = arith.cmpi eq, %arg0, %eq3A_40 : i32
    %or3A_42 = arith.constant true
    %or3A_43 = arith.ori %eq3A_41, %or3A_42 : i1
    %convert_element_type3A_44 = arith.extui %or3A_43 : i1 to i32
    %cond3A_45 = arith.constant 0 : i32
    %cond3A_46 = arith.cmpi ne, %convert_element_type3A_44, %cond3A_45 : i32
    scf.if %cond3A_46 {
      %add3A_52 = arith.constant 40 : i32
      %add3A_53 = arith.addi %select_n3A, %add3A_52 : i32
      "tpu.region"() ({
        %run_scoped3A_104 = tpu.sem_alloc : memref<!tpu.dma_semaphore, #tpu.memory_space<semaphore_mem>>
        %dma_start3A_105 = arith.constant 0 : i32
        %dma_start3A_106 = tpu.memref_slice %arg3[%add3A_53, %dma_start3A_105] : memref<2560x128xi32, #tpu.memory_space<hbm>> -> memref<40x128xi32, #tpu.memory_space<hbm>>
        %dma_start3A_107 = arith.constant 0 : i32
        %dma_start3A_108 = tpu.memref_slice %arg3[%add3A_53, %dma_start3A_107] : memref<2560x128xi32, #tpu.memory_space<hbm>> -> memref<40x128xi32, #tpu.memory_space<hbm>>
        tpu.enqueue_dma source(%dma_start3A_108 : memref<40x128xi32, #tpu.memory_space<hbm>>) target(%arg6 : memref<40x128xi32, #tpu.memory_space<vmem>>) target_semaphore(%run_scoped3A_104 : memref<!tpu.dma_semaphore, #tpu.memory_space<semaphore_mem>>)
        %dma_wait3A_109 = arith.constant 0 : i32
        %dma_wait3A_110 = tpu.memref_slice %arg3[%add3A_53, %dma_wait3A_109] : memref<2560x128xi32, #tpu.memory_space<hbm>> -> memref<40x128xi32, #tpu.memory_space<hbm>>
        %dma_wait3A_111 = arith.constant 0 : i32
        %dma_wait3A_112 = tpu.memref_slice %arg3[%add3A_53, %dma_wait3A_111] : memref<2560x128xi32, #tpu.memory_space<hbm>> -> memref<40x128xi32, #tpu.memory_space<hbm>>
        tpu.wait_dma2 semaphore(%run_scoped3A_104 : memref<!tpu.dma_semaphore, #tpu.memory_space<semaphore_mem>>) src(%dma_wait3A_112 : memref<40x128xi32, #tpu.memory_space<hbm>>) dst(%arg6 : memref<40x128xi32, #tpu.memory_space<vmem>>)
        tpu.yield
      }) : () -> ()
      %add3A_54 = arith.constant 40 : i32
      %add3A_55 = arith.addi %select_n3A, %add3A_54 : i32
      "tpu.region"() ({
        %run_scoped3A_104 = tpu.sem_alloc : memref<!tpu.dma_semaphore, #tpu.memory_space<semaphore_mem>>
        %dma_start3A_105 = arith.constant 0 : i32
        %dma_start3A_106 = tpu.memref_slice %arg4[%add3A_55, %dma_start3A_105] : memref<2560x128xi32, #tpu.memory_space<hbm>> -> memref<40x128xi32, #tpu.memory_space<hbm>>
        %dma_start3A_107 = arith.constant 0 : i32
        %dma_start3A_108 = tpu.memref_slice %arg4[%add3A_55, %dma_start3A_107] : memref<2560x128xi32, #tpu.memory_space<hbm>> -> memref<40x128xi32, #tpu.memory_space<hbm>>
        tpu.enqueue_dma source(%dma_start3A_108 : memref<40x128xi32, #tpu.memory_space<hbm>>) target(%arg7 : memref<40x128xi32, #tpu.memory_space<vmem>>) target_semaphore(%run_scoped3A_104 : memref<!tpu.dma_semaphore, #tpu.memory_space<semaphore_mem>>)
        %dma_wait3A_109 = arith.constant 0 : i32
        %dma_wait3A_110 = tpu.memref_slice %arg4[%add3A_55, %dma_wait3A_109] : memref<2560x128xi32, #tpu.memory_space<hbm>> -> memref<40x128xi32, #tpu.memory_space<hbm>>
        %dma_wait3A_111 = arith.constant 0 : i32
        %dma_wait3A_112 = tpu.memref_slice %arg4[%add3A_55, %dma_wait3A_111] : memref<2560x128xi32, #tpu.memory_space<hbm>> -> memref<40x128xi32, #tpu.memory_space<hbm>>
        tpu.wait_dma2 semaphore(%run_scoped3A_104 : memref<!tpu.dma_semaphore, #tpu.memory_space<semaphore_mem>>) src(%dma_wait3A_112 : memref<40x128xi32, #tpu.memory_space<hbm>>) dst(%arg7 : memref<40x128xi32, #tpu.memory_space<vmem>>)
        tpu.yield
      }) : () -> ()
      %dma_start3A = arith.constant 0 : i32
      %dma_start3A_56 = arith.constant 0 : i32
      %dma_start3A_57 = arith.constant 0 : i32
      %dma_start3A_58 = arith.constant 0 : i32
      %dma_start3A_59 = arith.constant 0 : i32
      %dma_start3A_60 = tpu.memref_slice %arg8[%dma_start3A_56, %dma_start3A_58, %dma_start3A_59] : memref<2x128x128xi32, #tpu.memory_space<vmem>> -> memref<1x128x128xi32, #tpu.memory_space<vmem>>
      %dma_start3A_61 = tpu.memref_squeeze %dma_start3A_60 : memref<1x128x128xi32, #tpu.memory_space<vmem>> -> memref<128x128xi32, #tpu.memory_space<vmem>>
      %dma_start3A_62 = arith.constant 0 : i32
      %dma_start3A_63 = tpu.memref_slice %arg6[%dma_start3A, %dma_start3A_62] : memref<40x128xi32, #tpu.memory_space<vmem>> -> memref<1x128xi32, #tpu.memory_space<vmem>>
      %dma_start3A_64 = tpu.memref_squeeze %dma_start3A_63 : memref<1x128xi32, #tpu.memory_space<vmem>> -> memref<128xi32, #tpu.memory_space<vmem>>
      %dma_start3A_65 = arith.constant 0 : i32
      %dma_start3A_66 = arith.constant 0 : i32
      %dma_start3A_67 = tpu.memref_slice %arg2[%dma_start3A_65, %dma_start3A_66] : memref<10000x128xi32, #tpu.memory_space<hbm>> -> memref<10000x128xi32, #tpu.memory_space<hbm>>
      %dma_start3A_68 = tpu.memref_slice %arg9[%dma_start3A_57] : memref<2x!tpu.dma_semaphore, #tpu.memory_space<semaphore_mem>> -> memref<1x!tpu.dma_semaphore, #tpu.memory_space<semaphore_mem>>
      %dma_start3A_69 = tpu.memref_squeeze %dma_start3A_68 : memref<1x!tpu.dma_semaphore, #tpu.memory_space<semaphore_mem>> -> memref<!tpu.dma_semaphore, #tpu.memory_space<semaphore_mem>>
      tpu.enqueue_indirect_dma source(%dma_start3A_67 : memref<10000x128xi32, #tpu.memory_space<hbm>>) target(%dma_start3A_61 : memref<128x128xi32, #tpu.memory_space<vmem>>) offsets(%dma_start3A_64 : memref<128xi32, #tpu.memory_space<vmem>>) semaphore(%dma_start3A_69 : memref<!tpu.dma_semaphore, #tpu.memory_space<semaphore_mem>>)
      %scan3A_70 = arith.constant 0 : i32
      %scan3A_71 = arith.constant 20 : i32
      %scan3A_72 = arith.addi %scan3A_70, %scan3A_71 : i32
      %scan3A_73 = arith.constant 1 : i32
      scf.for %scan3A_104 = %scan3A_70 to %scan3A_72 step %scan3A_73  : i32 {
        %mul3A_105 = arith.constant 1 : i32
        %mul3A_106 = arith.muli %scan3A_104, %mul3A_105 : i32
        %add3A_107 = arith.constant 0 : i32
        %add3A_108 = arith.addi %add3A_107, %mul3A_106 : i32
        %mul3A_109 = arith.constant 2 : i32
        %mul3A_110 = arith.muli %add3A_108, %mul3A_109 : i32
        %add3A_111 = arith.constant 0 : i32
        %add3A_112 = arith.addi %mul3A_110, %add3A_111 : i32
        %add3A_113 = arith.constant 1 : i32
        %add3A_114 = arith.addi %add3A_112, %add3A_113 : i32
        %lt3A = arith.constant 40 : i32
        %lt3A_115 = arith.cmpi slt, %add3A_114, %lt3A : i32
        %convert_element_type3A_116 = arith.extui %lt3A_115 : i1 to i32
        %cond3A_117 = arith.constant 0 : i32
        %cond3A_118 = arith.cmpi ne, %convert_element_type3A_116, %cond3A_117 : i32
        scf.if %cond3A_118 {
          %ge3A = arith.constant 1 : i32
          %ge3A_186 = arith.cmpi sge, %add3A_112, %ge3A : i32
          %convert_element_type3A_187 = arith.extui %ge3A_186 : i1 to i32
          %cond3A_188 = arith.constant 0 : i32
          %cond3A_189 = arith.cmpi ne, %convert_element_type3A_187, %cond3A_188 : i32
          scf.if %cond3A_189 {
            %sub3A = arith.constant 1 : i32
            %sub3A_206 = arith.subi %add3A_112, %sub3A : i32
            %dma_wait3A_207 = arith.constant 1 : i32
            %dma_wait3A_208 = arith.constant 1 : i32
            %dma_wait3A_209 = arith.constant 0 : i32
            %dma_wait3A_210 = arith.constant 0 : i32
            %dma_wait3A_211 = tpu.memref_slice %arg8[%dma_wait3A_207, %dma_wait3A_209, %dma_wait3A_210] : memref<2x128x128xi32, #tpu.memory_space<vmem>> -> memref<1x128x128xi32, #tpu.memory_space<vmem>>
            %dma_wait3A_212 = tpu.memref_squeeze %dma_wait3A_211 : memref<1x128x128xi32, #tpu.memory_space<vmem>> -> memref<128x128xi32, #tpu.memory_space<vmem>>
            %dma_wait3A_213 = arith.constant 0 : i32
            %dma_wait3A_214 = tpu.memref_slice %arg7[%sub3A_206, %dma_wait3A_213] : memref<40x128xi32, #tpu.memory_space<vmem>> -> memref<1x128xi32, #tpu.memory_space<vmem>>
            %dma_wait3A_215 = tpu.memref_squeeze %dma_wait3A_214 : memref<1x128xi32, #tpu.memory_space<vmem>> -> memref<128xi32, #tpu.memory_space<vmem>>
            %dma_wait3A_216 = arith.constant 0 : i32
            %dma_wait3A_217 = arith.constant 0 : i32
            %dma_wait3A_218 = tpu.memref_slice %arg11[%dma_wait3A_216, %dma_wait3A_217] : memref<10240x128xi32, #tpu.memory_space<vmem_shared>> -> memref<10240x128xi32, #tpu.memory_space<vmem_shared>>
            %dma_wait3A_219 = tpu.memref_slice %arg10[%dma_wait3A_208] : memref<2x!tpu.dma_semaphore, #tpu.memory_space<semaphore_mem>> -> memref<1x!tpu.dma_semaphore, #tpu.memory_space<semaphore_mem>>
            %dma_wait3A_220 = tpu.memref_squeeze %dma_wait3A_219 : memref<1x!tpu.dma_semaphore, #tpu.memory_space<semaphore_mem>> -> memref<!tpu.dma_semaphore, #tpu.memory_space<semaphore_mem>>
            tpu.wait_indirect_dma semaphore(%dma_wait3A_220 : memref<!tpu.dma_semaphore, #tpu.memory_space<semaphore_mem>>) src(%dma_wait3A_212 : memref<128x128xi32, #tpu.memory_space<vmem>>) dst(%dma_wait3A_218 : memref<10240x128xi32, #tpu.memory_space<vmem_shared>>)
          } else {
          }
          %add3A_190 = arith.constant 1 : i32
          %add3A_191 = arith.addi %add3A_112, %add3A_190 : i32
          %dma_start3A_192 = arith.constant 1 : i32
          %dma_start3A_193 = arith.constant 1 : i32
          %dma_start3A_194 = arith.constant 0 : i32
          %dma_start3A_195 = arith.constant 0 : i32
          %dma_start3A_196 = tpu.memref_slice %arg8[%dma_start3A_192, %dma_start3A_194, %dma_start3A_195] : memref<2x128x128xi32, #tpu.memory_space<vmem>> -> memref<1x128x128xi32, #tpu.memory_space<vmem>>
          %dma_start3A_197 = tpu.memref_squeeze %dma_start3A_196 : memref<1x128x128xi32, #tpu.memory_space<vmem>> -> memref<128x128xi32, #tpu.memory_space<vmem>>
          %dma_start3A_198 = arith.constant 0 : i32
          %dma_start3A_199 = tpu.memref_slice %arg6[%add3A_191, %dma_start3A_198] : memref<40x128xi32, #tpu.memory_space<vmem>> -> memref<1x128xi32, #tpu.memory_space<vmem>>
          %dma_start3A_200 = tpu.memref_squeeze %dma_start3A_199 : memref<1x128xi32, #tpu.memory_space<vmem>> -> memref<128xi32, #tpu.memory_space<vmem>>
          %dma_start3A_201 = arith.constant 0 : i32
          %dma_start3A_202 = arith.constant 0 : i32
          %dma_start3A_203 = tpu.memref_slice %arg2[%dma_start3A_201, %dma_start3A_202] : memref<10000x128xi32, #tpu.memory_space<hbm>> -> memref<10000x128xi32, #tpu.memory_space<hbm>>
          %dma_start3A_204 = tpu.memref_slice %arg9[%dma_start3A_193] : memref<2x!tpu.dma_semaphore, #tpu.memory_space<semaphore_mem>> -> memref<1x!tpu.dma_semaphore, #tpu.memory_space<semaphore_mem>>
          %dma_start3A_205 = tpu.memref_squeeze %dma_start3A_204 : memref<1x!tpu.dma_semaphore, #tpu.memory_space<semaphore_mem>> -> memref<!tpu.dma_semaphore, #tpu.memory_space<semaphore_mem>>
          tpu.enqueue_indirect_dma source(%dma_start3A_203 : memref<10000x128xi32, #tpu.memory_space<hbm>>) target(%dma_start3A_197 : memref<128x128xi32, #tpu.memory_space<vmem>>) offsets(%dma_start3A_200 : memref<128xi32, #tpu.memory_space<vmem>>) semaphore(%dma_start3A_205 : memref<!tpu.dma_semaphore, #tpu.memory_space<semaphore_mem>>)
        } else {
        }
        %dma_wait3A_119 = arith.constant 0 : i32
        %dma_wait3A_120 = arith.constant 0 : i32
        %dma_wait3A_121 = arith.constant 0 : i32
        %dma_wait3A_122 = arith.constant 0 : i32
        %dma_wait3A_123 = tpu.memref_slice %arg8[%dma_wait3A_119, %dma_wait3A_121, %dma_wait3A_122] : memref<2x128x128xi32, #tpu.memory_space<vmem>> -> memref<1x128x128xi32, #tpu.memory_space<vmem>>
        %dma_wait3A_124 = tpu.memref_squeeze %dma_wait3A_123 : memref<1x128x128xi32, #tpu.memory_space<vmem>> -> memref<128x128xi32, #tpu.memory_space<vmem>>
        %dma_wait3A_125 = arith.constant 0 : i32
        %dma_wait3A_126 = tpu.memref_slice %arg6[%add3A_112, %dma_wait3A_125] : memref<40x128xi32, #tpu.memory_space<vmem>> -> memref<1x128xi32, #tpu.memory_space<vmem>>
        %dma_wait3A_127 = tpu.memref_squeeze %dma_wait3A_126 : memref<1x128xi32, #tpu.memory_space<vmem>> -> memref<128xi32, #tpu.memory_space<vmem>>
        %dma_wait3A_128 = arith.constant 0 : i32
        %dma_wait3A_129 = arith.constant 0 : i32
        %dma_wait3A_130 = tpu.memref_slice %arg2[%dma_wait3A_128, %dma_wait3A_129] : memref<10000x128xi32, #tpu.memory_space<hbm>> -> memref<10000x128xi32, #tpu.memory_space<hbm>>
        %dma_wait3A_131 = tpu.memref_slice %arg9[%dma_wait3A_120] : memref<2x!tpu.dma_semaphore, #tpu.memory_space<semaphore_mem>> -> memref<1x!tpu.dma_semaphore, #tpu.memory_space<semaphore_mem>>
        %dma_wait3A_132 = tpu.memref_squeeze %dma_wait3A_131 : memref<1x!tpu.dma_semaphore, #tpu.memory_space<semaphore_mem>> -> memref<!tpu.dma_semaphore, #tpu.memory_space<semaphore_mem>>
        tpu.wait_indirect_dma semaphore(%dma_wait3A_132 : memref<!tpu.dma_semaphore, #tpu.memory_space<semaphore_mem>>) src(%dma_wait3A_130 : memref<10000x128xi32, #tpu.memory_space<hbm>>) dst(%dma_wait3A_124 : memref<128x128xi32, #tpu.memory_space<vmem>>)
        %dma_start3A_133 = arith.constant 0 : i32
        %dma_start3A_134 = arith.constant 0 : i32
        %dma_start3A_135 = arith.constant 0 : i32
        %dma_start3A_136 = arith.constant 0 : i32
        %dma_start3A_137 = tpu.memref_slice %arg8[%dma_start3A_133, %dma_start3A_135, %dma_start3A_136] : memref<2x128x128xi32, #tpu.memory_space<vmem>> -> memref<1x128x128xi32, #tpu.memory_space<vmem>>
        %dma_start3A_138 = tpu.memref_squeeze %dma_start3A_137 : memref<1x128x128xi32, #tpu.memory_space<vmem>> -> memref<128x128xi32, #tpu.memory_space<vmem>>
        %dma_start3A_139 = arith.constant 0 : i32
        %dma_start3A_140 = tpu.memref_slice %arg7[%add3A_112, %dma_start3A_139] : memref<40x128xi32, #tpu.memory_space<vmem>> -> memref<1x128xi32, #tpu.memory_space<vmem>>
        %dma_start3A_141 = tpu.memref_squeeze %dma_start3A_140 : memref<1x128xi32, #tpu.memory_space<vmem>> -> memref<128xi32, #tpu.memory_space<vmem>>
        %dma_start3A_142 = arith.constant 0 : i32
        %dma_start3A_143 = arith.constant 0 : i32
        %dma_start3A_144 = tpu.memref_slice %arg11[%dma_start3A_142, %dma_start3A_143] : memref<10240x128xi32, #tpu.memory_space<vmem_shared>> -> memref<10240x128xi32, #tpu.memory_space<vmem_shared>>
        %dma_start3A_145 = tpu.memref_slice %arg10[%dma_start3A_134] : memref<2x!tpu.dma_semaphore, #tpu.memory_space<semaphore_mem>> -> memref<1x!tpu.dma_semaphore, #tpu.memory_space<semaphore_mem>>
        %dma_start3A_146 = tpu.memref_squeeze %dma_start3A_145 : memref<1x!tpu.dma_semaphore, #tpu.memory_space<semaphore_mem>> -> memref<!tpu.dma_semaphore, #tpu.memory_space<semaphore_mem>>
        tpu.enqueue_indirect_dma source(%dma_start3A_138 : memref<128x128xi32, #tpu.memory_space<vmem>>) target(%dma_start3A_144 : memref<10240x128xi32, #tpu.memory_space<vmem_shared>>) offsets(%dma_start3A_141 : memref<128xi32, #tpu.memory_space<vmem>>) semaphore(%dma_start3A_146 : memref<!tpu.dma_semaphore, #tpu.memory_space<semaphore_mem>>) {add = true}
        %mul3A_147 = arith.constant 2 : i32
        %mul3A_148 = arith.muli %add3A_108, %mul3A_147 : i32
        %add3A_149 = arith.constant 1 : i32
        %add3A_150 = arith.addi %mul3A_148, %add3A_149 : i32
        %add3A_151 = arith.constant 1 : i32
        %add3A_152 = arith.addi %add3A_150, %add3A_151 : i32
        %lt3A_153 = arith.constant 40 : i32
        %lt3A_154 = arith.cmpi slt, %add3A_152, %lt3A_153 : i32
        %convert_element_type3A_155 = arith.extui %lt3A_154 : i1 to i32
        %cond3A_156 = arith.constant 0 : i32
        %cond3A_157 = arith.cmpi ne, %convert_element_type3A_155, %cond3A_156 : i32
        scf.if %cond3A_157 {
          %ge3A = arith.constant 1 : i32
          %ge3A_186 = arith.cmpi sge, %add3A_150, %ge3A : i32
          %convert_element_type3A_187 = arith.extui %ge3A_186 : i1 to i32
          %cond3A_188 = arith.constant 0 : i32
          %cond3A_189 = arith.cmpi ne, %convert_element_type3A_187, %cond3A_188 : i32
          scf.if %cond3A_189 {
            %sub3A = arith.constant 1 : i32
            %sub3A_206 = arith.subi %add3A_150, %sub3A : i32
            %dma_wait3A_207 = arith.constant 0 : i32
            %dma_wait3A_208 = arith.constant 0 : i32
            %dma_wait3A_209 = arith.constant 0 : i32
            %dma_wait3A_210 = arith.constant 0 : i32
            %dma_wait3A_211 = tpu.memref_slice %arg8[%dma_wait3A_207, %dma_wait3A_209, %dma_wait3A_210] : memref<2x128x128xi32, #tpu.memory_space<vmem>> -> memref<1x128x128xi32, #tpu.memory_space<vmem>>
            %dma_wait3A_212 = tpu.memref_squeeze %dma_wait3A_211 : memref<1x128x128xi32, #tpu.memory_space<vmem>> -> memref<128x128xi32, #tpu.memory_space<vmem>>
            %dma_wait3A_213 = arith.constant 0 : i32
            %dma_wait3A_214 = tpu.memref_slice %arg7[%sub3A_206, %dma_wait3A_213] : memref<40x128xi32, #tpu.memory_space<vmem>> -> memref<1x128xi32, #tpu.memory_space<vmem>>
            %dma_wait3A_215 = tpu.memref_squeeze %dma_wait3A_214 : memref<1x128xi32, #tpu.memory_space<vmem>> -> memref<128xi32, #tpu.memory_space<vmem>>
            %dma_wait3A_216 = arith.constant 0 : i32
            %dma_wait3A_217 = arith.constant 0 : i32
            %dma_wait3A_218 = tpu.memref_slice %arg11[%dma_wait3A_216, %dma_wait3A_217] : memref<10240x128xi32, #tpu.memory_space<vmem_shared>> -> memref<10240x128xi32, #tpu.memory_space<vmem_shared>>
            %dma_wait3A_219 = tpu.memref_slice %arg10[%dma_wait3A_208] : memref<2x!tpu.dma_semaphore, #tpu.memory_space<semaphore_mem>> -> memref<1x!tpu.dma_semaphore, #tpu.memory_space<semaphore_mem>>
            %dma_wait3A_220 = tpu.memref_squeeze %dma_wait3A_219 : memref<1x!tpu.dma_semaphore, #tpu.memory_space<semaphore_mem>> -> memref<!tpu.dma_semaphore, #tpu.memory_space<semaphore_mem>>
            tpu.wait_indirect_dma semaphore(%dma_wait3A_220 : memref<!tpu.dma_semaphore, #tpu.memory_space<semaphore_mem>>) src(%dma_wait3A_212 : memref<128x128xi32, #tpu.memory_space<vmem>>) dst(%dma_wait3A_218 : memref<10240x128xi32, #tpu.memory_space<vmem_shared>>)
          } else {
          }
          %add3A_190 = arith.constant 1 : i32
          %add3A_191 = arith.addi %add3A_150, %add3A_190 : i32
          %dma_start3A_192 = arith.constant 0 : i32
          %dma_start3A_193 = arith.constant 0 : i32
          %dma_start3A_194 = arith.constant 0 : i32
          %dma_start3A_195 = arith.constant 0 : i32
          %dma_start3A_196 = tpu.memref_slice %arg8[%dma_start3A_192, %dma_start3A_194, %dma_start3A_195] : memref<2x128x128xi32, #tpu.memory_space<vmem>> -> memref<1x128x128xi32, #tpu.memory_space<vmem>>
          %dma_start3A_197 = tpu.memref_squeeze %dma_start3A_196 : memref<1x128x128xi32, #tpu.memory_space<vmem>> -> memref<128x128xi32, #tpu.memory_space<vmem>>
          %dma_start3A_198 = arith.constant 0 : i32
          %dma_start3A_199 = tpu.memref_slice %arg6[%add3A_191, %dma_start3A_198] : memref<40x128xi32, #tpu.memory_space<vmem>> -> memref<1x128xi32, #tpu.memory_space<vmem>>
          %dma_start3A_200 = tpu.memref_squeeze %dma_start3A_199 : memref<1x128xi32, #tpu.memory_space<vmem>> -> memref<128xi32, #tpu.memory_space<vmem>>
          %dma_start3A_201 = arith.constant 0 : i32
          %dma_start3A_202 = arith.constant 0 : i32
          %dma_start3A_203 = tpu.memref_slice %arg2[%dma_start3A_201, %dma_start3A_202] : memref<10000x128xi32, #tpu.memory_space<hbm>> -> memref<10000x128xi32, #tpu.memory_space<hbm>>
          %dma_start3A_204 = tpu.memref_slice %arg9[%dma_start3A_193] : memref<2x!tpu.dma_semaphore, #tpu.memory_space<semaphore_mem>> -> memref<1x!tpu.dma_semaphore, #tpu.memory_space<semaphore_mem>>
          %dma_start3A_205 = tpu.memref_squeeze %dma_start3A_204 : memref<1x!tpu.dma_semaphore, #tpu.memory_space<semaphore_mem>> -> memref<!tpu.dma_semaphore, #tpu.memory_space<semaphore_mem>>
          tpu.enqueue_indirect_dma source(%dma_start3A_203 : memref<10000x128xi32, #tpu.memory_space<hbm>>) target(%dma_start3A_197 : memref<128x128xi32, #tpu.memory_space<vmem>>) offsets(%dma_start3A_200 : memref<128xi32, #tpu.memory_space<vmem>>) semaphore(%dma_start3A_205 : memref<!tpu.dma_semaphore, #tpu.memory_space<semaphore_mem>>)
        } else {
        }
        %dma_wait3A_158 = arith.constant 1 : i32
        %dma_wait3A_159 = arith.constant 1 : i32
        %dma_wait3A_160 = arith.constant 0 : i32
        %dma_wait3A_161 = arith.constant 0 : i32
        %dma_wait3A_162 = tpu.memref_slice %arg8[%dma_wait3A_158, %dma_wait3A_160, %dma_wait3A_161] : memref<2x128x128xi32, #tpu.memory_space<vmem>> -> memref<1x128x128xi32, #tpu.memory_space<vmem>>
        %dma_wait3A_163 = tpu.memref_squeeze %dma_wait3A_162 : memref<1x128x128xi32, #tpu.memory_space<vmem>> -> memref<128x128xi32, #tpu.memory_space<vmem>>
        %dma_wait3A_164 = arith.constant 0 : i32
        %dma_wait3A_165 = tpu.memref_slice %arg6[%add3A_150, %dma_wait3A_164] : memref<40x128xi32, #tpu.memory_space<vmem>> -> memref<1x128xi32, #tpu.memory_space<vmem>>
        %dma_wait3A_166 = tpu.memref_squeeze %dma_wait3A_165 : memref<1x128xi32, #tpu.memory_space<vmem>> -> memref<128xi32, #tpu.memory_space<vmem>>
        %dma_wait3A_167 = arith.constant 0 : i32
        %dma_wait3A_168 = arith.constant 0 : i32
        %dma_wait3A_169 = tpu.memref_slice %arg2[%dma_wait3A_167, %dma_wait3A_168] : memref<10000x128xi32, #tpu.memory_space<hbm>> -> memref<10000x128xi32, #tpu.memory_space<hbm>>
        %dma_wait3A_170 = tpu.memref_slice %arg9[%dma_wait3A_159] : memref<2x!tpu.dma_semaphore, #tpu.memory_space<semaphore_mem>> -> memref<1x!tpu.dma_semaphore, #tpu.memory_space<semaphore_mem>>
        %dma_wait3A_171 = tpu.memref_squeeze %dma_wait3A_170 : memref<1x!tpu.dma_semaphore, #tpu.memory_space<semaphore_mem>> -> memref<!tpu.dma_semaphore, #tpu.memory_space<semaphore_mem>>
        tpu.wait_indirect_dma semaphore(%dma_wait3A_171 : memref<!tpu.dma_semaphore, #tpu.memory_space<semaphore_mem>>) src(%dma_wait3A_169 : memref<10000x128xi32, #tpu.memory_space<hbm>>) dst(%dma_wait3A_163 : memref<128x128xi32, #tpu.memory_space<vmem>>)
        %dma_start3A_172 = arith.constant 1 : i32
        %dma_start3A_173 = arith.constant 1 : i32
        %dma_start3A_174 = arith.constant 0 : i32
        %dma_start3A_175 = arith.constant 0 : i32
        %dma_start3A_176 = tpu.memref_slice %arg8[%dma_start3A_172, %dma_start3A_174, %dma_start3A_175] : memref<2x128x128xi32, #tpu.memory_space<vmem>> -> memref<1x128x128xi32, #tpu.memory_space<vmem>>
        %dma_start3A_177 = tpu.memref_squeeze %dma_start3A_176 : memref<1x128x128xi32, #tpu.memory_space<vmem>> -> memref<128x128xi32, #tpu.memory_space<vmem>>
        %dma_start3A_178 = arith.constant 0 : i32
        %dma_start3A_179 = tpu.memref_slice %arg7[%add3A_150, %dma_start3A_178] : memref<40x128xi32, #tpu.memory_space<vmem>> -> memref<1x128xi32, #tpu.memory_space<vmem>>
        %dma_start3A_180 = tpu.memref_squeeze %dma_start3A_179 : memref<1x128xi32, #tpu.memory_space<vmem>> -> memref<128xi32, #tpu.memory_space<vmem>>
        %dma_start3A_181 = arith.constant 0 : i32
        %dma_start3A_182 = arith.constant 0 : i32
        %dma_start3A_183 = tpu.memref_slice %arg11[%dma_start3A_181, %dma_start3A_182] : memref<10240x128xi32, #tpu.memory_space<vmem_shared>> -> memref<10240x128xi32, #tpu.memory_space<vmem_shared>>
        %dma_start3A_184 = tpu.memref_slice %arg10[%dma_start3A_173] : memref<2x!tpu.dma_semaphore, #tpu.memory_space<semaphore_mem>> -> memref<1x!tpu.dma_semaphore, #tpu.memory_space<semaphore_mem>>
        %dma_start3A_185 = tpu.memref_squeeze %dma_start3A_184 : memref<1x!tpu.dma_semaphore, #tpu.memory_space<semaphore_mem>> -> memref<!tpu.dma_semaphore, #tpu.memory_space<semaphore_mem>>
        tpu.enqueue_indirect_dma source(%dma_start3A_177 : memref<128x128xi32, #tpu.memory_space<vmem>>) target(%dma_start3A_183 : memref<10240x128xi32, #tpu.memory_space<vmem_shared>>) offsets(%dma_start3A_180 : memref<128xi32, #tpu.memory_space<vmem>>) semaphore(%dma_start3A_185 : memref<!tpu.dma_semaphore, #tpu.memory_space<semaphore_mem>>) {add = true}
      }
      %scan3A_74 = arith.constant 20 : i32
      %dma_wait3A = arith.constant 0 : i32
      %dma_wait3A_75 = arith.constant 38 : i32
      %dma_wait3A_76 = arith.constant 0 : i32
      %dma_wait3A_77 = arith.constant 0 : i32
      %dma_wait3A_78 = arith.constant 0 : i32
      %dma_wait3A_79 = tpu.memref_slice %arg8[%dma_wait3A, %dma_wait3A_77, %dma_wait3A_78] : memref<2x128x128xi32, #tpu.memory_space<vmem>> -> memref<1x128x128xi32, #tpu.memory_space<vmem>>
      %dma_wait3A_80 = tpu.memref_squeeze %dma_wait3A_79 : memref<1x128x128xi32, #tpu.memory_space<vmem>> -> memref<128x128xi32, #tpu.memory_space<vmem>>
      %dma_wait3A_81 = arith.constant 0 : i32
      %dma_wait3A_82 = tpu.memref_slice %arg7[%dma_wait3A_75, %dma_wait3A_81] : memref<40x128xi32, #tpu.memory_space<vmem>> -> memref<1x128xi32, #tpu.memory_space<vmem>>
      %dma_wait3A_83 = tpu.memref_squeeze %dma_wait3A_82 : memref<1x128xi32, #tpu.memory_space<vmem>> -> memref<128xi32, #tpu.memory_space<vmem>>
      %dma_wait3A_84 = arith.constant 0 : i32
      %dma_wait3A_85 = arith.constant 0 : i32
      %dma_wait3A_86 = tpu.memref_slice %arg11[%dma_wait3A_84, %dma_wait3A_85] : memref<10240x128xi32, #tpu.memory_space<vmem_shared>> -> memref<10240x128xi32, #tpu.memory_space<vmem_shared>>
      %dma_wait3A_87 = tpu.memref_slice %arg10[%dma_wait3A_76] : memref<2x!tpu.dma_semaphore, #tpu.memory_space<semaphore_mem>> -> memref<1x!tpu.dma_semaphore, #tpu.memory_space<semaphore_mem>>
      %dma_wait3A_88 = tpu.memref_squeeze %dma_wait3A_87 : memref<1x!tpu.dma_semaphore, #tpu.memory_space<semaphore_mem>> -> memref<!tpu.dma_semaphore, #tpu.memory_space<semaphore_mem>>
      tpu.wait_indirect_dma semaphore(%dma_wait3A_88 : memref<!tpu.dma_semaphore, #tpu.memory_space<semaphore_mem>>) src(%dma_wait3A_80 : memref<128x128xi32, #tpu.memory_space<vmem>>) dst(%dma_wait3A_86 : memref<10240x128xi32, #tpu.memory_space<vmem_shared>>)
      %dma_wait3A_89 = arith.constant 1 : i32
      %dma_wait3A_90 = arith.constant 39 : i32
      %dma_wait3A_91 = arith.constant 1 : i32
      %dma_wait3A_92 = arith.constant 0 : i32
      %dma_wait3A_93 = arith.constant 0 : i32
      %dma_wait3A_94 = tpu.memref_slice %arg8[%dma_wait3A_89, %dma_wait3A_92, %dma_wait3A_93] : memref<2x128x128xi32, #tpu.memory_space<vmem>> -> memref<1x128x128xi32, #tpu.memory_space<vmem>>
      %dma_wait3A_95 = tpu.memref_squeeze %dma_wait3A_94 : memref<1x128x128xi32, #tpu.memory_space<vmem>> -> memref<128x128xi32, #tpu.memory_space<vmem>>
      %dma_wait3A_96 = arith.constant 0 : i32
      %dma_wait3A_97 = tpu.memref_slice %arg7[%dma_wait3A_90, %dma_wait3A_96] : memref<40x128xi32, #tpu.memory_space<vmem>> -> memref<1x128xi32, #tpu.memory_space<vmem>>
      %dma_wait3A_98 = tpu.memref_squeeze %dma_wait3A_97 : memref<1x128xi32, #tpu.memory_space<vmem>> -> memref<128xi32, #tpu.memory_space<vmem>>
      %dma_wait3A_99 = arith.constant 0 : i32
      %dma_wait3A_100 = arith.constant 0 : i32
      %dma_wait3A_101 = tpu.memref_slice %arg11[%dma_wait3A_99, %dma_wait3A_100] : memref<10240x128xi32, #tpu.memory_space<vmem_shared>> -> memref<10240x128xi32, #tpu.memory_space<vmem_shared>>
      %dma_wait3A_102 = tpu.memref_slice %arg10[%dma_wait3A_91] : memref<2x!tpu.dma_semaphore, #tpu.memory_space<semaphore_mem>> -> memref<1x!tpu.dma_semaphore, #tpu.memory_space<semaphore_mem>>
      %dma_wait3A_103 = tpu.memref_squeeze %dma_wait3A_102 : memref<1x!tpu.dma_semaphore, #tpu.memory_space<semaphore_mem>> -> memref<!tpu.dma_semaphore, #tpu.memory_space<semaphore_mem>>
      tpu.wait_indirect_dma semaphore(%dma_wait3A_103 : memref<!tpu.dma_semaphore, #tpu.memory_space<semaphore_mem>>) src(%dma_wait3A_95 : memref<128x128xi32, #tpu.memory_space<vmem>>) dst(%dma_wait3A_101 : memref<10240x128xi32, #tpu.memory_space<vmem_shared>>)
    } else {
    }
    %barrier3A_47 = arith.constant 0 : index
    tpu.barrier barrier_id(%barrier3A_47)
    %mul3A_48 = arith.constant 640 : i32
    %mul3A_49 = arith.muli %arg1, %mul3A_48 : i32
    %mul3A_50 = arith.constant 640 : i32
    %mul3A_51 = arith.muli %arg1, %mul3A_50 : i32
    "tpu.region"() ({
      %run_scoped3A_52 = tpu.sem_alloc : memref<!tpu.dma_semaphore, #tpu.memory_space<semaphore_mem>>
      %dma_start3A = arith.constant 0 : i32
      %dma_start3A_53 = tpu.memref_slice %arg5[%arg0, %mul3A_51, %dma_start3A] : memref<2x10240x128xi32, #tpu.memory_space<hbm>> -> memref<1x640x128xi32, #tpu.memory_space<hbm>>
      %dma_start3A_54 = tpu.memref_squeeze %dma_start3A_53 : memref<1x640x128xi32, #tpu.memory_space<hbm>> -> memref<640x128xi32, #tpu.memory_space<hbm>>
      %dma_start3A_55 = arith.constant 0 : i32
      %dma_start3A_56 = tpu.memref_slice %arg11[%mul3A_49, %dma_start3A_55] : memref<10240x128xi32, #tpu.memory_space<vmem_shared>> -> memref<640x128xi32, #tpu.memory_space<vmem_shared>>
      tpu.enqueue_dma source(%dma_start3A_56 : memref<640x128xi32, #tpu.memory_space<vmem_shared>>) target(%dma_start3A_54 : memref<640x128xi32, #tpu.memory_space<hbm>>) target_semaphore(%run_scoped3A_52 : memref<!tpu.dma_semaphore, #tpu.memory_space<semaphore_mem>>)
      %dma_wait3A = arith.constant 0 : i32
      %dma_wait3A_57 = tpu.memref_slice %arg5[%arg0, %mul3A_51, %dma_wait3A] : memref<2x10240x128xi32, #tpu.memory_space<hbm>> -> memref<1x640x128xi32, #tpu.memory_space<hbm>>
      %dma_wait3A_58 = tpu.memref_squeeze %dma_wait3A_57 : memref<1x640x128xi32, #tpu.memory_space<hbm>> -> memref<640x128xi32, #tpu.memory_space<hbm>>
      %dma_wait3A_59 = arith.constant 0 : i32
      %dma_wait3A_60 = tpu.memref_slice %arg11[%mul3A_49, %dma_wait3A_59] : memref<10240x128xi32, #tpu.memory_space<vmem_shared>> -> memref<640x128xi32, #tpu.memory_space<vmem_shared>>
      tpu.wait_dma2 semaphore(%run_scoped3A_52 : memref<!tpu.dma_semaphore, #tpu.memory_space<semaphore_mem>>) src(%dma_wait3A_60 : memref<640x128xi32, #tpu.memory_space<vmem_shared>>) dst(%dma_wait3A_58 : memref<640x128xi32, #tpu.memory_space<hbm>>)
      tpu.yield
    }) : () -> ()
    return
  }
}

#map = affine_map<(d0, d1) -> (0, 0)>
module attributes {stable_mosaic.version = 14 : i64} {
  func.func @_sc_deg_body(%arg0: i32, %arg1: i32, %arg2: memref<2560x128xi32, #tpu.memory_space<hbm>>, %arg3: memref<2x10240xf32, #tpu.memory_space<hbm>>, %arg4: memref<80x128xi32, #tpu.memory_space<vmem>>, %arg5: memref<640xf32, #tpu.memory_space<vmem>>, %arg6: memref<10240xf32, #tpu.memory_space<vmem_shared>>) attributes {dimension_semantics = [#tpu.dimension_semantics<core_parallel>, #tpu.dimension_semantics<subcore_parallel>], iteration_bounds = array<i64: 2, 16>, scalar_prefetch = 0 : i64, scratch_operands = 3 : i64, tpu.core_type = #tpu.core_type<sc_vector_subcore>, window_params = [{transform_indices = #map}, {transform_indices = #map}]} {
    %mul3A = arith.constant 16 : i32
    %mul3A_0 = arith.muli %arg0, %mul3A : i32
    %add3A = arith.addi %mul3A_0, %arg1 : i32
    %scan3A = arith.constant 0 : i32
    %scan3A_1 = arith.constant 40 : i32
    %scan3A_2 = arith.addi %scan3A, %scan3A_1 : i32
    %scan3A_3 = arith.constant 1 : i32
    scf.for %scan3A_24 = %scan3A to %scan3A_2 step %scan3A_3  : i32 {
      %mul3A_25 = arith.constant 1 : i32
      %mul3A_26 = arith.muli %scan3A_24, %mul3A_25 : i32
      %add3A_27 = arith.constant 0 : i32
      %add3A_28 = arith.addi %add3A_27, %mul3A_26 : i32
      %broadcast_in_dim3A = arith.constant 0.000000e+00 : f32
      %broadcast_in_dim3A_29 = vector.broadcast %broadcast_in_dim3A : f32 to vector<16xf32>
      %mul3A_30 = arith.constant 16 : i32
      %mul3A_31 = arith.muli %add3A_28, %mul3A_30 : i32
      %add3A_32 = arith.constant 0 : i32
      %add3A_33 = arith.addi %add3A_32, %mul3A_31 : i32
      %swap3A = arith.index_cast %add3A_33 : i32 to index
      %swap3A_34 = tpu.vector_load %arg5[%swap3A] {strides = array<i32>} : memref<640xf32, #tpu.memory_space<vmem>>, vector<16xf32>,
      %swap3A_35 = vector.shape_cast %swap3A_34 : vector<16xf32> to vector<16xf32>
      %swap3A_36 = vector.shape_cast %broadcast_in_dim3A_29 : vector<16xf32> to vector<16xf32>
      tpu.vector_store %arg5[%swap3A], %swap3A_36 {strides = array<i32>} : memref<640xf32, #tpu.memory_space<vmem>>, vector<16xf32>,
    }
    %scan3A_4 = arith.constant 40 : i32
    %mul3A_5 = arith.constant 640 : i32
    %mul3A_6 = arith.muli %arg1, %mul3A_5 : i32
    "tpu.region"() ({
      %run_scoped3A = tpu.sem_alloc : memref<!tpu.dma_semaphore, #tpu.memory_space<semaphore_mem>>
      %dma_start3A = tpu.memref_slice %arg6[%mul3A_6] : memref<10240xf32, #tpu.memory_space<vmem_shared>> -> memref<640xf32, #tpu.memory_space<vmem_shared>>
      %dma_start3A_24 = tpu.memref_slice %arg6[%mul3A_6] : memref<10240xf32, #tpu.memory_space<vmem_shared>> -> memref<640xf32, #tpu.memory_space<vmem_shared>>
      tpu.enqueue_dma source(%arg5 : memref<640xf32, #tpu.memory_space<vmem>>) target(%dma_start3A_24 : memref<640xf32, #tpu.memory_space<vmem_shared>>) target_semaphore(%run_scoped3A : memref<!tpu.dma_semaphore, #tpu.memory_space<semaphore_mem>>)
      %dma_wait3A = tpu.memref_slice %arg6[%mul3A_6] : memref<10240xf32, #tpu.memory_space<vmem_shared>> -> memref<640xf32, #tpu.memory_space<vmem_shared>>
      %dma_wait3A_25 = tpu.memref_slice %arg6[%mul3A_6] : memref<10240xf32, #tpu.memory_space<vmem_shared>> -> memref<640xf32, #tpu.memory_space<vmem_shared>>
      tpu.wait_dma2 semaphore(%run_scoped3A : memref<!tpu.dma_semaphore, #tpu.memory_space<semaphore_mem>>) src(%arg5 : memref<640xf32, #tpu.memory_space<vmem>>) dst(%dma_wait3A_25 : memref<640xf32, #tpu.memory_space<vmem_shared>>)
      tpu.yield
    }) : () -> ()
    %barrier3A = arith.constant 0 : index
    tpu.barrier barrier_id(%barrier3A)
    %scan3A_7 = arith.constant 0 : i32
    %scan3A_8 = arith.constant 8 : i32
    %scan3A_9 = arith.addi %scan3A_7, %scan3A_8 : i32
    %scan3A_10 = arith.constant 1 : i32
    scf.for %scan3A_24 = %scan3A_7 to %scan3A_9 step %scan3A_10  : i32 {
      %mul3A_25 = arith.constant 1 : i32
      %mul3A_26 = arith.muli %scan3A_24, %mul3A_25 : i32
      %add3A_27 = arith.constant 0 : i32
      %add3A_28 = arith.addi %add3A_27, %mul3A_26 : i32
      %broadcast_in_dim3A = arith.constant 1.000000e+00 : f32
      %broadcast_in_dim3A_29 = vector.broadcast %broadcast_in_dim3A : f32 to vector<16xf32>
      %mul3A_30 = arith.constant 16 : i32
      %mul3A_31 = arith.muli %add3A_28, %mul3A_30 : i32
      %add3A_32 = arith.constant 0 : i32
      %add3A_33 = arith.addi %add3A_32, %mul3A_31 : i32
      %swap3A = arith.index_cast %add3A_33 : i32 to index
      %swap3A_34 = tpu.vector_load %arg5[%swap3A] {strides = array<i32>} : memref<640xf32, #tpu.memory_space<vmem>>, vector<16xf32>,
      %swap3A_35 = vector.shape_cast %swap3A_34 : vector<16xf32> to vector<16xf32>
      %swap3A_36 = vector.shape_cast %broadcast_in_dim3A_29 : vector<16xf32> to vector<16xf32>
      tpu.vector_store %arg5[%swap3A], %swap3A_36 {strides = array<i32>} : memref<640xf32, #tpu.memory_space<vmem>>, vector<16xf32>,
    }
    %scan3A_11 = arith.constant 8 : i32
    %mul3A_12 = arith.constant 80 : i32
    %mul3A_13 = arith.muli %add3A, %mul3A_12 : i32
    "tpu.region"() ({
      %run_scoped3A = tpu.sem_alloc : memref<!tpu.dma_semaphore, #tpu.memory_space<semaphore_mem>>
      %dma_start3A = arith.constant 0 : i32
      %dma_start3A_24 = tpu.memref_slice %arg2[%mul3A_13, %dma_start3A] : memref<2560x128xi32, #tpu.memory_space<hbm>> -> memref<80x128xi32, #tpu.memory_space<hbm>>
      %dma_start3A_25 = arith.constant 0 : i32
      %dma_start3A_26 = tpu.memref_slice %arg2[%mul3A_13, %dma_start3A_25] : memref<2560x128xi32, #tpu.memory_space<hbm>> -> memref<80x128xi32, #tpu.memory_space<hbm>>
      tpu.enqueue_dma source(%dma_start3A_26 : memref<80x128xi32, #tpu.memory_space<hbm>>) target(%arg4 : memref<80x128xi32, #tpu.memory_space<vmem>>) target_semaphore(%run_scoped3A : memref<!tpu.dma_semaphore, #tpu.memory_space<semaphore_mem>>)
      %dma_wait3A = arith.constant 0 : i32
      %dma_wait3A_27 = tpu.memref_slice %arg2[%mul3A_13, %dma_wait3A] : memref<2560x128xi32, #tpu.memory_space<hbm>> -> memref<80x128xi32, #tpu.memory_space<hbm>>
      %dma_wait3A_28 = arith.constant 0 : i32
      %dma_wait3A_29 = tpu.memref_slice %arg2[%mul3A_13, %dma_wait3A_28] : memref<2560x128xi32, #tpu.memory_space<hbm>> -> memref<80x128xi32, #tpu.memory_space<hbm>>
      tpu.wait_dma2 semaphore(%run_scoped3A : memref<!tpu.dma_semaphore, #tpu.memory_space<semaphore_mem>>) src(%dma_wait3A_29 : memref<80x128xi32, #tpu.memory_space<hbm>>) dst(%arg4 : memref<80x128xi32, #tpu.memory_space<vmem>>)
      tpu.yield
    }) : () -> ()
    %scan3A_14 = arith.constant 0 : i32
    %scan3A_15 = arith.constant 80 : i32
    %scan3A_16 = arith.addi %scan3A_14, %scan3A_15 : i32
    %scan3A_17 = arith.constant 1 : i32
    scf.for %scan3A_24 = %scan3A_14 to %scan3A_16 step %scan3A_17  : i32 {
      %mul3A_25 = arith.constant 1 : i32
      %mul3A_26 = arith.muli %scan3A_24, %mul3A_25 : i32
      %add3A_27 = arith.constant 0 : i32
      %add3A_28 = arith.addi %add3A_27, %mul3A_26 : i32
      "tpu.region"() ({
        %run_scoped3A = tpu.sem_alloc : memref<!tpu.dma_semaphore, #tpu.memory_space<semaphore_mem>>
        %dma_start3A = arith.constant 0 : i32
        %dma_start3A_29 = tpu.memref_slice %arg5[%dma_start3A] : memref<640xf32, #tpu.memory_space<vmem>> -> memref<128xf32, #tpu.memory_space<vmem>>
        %dma_start3A_30 = arith.constant 0 : i32
        %dma_start3A_31 = tpu.memref_slice %arg4[%add3A_28, %dma_start3A_30] : memref<80x128xi32, #tpu.memory_space<vmem>> -> memref<1x128xi32, #tpu.memory_space<vmem>>
        %dma_start3A_32 = tpu.memref_squeeze %dma_start3A_31 : memref<1x128xi32, #tpu.memory_space<vmem>> -> memref<128xi32, #tpu.memory_space<vmem>>
        %dma_start3A_33 = arith.constant 0 : i32
        %dma_start3A_34 = tpu.memref_slice %arg6[%dma_start3A_33] : memref<10240xf32, #tpu.memory_space<vmem_shared>> -> memref<10240xf32, #tpu.memory_space<vmem_shared>>
        tpu.enqueue_indirect_dma source(%dma_start3A_29 : memref<128xf32, #tpu.memory_space<vmem>>) target(%dma_start3A_34 : memref<10240xf32, #tpu.memory_space<vmem_shared>>) offsets(%dma_start3A_32 : memref<128xi32, #tpu.memory_space<vmem>>) semaphore(%run_scoped3A : memref<!tpu.dma_semaphore, #tpu.memory_space<semaphore_mem>>) {add = true}
        %dma_wait3A = arith.constant 0 : i32
        %dma_wait3A_35 = tpu.memref_slice %arg5[%dma_wait3A] : memref<640xf32, #tpu.memory_space<vmem>> -> memref<128xf32, #tpu.memory_space<vmem>>
        %dma_wait3A_36 = arith.constant 0 : i32
        %dma_wait3A_37 = tpu.memref_slice %arg4[%add3A_28, %dma_wait3A_36] : memref<80x128xi32, #tpu.memory_space<vmem>> -> memref<1x128xi32, #tpu.memory_space<vmem>>
        %dma_wait3A_38 = tpu.memref_squeeze %dma_wait3A_37 : memref<1x128xi32, #tpu.memory_space<vmem>> -> memref<128xi32, #tpu.memory_space<vmem>>
        %dma_wait3A_39 = arith.constant 0 : i32
        %dma_wait3A_40 = tpu.memref_slice %arg6[%dma_wait3A_39] : memref<10240xf32, #tpu.memory_space<vmem_shared>> -> memref<10240xf32, #tpu.memory_space<vmem_shared>>
        tpu.wait_indirect_dma semaphore(%run_scoped3A : memref<!tpu.dma_semaphore, #tpu.memory_space<semaphore_mem>>) src(%dma_wait3A_35 : memref<128xf32, #tpu.memory_space<vmem>>) dst(%dma_wait3A_40 : memref<10240xf32, #tpu.memory_space<vmem_shared>>)
        tpu.yield
      }) : () -> ()
    }
    %scan3A_18 = arith.constant 80 : i32
    %barrier3A_19 = arith.constant 0 : index
    tpu.barrier barrier_id(%barrier3A_19)
    %mul3A_20 = arith.constant 640 : i32
    %mul3A_21 = arith.muli %arg1, %mul3A_20 : i32
    %mul3A_22 = arith.constant 640 : i32
    %mul3A_23 = arith.muli %arg1, %mul3A_22 : i32
    "tpu.region"() ({
      %run_scoped3A = tpu.sem_alloc : memref<!tpu.dma_semaphore, #tpu.memory_space<semaphore_mem>>
      %dma_start3A = tpu.memref_slice %arg3[%arg0, %mul3A_23] : memref<2x10240xf32, #tpu.memory_space<hbm>> -> memref<1x640xf32, #tpu.memory_space<hbm>>
      %dma_start3A_24 = tpu.memref_squeeze %dma_start3A : memref<1x640xf32, #tpu.memory_space<hbm>> -> memref<640xf32, #tpu.memory_space<hbm>>
      %dma_start3A_25 = tpu.memref_slice %arg6[%mul3A_21] : memref<10240xf32, #tpu.memory_space<vmem_shared>> -> memref<640xf32, #tpu.memory_space<vmem_shared>>
      tpu.enqueue_dma source(%dma_start3A_25 : memref<640xf32, #tpu.memory_space<vmem_shared>>) target(%dma_start3A_24 : memref<640xf32, #tpu.memory_space<hbm>>) target_semaphore(%run_scoped3A : memref<!tpu.dma_semaphore, #tpu.memory_space<semaphore_mem>>)
      %dma_wait3A = tpu.memref_slice %arg3[%arg0, %mul3A_23] : memref<2x10240xf32, #tpu.memory_space<hbm>> -> memref<1x640xf32, #tpu.memory_space<hbm>>
      %dma_wait3A_26 = tpu.memref_squeeze %dma_wait3A : memref<1x640xf32, #tpu.memory_space<hbm>> -> memref<640xf32, #tpu.memory_space<hbm>>
      %dma_wait3A_27 = tpu.memref_slice %arg6[%mul3A_21] : memref<10240xf32, #tpu.memory_space<vmem_shared>> -> memref<640xf32, #tpu.memory_space<vmem_shared>>
      tpu.wait_dma2 semaphore(%run_scoped3A : memref<!tpu.dma_semaphore, #tpu.memory_space<semaphore_mem>>) src(%dma_wait3A_27 : memref<640xf32, #tpu.memory_space<vmem_shared>>) dst(%dma_wait3A_26 : memref<640xf32, #tpu.memory_space<hbm>>)
      tpu.yield
    }) : () -> ()
    return
  }
}

#map = affine_map<(d0, d1) -> (0, 0)>
#map1 = affine_map<(d0, d1) -> (0, 0, 0)>
module attributes {stable_mosaic.version = 14 : i64} {
  func.func @_sc_ep_body(%arg0: i32, %arg1: i32, %arg2: memref<10000x128xi32, #tpu.memory_space<hbm>>, %arg3: memref<2560x128xi32, #tpu.memory_space<hbm>>, %arg4: memref<2560x128xi32, #tpu.memory_space<hbm>>, %arg5: memref<2x10240x128xi32, #tpu.memory_space<hbm>>, %arg6: memref<40x128xi32, #tpu.memory_space<vmem>>, %arg7: memref<40x128xi32, #tpu.memory_space<vmem>>, %arg8: memref<2x128x128xi32, #tpu.memory_space<vmem>>, %arg9: memref<2x!tpu.dma_semaphore, #tpu.memory_space<semaphore_mem>>, %arg10: memref<2x!tpu.dma_semaphore, #tpu.memory_space<semaphore_mem>>, %arg11: memref<10240x128xi32, #tpu.memory_space<vmem_shared>>) attributes {dimension_semantics = [#tpu.dimension_semantics<core_parallel>, #tpu.dimension_semantics<subcore_parallel>], iteration_bounds = array<i64: 2, 16>, scalar_prefetch = 0 : i64, scratch_operands = 6 : i64, tpu.core_type = #tpu.core_type<sc_vector_subcore>, window_params = [{transform_indices = #map}, {transform_indices = #map}, {transform_indices = #map}, {transform_indices = #map1}]} {
    %mul3A = arith.constant 16 : i32
    %mul3A_0 = arith.muli %arg0, %mul3A : i32
    %add3A = arith.addi %mul3A_0, %arg1 : i32
    %scan3A = arith.constant 0 : i32
    %scan3A_1 = arith.constant 1024 : i32
    %scan3A_2 = arith.addi %scan3A, %scan3A_1 : i32
    %scan3A_3 = arith.constant 1 : i32
    scf.for %scan3A_52 = %scan3A to %scan3A_2 step %scan3A_3  : i32 {
      %mul3A_53 = arith.constant 1 : i32
      %mul3A_54 = arith.muli %scan3A_52, %mul3A_53 : i32
      %add3A_55 = arith.constant 0 : i32
      %add3A_56 = arith.addi %add3A_55, %mul3A_54 : i32
      %broadcast_in_dim3A = arith.constant 0 : i32
      %broadcast_in_dim3A_57 = vector.broadcast %broadcast_in_dim3A : i32 to vector<16xi32>
      %jit3A = arith.constant 8 : i32
      %div3A = arith.divsi %add3A_56, %jit3A : i32
      %sign3A = arith.constant 0 : i32
      %sign3A_58 = arith.cmpi sgt, %add3A_56, %sign3A : i32
      %sign3A_59 = arith.extui %sign3A_58 : i1 to i32
      %sign3A_60 = arith.constant 0 : i32
      %sign3A_61 = arith.cmpi slt, %add3A_56, %sign3A_60 : i32
      %sign3A_62 = arith.extui %sign3A_61 : i1 to i32
      %sign3A_63 = arith.subi %sign3A_59, %sign3A_62 : i32
      %sign3A_64 = arith.constant 0 : i32
      %sign3A_65 = arith.cmpi sgt, %jit3A, %sign3A_64 : i32
      %sign3A_66 = arith.extui %sign3A_65 : i1 to i32
      %sign3A_67 = arith.constant 0 : i32
      %sign3A_68 = arith.cmpi slt, %jit3A, %sign3A_67 : i32
      %sign3A_69 = arith.extui %sign3A_68 : i1 to i32
      %sign3A_70 = arith.subi %sign3A_66, %sign3A_69 : i32
      %ne3A = arith.cmpi ne, %sign3A_63, %sign3A_70 : i32
      %rem3A = arith.remsi %add3A_56, %jit3A : i32
      %ne3A_71 = arith.constant 0 : i32
      %ne3A_72 = arith.cmpi ne, %rem3A, %ne3A_71 : i32
      %and3A = arith.andi %ne3A, %ne3A_72 : i1
      %sub3A = arith.constant 1 : i32
      %sub3A_73 = arith.subi %div3A, %sub3A : i32
      %select_n3A_74 = arith.select %and3A, %sub3A_73, %div3A : i32
      %jit3A_75 = arith.constant 8 : i32
      %eq3A_76 = arith.constant 0 : i32
      %eq3A_77 = arith.cmpi eq, %jit3A_75, %eq3A_76 : i32
      %jit3A_78 = arith.constant 1 : i32
      %select_n3A_79 = arith.select %eq3A_77, %jit3A_78, %jit3A_75 : i32
      %rem3A_80 = arith.remsi %add3A_56, %select_n3A_79 : i32
      %ne3A_81 = arith.constant 0 : i32
      %ne3A_82 = arith.cmpi ne, %rem3A_80, %ne3A_81 : i32
      %lt3A = arith.constant 0 : i32
      %lt3A_83 = arith.cmpi slt, %rem3A_80, %lt3A : i32
      %lt3A_84 = arith.constant 0 : i32
      %lt3A_85 = arith.cmpi slt, %select_n3A_79, %lt3A_84 : i32
      %ne3A_86 = arith.xori %lt3A_83, %lt3A_85 : i1
      %and3A_87 = arith.andi %ne3A_86, %ne3A_82 : i1
      %add3A_88 = arith.addi %rem3A_80, %select_n3A_79 : i32
      %select_n3A_89 = arith.select %and3A_87, %add3A_88, %rem3A_80 : i32
      %mul3A_90 = arith.constant 16 : i32
      %mul3A_91 = arith.muli %select_n3A_89, %mul3A_90 : i32
      %swap3A = arith.constant 0 : i32
      %swap3A_92 = arith.index_cast %swap3A : i32 to index
      %swap3A_93 = arith.index_cast %select_n3A_74 : i32 to index
      %swap3A_94 = arith.index_cast %mul3A_91 : i32 to index
      %swap3A_95 = tpu.vector_load %arg8[%swap3A_92, %swap3A_93, %swap3A_94] {strides = array<i32>} : memref<2x128x128xi32, #tpu.memory_space<vmem>>, vector<1x1x16xi32>,
      %swap3A_96 = vector.shape_cast %swap3A_95 : vector<1x1x16xi32> to vector<16xi32>
      %swap3A_97 = vector.shape_cast %broadcast_in_dim3A_57 : vector<16xi32> to vector<1x1x16xi32>
      tpu.vector_store %arg8[%swap3A_92, %swap3A_93, %swap3A_94], %swap3A_97 {strides = array<i32>} : memref<2x128x128xi32, #tpu.memory_space<vmem>>, vector<1x1x16xi32>,
    }
    %scan3A_4 = arith.constant 1024 : i32
    %mul3A_5 = arith.constant 640 : i32
    %mul3A_6 = arith.muli %arg1, %mul3A_5 : i32
    %add3A_7 = arith.constant 0 : i32
    %add3A_8 = arith.addi %mul3A_6, %add3A_7 : i32
    %run_scoped3A = arith.constant 0 : i32
    "tpu.region"() ({
      %run_scoped3A_52 = tpu.sem_alloc : memref<!tpu.dma_semaphore, #tpu.memory_space<semaphore_mem>>
      %dma_start3A = arith.constant 0 : i32
      %dma_start3A_53 = arith.constant 0 : i32
      %dma_start3A_54 = tpu.memref_slice %arg8[%run_scoped3A, %dma_start3A, %dma_start3A_53] : memref<2x128x128xi32, #tpu.memory_space<vmem>> -> memref<1x128x128xi32, #tpu.memory_space<vmem>>
      %dma_start3A_55 = tpu.memref_squeeze %dma_start3A_54 : memref<1x128x128xi32, #tpu.memory_space<vmem>> -> memref<128x128xi32, #tpu.memory_space<vmem>>
      %dma_start3A_56 = arith.constant 0 : i32
      %dma_start3A_57 = tpu.memref_slice %arg11[%add3A_8, %dma_start3A_56] : memref<10240x128xi32, #tpu.memory_space<vmem_shared>> -> memref<128x128xi32, #tpu.memory_space<vmem_shared>>
      %dma_start3A_58 = arith.constant 0 : i32
      %dma_start3A_59 = tpu.memref_slice %arg11[%add3A_8, %dma_start3A_58] : memref<10240x128xi32, #tpu.memory_space<vmem_shared>> -> memref<128x128xi32, #tpu.memory_space<vmem_shared>>
      %dma_start3A_60 = arith.constant 0 : i32
      %dma_start3A_61 = arith.constant 0 : i32
      %dma_start3A_62 = tpu.memref_slice %arg8[%run_scoped3A, %dma_start3A_60, %dma_start3A_61] : memref<2x128x128xi32, #tpu.memory_space<vmem>> -> memref<1x128x128xi32, #tpu.memory_space<vmem>>
      %dma_start3A_63 = tpu.memref_squeeze %dma_start3A_62 : memref<1x128x128xi32, #tpu.memory_space<vmem>> -> memref<128x128xi32, #tpu.memory_space<vmem>>
      tpu.enqueue_dma source(%dma_start3A_63 : memref<128x128xi32, #tpu.memory_space<vmem>>) target(%dma_start3A_59 : memref<128x128xi32, #tpu.memory_space<vmem_shared>>) target_semaphore(%run_scoped3A_52 : memref<!tpu.dma_semaphore, #tpu.memory_space<semaphore_mem>>)
      %dma_wait3A = arith.constant 0 : i32
      %dma_wait3A_64 = arith.constant 0 : i32
      %dma_wait3A_65 = tpu.memref_slice %arg8[%run_scoped3A, %dma_wait3A, %dma_wait3A_64] : memref<2x128x128xi32, #tpu.memory_space<vmem>> -> memref<1x128x128xi32, #tpu.memory_space<vmem>>
      %dma_wait3A_66 = tpu.memref_squeeze %dma_wait3A_65 : memref<1x128x128xi32, #tpu.memory_space<vmem>> -> memref<128x128xi32, #tpu.memory_space<vmem>>
      %dma_wait3A_67 = arith.constant 0 : i32
      %dma_wait3A_68 = tpu.memref_slice %arg11[%add3A_8, %dma_wait3A_67] : memref<10240x128xi32, #tpu.memory_space<vmem_shared>> -> memref<128x128xi32, #tpu.memory_space<vmem_shared>>
      %dma_wait3A_69 = arith.constant 0 : i32
      %dma_wait3A_70 = tpu.memref_slice %arg11[%add3A_8, %dma_wait3A_69] : memref<10240x128xi32, #tpu.memory_space<vmem_shared>> -> memref<128x128xi32, #tpu.memory_space<vmem_shared>>
      %dma_wait3A_71 = arith.constant 0 : i32
      %dma_wait3A_72 = arith.constant 0 : i32
      %dma_wait3A_73 = tpu.memref_slice %arg8[%run_scoped3A, %dma_wait3A_71, %dma_wait3A_72] : memref<2x128x128xi32, #tpu.memory_space<vmem>> -> memref<1x128x128xi32, #tpu.memory_space<vmem>>
      %dma_wait3A_74 = tpu.memref_squeeze %dma_wait3A_73 : memref<1x128x128xi32, #tpu.memory_space<vmem>> -> memref<128x128xi32, #tpu.memory_space<vmem>>
      tpu.wait_dma2 semaphore(%run_scoped3A_52 : memref<!tpu.dma_semaphore, #tpu.memory_space<semaphore_mem>>) src(%dma_wait3A_74 : memref<128x128xi32, #tpu.memory_space<vmem>>) dst(%dma_wait3A_70 : memref<128x128xi32, #tpu.memory_space<vmem_shared>>)
      tpu.yield
    }) : () -> ()
    %mul3A_9 = arith.constant 640 : i32
    %mul3A_10 = arith.muli %arg1, %mul3A_9 : i32
    %add3A_11 = arith.constant 128 : i32
    %add3A_12 = arith.addi %mul3A_10, %add3A_11 : i32
    %run_scoped3A_13 = arith.constant 0 : i32
    "tpu.region"() ({
      %run_scoped3A_52 = tpu.sem_alloc : memref<!tpu.dma_semaphore, #tpu.memory_space<semaphore_mem>>
      %dma_start3A = arith.constant 0 : i32
      %dma_start3A_53 = arith.constant 0 : i32
      %dma_start3A_54 = tpu.memref_slice %arg8[%run_scoped3A_13, %dma_start3A, %dma_start3A_53] : memref<2x128x128xi32, #tpu.memory_space<vmem>> -> memref<1x128x128xi32, #tpu.memory_space<vmem>>
      %dma_start3A_55 = tpu.memref_squeeze %dma_start3A_54 : memref<1x128x128xi32, #tpu.memory_space<vmem>> -> memref<128x128xi32, #tpu.memory_space<vmem>>
      %dma_start3A_56 = arith.constant 0 : i32
      %dma_start3A_57 = tpu.memref_slice %arg11[%add3A_12, %dma_start3A_56] : memref<10240x128xi32, #tpu.memory_space<vmem_shared>> -> memref<128x128xi32, #tpu.memory_space<vmem_shared>>
      %dma_start3A_58 = arith.constant 0 : i32
      %dma_start3A_59 = tpu.memref_slice %arg11[%add3A_12, %dma_start3A_58] : memref<10240x128xi32, #tpu.memory_space<vmem_shared>> -> memref<128x128xi32, #tpu.memory_space<vmem_shared>>
      %dma_start3A_60 = arith.constant 0 : i32
      %dma_start3A_61 = arith.constant 0 : i32
      %dma_start3A_62 = tpu.memref_slice %arg8[%run_scoped3A_13, %dma_start3A_60, %dma_start3A_61] : memref<2x128x128xi32, #tpu.memory_space<vmem>> -> memref<1x128x128xi32, #tpu.memory_space<vmem>>
      %dma_start3A_63 = tpu.memref_squeeze %dma_start3A_62 : memref<1x128x128xi32, #tpu.memory_space<vmem>> -> memref<128x128xi32, #tpu.memory_space<vmem>>
      tpu.enqueue_dma source(%dma_start3A_63 : memref<128x128xi32, #tpu.memory_space<vmem>>) target(%dma_start3A_59 : memref<128x128xi32, #tpu.memory_space<vmem_shared>>) target_semaphore(%run_scoped3A_52 : memref<!tpu.dma_semaphore, #tpu.memory_space<semaphore_mem>>)
      %dma_wait3A = arith.constant 0 : i32
      %dma_wait3A_64 = arith.constant 0 : i32
      %dma_wait3A_65 = tpu.memref_slice %arg8[%run_scoped3A_13, %dma_wait3A, %dma_wait3A_64] : memref<2x128x128xi32, #tpu.memory_space<vmem>> -> memref<1x128x128xi32, #tpu.memory_space<vmem>>
      %dma_wait3A_66 = tpu.memref_squeeze %dma_wait3A_65 : memref<1x128x128xi32, #tpu.memory_space<vmem>> -> memref<128x128xi32, #tpu.memory_space<vmem>>
      %dma_wait3A_67 = arith.constant 0 : i32
      %dma_wait3A_68 = tpu.memref_slice %arg11[%add3A_12, %dma_wait3A_67] : memref<10240x128xi32, #tpu.memory_space<vmem_shared>> -> memref<128x128xi32, #tpu.memory_space<vmem_shared>>
      %dma_wait3A_69 = arith.constant 0 : i32
      %dma_wait3A_70 = tpu.memref_slice %arg11[%add3A_12, %dma_wait3A_69] : memref<10240x128xi32, #tpu.memory_space<vmem_shared>> -> memref<128x128xi32, #tpu.memory_space<vmem_shared>>
      %dma_wait3A_71 = arith.constant 0 : i32
      %dma_wait3A_72 = arith.constant 0 : i32
      %dma_wait3A_73 = tpu.memref_slice %arg8[%run_scoped3A_13, %dma_wait3A_71, %dma_wait3A_72] : memref<2x128x128xi32, #tpu.memory_space<vmem>> -> memref<1x128x128xi32, #tpu.memory_space<vmem>>
      %dma_wait3A_74 = tpu.memref_squeeze %dma_wait3A_73 : memref<1x128x128xi32, #tpu.memory_space<vmem>> -> memref<128x128xi32, #tpu.memory_space<vmem>>
      tpu.wait_dma2 semaphore(%run_scoped3A_52 : memref<!tpu.dma_semaphore, #tpu.memory_space<semaphore_mem>>) src(%dma_wait3A_74 : memref<128x128xi32, #tpu.memory_space<vmem>>) dst(%dma_wait3A_70 : memref<128x128xi32, #tpu.memory_space<vmem_shared>>)
      tpu.yield
    }) : () -> ()
    %mul3A_14 = arith.constant 640 : i32
    %mul3A_15 = arith.muli %arg1, %mul3A_14 : i32
    %add3A_16 = arith.constant 256 : i32
    %add3A_17 = arith.addi %mul3A_15, %add3A_16 : i32
    %run_scoped3A_18 = arith.constant 0 : i32
    "tpu.region"() ({
      %run_scoped3A_52 = tpu.sem_alloc : memref<!tpu.dma_semaphore, #tpu.memory_space<semaphore_mem>>
      %dma_start3A = arith.constant 0 : i32
      %dma_start3A_53 = arith.constant 0 : i32
      %dma_start3A_54 = tpu.memref_slice %arg8[%run_scoped3A_18, %dma_start3A, %dma_start3A_53] : memref<2x128x128xi32, #tpu.memory_space<vmem>> -> memref<1x128x128xi32, #tpu.memory_space<vmem>>
      %dma_start3A_55 = tpu.memref_squeeze %dma_start3A_54 : memref<1x128x128xi32, #tpu.memory_space<vmem>> -> memref<128x128xi32, #tpu.memory_space<vmem>>
      %dma_start3A_56 = arith.constant 0 : i32
      %dma_start3A_57 = tpu.memref_slice %arg11[%add3A_17, %dma_start3A_56] : memref<10240x128xi32, #tpu.memory_space<vmem_shared>> -> memref<128x128xi32, #tpu.memory_space<vmem_shared>>
      %dma_start3A_58 = arith.constant 0 : i32
      %dma_start3A_59 = tpu.memref_slice %arg11[%add3A_17, %dma_start3A_58] : memref<10240x128xi32, #tpu.memory_space<vmem_shared>> -> memref<128x128xi32, #tpu.memory_space<vmem_shared>>
      %dma_start3A_60 = arith.constant 0 : i32
      %dma_start3A_61 = arith.constant 0 : i32
      %dma_start3A_62 = tpu.memref_slice %arg8[%run_scoped3A_18, %dma_start3A_60, %dma_start3A_61] : memref<2x128x128xi32, #tpu.memory_space<vmem>> -> memref<1x128x128xi32, #tpu.memory_space<vmem>>
      %dma_start3A_63 = tpu.memref_squeeze %dma_start3A_62 : memref<1x128x128xi32, #tpu.memory_space<vmem>> -> memref<128x128xi32, #tpu.memory_space<vmem>>
      tpu.enqueue_dma source(%dma_start3A_63 : memref<128x128xi32, #tpu.memory_space<vmem>>) target(%dma_start3A_59 : memref<128x128xi32, #tpu.memory_space<vmem_shared>>) target_semaphore(%run_scoped3A_52 : memref<!tpu.dma_semaphore, #tpu.memory_space<semaphore_mem>>)
      %dma_wait3A = arith.constant 0 : i32
      %dma_wait3A_64 = arith.constant 0 : i32
      %dma_wait3A_65 = tpu.memref_slice %arg8[%run_scoped3A_18, %dma_wait3A, %dma_wait3A_64] : memref<2x128x128xi32, #tpu.memory_space<vmem>> -> memref<1x128x128xi32, #tpu.memory_space<vmem>>
      %dma_wait3A_66 = tpu.memref_squeeze %dma_wait3A_65 : memref<1x128x128xi32, #tpu.memory_space<vmem>> -> memref<128x128xi32, #tpu.memory_space<vmem>>
      %dma_wait3A_67 = arith.constant 0 : i32
      %dma_wait3A_68 = tpu.memref_slice %arg11[%add3A_17, %dma_wait3A_67] : memref<10240x128xi32, #tpu.memory_space<vmem_shared>> -> memref<128x128xi32, #tpu.memory_space<vmem_shared>>
      %dma_wait3A_69 = arith.constant 0 : i32
      %dma_wait3A_70 = tpu.memref_slice %arg11[%add3A_17, %dma_wait3A_69] : memref<10240x128xi32, #tpu.memory_space<vmem_shared>> -> memref<128x128xi32, #tpu.memory_space<vmem_shared>>
      %dma_wait3A_71 = arith.constant 0 : i32
      %dma_wait3A_72 = arith.constant 0 : i32
      %dma_wait3A_73 = tpu.memref_slice %arg8[%run_scoped3A_18, %dma_wait3A_71, %dma_wait3A_72] : memref<2x128x128xi32, #tpu.memory_space<vmem>> -> memref<1x128x128xi32, #tpu.memory_space<vmem>>
      %dma_wait3A_74 = tpu.memref_squeeze %dma_wait3A_73 : memref<1x128x128xi32, #tpu.memory_space<vmem>> -> memref<128x128xi32, #tpu.memory_space<vmem>>
      tpu.wait_dma2 semaphore(%run_scoped3A_52 : memref<!tpu.dma_semaphore, #tpu.memory_space<semaphore_mem>>) src(%dma_wait3A_74 : memref<128x128xi32, #tpu.memory_space<vmem>>) dst(%dma_wait3A_70 : memref<128x128xi32, #tpu.memory_space<vmem_shared>>)
      tpu.yield
    }) : () -> ()
    %mul3A_19 = arith.constant 640 : i32
    %mul3A_20 = arith.muli %arg1, %mul3A_19 : i32
    %add3A_21 = arith.constant 384 : i32
    %add3A_22 = arith.addi %mul3A_20, %add3A_21 : i32
    %run_scoped3A_23 = arith.constant 0 : i32
    "tpu.region"() ({
      %run_scoped3A_52 = tpu.sem_alloc : memref<!tpu.dma_semaphore, #tpu.memory_space<semaphore_mem>>
      %dma_start3A = arith.constant 0 : i32
      %dma_start3A_53 = arith.constant 0 : i32
      %dma_start3A_54 = tpu.memref_slice %arg8[%run_scoped3A_23, %dma_start3A, %dma_start3A_53] : memref<2x128x128xi32, #tpu.memory_space<vmem>> -> memref<1x128x128xi32, #tpu.memory_space<vmem>>
      %dma_start3A_55 = tpu.memref_squeeze %dma_start3A_54 : memref<1x128x128xi32, #tpu.memory_space<vmem>> -> memref<128x128xi32, #tpu.memory_space<vmem>>
      %dma_start3A_56 = arith.constant 0 : i32
      %dma_start3A_57 = tpu.memref_slice %arg11[%add3A_22, %dma_start3A_56] : memref<10240x128xi32, #tpu.memory_space<vmem_shared>> -> memref<128x128xi32, #tpu.memory_space<vmem_shared>>
      %dma_start3A_58 = arith.constant 0 : i32
      %dma_start3A_59 = tpu.memref_slice %arg11[%add3A_22, %dma_start3A_58] : memref<10240x128xi32, #tpu.memory_space<vmem_shared>> -> memref<128x128xi32, #tpu.memory_space<vmem_shared>>
      %dma_start3A_60 = arith.constant 0 : i32
      %dma_start3A_61 = arith.constant 0 : i32
      %dma_start3A_62 = tpu.memref_slice %arg8[%run_scoped3A_23, %dma_start3A_60, %dma_start3A_61] : memref<2x128x128xi32, #tpu.memory_space<vmem>> -> memref<1x128x128xi32, #tpu.memory_space<vmem>>
      %dma_start3A_63 = tpu.memref_squeeze %dma_start3A_62 : memref<1x128x128xi32, #tpu.memory_space<vmem>> -> memref<128x128xi32, #tpu.memory_space<vmem>>
      tpu.enqueue_dma source(%dma_start3A_63 : memref<128x128xi32, #tpu.memory_space<vmem>>) target(%dma_start3A_59 : memref<128x128xi32, #tpu.memory_space<vmem_shared>>) target_semaphore(%run_scoped3A_52 : memref<!tpu.dma_semaphore, #tpu.memory_space<semaphore_mem>>)
      %dma_wait3A = arith.constant 0 : i32
      %dma_wait3A_64 = arith.constant 0 : i32
      %dma_wait3A_65 = tpu.memref_slice %arg8[%run_scoped3A_23, %dma_wait3A, %dma_wait3A_64] : memref<2x128x128xi32, #tpu.memory_space<vmem>> -> memref<1x128x128xi32, #tpu.memory_space<vmem>>
      %dma_wait3A_66 = tpu.memref_squeeze %dma_wait3A_65 : memref<1x128x128xi32, #tpu.memory_space<vmem>> -> memref<128x128xi32, #tpu.memory_space<vmem>>
      %dma_wait3A_67 = arith.constant 0 : i32
      %dma_wait3A_68 = tpu.memref_slice %arg11[%add3A_22, %dma_wait3A_67] : memref<10240x128xi32, #tpu.memory_space<vmem_shared>> -> memref<128x128xi32, #tpu.memory_space<vmem_shared>>
      %dma_wait3A_69 = arith.constant 0 : i32
      %dma_wait3A_70 = tpu.memref_slice %arg11[%add3A_22, %dma_wait3A_69] : memref<10240x128xi32, #tpu.memory_space<vmem_shared>> -> memref<128x128xi32, #tpu.memory_space<vmem_shared>>
      %dma_wait3A_71 = arith.constant 0 : i32
      %dma_wait3A_72 = arith.constant 0 : i32
      %dma_wait3A_73 = tpu.memref_slice %arg8[%run_scoped3A_23, %dma_wait3A_71, %dma_wait3A_72] : memref<2x128x128xi32, #tpu.memory_space<vmem>> -> memref<1x128x128xi32, #tpu.memory_space<vmem>>
      %dma_wait3A_74 = tpu.memref_squeeze %dma_wait3A_73 : memref<1x128x128xi32, #tpu.memory_space<vmem>> -> memref<128x128xi32, #tpu.memory_space<vmem>>
      tpu.wait_dma2 semaphore(%run_scoped3A_52 : memref<!tpu.dma_semaphore, #tpu.memory_space<semaphore_mem>>) src(%dma_wait3A_74 : memref<128x128xi32, #tpu.memory_space<vmem>>) dst(%dma_wait3A_70 : memref<128x128xi32, #tpu.memory_space<vmem_shared>>)
      tpu.yield
    }) : () -> ()
    %mul3A_24 = arith.constant 640 : i32
    %mul3A_25 = arith.muli %arg1, %mul3A_24 : i32
    %add3A_26 = arith.constant 512 : i32
    %add3A_27 = arith.addi %mul3A_25, %add3A_26 : i32
    %run_scoped3A_28 = arith.constant 0 : i32
    "tpu.region"() ({
      %run_scoped3A_52 = tpu.sem_alloc : memref<!tpu.dma_semaphore, #tpu.memory_space<semaphore_mem>>
      %dma_start3A = arith.constant 0 : i32
      %dma_start3A_53 = arith.constant 0 : i32
      %dma_start3A_54 = tpu.memref_slice %arg8[%run_scoped3A_28, %dma_start3A, %dma_start3A_53] : memref<2x128x128xi32, #tpu.memory_space<vmem>> -> memref<1x128x128xi32, #tpu.memory_space<vmem>>
      %dma_start3A_55 = tpu.memref_squeeze %dma_start3A_54 : memref<1x128x128xi32, #tpu.memory_space<vmem>> -> memref<128x128xi32, #tpu.memory_space<vmem>>
      %dma_start3A_56 = arith.constant 0 : i32
      %dma_start3A_57 = tpu.memref_slice %arg11[%add3A_27, %dma_start3A_56] : memref<10240x128xi32, #tpu.memory_space<vmem_shared>> -> memref<128x128xi32, #tpu.memory_space<vmem_shared>>
      %dma_start3A_58 = arith.constant 0 : i32
      %dma_start3A_59 = tpu.memref_slice %arg11[%add3A_27, %dma_start3A_58] : memref<10240x128xi32, #tpu.memory_space<vmem_shared>> -> memref<128x128xi32, #tpu.memory_space<vmem_shared>>
      %dma_start3A_60 = arith.constant 0 : i32
      %dma_start3A_61 = arith.constant 0 : i32
      %dma_start3A_62 = tpu.memref_slice %arg8[%run_scoped3A_28, %dma_start3A_60, %dma_start3A_61] : memref<2x128x128xi32, #tpu.memory_space<vmem>> -> memref<1x128x128xi32, #tpu.memory_space<vmem>>
      %dma_start3A_63 = tpu.memref_squeeze %dma_start3A_62 : memref<1x128x128xi32, #tpu.memory_space<vmem>> -> memref<128x128xi32, #tpu.memory_space<vmem>>
      tpu.enqueue_dma source(%dma_start3A_63 : memref<128x128xi32, #tpu.memory_space<vmem>>) target(%dma_start3A_59 : memref<128x128xi32, #tpu.memory_space<vmem_shared>>) target_semaphore(%run_scoped3A_52 : memref<!tpu.dma_semaphore, #tpu.memory_space<semaphore_mem>>)
      %dma_wait3A = arith.constant 0 : i32
      %dma_wait3A_64 = arith.constant 0 : i32
      %dma_wait3A_65 = tpu.memref_slice %arg8[%run_scoped3A_28, %dma_wait3A, %dma_wait3A_64] : memref<2x128x128xi32, #tpu.memory_space<vmem>> -> memref<1x128x128xi32, #tpu.memory_space<vmem>>
      %dma_wait3A_66 = tpu.memref_squeeze %dma_wait3A_65 : memref<1x128x128xi32, #tpu.memory_space<vmem>> -> memref<128x128xi32, #tpu.memory_space<vmem>>
      %dma_wait3A_67 = arith.constant 0 : i32
      %dma_wait3A_68 = tpu.memref_slice %arg11[%add3A_27, %dma_wait3A_67] : memref<10240x128xi32, #tpu.memory_space<vmem_shared>> -> memref<128x128xi32, #tpu.memory_space<vmem_shared>>
      %dma_wait3A_69 = arith.constant 0 : i32
      %dma_wait3A_70 = tpu.memref_slice %arg11[%add3A_27, %dma_wait3A_69] : memref<10240x128xi32, #tpu.memory_space<vmem_shared>> -> memref<128x128xi32, #tpu.memory_space<vmem_shared>>
      %dma_wait3A_71 = arith.constant 0 : i32
      %dma_wait3A_72 = arith.constant 0 : i32
      %dma_wait3A_73 = tpu.memref_slice %arg8[%run_scoped3A_28, %dma_wait3A_71, %dma_wait3A_72] : memref<2x128x128xi32, #tpu.memory_space<vmem>> -> memref<1x128x128xi32, #tpu.memory_space<vmem>>
      %dma_wait3A_74 = tpu.memref_squeeze %dma_wait3A_73 : memref<1x128x128xi32, #tpu.memory_space<vmem>> -> memref<128x128xi32, #tpu.memory_space<vmem>>
      tpu.wait_dma2 semaphore(%run_scoped3A_52 : memref<!tpu.dma_semaphore, #tpu.memory_space<semaphore_mem>>) src(%dma_wait3A_74 : memref<128x128xi32, #tpu.memory_space<vmem>>) dst(%dma_wait3A_70 : memref<128x128xi32, #tpu.memory_space<vmem_shared>>)
      tpu.yield
    }) : () -> ()
    %barrier3A = arith.constant 0 : index
    tpu.barrier barrier_id(%barrier3A)
    %eq3A = arith.constant 0 : i32
    %eq3A_29 = arith.cmpi eq, %arg0, %eq3A : i32
    %mul3A_30 = arith.constant 80 : i32
    %mul3A_31 = arith.muli %arg1, %mul3A_30 : i32
    %mul3A_32 = arith.constant 80 : i32
    %mul3A_33 = arith.muli %arg1, %mul3A_32 : i32
    %add3A_34 = arith.constant 1280 : i32
    %add3A_35 = arith.addi %add3A_34, %mul3A_33 : i32
    %select_n3A = arith.select %eq3A_29, %mul3A_31, %add3A_35 : i32
    %eq3A_36 = arith.constant 1 : i32
    %eq3A_37 = arith.cmpi eq, %arg0, %eq3A_36 : i32
    %or3A = arith.constant true
    %or3A_38 = arith.ori %eq3A_37, %or3A : i1
    %convert_element_type3A = arith.extui %or3A_38 : i1 to i32
    %cond3A = arith.constant 0 : i32
    %cond3A_39 = arith.cmpi ne, %convert_element_type3A, %cond3A : i32
    scf.if %cond3A_39 {
      %add3A_52 = arith.constant 0 : i32
      %add3A_53 = arith.addi %select_n3A, %add3A_52 : i32
      "tpu.region"() ({
        %run_scoped3A_104 = tpu.sem_alloc : memref<!tpu.dma_semaphore, #tpu.memory_space<semaphore_mem>>
        %dma_start3A_105 = arith.constant 0 : i32
        %dma_start3A_106 = tpu.memref_slice %arg3[%add3A_53, %dma_start3A_105] : memref<2560x128xi32, #tpu.memory_space<hbm>> -> memref<40x128xi32, #tpu.memory_space<hbm>>
        %dma_start3A_107 = arith.constant 0 : i32
        %dma_start3A_108 = tpu.memref_slice %arg3[%add3A_53, %dma_start3A_107] : memref<2560x128xi32, #tpu.memory_space<hbm>> -> memref<40x128xi32, #tpu.memory_space<hbm>>
        tpu.enqueue_dma source(%dma_start3A_108 : memref<40x128xi32, #tpu.memory_space<hbm>>) target(%arg6 : memref<40x128xi32, #tpu.memory_space<vmem>>) target_semaphore(%run_scoped3A_104 : memref<!tpu.dma_semaphore, #tpu.memory_space<semaphore_mem>>)
        %dma_wait3A_109 = arith.constant 0 : i32
        %dma_wait3A_110 = tpu.memref_slice %arg3[%add3A_53, %dma_wait3A_109] : memref<2560x128xi32, #tpu.memory_space<hbm>> -> memref<40x128xi32, #tpu.memory_space<hbm>>
        %dma_wait3A_111 = arith.constant 0 : i32
        %dma_wait3A_112 = tpu.memref_slice %arg3[%add3A_53, %dma_wait3A_111] : memref<2560x128xi32, #tpu.memory_space<hbm>> -> memref<40x128xi32, #tpu.memory_space<hbm>>
        tpu.wait_dma2 semaphore(%run_scoped3A_104 : memref<!tpu.dma_semaphore, #tpu.memory_space<semaphore_mem>>) src(%dma_wait3A_112 : memref<40x128xi32, #tpu.memory_space<hbm>>) dst(%arg6 : memref<40x128xi32, #tpu.memory_space<vmem>>)
        tpu.yield
      }) : () -> ()
      %add3A_54 = arith.constant 0 : i32
      %add3A_55 = arith.addi %select_n3A, %add3A_54 : i32
      "tpu.region"() ({
        %run_scoped3A_104 = tpu.sem_alloc : memref<!tpu.dma_semaphore, #tpu.memory_space<semaphore_mem>>
        %dma_start3A_105 = arith.constant 0 : i32
        %dma_start3A_106 = tpu.memref_slice %arg4[%add3A_55, %dma_start3A_105] : memref<2560x128xi32, #tpu.memory_space<hbm>> -> memref<40x128xi32, #tpu.memory_space<hbm>>
        %dma_start3A_107 = arith.constant 0 : i32
        %dma_start3A_108 = tpu.memref_slice %arg4[%add3A_55, %dma_start3A_107] : memref<2560x128xi32, #tpu.memory_space<hbm>> -> memref<40x128xi32, #tpu.memory_space<hbm>>
        tpu.enqueue_dma source(%dma_start3A_108 : memref<40x128xi32, #tpu.memory_space<hbm>>) target(%arg7 : memref<40x128xi32, #tpu.memory_space<vmem>>) target_semaphore(%run_scoped3A_104 : memref<!tpu.dma_semaphore, #tpu.memory_space<semaphore_mem>>)
        %dma_wait3A_109 = arith.constant 0 : i32
        %dma_wait3A_110 = tpu.memref_slice %arg4[%add3A_55, %dma_wait3A_109] : memref<2560x128xi32, #tpu.memory_space<hbm>> -> memref<40x128xi32, #tpu.memory_space<hbm>>
        %dma_wait3A_111 = arith.constant 0 : i32
        %dma_wait3A_112 = tpu.memref_slice %arg4[%add3A_55, %dma_wait3A_111] : memref<2560x128xi32, #tpu.memory_space<hbm>> -> memref<40x128xi32, #tpu.memory_space<hbm>>
        tpu.wait_dma2 semaphore(%run_scoped3A_104 : memref<!tpu.dma_semaphore, #tpu.memory_space<semaphore_mem>>) src(%dma_wait3A_112 : memref<40x128xi32, #tpu.memory_space<hbm>>) dst(%arg7 : memref<40x128xi32, #tpu.memory_space<vmem>>)
        tpu.yield
      }) : () -> ()
      %dma_start3A = arith.constant 0 : i32
      %dma_start3A_56 = arith.constant 0 : i32
      %dma_start3A_57 = arith.constant 0 : i32
      %dma_start3A_58 = arith.constant 0 : i32
      %dma_start3A_59 = arith.constant 0 : i32
      %dma_start3A_60 = tpu.memref_slice %arg8[%dma_start3A_56, %dma_start3A_58, %dma_start3A_59] : memref<2x128x128xi32, #tpu.memory_space<vmem>> -> memref<1x128x128xi32, #tpu.memory_space<vmem>>
      %dma_start3A_61 = tpu.memref_squeeze %dma_start3A_60 : memref<1x128x128xi32, #tpu.memory_space<vmem>> -> memref<128x128xi32, #tpu.memory_space<vmem>>
      %dma_start3A_62 = arith.constant 0 : i32
      %dma_start3A_63 = tpu.memref_slice %arg6[%dma_start3A, %dma_start3A_62] : memref<40x128xi32, #tpu.memory_space<vmem>> -> memref<1x128xi32, #tpu.memory_space<vmem>>
      %dma_start3A_64 = tpu.memref_squeeze %dma_start3A_63 : memref<1x128xi32, #tpu.memory_space<vmem>> -> memref<128xi32, #tpu.memory_space<vmem>>
      %dma_start3A_65 = arith.constant 0 : i32
      %dma_start3A_66 = arith.constant 0 : i32
      %dma_start3A_67 = tpu.memref_slice %arg2[%dma_start3A_65, %dma_start3A_66] : memref<10000x128xi32, #tpu.memory_space<hbm>> -> memref<10000x128xi32, #tpu.memory_space<hbm>>
      %dma_start3A_68 = tpu.memref_slice %arg9[%dma_start3A_57] : memref<2x!tpu.dma_semaphore, #tpu.memory_space<semaphore_mem>> -> memref<1x!tpu.dma_semaphore, #tpu.memory_space<semaphore_mem>>
      %dma_start3A_69 = tpu.memref_squeeze %dma_start3A_68 : memref<1x!tpu.dma_semaphore, #tpu.memory_space<semaphore_mem>> -> memref<!tpu.dma_semaphore, #tpu.memory_space<semaphore_mem>>
      tpu.enqueue_indirect_dma source(%dma_start3A_67 : memref<10000x128xi32, #tpu.memory_space<hbm>>) target(%dma_start3A_61 : memref<128x128xi32, #tpu.memory_space<vmem>>) offsets(%dma_start3A_64 : memref<128xi32, #tpu.memory_space<vmem>>) semaphore(%dma_start3A_69 : memref<!tpu.dma_semaphore, #tpu.memory_space<semaphore_mem>>)
      %scan3A_70 = arith.constant 0 : i32
      %scan3A_71 = arith.constant 20 : i32
      %scan3A_72 = arith.addi %scan3A_70, %scan3A_71 : i32
      %scan3A_73 = arith.constant 1 : i32
      scf.for %scan3A_104 = %scan3A_70 to %scan3A_72 step %scan3A_73  : i32 {
        %mul3A_105 = arith.constant 1 : i32
        %mul3A_106 = arith.muli %scan3A_104, %mul3A_105 : i32
        %add3A_107 = arith.constant 0 : i32
        %add3A_108 = arith.addi %add3A_107, %mul3A_106 : i32
        %mul3A_109 = arith.constant 2 : i32
        %mul3A_110 = arith.muli %add3A_108, %mul3A_109 : i32
        %add3A_111 = arith.constant 0 : i32
        %add3A_112 = arith.addi %mul3A_110, %add3A_111 : i32
        %add3A_113 = arith.constant 1 : i32
        %add3A_114 = arith.addi %add3A_112, %add3A_113 : i32
        %lt3A = arith.constant 40 : i32
        %lt3A_115 = arith.cmpi slt, %add3A_114, %lt3A : i32
        %convert_element_type3A_116 = arith.extui %lt3A_115 : i1 to i32
        %cond3A_117 = arith.constant 0 : i32
        %cond3A_118 = arith.cmpi ne, %convert_element_type3A_116, %cond3A_117 : i32
        scf.if %cond3A_118 {
          %ge3A = arith.constant 1 : i32
          %ge3A_186 = arith.cmpi sge, %add3A_112, %ge3A : i32
          %convert_element_type3A_187 = arith.extui %ge3A_186 : i1 to i32
          %cond3A_188 = arith.constant 0 : i32
          %cond3A_189 = arith.cmpi ne, %convert_element_type3A_187, %cond3A_188 : i32
          scf.if %cond3A_189 {
            %sub3A = arith.constant 1 : i32
            %sub3A_206 = arith.subi %add3A_112, %sub3A : i32
            %dma_wait3A_207 = arith.constant 1 : i32
            %dma_wait3A_208 = arith.constant 1 : i32
            %dma_wait3A_209 = arith.constant 0 : i32
            %dma_wait3A_210 = arith.constant 0 : i32
            %dma_wait3A_211 = tpu.memref_slice %arg8[%dma_wait3A_207, %dma_wait3A_209, %dma_wait3A_210] : memref<2x128x128xi32, #tpu.memory_space<vmem>> -> memref<1x128x128xi32, #tpu.memory_space<vmem>>
            %dma_wait3A_212 = tpu.memref_squeeze %dma_wait3A_211 : memref<1x128x128xi32, #tpu.memory_space<vmem>> -> memref<128x128xi32, #tpu.memory_space<vmem>>
            %dma_wait3A_213 = arith.constant 0 : i32
            %dma_wait3A_214 = tpu.memref_slice %arg7[%sub3A_206, %dma_wait3A_213] : memref<40x128xi32, #tpu.memory_space<vmem>> -> memref<1x128xi32, #tpu.memory_space<vmem>>
            %dma_wait3A_215 = tpu.memref_squeeze %dma_wait3A_214 : memref<1x128xi32, #tpu.memory_space<vmem>> -> memref<128xi32, #tpu.memory_space<vmem>>
            %dma_wait3A_216 = arith.constant 0 : i32
            %dma_wait3A_217 = arith.constant 0 : i32
            %dma_wait3A_218 = tpu.memref_slice %arg11[%dma_wait3A_216, %dma_wait3A_217] : memref<10240x128xi32, #tpu.memory_space<vmem_shared>> -> memref<10240x128xi32, #tpu.memory_space<vmem_shared>>
            %dma_wait3A_219 = tpu.memref_slice %arg10[%dma_wait3A_208] : memref<2x!tpu.dma_semaphore, #tpu.memory_space<semaphore_mem>> -> memref<1x!tpu.dma_semaphore, #tpu.memory_space<semaphore_mem>>
            %dma_wait3A_220 = tpu.memref_squeeze %dma_wait3A_219 : memref<1x!tpu.dma_semaphore, #tpu.memory_space<semaphore_mem>> -> memref<!tpu.dma_semaphore, #tpu.memory_space<semaphore_mem>>
            tpu.wait_indirect_dma semaphore(%dma_wait3A_220 : memref<!tpu.dma_semaphore, #tpu.memory_space<semaphore_mem>>) src(%dma_wait3A_212 : memref<128x128xi32, #tpu.memory_space<vmem>>) dst(%dma_wait3A_218 : memref<10240x128xi32, #tpu.memory_space<vmem_shared>>)
          } else {
          }
          %add3A_190 = arith.constant 1 : i32
          %add3A_191 = arith.addi %add3A_112, %add3A_190 : i32
          %dma_start3A_192 = arith.constant 1 : i32
          %dma_start3A_193 = arith.constant 1 : i32
          %dma_start3A_194 = arith.constant 0 : i32
          %dma_start3A_195 = arith.constant 0 : i32
          %dma_start3A_196 = tpu.memref_slice %arg8[%dma_start3A_192, %dma_start3A_194, %dma_start3A_195] : memref<2x128x128xi32, #tpu.memory_space<vmem>> -> memref<1x128x128xi32, #tpu.memory_space<vmem>>
          %dma_start3A_197 = tpu.memref_squeeze %dma_start3A_196 : memref<1x128x128xi32, #tpu.memory_space<vmem>> -> memref<128x128xi32, #tpu.memory_space<vmem>>
          %dma_start3A_198 = arith.constant 0 : i32
          %dma_start3A_199 = tpu.memref_slice %arg6[%add3A_191, %dma_start3A_198] : memref<40x128xi32, #tpu.memory_space<vmem>> -> memref<1x128xi32, #tpu.memory_space<vmem>>
          %dma_start3A_200 = tpu.memref_squeeze %dma_start3A_199 : memref<1x128xi32, #tpu.memory_space<vmem>> -> memref<128xi32, #tpu.memory_space<vmem>>
          %dma_start3A_201 = arith.constant 0 : i32
          %dma_start3A_202 = arith.constant 0 : i32
          %dma_start3A_203 = tpu.memref_slice %arg2[%dma_start3A_201, %dma_start3A_202] : memref<10000x128xi32, #tpu.memory_space<hbm>> -> memref<10000x128xi32, #tpu.memory_space<hbm>>
          %dma_start3A_204 = tpu.memref_slice %arg9[%dma_start3A_193] : memref<2x!tpu.dma_semaphore, #tpu.memory_space<semaphore_mem>> -> memref<1x!tpu.dma_semaphore, #tpu.memory_space<semaphore_mem>>
          %dma_start3A_205 = tpu.memref_squeeze %dma_start3A_204 : memref<1x!tpu.dma_semaphore, #tpu.memory_space<semaphore_mem>> -> memref<!tpu.dma_semaphore, #tpu.memory_space<semaphore_mem>>
          tpu.enqueue_indirect_dma source(%dma_start3A_203 : memref<10000x128xi32, #tpu.memory_space<hbm>>) target(%dma_start3A_197 : memref<128x128xi32, #tpu.memory_space<vmem>>) offsets(%dma_start3A_200 : memref<128xi32, #tpu.memory_space<vmem>>) semaphore(%dma_start3A_205 : memref<!tpu.dma_semaphore, #tpu.memory_space<semaphore_mem>>)
        } else {
        }
        %dma_wait3A_119 = arith.constant 0 : i32
        %dma_wait3A_120 = arith.constant 0 : i32
        %dma_wait3A_121 = arith.constant 0 : i32
        %dma_wait3A_122 = arith.constant 0 : i32
        %dma_wait3A_123 = tpu.memref_slice %arg8[%dma_wait3A_119, %dma_wait3A_121, %dma_wait3A_122] : memref<2x128x128xi32, #tpu.memory_space<vmem>> -> memref<1x128x128xi32, #tpu.memory_space<vmem>>
        %dma_wait3A_124 = tpu.memref_squeeze %dma_wait3A_123 : memref<1x128x128xi32, #tpu.memory_space<vmem>> -> memref<128x128xi32, #tpu.memory_space<vmem>>
        %dma_wait3A_125 = arith.constant 0 : i32
        %dma_wait3A_126 = tpu.memref_slice %arg6[%add3A_112, %dma_wait3A_125] : memref<40x128xi32, #tpu.memory_space<vmem>> -> memref<1x128xi32, #tpu.memory_space<vmem>>
        %dma_wait3A_127 = tpu.memref_squeeze %dma_wait3A_126 : memref<1x128xi32, #tpu.memory_space<vmem>> -> memref<128xi32, #tpu.memory_space<vmem>>
        %dma_wait3A_128 = arith.constant 0 : i32
        %dma_wait3A_129 = arith.constant 0 : i32
        %dma_wait3A_130 = tpu.memref_slice %arg2[%dma_wait3A_128, %dma_wait3A_129] : memref<10000x128xi32, #tpu.memory_space<hbm>> -> memref<10000x128xi32, #tpu.memory_space<hbm>>
        %dma_wait3A_131 = tpu.memref_slice %arg9[%dma_wait3A_120] : memref<2x!tpu.dma_semaphore, #tpu.memory_space<semaphore_mem>> -> memref<1x!tpu.dma_semaphore, #tpu.memory_space<semaphore_mem>>
        %dma_wait3A_132 = tpu.memref_squeeze %dma_wait3A_131 : memref<1x!tpu.dma_semaphore, #tpu.memory_space<semaphore_mem>> -> memref<!tpu.dma_semaphore, #tpu.memory_space<semaphore_mem>>
        tpu.wait_indirect_dma semaphore(%dma_wait3A_132 : memref<!tpu.dma_semaphore, #tpu.memory_space<semaphore_mem>>) src(%dma_wait3A_130 : memref<10000x128xi32, #tpu.memory_space<hbm>>) dst(%dma_wait3A_124 : memref<128x128xi32, #tpu.memory_space<vmem>>)
        %dma_start3A_133 = arith.constant 0 : i32
        %dma_start3A_134 = arith.constant 0 : i32
        %dma_start3A_135 = arith.constant 0 : i32
        %dma_start3A_136 = arith.constant 0 : i32
        %dma_start3A_137 = tpu.memref_slice %arg8[%dma_start3A_133, %dma_start3A_135, %dma_start3A_136] : memref<2x128x128xi32, #tpu.memory_space<vmem>> -> memref<1x128x128xi32, #tpu.memory_space<vmem>>
        %dma_start3A_138 = tpu.memref_squeeze %dma_start3A_137 : memref<1x128x128xi32, #tpu.memory_space<vmem>> -> memref<128x128xi32, #tpu.memory_space<vmem>>
        %dma_start3A_139 = arith.constant 0 : i32
        %dma_start3A_140 = tpu.memref_slice %arg7[%add3A_112, %dma_start3A_139] : memref<40x128xi32, #tpu.memory_space<vmem>> -> memref<1x128xi32, #tpu.memory_space<vmem>>
        %dma_start3A_141 = tpu.memref_squeeze %dma_start3A_140 : memref<1x128xi32, #tpu.memory_space<vmem>> -> memref<128xi32, #tpu.memory_space<vmem>>
        %dma_start3A_142 = arith.constant 0 : i32
        %dma_start3A_143 = arith.constant 0 : i32
        %dma_start3A_144 = tpu.memref_slice %arg11[%dma_start3A_142, %dma_start3A_143] : memref<10240x128xi32, #tpu.memory_space<vmem_shared>> -> memref<10240x128xi32, #tpu.memory_space<vmem_shared>>
        %dma_start3A_145 = tpu.memref_slice %arg10[%dma_start3A_134] : memref<2x!tpu.dma_semaphore, #tpu.memory_space<semaphore_mem>> -> memref<1x!tpu.dma_semaphore, #tpu.memory_space<semaphore_mem>>
        %dma_start3A_146 = tpu.memref_squeeze %dma_start3A_145 : memref<1x!tpu.dma_semaphore, #tpu.memory_space<semaphore_mem>> -> memref<!tpu.dma_semaphore, #tpu.memory_space<semaphore_mem>>
        tpu.enqueue_indirect_dma source(%dma_start3A_138 : memref<128x128xi32, #tpu.memory_space<vmem>>) target(%dma_start3A_144 : memref<10240x128xi32, #tpu.memory_space<vmem_shared>>) offsets(%dma_start3A_141 : memref<128xi32, #tpu.memory_space<vmem>>) semaphore(%dma_start3A_146 : memref<!tpu.dma_semaphore, #tpu.memory_space<semaphore_mem>>) {add = true}
        %mul3A_147 = arith.constant 2 : i32
        %mul3A_148 = arith.muli %add3A_108, %mul3A_147 : i32
        %add3A_149 = arith.constant 1 : i32
        %add3A_150 = arith.addi %mul3A_148, %add3A_149 : i32
        %add3A_151 = arith.constant 1 : i32
        %add3A_152 = arith.addi %add3A_150, %add3A_151 : i32
        %lt3A_153 = arith.constant 40 : i32
        %lt3A_154 = arith.cmpi slt, %add3A_152, %lt3A_153 : i32
        %convert_element_type3A_155 = arith.extui %lt3A_154 : i1 to i32
        %cond3A_156 = arith.constant 0 : i32
        %cond3A_157 = arith.cmpi ne, %convert_element_type3A_155, %cond3A_156 : i32
        scf.if %cond3A_157 {
          %ge3A = arith.constant 1 : i32
          %ge3A_186 = arith.cmpi sge, %add3A_150, %ge3A : i32
          %convert_element_type3A_187 = arith.extui %ge3A_186 : i1 to i32
          %cond3A_188 = arith.constant 0 : i32
          %cond3A_189 = arith.cmpi ne, %convert_element_type3A_187, %cond3A_188 : i32
          scf.if %cond3A_189 {
            %sub3A = arith.constant 1 : i32
            %sub3A_206 = arith.subi %add3A_150, %sub3A : i32
            %dma_wait3A_207 = arith.constant 0 : i32
            %dma_wait3A_208 = arith.constant 0 : i32
            %dma_wait3A_209 = arith.constant 0 : i32
            %dma_wait3A_210 = arith.constant 0 : i32
            %dma_wait3A_211 = tpu.memref_slice %arg8[%dma_wait3A_207, %dma_wait3A_209, %dma_wait3A_210] : memref<2x128x128xi32, #tpu.memory_space<vmem>> -> memref<1x128x128xi32, #tpu.memory_space<vmem>>
            %dma_wait3A_212 = tpu.memref_squeeze %dma_wait3A_211 : memref<1x128x128xi32, #tpu.memory_space<vmem>> -> memref<128x128xi32, #tpu.memory_space<vmem>>
            %dma_wait3A_213 = arith.constant 0 : i32
            %dma_wait3A_214 = tpu.memref_slice %arg7[%sub3A_206, %dma_wait3A_213] : memref<40x128xi32, #tpu.memory_space<vmem>> -> memref<1x128xi32, #tpu.memory_space<vmem>>
            %dma_wait3A_215 = tpu.memref_squeeze %dma_wait3A_214 : memref<1x128xi32, #tpu.memory_space<vmem>> -> memref<128xi32, #tpu.memory_space<vmem>>
            %dma_wait3A_216 = arith.constant 0 : i32
            %dma_wait3A_217 = arith.constant 0 : i32
            %dma_wait3A_218 = tpu.memref_slice %arg11[%dma_wait3A_216, %dma_wait3A_217] : memref<10240x128xi32, #tpu.memory_space<vmem_shared>> -> memref<10240x128xi32, #tpu.memory_space<vmem_shared>>
            %dma_wait3A_219 = tpu.memref_slice %arg10[%dma_wait3A_208] : memref<2x!tpu.dma_semaphore, #tpu.memory_space<semaphore_mem>> -> memref<1x!tpu.dma_semaphore, #tpu.memory_space<semaphore_mem>>
            %dma_wait3A_220 = tpu.memref_squeeze %dma_wait3A_219 : memref<1x!tpu.dma_semaphore, #tpu.memory_space<semaphore_mem>> -> memref<!tpu.dma_semaphore, #tpu.memory_space<semaphore_mem>>
            tpu.wait_indirect_dma semaphore(%dma_wait3A_220 : memref<!tpu.dma_semaphore, #tpu.memory_space<semaphore_mem>>) src(%dma_wait3A_212 : memref<128x128xi32, #tpu.memory_space<vmem>>) dst(%dma_wait3A_218 : memref<10240x128xi32, #tpu.memory_space<vmem_shared>>)
          } else {
          }
          %add3A_190 = arith.constant 1 : i32
          %add3A_191 = arith.addi %add3A_150, %add3A_190 : i32
          %dma_start3A_192 = arith.constant 0 : i32
          %dma_start3A_193 = arith.constant 0 : i32
          %dma_start3A_194 = arith.constant 0 : i32
          %dma_start3A_195 = arith.constant 0 : i32
          %dma_start3A_196 = tpu.memref_slice %arg8[%dma_start3A_192, %dma_start3A_194, %dma_start3A_195] : memref<2x128x128xi32, #tpu.memory_space<vmem>> -> memref<1x128x128xi32, #tpu.memory_space<vmem>>
          %dma_start3A_197 = tpu.memref_squeeze %dma_start3A_196 : memref<1x128x128xi32, #tpu.memory_space<vmem>> -> memref<128x128xi32, #tpu.memory_space<vmem>>
          %dma_start3A_198 = arith.constant 0 : i32
          %dma_start3A_199 = tpu.memref_slice %arg6[%add3A_191, %dma_start3A_198] : memref<40x128xi32, #tpu.memory_space<vmem>> -> memref<1x128xi32, #tpu.memory_space<vmem>>
          %dma_start3A_200 = tpu.memref_squeeze %dma_start3A_199 : memref<1x128xi32, #tpu.memory_space<vmem>> -> memref<128xi32, #tpu.memory_space<vmem>>
          %dma_start3A_201 = arith.constant 0 : i32
          %dma_start3A_202 = arith.constant 0 : i32
          %dma_start3A_203 = tpu.memref_slice %arg2[%dma_start3A_201, %dma_start3A_202] : memref<10000x128xi32, #tpu.memory_space<hbm>> -> memref<10000x128xi32, #tpu.memory_space<hbm>>
          %dma_start3A_204 = tpu.memref_slice %arg9[%dma_start3A_193] : memref<2x!tpu.dma_semaphore, #tpu.memory_space<semaphore_mem>> -> memref<1x!tpu.dma_semaphore, #tpu.memory_space<semaphore_mem>>
          %dma_start3A_205 = tpu.memref_squeeze %dma_start3A_204 : memref<1x!tpu.dma_semaphore, #tpu.memory_space<semaphore_mem>> -> memref<!tpu.dma_semaphore, #tpu.memory_space<semaphore_mem>>
          tpu.enqueue_indirect_dma source(%dma_start3A_203 : memref<10000x128xi32, #tpu.memory_space<hbm>>) target(%dma_start3A_197 : memref<128x128xi32, #tpu.memory_space<vmem>>) offsets(%dma_start3A_200 : memref<128xi32, #tpu.memory_space<vmem>>) semaphore(%dma_start3A_205 : memref<!tpu.dma_semaphore, #tpu.memory_space<semaphore_mem>>)
        } else {
        }
        %dma_wait3A_158 = arith.constant 1 : i32
        %dma_wait3A_159 = arith.constant 1 : i32
        %dma_wait3A_160 = arith.constant 0 : i32
        %dma_wait3A_161 = arith.constant 0 : i32
        %dma_wait3A_162 = tpu.memref_slice %arg8[%dma_wait3A_158, %dma_wait3A_160, %dma_wait3A_161] : memref<2x128x128xi32, #tpu.memory_space<vmem>> -> memref<1x128x128xi32, #tpu.memory_space<vmem>>
        %dma_wait3A_163 = tpu.memref_squeeze %dma_wait3A_162 : memref<1x128x128xi32, #tpu.memory_space<vmem>> -> memref<128x128xi32, #tpu.memory_space<vmem>>
        %dma_wait3A_164 = arith.constant 0 : i32
        %dma_wait3A_165 = tpu.memref_slice %arg6[%add3A_150, %dma_wait3A_164] : memref<40x128xi32, #tpu.memory_space<vmem>> -> memref<1x128xi32, #tpu.memory_space<vmem>>
        %dma_wait3A_166 = tpu.memref_squeeze %dma_wait3A_165 : memref<1x128xi32, #tpu.memory_space<vmem>> -> memref<128xi32, #tpu.memory_space<vmem>>
        %dma_wait3A_167 = arith.constant 0 : i32
        %dma_wait3A_168 = arith.constant 0 : i32
        %dma_wait3A_169 = tpu.memref_slice %arg2[%dma_wait3A_167, %dma_wait3A_168] : memref<10000x128xi32, #tpu.memory_space<hbm>> -> memref<10000x128xi32, #tpu.memory_space<hbm>>
        %dma_wait3A_170 = tpu.memref_slice %arg9[%dma_wait3A_159] : memref<2x!tpu.dma_semaphore, #tpu.memory_space<semaphore_mem>> -> memref<1x!tpu.dma_semaphore, #tpu.memory_space<semaphore_mem>>
        %dma_wait3A_171 = tpu.memref_squeeze %dma_wait3A_170 : memref<1x!tpu.dma_semaphore, #tpu.memory_space<semaphore_mem>> -> memref<!tpu.dma_semaphore, #tpu.memory_space<semaphore_mem>>
        tpu.wait_indirect_dma semaphore(%dma_wait3A_171 : memref<!tpu.dma_semaphore, #tpu.memory_space<semaphore_mem>>) src(%dma_wait3A_169 : memref<10000x128xi32, #tpu.memory_space<hbm>>) dst(%dma_wait3A_163 : memref<128x128xi32, #tpu.memory_space<vmem>>)
        %dma_start3A_172 = arith.constant 1 : i32
        %dma_start3A_173 = arith.constant 1 : i32
        %dma_start3A_174 = arith.constant 0 : i32
        %dma_start3A_175 = arith.constant 0 : i32
        %dma_start3A_176 = tpu.memref_slice %arg8[%dma_start3A_172, %dma_start3A_174, %dma_start3A_175] : memref<2x128x128xi32, #tpu.memory_space<vmem>> -> memref<1x128x128xi32, #tpu.memory_space<vmem>>
        %dma_start3A_177 = tpu.memref_squeeze %dma_start3A_176 : memref<1x128x128xi32, #tpu.memory_space<vmem>> -> memref<128x128xi32, #tpu.memory_space<vmem>>
        %dma_start3A_178 = arith.constant 0 : i32
        %dma_start3A_179 = tpu.memref_slice %arg7[%add3A_150, %dma_start3A_178] : memref<40x128xi32, #tpu.memory_space<vmem>> -> memref<1x128xi32, #tpu.memory_space<vmem>>
        %dma_start3A_180 = tpu.memref_squeeze %dma_start3A_179 : memref<1x128xi32, #tpu.memory_space<vmem>> -> memref<128xi32, #tpu.memory_space<vmem>>
        %dma_start3A_181 = arith.constant 0 : i32
        %dma_start3A_182 = arith.constant 0 : i32
        %dma_start3A_183 = tpu.memref_slice %arg11[%dma_start3A_181, %dma_start3A_182] : memref<10240x128xi32, #tpu.memory_space<vmem_shared>> -> memref<10240x128xi32, #tpu.memory_space<vmem_shared>>
        %dma_start3A_184 = tpu.memref_slice %arg10[%dma_start3A_173] : memref<2x!tpu.dma_semaphore, #tpu.memory_space<semaphore_mem>> -> memref<1x!tpu.dma_semaphore, #tpu.memory_space<semaphore_mem>>
        %dma_start3A_185 = tpu.memref_squeeze %dma_start3A_184 : memref<1x!tpu.dma_semaphore, #tpu.memory_space<semaphore_mem>> -> memref<!tpu.dma_semaphore, #tpu.memory_space<semaphore_mem>>
        tpu.enqueue_indirect_dma source(%dma_start3A_177 : memref<128x128xi32, #tpu.memory_space<vmem>>) target(%dma_start3A_183 : memref<10240x128xi32, #tpu.memory_space<vmem_shared>>) offsets(%dma_start3A_180 : memref<128xi32, #tpu.memory_space<vmem>>) semaphore(%dma_start3A_185 : memref<!tpu.dma_semaphore, #tpu.memory_space<semaphore_mem>>) {add = true}
      }
      %scan3A_74 = arith.constant 20 : i32
      %dma_wait3A = arith.constant 0 : i32
      %dma_wait3A_75 = arith.constant 38 : i32
      %dma_wait3A_76 = arith.constant 0 : i32
      %dma_wait3A_77 = arith.constant 0 : i32
      %dma_wait3A_78 = arith.constant 0 : i32
      %dma_wait3A_79 = tpu.memref_slice %arg8[%dma_wait3A, %dma_wait3A_77, %dma_wait3A_78] : memref<2x128x128xi32, #tpu.memory_space<vmem>> -> memref<1x128x128xi32, #tpu.memory_space<vmem>>
      %dma_wait3A_80 = tpu.memref_squeeze %dma_wait3A_79 : memref<1x128x128xi32, #tpu.memory_space<vmem>> -> memref<128x128xi32, #tpu.memory_space<vmem>>
      %dma_wait3A_81 = arith.constant 0 : i32
      %dma_wait3A_82 = tpu.memref_slice %arg7[%dma_wait3A_75, %dma_wait3A_81] : memref<40x128xi32, #tpu.memory_space<vmem>> -> memref<1x128xi32, #tpu.memory_space<vmem>>
      %dma_wait3A_83 = tpu.memref_squeeze %dma_wait3A_82 : memref<1x128xi32, #tpu.memory_space<vmem>> -> memref<128xi32, #tpu.memory_space<vmem>>
      %dma_wait3A_84 = arith.constant 0 : i32
      %dma_wait3A_85 = arith.constant 0 : i32
      %dma_wait3A_86 = tpu.memref_slice %arg11[%dma_wait3A_84, %dma_wait3A_85] : memref<10240x128xi32, #tpu.memory_space<vmem_shared>> -> memref<10240x128xi32, #tpu.memory_space<vmem_shared>>
      %dma_wait3A_87 = tpu.memref_slice %arg10[%dma_wait3A_76] : memref<2x!tpu.dma_semaphore, #tpu.memory_space<semaphore_mem>> -> memref<1x!tpu.dma_semaphore, #tpu.memory_space<semaphore_mem>>
      %dma_wait3A_88 = tpu.memref_squeeze %dma_wait3A_87 : memref<1x!tpu.dma_semaphore, #tpu.memory_space<semaphore_mem>> -> memref<!tpu.dma_semaphore, #tpu.memory_space<semaphore_mem>>
      tpu.wait_indirect_dma semaphore(%dma_wait3A_88 : memref<!tpu.dma_semaphore, #tpu.memory_space<semaphore_mem>>) src(%dma_wait3A_80 : memref<128x128xi32, #tpu.memory_space<vmem>>) dst(%dma_wait3A_86 : memref<10240x128xi32, #tpu.memory_space<vmem_shared>>)
      %dma_wait3A_89 = arith.constant 1 : i32
      %dma_wait3A_90 = arith.constant 39 : i32
      %dma_wait3A_91 = arith.constant 1 : i32
      %dma_wait3A_92 = arith.constant 0 : i32
      %dma_wait3A_93 = arith.constant 0 : i32
      %dma_wait3A_94 = tpu.memref_slice %arg8[%dma_wait3A_89, %dma_wait3A_92, %dma_wait3A_93] : memref<2x128x128xi32, #tpu.memory_space<vmem>> -> memref<1x128x128xi32, #tpu.memory_space<vmem>>
      %dma_wait3A_95 = tpu.memref_squeeze %dma_wait3A_94 : memref<1x128x128xi32, #tpu.memory_space<vmem>> -> memref<128x128xi32, #tpu.memory_space<vmem>>
      %dma_wait3A_96 = arith.constant 0 : i32
      %dma_wait3A_97 = tpu.memref_slice %arg7[%dma_wait3A_90, %dma_wait3A_96] : memref<40x128xi32, #tpu.memory_space<vmem>> -> memref<1x128xi32, #tpu.memory_space<vmem>>
      %dma_wait3A_98 = tpu.memref_squeeze %dma_wait3A_97 : memref<1x128xi32, #tpu.memory_space<vmem>> -> memref<128xi32, #tpu.memory_space<vmem>>
      %dma_wait3A_99 = arith.constant 0 : i32
      %dma_wait3A_100 = arith.constant 0 : i32
      %dma_wait3A_101 = tpu.memref_slice %arg11[%dma_wait3A_99, %dma_wait3A_100] : memref<10240x128xi32, #tpu.memory_space<vmem_shared>> -> memref<10240x128xi32, #tpu.memory_space<vmem_shared>>
      %dma_wait3A_102 = tpu.memref_slice %arg10[%dma_wait3A_91] : memref<2x!tpu.dma_semaphore, #tpu.memory_space<semaphore_mem>> -> memref<1x!tpu.dma_semaphore, #tpu.memory_space<semaphore_mem>>
      %dma_wait3A_103 = tpu.memref_squeeze %dma_wait3A_102 : memref<1x!tpu.dma_semaphore, #tpu.memory_space<semaphore_mem>> -> memref<!tpu.dma_semaphore, #tpu.memory_space<semaphore_mem>>
      tpu.wait_indirect_dma semaphore(%dma_wait3A_103 : memref<!tpu.dma_semaphore, #tpu.memory_space<semaphore_mem>>) src(%dma_wait3A_95 : memref<128x128xi32, #tpu.memory_space<vmem>>) dst(%dma_wait3A_101 : memref<10240x128xi32, #tpu.memory_space<vmem_shared>>)
    } else {
    }
    %eq3A_40 = arith.constant 1 : i32
    %eq3A_41 = arith.cmpi eq, %arg0, %eq3A_40 : i32
    %or3A_42 = arith.constant true
    %or3A_43 = arith.ori %eq3A_41, %or3A_42 : i1
    %convert_element_type3A_44 = arith.extui %or3A_43 : i1 to i32
    %cond3A_45 = arith.constant 0 : i32
    %cond3A_46 = arith.cmpi ne, %convert_element_type3A_44, %cond3A_45 : i32
    scf.if %cond3A_46 {
      %add3A_52 = arith.constant 40 : i32
      %add3A_53 = arith.addi %select_n3A, %add3A_52 : i32
      "tpu.region"() ({
        %run_scoped3A_104 = tpu.sem_alloc : memref<!tpu.dma_semaphore, #tpu.memory_space<semaphore_mem>>
        %dma_start3A_105 = arith.constant 0 : i32
        %dma_start3A_106 = tpu.memref_slice %arg3[%add3A_53, %dma_start3A_105] : memref<2560x128xi32, #tpu.memory_space<hbm>> -> memref<40x128xi32, #tpu.memory_space<hbm>>
        %dma_start3A_107 = arith.constant 0 : i32
        %dma_start3A_108 = tpu.memref_slice %arg3[%add3A_53, %dma_start3A_107] : memref<2560x128xi32, #tpu.memory_space<hbm>> -> memref<40x128xi32, #tpu.memory_space<hbm>>
        tpu.enqueue_dma source(%dma_start3A_108 : memref<40x128xi32, #tpu.memory_space<hbm>>) target(%arg6 : memref<40x128xi32, #tpu.memory_space<vmem>>) target_semaphore(%run_scoped3A_104 : memref<!tpu.dma_semaphore, #tpu.memory_space<semaphore_mem>>)
        %dma_wait3A_109 = arith.constant 0 : i32
        %dma_wait3A_110 = tpu.memref_slice %arg3[%add3A_53, %dma_wait3A_109] : memref<2560x128xi32, #tpu.memory_space<hbm>> -> memref<40x128xi32, #tpu.memory_space<hbm>>
        %dma_wait3A_111 = arith.constant 0 : i32
        %dma_wait3A_112 = tpu.memref_slice %arg3[%add3A_53, %dma_wait3A_111] : memref<2560x128xi32, #tpu.memory_space<hbm>> -> memref<40x128xi32, #tpu.memory_space<hbm>>
        tpu.wait_dma2 semaphore(%run_scoped3A_104 : memref<!tpu.dma_semaphore, #tpu.memory_space<semaphore_mem>>) src(%dma_wait3A_112 : memref<40x128xi32, #tpu.memory_space<hbm>>) dst(%arg6 : memref<40x128xi32, #tpu.memory_space<vmem>>)
        tpu.yield
      }) : () -> ()
      %add3A_54 = arith.constant 40 : i32
      %add3A_55 = arith.addi %select_n3A, %add3A_54 : i32
      "tpu.region"() ({
        %run_scoped3A_104 = tpu.sem_alloc : memref<!tpu.dma_semaphore, #tpu.memory_space<semaphore_mem>>
        %dma_start3A_105 = arith.constant 0 : i32
        %dma_start3A_106 = tpu.memref_slice %arg4[%add3A_55, %dma_start3A_105] : memref<2560x128xi32, #tpu.memory_space<hbm>> -> memref<40x128xi32, #tpu.memory_space<hbm>>
        %dma_start3A_107 = arith.constant 0 : i32
        %dma_start3A_108 = tpu.memref_slice %arg4[%add3A_55, %dma_start3A_107] : memref<2560x128xi32, #tpu.memory_space<hbm>> -> memref<40x128xi32, #tpu.memory_space<hbm>>
        tpu.enqueue_dma source(%dma_start3A_108 : memref<40x128xi32, #tpu.memory_space<hbm>>) target(%arg7 : memref<40x128xi32, #tpu.memory_space<vmem>>) target_semaphore(%run_scoped3A_104 : memref<!tpu.dma_semaphore, #tpu.memory_space<semaphore_mem>>)
        %dma_wait3A_109 = arith.constant 0 : i32
        %dma_wait3A_110 = tpu.memref_slice %arg4[%add3A_55, %dma_wait3A_109] : memref<2560x128xi32, #tpu.memory_space<hbm>> -> memref<40x128xi32, #tpu.memory_space<hbm>>
        %dma_wait3A_111 = arith.constant 0 : i32
        %dma_wait3A_112 = tpu.memref_slice %arg4[%add3A_55, %dma_wait3A_111] : memref<2560x128xi32, #tpu.memory_space<hbm>> -> memref<40x128xi32, #tpu.memory_space<hbm>>
        tpu.wait_dma2 semaphore(%run_scoped3A_104 : memref<!tpu.dma_semaphore, #tpu.memory_space<semaphore_mem>>) src(%dma_wait3A_112 : memref<40x128xi32, #tpu.memory_space<hbm>>) dst(%arg7 : memref<40x128xi32, #tpu.memory_space<vmem>>)
        tpu.yield
      }) : () -> ()
      %dma_start3A = arith.constant 0 : i32
      %dma_start3A_56 = arith.constant 0 : i32
      %dma_start3A_57 = arith.constant 0 : i32
      %dma_start3A_58 = arith.constant 0 : i32
      %dma_start3A_59 = arith.constant 0 : i32
      %dma_start3A_60 = tpu.memref_slice %arg8[%dma_start3A_56, %dma_start3A_58, %dma_start3A_59] : memref<2x128x128xi32, #tpu.memory_space<vmem>> -> memref<1x128x128xi32, #tpu.memory_space<vmem>>
      %dma_start3A_61 = tpu.memref_squeeze %dma_start3A_60 : memref<1x128x128xi32, #tpu.memory_space<vmem>> -> memref<128x128xi32, #tpu.memory_space<vmem>>
      %dma_start3A_62 = arith.constant 0 : i32
      %dma_start3A_63 = tpu.memref_slice %arg6[%dma_start3A, %dma_start3A_62] : memref<40x128xi32, #tpu.memory_space<vmem>> -> memref<1x128xi32, #tpu.memory_space<vmem>>
      %dma_start3A_64 = tpu.memref_squeeze %dma_start3A_63 : memref<1x128xi32, #tpu.memory_space<vmem>> -> memref<128xi32, #tpu.memory_space<vmem>>
      %dma_start3A_65 = arith.constant 0 : i32
      %dma_start3A_66 = arith.constant 0 : i32
      %dma_start3A_67 = tpu.memref_slice %arg2[%dma_start3A_65, %dma_start3A_66] : memref<10000x128xi32, #tpu.memory_space<hbm>> -> memref<10000x128xi32, #tpu.memory_space<hbm>>
      %dma_start3A_68 = tpu.memref_slice %arg9[%dma_start3A_57] : memref<2x!tpu.dma_semaphore, #tpu.memory_space<semaphore_mem>> -> memref<1x!tpu.dma_semaphore, #tpu.memory_space<semaphore_mem>>
      %dma_start3A_69 = tpu.memref_squeeze %dma_start3A_68 : memref<1x!tpu.dma_semaphore, #tpu.memory_space<semaphore_mem>> -> memref<!tpu.dma_semaphore, #tpu.memory_space<semaphore_mem>>
      tpu.enqueue_indirect_dma source(%dma_start3A_67 : memref<10000x128xi32, #tpu.memory_space<hbm>>) target(%dma_start3A_61 : memref<128x128xi32, #tpu.memory_space<vmem>>) offsets(%dma_start3A_64 : memref<128xi32, #tpu.memory_space<vmem>>) semaphore(%dma_start3A_69 : memref<!tpu.dma_semaphore, #tpu.memory_space<semaphore_mem>>)
      %scan3A_70 = arith.constant 0 : i32
      %scan3A_71 = arith.constant 20 : i32
      %scan3A_72 = arith.addi %scan3A_70, %scan3A_71 : i32
      %scan3A_73 = arith.constant 1 : i32
      scf.for %scan3A_104 = %scan3A_70 to %scan3A_72 step %scan3A_73  : i32 {
        %mul3A_105 = arith.constant 1 : i32
        %mul3A_106 = arith.muli %scan3A_104, %mul3A_105 : i32
        %add3A_107 = arith.constant 0 : i32
        %add3A_108 = arith.addi %add3A_107, %mul3A_106 : i32
        %mul3A_109 = arith.constant 2 : i32
        %mul3A_110 = arith.muli %add3A_108, %mul3A_109 : i32
        %add3A_111 = arith.constant 0 : i32
        %add3A_112 = arith.addi %mul3A_110, %add3A_111 : i32
        %add3A_113 = arith.constant 1 : i32
        %add3A_114 = arith.addi %add3A_112, %add3A_113 : i32
        %lt3A = arith.constant 40 : i32
        %lt3A_115 = arith.cmpi slt, %add3A_114, %lt3A : i32
        %convert_element_type3A_116 = arith.extui %lt3A_115 : i1 to i32
        %cond3A_117 = arith.constant 0 : i32
        %cond3A_118 = arith.cmpi ne, %convert_element_type3A_116, %cond3A_117 : i32
        scf.if %cond3A_118 {
          %ge3A = arith.constant 1 : i32
          %ge3A_186 = arith.cmpi sge, %add3A_112, %ge3A : i32
          %convert_element_type3A_187 = arith.extui %ge3A_186 : i1 to i32
          %cond3A_188 = arith.constant 0 : i32
          %cond3A_189 = arith.cmpi ne, %convert_element_type3A_187, %cond3A_188 : i32
          scf.if %cond3A_189 {
            %sub3A = arith.constant 1 : i32
            %sub3A_206 = arith.subi %add3A_112, %sub3A : i32
            %dma_wait3A_207 = arith.constant 1 : i32
            %dma_wait3A_208 = arith.constant 1 : i32
            %dma_wait3A_209 = arith.constant 0 : i32
            %dma_wait3A_210 = arith.constant 0 : i32
            %dma_wait3A_211 = tpu.memref_slice %arg8[%dma_wait3A_207, %dma_wait3A_209, %dma_wait3A_210] : memref<2x128x128xi32, #tpu.memory_space<vmem>> -> memref<1x128x128xi32, #tpu.memory_space<vmem>>
            %dma_wait3A_212 = tpu.memref_squeeze %dma_wait3A_211 : memref<1x128x128xi32, #tpu.memory_space<vmem>> -> memref<128x128xi32, #tpu.memory_space<vmem>>
            %dma_wait3A_213 = arith.constant 0 : i32
            %dma_wait3A_214 = tpu.memref_slice %arg7[%sub3A_206, %dma_wait3A_213] : memref<40x128xi32, #tpu.memory_space<vmem>> -> memref<1x128xi32, #tpu.memory_space<vmem>>
            %dma_wait3A_215 = tpu.memref_squeeze %dma_wait3A_214 : memref<1x128xi32, #tpu.memory_space<vmem>> -> memref<128xi32, #tpu.memory_space<vmem>>
            %dma_wait3A_216 = arith.constant 0 : i32
            %dma_wait3A_217 = arith.constant 0 : i32
            %dma_wait3A_218 = tpu.memref_slice %arg11[%dma_wait3A_216, %dma_wait3A_217] : memref<10240x128xi32, #tpu.memory_space<vmem_shared>> -> memref<10240x128xi32, #tpu.memory_space<vmem_shared>>
            %dma_wait3A_219 = tpu.memref_slice %arg10[%dma_wait3A_208] : memref<2x!tpu.dma_semaphore, #tpu.memory_space<semaphore_mem>> -> memref<1x!tpu.dma_semaphore, #tpu.memory_space<semaphore_mem>>
            %dma_wait3A_220 = tpu.memref_squeeze %dma_wait3A_219 : memref<1x!tpu.dma_semaphore, #tpu.memory_space<semaphore_mem>> -> memref<!tpu.dma_semaphore, #tpu.memory_space<semaphore_mem>>
            tpu.wait_indirect_dma semaphore(%dma_wait3A_220 : memref<!tpu.dma_semaphore, #tpu.memory_space<semaphore_mem>>) src(%dma_wait3A_212 : memref<128x128xi32, #tpu.memory_space<vmem>>) dst(%dma_wait3A_218 : memref<10240x128xi32, #tpu.memory_space<vmem_shared>>)
          } else {
          }
          %add3A_190 = arith.constant 1 : i32
          %add3A_191 = arith.addi %add3A_112, %add3A_190 : i32
          %dma_start3A_192 = arith.constant 1 : i32
          %dma_start3A_193 = arith.constant 1 : i32
          %dma_start3A_194 = arith.constant 0 : i32
          %dma_start3A_195 = arith.constant 0 : i32
          %dma_start3A_196 = tpu.memref_slice %arg8[%dma_start3A_192, %dma_start3A_194, %dma_start3A_195] : memref<2x128x128xi32, #tpu.memory_space<vmem>> -> memref<1x128x128xi32, #tpu.memory_space<vmem>>
          %dma_start3A_197 = tpu.memref_squeeze %dma_start3A_196 : memref<1x128x128xi32, #tpu.memory_space<vmem>> -> memref<128x128xi32, #tpu.memory_space<vmem>>
          %dma_start3A_198 = arith.constant 0 : i32
          %dma_start3A_199 = tpu.memref_slice %arg6[%add3A_191, %dma_start3A_198] : memref<40x128xi32, #tpu.memory_space<vmem>> -> memref<1x128xi32, #tpu.memory_space<vmem>>
          %dma_start3A_200 = tpu.memref_squeeze %dma_start3A_199 : memref<1x128xi32, #tpu.memory_space<vmem>> -> memref<128xi32, #tpu.memory_space<vmem>>
          %dma_start3A_201 = arith.constant 0 : i32
          %dma_start3A_202 = arith.constant 0 : i32
          %dma_start3A_203 = tpu.memref_slice %arg2[%dma_start3A_201, %dma_start3A_202] : memref<10000x128xi32, #tpu.memory_space<hbm>> -> memref<10000x128xi32, #tpu.memory_space<hbm>>
          %dma_start3A_204 = tpu.memref_slice %arg9[%dma_start3A_193] : memref<2x!tpu.dma_semaphore, #tpu.memory_space<semaphore_mem>> -> memref<1x!tpu.dma_semaphore, #tpu.memory_space<semaphore_mem>>
          %dma_start3A_205 = tpu.memref_squeeze %dma_start3A_204 : memref<1x!tpu.dma_semaphore, #tpu.memory_space<semaphore_mem>> -> memref<!tpu.dma_semaphore, #tpu.memory_space<semaphore_mem>>
          tpu.enqueue_indirect_dma source(%dma_start3A_203 : memref<10000x128xi32, #tpu.memory_space<hbm>>) target(%dma_start3A_197 : memref<128x128xi32, #tpu.memory_space<vmem>>) offsets(%dma_start3A_200 : memref<128xi32, #tpu.memory_space<vmem>>) semaphore(%dma_start3A_205 : memref<!tpu.dma_semaphore, #tpu.memory_space<semaphore_mem>>)
        } else {
        }
        %dma_wait3A_119 = arith.constant 0 : i32
        %dma_wait3A_120 = arith.constant 0 : i32
        %dma_wait3A_121 = arith.constant 0 : i32
        %dma_wait3A_122 = arith.constant 0 : i32
        %dma_wait3A_123 = tpu.memref_slice %arg8[%dma_wait3A_119, %dma_wait3A_121, %dma_wait3A_122] : memref<2x128x128xi32, #tpu.memory_space<vmem>> -> memref<1x128x128xi32, #tpu.memory_space<vmem>>
        %dma_wait3A_124 = tpu.memref_squeeze %dma_wait3A_123 : memref<1x128x128xi32, #tpu.memory_space<vmem>> -> memref<128x128xi32, #tpu.memory_space<vmem>>
        %dma_wait3A_125 = arith.constant 0 : i32
        %dma_wait3A_126 = tpu.memref_slice %arg6[%add3A_112, %dma_wait3A_125] : memref<40x128xi32, #tpu.memory_space<vmem>> -> memref<1x128xi32, #tpu.memory_space<vmem>>
        %dma_wait3A_127 = tpu.memref_squeeze %dma_wait3A_126 : memref<1x128xi32, #tpu.memory_space<vmem>> -> memref<128xi32, #tpu.memory_space<vmem>>
        %dma_wait3A_128 = arith.constant 0 : i32
        %dma_wait3A_129 = arith.constant 0 : i32
        %dma_wait3A_130 = tpu.memref_slice %arg2[%dma_wait3A_128, %dma_wait3A_129] : memref<10000x128xi32, #tpu.memory_space<hbm>> -> memref<10000x128xi32, #tpu.memory_space<hbm>>
        %dma_wait3A_131 = tpu.memref_slice %arg9[%dma_wait3A_120] : memref<2x!tpu.dma_semaphore, #tpu.memory_space<semaphore_mem>> -> memref<1x!tpu.dma_semaphore, #tpu.memory_space<semaphore_mem>>
        %dma_wait3A_132 = tpu.memref_squeeze %dma_wait3A_131 : memref<1x!tpu.dma_semaphore, #tpu.memory_space<semaphore_mem>> -> memref<!tpu.dma_semaphore, #tpu.memory_space<semaphore_mem>>
        tpu.wait_indirect_dma semaphore(%dma_wait3A_132 : memref<!tpu.dma_semaphore, #tpu.memory_space<semaphore_mem>>) src(%dma_wait3A_130 : memref<10000x128xi32, #tpu.memory_space<hbm>>) dst(%dma_wait3A_124 : memref<128x128xi32, #tpu.memory_space<vmem>>)
        %dma_start3A_133 = arith.constant 0 : i32
        %dma_start3A_134 = arith.constant 0 : i32
        %dma_start3A_135 = arith.constant 0 : i32
        %dma_start3A_136 = arith.constant 0 : i32
        %dma_start3A_137 = tpu.memref_slice %arg8[%dma_start3A_133, %dma_start3A_135, %dma_start3A_136] : memref<2x128x128xi32, #tpu.memory_space<vmem>> -> memref<1x128x128xi32, #tpu.memory_space<vmem>>
        %dma_start3A_138 = tpu.memref_squeeze %dma_start3A_137 : memref<1x128x128xi32, #tpu.memory_space<vmem>> -> memref<128x128xi32, #tpu.memory_space<vmem>>
        %dma_start3A_139 = arith.constant 0 : i32
        %dma_start3A_140 = tpu.memref_slice %arg7[%add3A_112, %dma_start3A_139] : memref<40x128xi32, #tpu.memory_space<vmem>> -> memref<1x128xi32, #tpu.memory_space<vmem>>
        %dma_start3A_141 = tpu.memref_squeeze %dma_start3A_140 : memref<1x128xi32, #tpu.memory_space<vmem>> -> memref<128xi32, #tpu.memory_space<vmem>>
        %dma_start3A_142 = arith.constant 0 : i32
        %dma_start3A_143 = arith.constant 0 : i32
        %dma_start3A_144 = tpu.memref_slice %arg11[%dma_start3A_142, %dma_start3A_143] : memref<10240x128xi32, #tpu.memory_space<vmem_shared>> -> memref<10240x128xi32, #tpu.memory_space<vmem_shared>>
        %dma_start3A_145 = tpu.memref_slice %arg10[%dma_start3A_134] : memref<2x!tpu.dma_semaphore, #tpu.memory_space<semaphore_mem>> -> memref<1x!tpu.dma_semaphore, #tpu.memory_space<semaphore_mem>>
        %dma_start3A_146 = tpu.memref_squeeze %dma_start3A_145 : memref<1x!tpu.dma_semaphore, #tpu.memory_space<semaphore_mem>> -> memref<!tpu.dma_semaphore, #tpu.memory_space<semaphore_mem>>
        tpu.enqueue_indirect_dma source(%dma_start3A_138 : memref<128x128xi32, #tpu.memory_space<vmem>>) target(%dma_start3A_144 : memref<10240x128xi32, #tpu.memory_space<vmem_shared>>) offsets(%dma_start3A_141 : memref<128xi32, #tpu.memory_space<vmem>>) semaphore(%dma_start3A_146 : memref<!tpu.dma_semaphore, #tpu.memory_space<semaphore_mem>>) {add = true}
        %mul3A_147 = arith.constant 2 : i32
        %mul3A_148 = arith.muli %add3A_108, %mul3A_147 : i32
        %add3A_149 = arith.constant 1 : i32
        %add3A_150 = arith.addi %mul3A_148, %add3A_149 : i32
        %add3A_151 = arith.constant 1 : i32
        %add3A_152 = arith.addi %add3A_150, %add3A_151 : i32
        %lt3A_153 = arith.constant 40 : i32
        %lt3A_154 = arith.cmpi slt, %add3A_152, %lt3A_153 : i32
        %convert_element_type3A_155 = arith.extui %lt3A_154 : i1 to i32
        %cond3A_156 = arith.constant 0 : i32
        %cond3A_157 = arith.cmpi ne, %convert_element_type3A_155, %cond3A_156 : i32
        scf.if %cond3A_157 {
          %ge3A = arith.constant 1 : i32
          %ge3A_186 = arith.cmpi sge, %add3A_150, %ge3A : i32
          %convert_element_type3A_187 = arith.extui %ge3A_186 : i1 to i32
          %cond3A_188 = arith.constant 0 : i32
          %cond3A_189 = arith.cmpi ne, %convert_element_type3A_187, %cond3A_188 : i32
          scf.if %cond3A_189 {
            %sub3A = arith.constant 1 : i32
            %sub3A_206 = arith.subi %add3A_150, %sub3A : i32
            %dma_wait3A_207 = arith.constant 0 : i32
            %dma_wait3A_208 = arith.constant 0 : i32
            %dma_wait3A_209 = arith.constant 0 : i32
            %dma_wait3A_210 = arith.constant 0 : i32
            %dma_wait3A_211 = tpu.memref_slice %arg8[%dma_wait3A_207, %dma_wait3A_209, %dma_wait3A_210] : memref<2x128x128xi32, #tpu.memory_space<vmem>> -> memref<1x128x128xi32, #tpu.memory_space<vmem>>
            %dma_wait3A_212 = tpu.memref_squeeze %dma_wait3A_211 : memref<1x128x128xi32, #tpu.memory_space<vmem>> -> memref<128x128xi32, #tpu.memory_space<vmem>>
            %dma_wait3A_213 = arith.constant 0 : i32
            %dma_wait3A_214 = tpu.memref_slice %arg7[%sub3A_206, %dma_wait3A_213] : memref<40x128xi32, #tpu.memory_space<vmem>> -> memref<1x128xi32, #tpu.memory_space<vmem>>
            %dma_wait3A_215 = tpu.memref_squeeze %dma_wait3A_214 : memref<1x128xi32, #tpu.memory_space<vmem>> -> memref<128xi32, #tpu.memory_space<vmem>>
            %dma_wait3A_216 = arith.constant 0 : i32
            %dma_wait3A_217 = arith.constant 0 : i32
            %dma_wait3A_218 = tpu.memref_slice %arg11[%dma_wait3A_216, %dma_wait3A_217] : memref<10240x128xi32, #tpu.memory_space<vmem_shared>> -> memref<10240x128xi32, #tpu.memory_space<vmem_shared>>
            %dma_wait3A_219 = tpu.memref_slice %arg10[%dma_wait3A_208] : memref<2x!tpu.dma_semaphore, #tpu.memory_space<semaphore_mem>> -> memref<1x!tpu.dma_semaphore, #tpu.memory_space<semaphore_mem>>
            %dma_wait3A_220 = tpu.memref_squeeze %dma_wait3A_219 : memref<1x!tpu.dma_semaphore, #tpu.memory_space<semaphore_mem>> -> memref<!tpu.dma_semaphore, #tpu.memory_space<semaphore_mem>>
            tpu.wait_indirect_dma semaphore(%dma_wait3A_220 : memref<!tpu.dma_semaphore, #tpu.memory_space<semaphore_mem>>) src(%dma_wait3A_212 : memref<128x128xi32, #tpu.memory_space<vmem>>) dst(%dma_wait3A_218 : memref<10240x128xi32, #tpu.memory_space<vmem_shared>>)
          } else {
          }
          %add3A_190 = arith.constant 1 : i32
          %add3A_191 = arith.addi %add3A_150, %add3A_190 : i32
          %dma_start3A_192 = arith.constant 0 : i32
          %dma_start3A_193 = arith.constant 0 : i32
          %dma_start3A_194 = arith.constant 0 : i32
          %dma_start3A_195 = arith.constant 0 : i32
          %dma_start3A_196 = tpu.memref_slice %arg8[%dma_start3A_192, %dma_start3A_194, %dma_start3A_195] : memref<2x128x128xi32, #tpu.memory_space<vmem>> -> memref<1x128x128xi32, #tpu.memory_space<vmem>>
          %dma_start3A_197 = tpu.memref_squeeze %dma_start3A_196 : memref<1x128x128xi32, #tpu.memory_space<vmem>> -> memref<128x128xi32, #tpu.memory_space<vmem>>
          %dma_start3A_198 = arith.constant 0 : i32
          %dma_start3A_199 = tpu.memref_slice %arg6[%add3A_191, %dma_start3A_198] : memref<40x128xi32, #tpu.memory_space<vmem>> -> memref<1x128xi32, #tpu.memory_space<vmem>>
          %dma_start3A_200 = tpu.memref_squeeze %dma_start3A_199 : memref<1x128xi32, #tpu.memory_space<vmem>> -> memref<128xi32, #tpu.memory_space<vmem>>
          %dma_start3A_201 = arith.constant 0 : i32
          %dma_start3A_202 = arith.constant 0 : i32
          %dma_start3A_203 = tpu.memref_slice %arg2[%dma_start3A_201, %dma_start3A_202] : memref<10000x128xi32, #tpu.memory_space<hbm>> -> memref<10000x128xi32, #tpu.memory_space<hbm>>
          %dma_start3A_204 = tpu.memref_slice %arg9[%dma_start3A_193] : memref<2x!tpu.dma_semaphore, #tpu.memory_space<semaphore_mem>> -> memref<1x!tpu.dma_semaphore, #tpu.memory_space<semaphore_mem>>
          %dma_start3A_205 = tpu.memref_squeeze %dma_start3A_204 : memref<1x!tpu.dma_semaphore, #tpu.memory_space<semaphore_mem>> -> memref<!tpu.dma_semaphore, #tpu.memory_space<semaphore_mem>>
          tpu.enqueue_indirect_dma source(%dma_start3A_203 : memref<10000x128xi32, #tpu.memory_space<hbm>>) target(%dma_start3A_197 : memref<128x128xi32, #tpu.memory_space<vmem>>) offsets(%dma_start3A_200 : memref<128xi32, #tpu.memory_space<vmem>>) semaphore(%dma_start3A_205 : memref<!tpu.dma_semaphore, #tpu.memory_space<semaphore_mem>>)
        } else {
        }
        %dma_wait3A_158 = arith.constant 1 : i32
        %dma_wait3A_159 = arith.constant 1 : i32
        %dma_wait3A_160 = arith.constant 0 : i32
        %dma_wait3A_161 = arith.constant 0 : i32
        %dma_wait3A_162 = tpu.memref_slice %arg8[%dma_wait3A_158, %dma_wait3A_160, %dma_wait3A_161] : memref<2x128x128xi32, #tpu.memory_space<vmem>> -> memref<1x128x128xi32, #tpu.memory_space<vmem>>
        %dma_wait3A_163 = tpu.memref_squeeze %dma_wait3A_162 : memref<1x128x128xi32, #tpu.memory_space<vmem>> -> memref<128x128xi32, #tpu.memory_space<vmem>>
        %dma_wait3A_164 = arith.constant 0 : i32
        %dma_wait3A_165 = tpu.memref_slice %arg6[%add3A_150, %dma_wait3A_164] : memref<40x128xi32, #tpu.memory_space<vmem>> -> memref<1x128xi32, #tpu.memory_space<vmem>>
        %dma_wait3A_166 = tpu.memref_squeeze %dma_wait3A_165 : memref<1x128xi32, #tpu.memory_space<vmem>> -> memref<128xi32, #tpu.memory_space<vmem>>
        %dma_wait3A_167 = arith.constant 0 : i32
        %dma_wait3A_168 = arith.constant 0 : i32
        %dma_wait3A_169 = tpu.memref_slice %arg2[%dma_wait3A_167, %dma_wait3A_168] : memref<10000x128xi32, #tpu.memory_space<hbm>> -> memref<10000x128xi32, #tpu.memory_space<hbm>>
        %dma_wait3A_170 = tpu.memref_slice %arg9[%dma_wait3A_159] : memref<2x!tpu.dma_semaphore, #tpu.memory_space<semaphore_mem>> -> memref<1x!tpu.dma_semaphore, #tpu.memory_space<semaphore_mem>>
        %dma_wait3A_171 = tpu.memref_squeeze %dma_wait3A_170 : memref<1x!tpu.dma_semaphore, #tpu.memory_space<semaphore_mem>> -> memref<!tpu.dma_semaphore, #tpu.memory_space<semaphore_mem>>
        tpu.wait_indirect_dma semaphore(%dma_wait3A_171 : memref<!tpu.dma_semaphore, #tpu.memory_space<semaphore_mem>>) src(%dma_wait3A_169 : memref<10000x128xi32, #tpu.memory_space<hbm>>) dst(%dma_wait3A_163 : memref<128x128xi32, #tpu.memory_space<vmem>>)
        %dma_start3A_172 = arith.constant 1 : i32
        %dma_start3A_173 = arith.constant 1 : i32
        %dma_start3A_174 = arith.constant 0 : i32
        %dma_start3A_175 = arith.constant 0 : i32
        %dma_start3A_176 = tpu.memref_slice %arg8[%dma_start3A_172, %dma_start3A_174, %dma_start3A_175] : memref<2x128x128xi32, #tpu.memory_space<vmem>> -> memref<1x128x128xi32, #tpu.memory_space<vmem>>
        %dma_start3A_177 = tpu.memref_squeeze %dma_start3A_176 : memref<1x128x128xi32, #tpu.memory_space<vmem>> -> memref<128x128xi32, #tpu.memory_space<vmem>>
        %dma_start3A_178 = arith.constant 0 : i32
        %dma_start3A_179 = tpu.memref_slice %arg7[%add3A_150, %dma_start3A_178] : memref<40x128xi32, #tpu.memory_space<vmem>> -> memref<1x128xi32, #tpu.memory_space<vmem>>
        %dma_start3A_180 = tpu.memref_squeeze %dma_start3A_179 : memref<1x128xi32, #tpu.memory_space<vmem>> -> memref<128xi32, #tpu.memory_space<vmem>>
        %dma_start3A_181 = arith.constant 0 : i32
        %dma_start3A_182 = arith.constant 0 : i32
        %dma_start3A_183 = tpu.memref_slice %arg11[%dma_start3A_181, %dma_start3A_182] : memref<10240x128xi32, #tpu.memory_space<vmem_shared>> -> memref<10240x128xi32, #tpu.memory_space<vmem_shared>>
        %dma_start3A_184 = tpu.memref_slice %arg10[%dma_start3A_173] : memref<2x!tpu.dma_semaphore, #tpu.memory_space<semaphore_mem>> -> memref<1x!tpu.dma_semaphore, #tpu.memory_space<semaphore_mem>>
        %dma_start3A_185 = tpu.memref_squeeze %dma_start3A_184 : memref<1x!tpu.dma_semaphore, #tpu.memory_space<semaphore_mem>> -> memref<!tpu.dma_semaphore, #tpu.memory_space<semaphore_mem>>
        tpu.enqueue_indirect_dma source(%dma_start3A_177 : memref<128x128xi32, #tpu.memory_space<vmem>>) target(%dma_start3A_183 : memref<10240x128xi32, #tpu.memory_space<vmem_shared>>) offsets(%dma_start3A_180 : memref<128xi32, #tpu.memory_space<vmem>>) semaphore(%dma_start3A_185 : memref<!tpu.dma_semaphore, #tpu.memory_space<semaphore_mem>>) {add = true}
      }
      %scan3A_74 = arith.constant 20 : i32
      %dma_wait3A = arith.constant 0 : i32
      %dma_wait3A_75 = arith.constant 38 : i32
      %dma_wait3A_76 = arith.constant 0 : i32
      %dma_wait3A_77 = arith.constant 0 : i32
      %dma_wait3A_78 = arith.constant 0 : i32
      %dma_wait3A_79 = tpu.memref_slice %arg8[%dma_wait3A, %dma_wait3A_77, %dma_wait3A_78] : memref<2x128x128xi32, #tpu.memory_space<vmem>> -> memref<1x128x128xi32, #tpu.memory_space<vmem>>
      %dma_wait3A_80 = tpu.memref_squeeze %dma_wait3A_79 : memref<1x128x128xi32, #tpu.memory_space<vmem>> -> memref<128x128xi32, #tpu.memory_space<vmem>>
      %dma_wait3A_81 = arith.constant 0 : i32
      %dma_wait3A_82 = tpu.memref_slice %arg7[%dma_wait3A_75, %dma_wait3A_81] : memref<40x128xi32, #tpu.memory_space<vmem>> -> memref<1x128xi32, #tpu.memory_space<vmem>>
      %dma_wait3A_83 = tpu.memref_squeeze %dma_wait3A_82 : memref<1x128xi32, #tpu.memory_space<vmem>> -> memref<128xi32, #tpu.memory_space<vmem>>
      %dma_wait3A_84 = arith.constant 0 : i32
      %dma_wait3A_85 = arith.constant 0 : i32
      %dma_wait3A_86 = tpu.memref_slice %arg11[%dma_wait3A_84, %dma_wait3A_85] : memref<10240x128xi32, #tpu.memory_space<vmem_shared>> -> memref<10240x128xi32, #tpu.memory_space<vmem_shared>>
      %dma_wait3A_87 = tpu.memref_slice %arg10[%dma_wait3A_76] : memref<2x!tpu.dma_semaphore, #tpu.memory_space<semaphore_mem>> -> memref<1x!tpu.dma_semaphore, #tpu.memory_space<semaphore_mem>>
      %dma_wait3A_88 = tpu.memref_squeeze %dma_wait3A_87 : memref<1x!tpu.dma_semaphore, #tpu.memory_space<semaphore_mem>> -> memref<!tpu.dma_semaphore, #tpu.memory_space<semaphore_mem>>
      tpu.wait_indirect_dma semaphore(%dma_wait3A_88 : memref<!tpu.dma_semaphore, #tpu.memory_space<semaphore_mem>>) src(%dma_wait3A_80 : memref<128x128xi32, #tpu.memory_space<vmem>>) dst(%dma_wait3A_86 : memref<10240x128xi32, #tpu.memory_space<vmem_shared>>)
      %dma_wait3A_89 = arith.constant 1 : i32
      %dma_wait3A_90 = arith.constant 39 : i32
      %dma_wait3A_91 = arith.constant 1 : i32
      %dma_wait3A_92 = arith.constant 0 : i32
      %dma_wait3A_93 = arith.constant 0 : i32
      %dma_wait3A_94 = tpu.memref_slice %arg8[%dma_wait3A_89, %dma_wait3A_92, %dma_wait3A_93] : memref<2x128x128xi32, #tpu.memory_space<vmem>> -> memref<1x128x128xi32, #tpu.memory_space<vmem>>
      %dma_wait3A_95 = tpu.memref_squeeze %dma_wait3A_94 : memref<1x128x128xi32, #tpu.memory_space<vmem>> -> memref<128x128xi32, #tpu.memory_space<vmem>>
      %dma_wait3A_96 = arith.constant 0 : i32
      %dma_wait3A_97 = tpu.memref_slice %arg7[%dma_wait3A_90, %dma_wait3A_96] : memref<40x128xi32, #tpu.memory_space<vmem>> -> memref<1x128xi32, #tpu.memory_space<vmem>>
      %dma_wait3A_98 = tpu.memref_squeeze %dma_wait3A_97 : memref<1x128xi32, #tpu.memory_space<vmem>> -> memref<128xi32, #tpu.memory_space<vmem>>
      %dma_wait3A_99 = arith.constant 0 : i32
      %dma_wait3A_100 = arith.constant 0 : i32
      %dma_wait3A_101 = tpu.memref_slice %arg11[%dma_wait3A_99, %dma_wait3A_100] : memref<10240x128xi32, #tpu.memory_space<vmem_shared>> -> memref<10240x128xi32, #tpu.memory_space<vmem_shared>>
      %dma_wait3A_102 = tpu.memref_slice %arg10[%dma_wait3A_91] : memref<2x!tpu.dma_semaphore, #tpu.memory_space<semaphore_mem>> -> memref<1x!tpu.dma_semaphore, #tpu.memory_space<semaphore_mem>>
      %dma_wait3A_103 = tpu.memref_squeeze %dma_wait3A_102 : memref<1x!tpu.dma_semaphore, #tpu.memory_space<semaphore_mem>> -> memref<!tpu.dma_semaphore, #tpu.memory_space<semaphore_mem>>
      tpu.wait_indirect_dma semaphore(%dma_wait3A_103 : memref<!tpu.dma_semaphore, #tpu.memory_space<semaphore_mem>>) src(%dma_wait3A_95 : memref<128x128xi32, #tpu.memory_space<vmem>>) dst(%dma_wait3A_101 : memref<10240x128xi32, #tpu.memory_space<vmem_shared>>)
    } else {
    }
    %barrier3A_47 = arith.constant 0 : index
    tpu.barrier barrier_id(%barrier3A_47)
    %mul3A_48 = arith.constant 640 : i32
    %mul3A_49 = arith.muli %arg1, %mul3A_48 : i32
    %mul3A_50 = arith.constant 640 : i32
    %mul3A_51 = arith.muli %arg1, %mul3A_50 : i32
    "tpu.region"() ({
      %run_scoped3A_52 = tpu.sem_alloc : memref<!tpu.dma_semaphore, #tpu.memory_space<semaphore_mem>>
      %dma_start3A = arith.constant 0 : i32
      %dma_start3A_53 = tpu.memref_slice %arg5[%arg0, %mul3A_51, %dma_start3A] : memref<2x10240x128xi32, #tpu.memory_space<hbm>> -> memref<1x640x128xi32, #tpu.memory_space<hbm>>
      %dma_start3A_54 = tpu.memref_squeeze %dma_start3A_53 : memref<1x640x128xi32, #tpu.memory_space<hbm>> -> memref<640x128xi32, #tpu.memory_space<hbm>>
      %dma_start3A_55 = arith.constant 0 : i32
      %dma_start3A_56 = tpu.memref_slice %arg11[%mul3A_49, %dma_start3A_55] : memref<10240x128xi32, #tpu.memory_space<vmem_shared>> -> memref<640x128xi32, #tpu.memory_space<vmem_shared>>
      tpu.enqueue_dma source(%dma_start3A_56 : memref<640x128xi32, #tpu.memory_space<vmem_shared>>) target(%dma_start3A_54 : memref<640x128xi32, #tpu.memory_space<hbm>>) target_semaphore(%run_scoped3A_52 : memref<!tpu.dma_semaphore, #tpu.memory_space<semaphore_mem>>)
      %dma_wait3A = arith.constant 0 : i32
      %dma_wait3A_57 = tpu.memref_slice %arg5[%arg0, %mul3A_51, %dma_wait3A] : memref<2x10240x128xi32, #tpu.memory_space<hbm>> -> memref<1x640x128xi32, #tpu.memory_space<hbm>>
      %dma_wait3A_58 = tpu.memref_squeeze %dma_wait3A_57 : memref<1x640x128xi32, #tpu.memory_space<hbm>> -> memref<640x128xi32, #tpu.memory_space<hbm>>
      %dma_wait3A_59 = arith.constant 0 : i32
      %dma_wait3A_60 = tpu.memref_slice %arg11[%mul3A_49, %dma_wait3A_59] : memref<10240x128xi32, #tpu.memory_space<vmem_shared>> -> memref<640x128xi32, #tpu.memory_space<vmem_shared>>
      tpu.wait_dma2 semaphore(%run_scoped3A_52 : memref<!tpu.dma_semaphore, #tpu.memory_space<semaphore_mem>>) src(%dma_wait3A_60 : memref<640x128xi32, #tpu.memory_space<vmem_shared>>) dst(%dma_wait3A_58 : memref<640x128xi32, #tpu.memory_space<hbm>>)
      tpu.yield
    }) : () -> ()
    return
  }
}

#map = affine_map<(d0, d1) -> (0, 0)>
#map1 = affine_map<(d0, d1) -> (0, 0, 0)>
module attributes {stable_mosaic.version = 14 : i64} {
  func.func @_sc_ep_body(%arg0: i32, %arg1: i32, %arg2: memref<10000x128xi32, #tpu.memory_space<hbm>>, %arg3: memref<2560x128xi32, #tpu.memory_space<hbm>>, %arg4: memref<2560x128xi32, #tpu.memory_space<hbm>>, %arg5: memref<2x10240x128xi32, #tpu.memory_space<hbm>>, %arg6: memref<40x128xi32, #tpu.memory_space<vmem>>, %arg7: memref<40x128xi32, #tpu.memory_space<vmem>>, %arg8: memref<2x128x128xi32, #tpu.memory_space<vmem>>, %arg9: memref<2x!tpu.dma_semaphore, #tpu.memory_space<semaphore_mem>>, %arg10: memref<2x!tpu.dma_semaphore, #tpu.memory_space<semaphore_mem>>, %arg11: memref<10240x128xi32, #tpu.memory_space<vmem_shared>>) attributes {dimension_semantics = [#tpu.dimension_semantics<core_parallel>, #tpu.dimension_semantics<subcore_parallel>], iteration_bounds = array<i64: 2, 16>, scalar_prefetch = 0 : i64, scratch_operands = 6 : i64, tpu.core_type = #tpu.core_type<sc_vector_subcore>, window_params = [{transform_indices = #map}, {transform_indices = #map}, {transform_indices = #map}, {transform_indices = #map1}]} {
    %mul3A = arith.constant 16 : i32
    %mul3A_0 = arith.muli %arg0, %mul3A : i32
    %add3A = arith.addi %mul3A_0, %arg1 : i32
    %scan3A = arith.constant 0 : i32
    %scan3A_1 = arith.constant 1024 : i32
    %scan3A_2 = arith.addi %scan3A, %scan3A_1 : i32
    %scan3A_3 = arith.constant 1 : i32
    scf.for %scan3A_52 = %scan3A to %scan3A_2 step %scan3A_3  : i32 {
      %mul3A_53 = arith.constant 1 : i32
      %mul3A_54 = arith.muli %scan3A_52, %mul3A_53 : i32
      %add3A_55 = arith.constant 0 : i32
      %add3A_56 = arith.addi %add3A_55, %mul3A_54 : i32
      %broadcast_in_dim3A = arith.constant 0 : i32
      %broadcast_in_dim3A_57 = vector.broadcast %broadcast_in_dim3A : i32 to vector<16xi32>
      %jit3A = arith.constant 8 : i32
      %div3A = arith.divsi %add3A_56, %jit3A : i32
      %sign3A = arith.constant 0 : i32
      %sign3A_58 = arith.cmpi sgt, %add3A_56, %sign3A : i32
      %sign3A_59 = arith.extui %sign3A_58 : i1 to i32
      %sign3A_60 = arith.constant 0 : i32
      %sign3A_61 = arith.cmpi slt, %add3A_56, %sign3A_60 : i32
      %sign3A_62 = arith.extui %sign3A_61 : i1 to i32
      %sign3A_63 = arith.subi %sign3A_59, %sign3A_62 : i32
      %sign3A_64 = arith.constant 0 : i32
      %sign3A_65 = arith.cmpi sgt, %jit3A, %sign3A_64 : i32
      %sign3A_66 = arith.extui %sign3A_65 : i1 to i32
      %sign3A_67 = arith.constant 0 : i32
      %sign3A_68 = arith.cmpi slt, %jit3A, %sign3A_67 : i32
      %sign3A_69 = arith.extui %sign3A_68 : i1 to i32
      %sign3A_70 = arith.subi %sign3A_66, %sign3A_69 : i32
      %ne3A = arith.cmpi ne, %sign3A_63, %sign3A_70 : i32
      %rem3A = arith.remsi %add3A_56, %jit3A : i32
      %ne3A_71 = arith.constant 0 : i32
      %ne3A_72 = arith.cmpi ne, %rem3A, %ne3A_71 : i32
      %and3A = arith.andi %ne3A, %ne3A_72 : i1
      %sub3A = arith.constant 1 : i32
      %sub3A_73 = arith.subi %div3A, %sub3A : i32
      %select_n3A_74 = arith.select %and3A, %sub3A_73, %div3A : i32
      %jit3A_75 = arith.constant 8 : i32
      %eq3A_76 = arith.constant 0 : i32
      %eq3A_77 = arith.cmpi eq, %jit3A_75, %eq3A_76 : i32
      %jit3A_78 = arith.constant 1 : i32
      %select_n3A_79 = arith.select %eq3A_77, %jit3A_78, %jit3A_75 : i32
      %rem3A_80 = arith.remsi %add3A_56, %select_n3A_79 : i32
      %ne3A_81 = arith.constant 0 : i32
      %ne3A_82 = arith.cmpi ne, %rem3A_80, %ne3A_81 : i32
      %lt3A = arith.constant 0 : i32
      %lt3A_83 = arith.cmpi slt, %rem3A_80, %lt3A : i32
      %lt3A_84 = arith.constant 0 : i32
      %lt3A_85 = arith.cmpi slt, %select_n3A_79, %lt3A_84 : i32
      %ne3A_86 = arith.xori %lt3A_83, %lt3A_85 : i1
      %and3A_87 = arith.andi %ne3A_86, %ne3A_82 : i1
      %add3A_88 = arith.addi %rem3A_80, %select_n3A_79 : i32
      %select_n3A_89 = arith.select %and3A_87, %add3A_88, %rem3A_80 : i32
      %mul3A_90 = arith.constant 16 : i32
      %mul3A_91 = arith.muli %select_n3A_89, %mul3A_90 : i32
      %swap3A = arith.constant 0 : i32
      %swap3A_92 = arith.index_cast %swap3A : i32 to index
      %swap3A_93 = arith.index_cast %select_n3A_74 : i32 to index
      %swap3A_94 = arith.index_cast %mul3A_91 : i32 to index
      %swap3A_95 = tpu.vector_load %arg8[%swap3A_92, %swap3A_93, %swap3A_94] {strides = array<i32>} : memref<2x128x128xi32, #tpu.memory_space<vmem>>, vector<1x1x16xi32>,
      %swap3A_96 = vector.shape_cast %swap3A_95 : vector<1x1x16xi32> to vector<16xi32>
      %swap3A_97 = vector.shape_cast %broadcast_in_dim3A_57 : vector<16xi32> to vector<1x1x16xi32>
      tpu.vector_store %arg8[%swap3A_92, %swap3A_93, %swap3A_94], %swap3A_97 {strides = array<i32>} : memref<2x128x128xi32, #tpu.memory_space<vmem>>, vector<1x1x16xi32>,
    }
    %scan3A_4 = arith.constant 1024 : i32
    %mul3A_5 = arith.constant 640 : i32
    %mul3A_6 = arith.muli %arg1, %mul3A_5 : i32
    %add3A_7 = arith.constant 0 : i32
    %add3A_8 = arith.addi %mul3A_6, %add3A_7 : i32
    %run_scoped3A = arith.constant 0 : i32
    "tpu.region"() ({
      %run_scoped3A_52 = tpu.sem_alloc : memref<!tpu.dma_semaphore, #tpu.memory_space<semaphore_mem>>
      %dma_start3A = arith.constant 0 : i32
      %dma_start3A_53 = arith.constant 0 : i32
      %dma_start3A_54 = tpu.memref_slice %arg8[%run_scoped3A, %dma_start3A, %dma_start3A_53] : memref<2x128x128xi32, #tpu.memory_space<vmem>> -> memref<1x128x128xi32, #tpu.memory_space<vmem>>
      %dma_start3A_55 = tpu.memref_squeeze %dma_start3A_54 : memref<1x128x128xi32, #tpu.memory_space<vmem>> -> memref<128x128xi32, #tpu.memory_space<vmem>>
      %dma_start3A_56 = arith.constant 0 : i32
      %dma_start3A_57 = tpu.memref_slice %arg11[%add3A_8, %dma_start3A_56] : memref<10240x128xi32, #tpu.memory_space<vmem_shared>> -> memref<128x128xi32, #tpu.memory_space<vmem_shared>>
      %dma_start3A_58 = arith.constant 0 : i32
      %dma_start3A_59 = tpu.memref_slice %arg11[%add3A_8, %dma_start3A_58] : memref<10240x128xi32, #tpu.memory_space<vmem_shared>> -> memref<128x128xi32, #tpu.memory_space<vmem_shared>>
      %dma_start3A_60 = arith.constant 0 : i32
      %dma_start3A_61 = arith.constant 0 : i32
      %dma_start3A_62 = tpu.memref_slice %arg8[%run_scoped3A, %dma_start3A_60, %dma_start3A_61] : memref<2x128x128xi32, #tpu.memory_space<vmem>> -> memref<1x128x128xi32, #tpu.memory_space<vmem>>
      %dma_start3A_63 = tpu.memref_squeeze %dma_start3A_62 : memref<1x128x128xi32, #tpu.memory_space<vmem>> -> memref<128x128xi32, #tpu.memory_space<vmem>>
      tpu.enqueue_dma source(%dma_start3A_63 : memref<128x128xi32, #tpu.memory_space<vmem>>) target(%dma_start3A_59 : memref<128x128xi32, #tpu.memory_space<vmem_shared>>) target_semaphore(%run_scoped3A_52 : memref<!tpu.dma_semaphore, #tpu.memory_space<semaphore_mem>>)
      %dma_wait3A = arith.constant 0 : i32
      %dma_wait3A_64 = arith.constant 0 : i32
      %dma_wait3A_65 = tpu.memref_slice %arg8[%run_scoped3A, %dma_wait3A, %dma_wait3A_64] : memref<2x128x128xi32, #tpu.memory_space<vmem>> -> memref<1x128x128xi32, #tpu.memory_space<vmem>>
      %dma_wait3A_66 = tpu.memref_squeeze %dma_wait3A_65 : memref<1x128x128xi32, #tpu.memory_space<vmem>> -> memref<128x128xi32, #tpu.memory_space<vmem>>
      %dma_wait3A_67 = arith.constant 0 : i32
      %dma_wait3A_68 = tpu.memref_slice %arg11[%add3A_8, %dma_wait3A_67] : memref<10240x128xi32, #tpu.memory_space<vmem_shared>> -> memref<128x128xi32, #tpu.memory_space<vmem_shared>>
      %dma_wait3A_69 = arith.constant 0 : i32
      %dma_wait3A_70 = tpu.memref_slice %arg11[%add3A_8, %dma_wait3A_69] : memref<10240x128xi32, #tpu.memory_space<vmem_shared>> -> memref<128x128xi32, #tpu.memory_space<vmem_shared>>
      %dma_wait3A_71 = arith.constant 0 : i32
      %dma_wait3A_72 = arith.constant 0 : i32
      %dma_wait3A_73 = tpu.memref_slice %arg8[%run_scoped3A, %dma_wait3A_71, %dma_wait3A_72] : memref<2x128x128xi32, #tpu.memory_space<vmem>> -> memref<1x128x128xi32, #tpu.memory_space<vmem>>
      %dma_wait3A_74 = tpu.memref_squeeze %dma_wait3A_73 : memref<1x128x128xi32, #tpu.memory_space<vmem>> -> memref<128x128xi32, #tpu.memory_space<vmem>>
      tpu.wait_dma2 semaphore(%run_scoped3A_52 : memref<!tpu.dma_semaphore, #tpu.memory_space<semaphore_mem>>) src(%dma_wait3A_74 : memref<128x128xi32, #tpu.memory_space<vmem>>) dst(%dma_wait3A_70 : memref<128x128xi32, #tpu.memory_space<vmem_shared>>)
      tpu.yield
    }) : () -> ()
    %mul3A_9 = arith.constant 640 : i32
    %mul3A_10 = arith.muli %arg1, %mul3A_9 : i32
    %add3A_11 = arith.constant 128 : i32
    %add3A_12 = arith.addi %mul3A_10, %add3A_11 : i32
    %run_scoped3A_13 = arith.constant 0 : i32
    "tpu.region"() ({
      %run_scoped3A_52 = tpu.sem_alloc : memref<!tpu.dma_semaphore, #tpu.memory_space<semaphore_mem>>
      %dma_start3A = arith.constant 0 : i32
      %dma_start3A_53 = arith.constant 0 : i32
      %dma_start3A_54 = tpu.memref_slice %arg8[%run_scoped3A_13, %dma_start3A, %dma_start3A_53] : memref<2x128x128xi32, #tpu.memory_space<vmem>> -> memref<1x128x128xi32, #tpu.memory_space<vmem>>
      %dma_start3A_55 = tpu.memref_squeeze %dma_start3A_54 : memref<1x128x128xi32, #tpu.memory_space<vmem>> -> memref<128x128xi32, #tpu.memory_space<vmem>>
      %dma_start3A_56 = arith.constant 0 : i32
      %dma_start3A_57 = tpu.memref_slice %arg11[%add3A_12, %dma_start3A_56] : memref<10240x128xi32, #tpu.memory_space<vmem_shared>> -> memref<128x128xi32, #tpu.memory_space<vmem_shared>>
      %dma_start3A_58 = arith.constant 0 : i32
      %dma_start3A_59 = tpu.memref_slice %arg11[%add3A_12, %dma_start3A_58] : memref<10240x128xi32, #tpu.memory_space<vmem_shared>> -> memref<128x128xi32, #tpu.memory_space<vmem_shared>>
      %dma_start3A_60 = arith.constant 0 : i32
      %dma_start3A_61 = arith.constant 0 : i32
      %dma_start3A_62 = tpu.memref_slice %arg8[%run_scoped3A_13, %dma_start3A_60, %dma_start3A_61] : memref<2x128x128xi32, #tpu.memory_space<vmem>> -> memref<1x128x128xi32, #tpu.memory_space<vmem>>
      %dma_start3A_63 = tpu.memref_squeeze %dma_start3A_62 : memref<1x128x128xi32, #tpu.memory_space<vmem>> -> memref<128x128xi32, #tpu.memory_space<vmem>>
      tpu.enqueue_dma source(%dma_start3A_63 : memref<128x128xi32, #tpu.memory_space<vmem>>) target(%dma_start3A_59 : memref<128x128xi32, #tpu.memory_space<vmem_shared>>) target_semaphore(%run_scoped3A_52 : memref<!tpu.dma_semaphore, #tpu.memory_space<semaphore_mem>>)
      %dma_wait3A = arith.constant 0 : i32
      %dma_wait3A_64 = arith.constant 0 : i32
      %dma_wait3A_65 = tpu.memref_slice %arg8[%run_scoped3A_13, %dma_wait3A, %dma_wait3A_64] : memref<2x128x128xi32, #tpu.memory_space<vmem>> -> memref<1x128x128xi32, #tpu.memory_space<vmem>>
      %dma_wait3A_66 = tpu.memref_squeeze %dma_wait3A_65 : memref<1x128x128xi32, #tpu.memory_space<vmem>> -> memref<128x128xi32, #tpu.memory_space<vmem>>
      %dma_wait3A_67 = arith.constant 0 : i32
      %dma_wait3A_68 = tpu.memref_slice %arg11[%add3A_12, %dma_wait3A_67] : memref<10240x128xi32, #tpu.memory_space<vmem_shared>> -> memref<128x128xi32, #tpu.memory_space<vmem_shared>>
      %dma_wait3A_69 = arith.constant 0 : i32
      %dma_wait3A_70 = tpu.memref_slice %arg11[%add3A_12, %dma_wait3A_69] : memref<10240x128xi32, #tpu.memory_space<vmem_shared>> -> memref<128x128xi32, #tpu.memory_space<vmem_shared>>
      %dma_wait3A_71 = arith.constant 0 : i32
      %dma_wait3A_72 = arith.constant 0 : i32
      %dma_wait3A_73 = tpu.memref_slice %arg8[%run_scoped3A_13, %dma_wait3A_71, %dma_wait3A_72] : memref<2x128x128xi32, #tpu.memory_space<vmem>> -> memref<1x128x128xi32, #tpu.memory_space<vmem>>
      %dma_wait3A_74 = tpu.memref_squeeze %dma_wait3A_73 : memref<1x128x128xi32, #tpu.memory_space<vmem>> -> memref<128x128xi32, #tpu.memory_space<vmem>>
      tpu.wait_dma2 semaphore(%run_scoped3A_52 : memref<!tpu.dma_semaphore, #tpu.memory_space<semaphore_mem>>) src(%dma_wait3A_74 : memref<128x128xi32, #tpu.memory_space<vmem>>) dst(%dma_wait3A_70 : memref<128x128xi32, #tpu.memory_space<vmem_shared>>)
      tpu.yield
    }) : () -> ()
    %mul3A_14 = arith.constant 640 : i32
    %mul3A_15 = arith.muli %arg1, %mul3A_14 : i32
    %add3A_16 = arith.constant 256 : i32
    %add3A_17 = arith.addi %mul3A_15, %add3A_16 : i32
    %run_scoped3A_18 = arith.constant 0 : i32
    "tpu.region"() ({
      %run_scoped3A_52 = tpu.sem_alloc : memref<!tpu.dma_semaphore, #tpu.memory_space<semaphore_mem>>
      %dma_start3A = arith.constant 0 : i32
      %dma_start3A_53 = arith.constant 0 : i32
      %dma_start3A_54 = tpu.memref_slice %arg8[%run_scoped3A_18, %dma_start3A, %dma_start3A_53] : memref<2x128x128xi32, #tpu.memory_space<vmem>> -> memref<1x128x128xi32, #tpu.memory_space<vmem>>
      %dma_start3A_55 = tpu.memref_squeeze %dma_start3A_54 : memref<1x128x128xi32, #tpu.memory_space<vmem>> -> memref<128x128xi32, #tpu.memory_space<vmem>>
      %dma_start3A_56 = arith.constant 0 : i32
      %dma_start3A_57 = tpu.memref_slice %arg11[%add3A_17, %dma_start3A_56] : memref<10240x128xi32, #tpu.memory_space<vmem_shared>> -> memref<128x128xi32, #tpu.memory_space<vmem_shared>>
      %dma_start3A_58 = arith.constant 0 : i32
      %dma_start3A_59 = tpu.memref_slice %arg11[%add3A_17, %dma_start3A_58] : memref<10240x128xi32, #tpu.memory_space<vmem_shared>> -> memref<128x128xi32, #tpu.memory_space<vmem_shared>>
      %dma_start3A_60 = arith.constant 0 : i32
      %dma_start3A_61 = arith.constant 0 : i32
      %dma_start3A_62 = tpu.memref_slice %arg8[%run_scoped3A_18, %dma_start3A_60, %dma_start3A_61] : memref<2x128x128xi32, #tpu.memory_space<vmem>> -> memref<1x128x128xi32, #tpu.memory_space<vmem>>
      %dma_start3A_63 = tpu.memref_squeeze %dma_start3A_62 : memref<1x128x128xi32, #tpu.memory_space<vmem>> -> memref<128x128xi32, #tpu.memory_space<vmem>>
      tpu.enqueue_dma source(%dma_start3A_63 : memref<128x128xi32, #tpu.memory_space<vmem>>) target(%dma_start3A_59 : memref<128x128xi32, #tpu.memory_space<vmem_shared>>) target_semaphore(%run_scoped3A_52 : memref<!tpu.dma_semaphore, #tpu.memory_space<semaphore_mem>>)
      %dma_wait3A = arith.constant 0 : i32
      %dma_wait3A_64 = arith.constant 0 : i32
      %dma_wait3A_65 = tpu.memref_slice %arg8[%run_scoped3A_18, %dma_wait3A, %dma_wait3A_64] : memref<2x128x128xi32, #tpu.memory_space<vmem>> -> memref<1x128x128xi32, #tpu.memory_space<vmem>>
      %dma_wait3A_66 = tpu.memref_squeeze %dma_wait3A_65 : memref<1x128x128xi32, #tpu.memory_space<vmem>> -> memref<128x128xi32, #tpu.memory_space<vmem>>
      %dma_wait3A_67 = arith.constant 0 : i32
      %dma_wait3A_68 = tpu.memref_slice %arg11[%add3A_17, %dma_wait3A_67] : memref<10240x128xi32, #tpu.memory_space<vmem_shared>> -> memref<128x128xi32, #tpu.memory_space<vmem_shared>>
      %dma_wait3A_69 = arith.constant 0 : i32
      %dma_wait3A_70 = tpu.memref_slice %arg11[%add3A_17, %dma_wait3A_69] : memref<10240x128xi32, #tpu.memory_space<vmem_shared>> -> memref<128x128xi32, #tpu.memory_space<vmem_shared>>
      %dma_wait3A_71 = arith.constant 0 : i32
      %dma_wait3A_72 = arith.constant 0 : i32
      %dma_wait3A_73 = tpu.memref_slice %arg8[%run_scoped3A_18, %dma_wait3A_71, %dma_wait3A_72] : memref<2x128x128xi32, #tpu.memory_space<vmem>> -> memref<1x128x128xi32, #tpu.memory_space<vmem>>
      %dma_wait3A_74 = tpu.memref_squeeze %dma_wait3A_73 : memref<1x128x128xi32, #tpu.memory_space<vmem>> -> memref<128x128xi32, #tpu.memory_space<vmem>>
      tpu.wait_dma2 semaphore(%run_scoped3A_52 : memref<!tpu.dma_semaphore, #tpu.memory_space<semaphore_mem>>) src(%dma_wait3A_74 : memref<128x128xi32, #tpu.memory_space<vmem>>) dst(%dma_wait3A_70 : memref<128x128xi32, #tpu.memory_space<vmem_shared>>)
      tpu.yield
    }) : () -> ()
    %mul3A_19 = arith.constant 640 : i32
    %mul3A_20 = arith.muli %arg1, %mul3A_19 : i32
    %add3A_21 = arith.constant 384 : i32
    %add3A_22 = arith.addi %mul3A_20, %add3A_21 : i32
    %run_scoped3A_23 = arith.constant 0 : i32
    "tpu.region"() ({
      %run_scoped3A_52 = tpu.sem_alloc : memref<!tpu.dma_semaphore, #tpu.memory_space<semaphore_mem>>
      %dma_start3A = arith.constant 0 : i32
      %dma_start3A_53 = arith.constant 0 : i32
      %dma_start3A_54 = tpu.memref_slice %arg8[%run_scoped3A_23, %dma_start3A, %dma_start3A_53] : memref<2x128x128xi32, #tpu.memory_space<vmem>> -> memref<1x128x128xi32, #tpu.memory_space<vmem>>
      %dma_start3A_55 = tpu.memref_squeeze %dma_start3A_54 : memref<1x128x128xi32, #tpu.memory_space<vmem>> -> memref<128x128xi32, #tpu.memory_space<vmem>>
      %dma_start3A_56 = arith.constant 0 : i32
      %dma_start3A_57 = tpu.memref_slice %arg11[%add3A_22, %dma_start3A_56] : memref<10240x128xi32, #tpu.memory_space<vmem_shared>> -> memref<128x128xi32, #tpu.memory_space<vmem_shared>>
      %dma_start3A_58 = arith.constant 0 : i32
      %dma_start3A_59 = tpu.memref_slice %arg11[%add3A_22, %dma_start3A_58] : memref<10240x128xi32, #tpu.memory_space<vmem_shared>> -> memref<128x128xi32, #tpu.memory_space<vmem_shared>>
      %dma_start3A_60 = arith.constant 0 : i32
      %dma_start3A_61 = arith.constant 0 : i32
      %dma_start3A_62 = tpu.memref_slice %arg8[%run_scoped3A_23, %dma_start3A_60, %dma_start3A_61] : memref<2x128x128xi32, #tpu.memory_space<vmem>> -> memref<1x128x128xi32, #tpu.memory_space<vmem>>
      %dma_start3A_63 = tpu.memref_squeeze %dma_start3A_62 : memref<1x128x128xi32, #tpu.memory_space<vmem>> -> memref<128x128xi32, #tpu.memory_space<vmem>>
      tpu.enqueue_dma source(%dma_start3A_63 : memref<128x128xi32, #tpu.memory_space<vmem>>) target(%dma_start3A_59 : memref<128x128xi32, #tpu.memory_space<vmem_shared>>) target_semaphore(%run_scoped3A_52 : memref<!tpu.dma_semaphore, #tpu.memory_space<semaphore_mem>>)
      %dma_wait3A = arith.constant 0 : i32
      %dma_wait3A_64 = arith.constant 0 : i32
      %dma_wait3A_65 = tpu.memref_slice %arg8[%run_scoped3A_23, %dma_wait3A, %dma_wait3A_64] : memref<2x128x128xi32, #tpu.memory_space<vmem>> -> memref<1x128x128xi32, #tpu.memory_space<vmem>>
      %dma_wait3A_66 = tpu.memref_squeeze %dma_wait3A_65 : memref<1x128x128xi32, #tpu.memory_space<vmem>> -> memref<128x128xi32, #tpu.memory_space<vmem>>
      %dma_wait3A_67 = arith.constant 0 : i32
      %dma_wait3A_68 = tpu.memref_slice %arg11[%add3A_22, %dma_wait3A_67] : memref<10240x128xi32, #tpu.memory_space<vmem_shared>> -> memref<128x128xi32, #tpu.memory_space<vmem_shared>>
      %dma_wait3A_69 = arith.constant 0 : i32
      %dma_wait3A_70 = tpu.memref_slice %arg11[%add3A_22, %dma_wait3A_69] : memref<10240x128xi32, #tpu.memory_space<vmem_shared>> -> memref<128x128xi32, #tpu.memory_space<vmem_shared>>
      %dma_wait3A_71 = arith.constant 0 : i32
      %dma_wait3A_72 = arith.constant 0 : i32
      %dma_wait3A_73 = tpu.memref_slice %arg8[%run_scoped3A_23, %dma_wait3A_71, %dma_wait3A_72] : memref<2x128x128xi32, #tpu.memory_space<vmem>> -> memref<1x128x128xi32, #tpu.memory_space<vmem>>
      %dma_wait3A_74 = tpu.memref_squeeze %dma_wait3A_73 : memref<1x128x128xi32, #tpu.memory_space<vmem>> -> memref<128x128xi32, #tpu.memory_space<vmem>>
      tpu.wait_dma2 semaphore(%run_scoped3A_52 : memref<!tpu.dma_semaphore, #tpu.memory_space<semaphore_mem>>) src(%dma_wait3A_74 : memref<128x128xi32, #tpu.memory_space<vmem>>) dst(%dma_wait3A_70 : memref<128x128xi32, #tpu.memory_space<vmem_shared>>)
      tpu.yield
    }) : () -> ()
    %mul3A_24 = arith.constant 640 : i32
    %mul3A_25 = arith.muli %arg1, %mul3A_24 : i32
    %add3A_26 = arith.constant 512 : i32
    %add3A_27 = arith.addi %mul3A_25, %add3A_26 : i32
    %run_scoped3A_28 = arith.constant 0 : i32
    "tpu.region"() ({
      %run_scoped3A_52 = tpu.sem_alloc : memref<!tpu.dma_semaphore, #tpu.memory_space<semaphore_mem>>
      %dma_start3A = arith.constant 0 : i32
      %dma_start3A_53 = arith.constant 0 : i32
      %dma_start3A_54 = tpu.memref_slice %arg8[%run_scoped3A_28, %dma_start3A, %dma_start3A_53] : memref<2x128x128xi32, #tpu.memory_space<vmem>> -> memref<1x128x128xi32, #tpu.memory_space<vmem>>
      %dma_start3A_55 = tpu.memref_squeeze %dma_start3A_54 : memref<1x128x128xi32, #tpu.memory_space<vmem>> -> memref<128x128xi32, #tpu.memory_space<vmem>>
      %dma_start3A_56 = arith.constant 0 : i32
      %dma_start3A_57 = tpu.memref_slice %arg11[%add3A_27, %dma_start3A_56] : memref<10240x128xi32, #tpu.memory_space<vmem_shared>> -> memref<128x128xi32, #tpu.memory_space<vmem_shared>>
      %dma_start3A_58 = arith.constant 0 : i32
      %dma_start3A_59 = tpu.memref_slice %arg11[%add3A_27, %dma_start3A_58] : memref<10240x128xi32, #tpu.memory_space<vmem_shared>> -> memref<128x128xi32, #tpu.memory_space<vmem_shared>>
      %dma_start3A_60 = arith.constant 0 : i32
      %dma_start3A_61 = arith.constant 0 : i32
      %dma_start3A_62 = tpu.memref_slice %arg8[%run_scoped3A_28, %dma_start3A_60, %dma_start3A_61] : memref<2x128x128xi32, #tpu.memory_space<vmem>> -> memref<1x128x128xi32, #tpu.memory_space<vmem>>
      %dma_start3A_63 = tpu.memref_squeeze %dma_start3A_62 : memref<1x128x128xi32, #tpu.memory_space<vmem>> -> memref<128x128xi32, #tpu.memory_space<vmem>>
      tpu.enqueue_dma source(%dma_start3A_63 : memref<128x128xi32, #tpu.memory_space<vmem>>) target(%dma_start3A_59 : memref<128x128xi32, #tpu.memory_space<vmem_shared>>) target_semaphore(%run_scoped3A_52 : memref<!tpu.dma_semaphore, #tpu.memory_space<semaphore_mem>>)
      %dma_wait3A = arith.constant 0 : i32
      %dma_wait3A_64 = arith.constant 0 : i32
      %dma_wait3A_65 = tpu.memref_slice %arg8[%run_scoped3A_28, %dma_wait3A, %dma_wait3A_64] : memref<2x128x128xi32, #tpu.memory_space<vmem>> -> memref<1x128x128xi32, #tpu.memory_space<vmem>>
      %dma_wait3A_66 = tpu.memref_squeeze %dma_wait3A_65 : memref<1x128x128xi32, #tpu.memory_space<vmem>> -> memref<128x128xi32, #tpu.memory_space<vmem>>
      %dma_wait3A_67 = arith.constant 0 : i32
      %dma_wait3A_68 = tpu.memref_slice %arg11[%add3A_27, %dma_wait3A_67] : memref<10240x128xi32, #tpu.memory_space<vmem_shared>> -> memref<128x128xi32, #tpu.memory_space<vmem_shared>>
      %dma_wait3A_69 = arith.constant 0 : i32
      %dma_wait3A_70 = tpu.memref_slice %arg11[%add3A_27, %dma_wait3A_69] : memref<10240x128xi32, #tpu.memory_space<vmem_shared>> -> memref<128x128xi32, #tpu.memory_space<vmem_shared>>
      %dma_wait3A_71 = arith.constant 0 : i32
      %dma_wait3A_72 = arith.constant 0 : i32
      %dma_wait3A_73 = tpu.memref_slice %arg8[%run_scoped3A_28, %dma_wait3A_71, %dma_wait3A_72] : memref<2x128x128xi32, #tpu.memory_space<vmem>> -> memref<1x128x128xi32, #tpu.memory_space<vmem>>
      %dma_wait3A_74 = tpu.memref_squeeze %dma_wait3A_73 : memref<1x128x128xi32, #tpu.memory_space<vmem>> -> memref<128x128xi32, #tpu.memory_space<vmem>>
      tpu.wait_dma2 semaphore(%run_scoped3A_52 : memref<!tpu.dma_semaphore, #tpu.memory_space<semaphore_mem>>) src(%dma_wait3A_74 : memref<128x128xi32, #tpu.memory_space<vmem>>) dst(%dma_wait3A_70 : memref<128x128xi32, #tpu.memory_space<vmem_shared>>)
      tpu.yield
    }) : () -> ()
    %barrier3A = arith.constant 0 : index
    tpu.barrier barrier_id(%barrier3A)
    %eq3A = arith.constant 0 : i32
    %eq3A_29 = arith.cmpi eq, %arg0, %eq3A : i32
    %mul3A_30 = arith.constant 80 : i32
    %mul3A_31 = arith.muli %arg1, %mul3A_30 : i32
    %mul3A_32 = arith.constant 80 : i32
    %mul3A_33 = arith.muli %arg1, %mul3A_32 : i32
    %add3A_34 = arith.constant 1280 : i32
    %add3A_35 = arith.addi %add3A_34, %mul3A_33 : i32
    %select_n3A = arith.select %eq3A_29, %mul3A_31, %add3A_35 : i32
    %eq3A_36 = arith.constant 1 : i32
    %eq3A_37 = arith.cmpi eq, %arg0, %eq3A_36 : i32
    %or3A = arith.constant true
    %or3A_38 = arith.ori %eq3A_37, %or3A : i1
    %convert_element_type3A = arith.extui %or3A_38 : i1 to i32
    %cond3A = arith.constant 0 : i32
    %cond3A_39 = arith.cmpi ne, %convert_element_type3A, %cond3A : i32
    scf.if %cond3A_39 {
      %add3A_52 = arith.constant 0 : i32
      %add3A_53 = arith.addi %select_n3A, %add3A_52 : i32
      "tpu.region"() ({
        %run_scoped3A_104 = tpu.sem_alloc : memref<!tpu.dma_semaphore, #tpu.memory_space<semaphore_mem>>
        %dma_start3A_105 = arith.constant 0 : i32
        %dma_start3A_106 = tpu.memref_slice %arg3[%add3A_53, %dma_start3A_105] : memref<2560x128xi32, #tpu.memory_space<hbm>> -> memref<40x128xi32, #tpu.memory_space<hbm>>
        %dma_start3A_107 = arith.constant 0 : i32
        %dma_start3A_108 = tpu.memref_slice %arg3[%add3A_53, %dma_start3A_107] : memref<2560x128xi32, #tpu.memory_space<hbm>> -> memref<40x128xi32, #tpu.memory_space<hbm>>
        tpu.enqueue_dma source(%dma_start3A_108 : memref<40x128xi32, #tpu.memory_space<hbm>>) target(%arg6 : memref<40x128xi32, #tpu.memory_space<vmem>>) target_semaphore(%run_scoped3A_104 : memref<!tpu.dma_semaphore, #tpu.memory_space<semaphore_mem>>)
        %dma_wait3A_109 = arith.constant 0 : i32
        %dma_wait3A_110 = tpu.memref_slice %arg3[%add3A_53, %dma_wait3A_109] : memref<2560x128xi32, #tpu.memory_space<hbm>> -> memref<40x128xi32, #tpu.memory_space<hbm>>
        %dma_wait3A_111 = arith.constant 0 : i32
        %dma_wait3A_112 = tpu.memref_slice %arg3[%add3A_53, %dma_wait3A_111] : memref<2560x128xi32, #tpu.memory_space<hbm>> -> memref<40x128xi32, #tpu.memory_space<hbm>>
        tpu.wait_dma2 semaphore(%run_scoped3A_104 : memref<!tpu.dma_semaphore, #tpu.memory_space<semaphore_mem>>) src(%dma_wait3A_112 : memref<40x128xi32, #tpu.memory_space<hbm>>) dst(%arg6 : memref<40x128xi32, #tpu.memory_space<vmem>>)
        tpu.yield
      }) : () -> ()
      %add3A_54 = arith.constant 0 : i32
      %add3A_55 = arith.addi %select_n3A, %add3A_54 : i32
      "tpu.region"() ({
        %run_scoped3A_104 = tpu.sem_alloc : memref<!tpu.dma_semaphore, #tpu.memory_space<semaphore_mem>>
        %dma_start3A_105 = arith.constant 0 : i32
        %dma_start3A_106 = tpu.memref_slice %arg4[%add3A_55, %dma_start3A_105] : memref<2560x128xi32, #tpu.memory_space<hbm>> -> memref<40x128xi32, #tpu.memory_space<hbm>>
        %dma_start3A_107 = arith.constant 0 : i32
        %dma_start3A_108 = tpu.memref_slice %arg4[%add3A_55, %dma_start3A_107] : memref<2560x128xi32, #tpu.memory_space<hbm>> -> memref<40x128xi32, #tpu.memory_space<hbm>>
        tpu.enqueue_dma source(%dma_start3A_108 : memref<40x128xi32, #tpu.memory_space<hbm>>) target(%arg7 : memref<40x128xi32, #tpu.memory_space<vmem>>) target_semaphore(%run_scoped3A_104 : memref<!tpu.dma_semaphore, #tpu.memory_space<semaphore_mem>>)
        %dma_wait3A_109 = arith.constant 0 : i32
        %dma_wait3A_110 = tpu.memref_slice %arg4[%add3A_55, %dma_wait3A_109] : memref<2560x128xi32, #tpu.memory_space<hbm>> -> memref<40x128xi32, #tpu.memory_space<hbm>>
        %dma_wait3A_111 = arith.constant 0 : i32
        %dma_wait3A_112 = tpu.memref_slice %arg4[%add3A_55, %dma_wait3A_111] : memref<2560x128xi32, #tpu.memory_space<hbm>> -> memref<40x128xi32, #tpu.memory_space<hbm>>
        tpu.wait_dma2 semaphore(%run_scoped3A_104 : memref<!tpu.dma_semaphore, #tpu.memory_space<semaphore_mem>>) src(%dma_wait3A_112 : memref<40x128xi32, #tpu.memory_space<hbm>>) dst(%arg7 : memref<40x128xi32, #tpu.memory_space<vmem>>)
        tpu.yield
      }) : () -> ()
      %dma_start3A = arith.constant 0 : i32
      %dma_start3A_56 = arith.constant 0 : i32
      %dma_start3A_57 = arith.constant 0 : i32
      %dma_start3A_58 = arith.constant 0 : i32
      %dma_start3A_59 = arith.constant 0 : i32
      %dma_start3A_60 = tpu.memref_slice %arg8[%dma_start3A_56, %dma_start3A_58, %dma_start3A_59] : memref<2x128x128xi32, #tpu.memory_space<vmem>> -> memref<1x128x128xi32, #tpu.memory_space<vmem>>
      %dma_start3A_61 = tpu.memref_squeeze %dma_start3A_60 : memref<1x128x128xi32, #tpu.memory_space<vmem>> -> memref<128x128xi32, #tpu.memory_space<vmem>>
      %dma_start3A_62 = arith.constant 0 : i32
      %dma_start3A_63 = tpu.memref_slice %arg6[%dma_start3A, %dma_start3A_62] : memref<40x128xi32, #tpu.memory_space<vmem>> -> memref<1x128xi32, #tpu.memory_space<vmem>>
      %dma_start3A_64 = tpu.memref_squeeze %dma_start3A_63 : memref<1x128xi32, #tpu.memory_space<vmem>> -> memref<128xi32, #tpu.memory_space<vmem>>
      %dma_start3A_65 = arith.constant 0 : i32
      %dma_start3A_66 = arith.constant 0 : i32
      %dma_start3A_67 = tpu.memref_slice %arg2[%dma_start3A_65, %dma_start3A_66] : memref<10000x128xi32, #tpu.memory_space<hbm>> -> memref<10000x128xi32, #tpu.memory_space<hbm>>
      %dma_start3A_68 = tpu.memref_slice %arg9[%dma_start3A_57] : memref<2x!tpu.dma_semaphore, #tpu.memory_space<semaphore_mem>> -> memref<1x!tpu.dma_semaphore, #tpu.memory_space<semaphore_mem>>
      %dma_start3A_69 = tpu.memref_squeeze %dma_start3A_68 : memref<1x!tpu.dma_semaphore, #tpu.memory_space<semaphore_mem>> -> memref<!tpu.dma_semaphore, #tpu.memory_space<semaphore_mem>>
      tpu.enqueue_indirect_dma source(%dma_start3A_67 : memref<10000x128xi32, #tpu.memory_space<hbm>>) target(%dma_start3A_61 : memref<128x128xi32, #tpu.memory_space<vmem>>) offsets(%dma_start3A_64 : memref<128xi32, #tpu.memory_space<vmem>>) semaphore(%dma_start3A_69 : memref<!tpu.dma_semaphore, #tpu.memory_space<semaphore_mem>>)
      %scan3A_70 = arith.constant 0 : i32
      %scan3A_71 = arith.constant 20 : i32
      %scan3A_72 = arith.addi %scan3A_70, %scan3A_71 : i32
      %scan3A_73 = arith.constant 1 : i32
      scf.for %scan3A_104 = %scan3A_70 to %scan3A_72 step %scan3A_73  : i32 {
        %mul3A_105 = arith.constant 1 : i32
        %mul3A_106 = arith.muli %scan3A_104, %mul3A_105 : i32
        %add3A_107 = arith.constant 0 : i32
        %add3A_108 = arith.addi %add3A_107, %mul3A_106 : i32
        %mul3A_109 = arith.constant 2 : i32
        %mul3A_110 = arith.muli %add3A_108, %mul3A_109 : i32
        %add3A_111 = arith.constant 0 : i32
        %add3A_112 = arith.addi %mul3A_110, %add3A_111 : i32
        %add3A_113 = arith.constant 1 : i32
        %add3A_114 = arith.addi %add3A_112, %add3A_113 : i32
        %lt3A = arith.constant 40 : i32
        %lt3A_115 = arith.cmpi slt, %add3A_114, %lt3A : i32
        %convert_element_type3A_116 = arith.extui %lt3A_115 : i1 to i32
        %cond3A_117 = arith.constant 0 : i32
        %cond3A_118 = arith.cmpi ne, %convert_element_type3A_116, %cond3A_117 : i32
        scf.if %cond3A_118 {
          %ge3A = arith.constant 1 : i32
          %ge3A_186 = arith.cmpi sge, %add3A_112, %ge3A : i32
          %convert_element_type3A_187 = arith.extui %ge3A_186 : i1 to i32
          %cond3A_188 = arith.constant 0 : i32
          %cond3A_189 = arith.cmpi ne, %convert_element_type3A_187, %cond3A_188 : i32
          scf.if %cond3A_189 {
            %sub3A = arith.constant 1 : i32
            %sub3A_206 = arith.subi %add3A_112, %sub3A : i32
            %dma_wait3A_207 = arith.constant 1 : i32
            %dma_wait3A_208 = arith.constant 1 : i32
            %dma_wait3A_209 = arith.constant 0 : i32
            %dma_wait3A_210 = arith.constant 0 : i32
            %dma_wait3A_211 = tpu.memref_slice %arg8[%dma_wait3A_207, %dma_wait3A_209, %dma_wait3A_210] : memref<2x128x128xi32, #tpu.memory_space<vmem>> -> memref<1x128x128xi32, #tpu.memory_space<vmem>>
            %dma_wait3A_212 = tpu.memref_squeeze %dma_wait3A_211 : memref<1x128x128xi32, #tpu.memory_space<vmem>> -> memref<128x128xi32, #tpu.memory_space<vmem>>
            %dma_wait3A_213 = arith.constant 0 : i32
            %dma_wait3A_214 = tpu.memref_slice %arg7[%sub3A_206, %dma_wait3A_213] : memref<40x128xi32, #tpu.memory_space<vmem>> -> memref<1x128xi32, #tpu.memory_space<vmem>>
            %dma_wait3A_215 = tpu.memref_squeeze %dma_wait3A_214 : memref<1x128xi32, #tpu.memory_space<vmem>> -> memref<128xi32, #tpu.memory_space<vmem>>
            %dma_wait3A_216 = arith.constant 0 : i32
            %dma_wait3A_217 = arith.constant 0 : i32
            %dma_wait3A_218 = tpu.memref_slice %arg11[%dma_wait3A_216, %dma_wait3A_217] : memref<10240x128xi32, #tpu.memory_space<vmem_shared>> -> memref<10240x128xi32, #tpu.memory_space<vmem_shared>>
            %dma_wait3A_219 = tpu.memref_slice %arg10[%dma_wait3A_208] : memref<2x!tpu.dma_semaphore, #tpu.memory_space<semaphore_mem>> -> memref<1x!tpu.dma_semaphore, #tpu.memory_space<semaphore_mem>>
            %dma_wait3A_220 = tpu.memref_squeeze %dma_wait3A_219 : memref<1x!tpu.dma_semaphore, #tpu.memory_space<semaphore_mem>> -> memref<!tpu.dma_semaphore, #tpu.memory_space<semaphore_mem>>
            tpu.wait_indirect_dma semaphore(%dma_wait3A_220 : memref<!tpu.dma_semaphore, #tpu.memory_space<semaphore_mem>>) src(%dma_wait3A_212 : memref<128x128xi32, #tpu.memory_space<vmem>>) dst(%dma_wait3A_218 : memref<10240x128xi32, #tpu.memory_space<vmem_shared>>)
          } else {
          }
          %add3A_190 = arith.constant 1 : i32
          %add3A_191 = arith.addi %add3A_112, %add3A_190 : i32
          %dma_start3A_192 = arith.constant 1 : i32
          %dma_start3A_193 = arith.constant 1 : i32
          %dma_start3A_194 = arith.constant 0 : i32
          %dma_start3A_195 = arith.constant 0 : i32
          %dma_start3A_196 = tpu.memref_slice %arg8[%dma_start3A_192, %dma_start3A_194, %dma_start3A_195] : memref<2x128x128xi32, #tpu.memory_space<vmem>> -> memref<1x128x128xi32, #tpu.memory_space<vmem>>
          %dma_start3A_197 = tpu.memref_squeeze %dma_start3A_196 : memref<1x128x128xi32, #tpu.memory_space<vmem>> -> memref<128x128xi32, #tpu.memory_space<vmem>>
          %dma_start3A_198 = arith.constant 0 : i32
          %dma_start3A_199 = tpu.memref_slice %arg6[%add3A_191, %dma_start3A_198] : memref<40x128xi32, #tpu.memory_space<vmem>> -> memref<1x128xi32, #tpu.memory_space<vmem>>
          %dma_start3A_200 = tpu.memref_squeeze %dma_start3A_199 : memref<1x128xi32, #tpu.memory_space<vmem>> -> memref<128xi32, #tpu.memory_space<vmem>>
          %dma_start3A_201 = arith.constant 0 : i32
          %dma_start3A_202 = arith.constant 0 : i32
          %dma_start3A_203 = tpu.memref_slice %arg2[%dma_start3A_201, %dma_start3A_202] : memref<10000x128xi32, #tpu.memory_space<hbm>> -> memref<10000x128xi32, #tpu.memory_space<hbm>>
          %dma_start3A_204 = tpu.memref_slice %arg9[%dma_start3A_193] : memref<2x!tpu.dma_semaphore, #tpu.memory_space<semaphore_mem>> -> memref<1x!tpu.dma_semaphore, #tpu.memory_space<semaphore_mem>>
          %dma_start3A_205 = tpu.memref_squeeze %dma_start3A_204 : memref<1x!tpu.dma_semaphore, #tpu.memory_space<semaphore_mem>> -> memref<!tpu.dma_semaphore, #tpu.memory_space<semaphore_mem>>
          tpu.enqueue_indirect_dma source(%dma_start3A_203 : memref<10000x128xi32, #tpu.memory_space<hbm>>) target(%dma_start3A_197 : memref<128x128xi32, #tpu.memory_space<vmem>>) offsets(%dma_start3A_200 : memref<128xi32, #tpu.memory_space<vmem>>) semaphore(%dma_start3A_205 : memref<!tpu.dma_semaphore, #tpu.memory_space<semaphore_mem>>)
        } else {
        }
        %dma_wait3A_119 = arith.constant 0 : i32
        %dma_wait3A_120 = arith.constant 0 : i32
        %dma_wait3A_121 = arith.constant 0 : i32
        %dma_wait3A_122 = arith.constant 0 : i32
        %dma_wait3A_123 = tpu.memref_slice %arg8[%dma_wait3A_119, %dma_wait3A_121, %dma_wait3A_122] : memref<2x128x128xi32, #tpu.memory_space<vmem>> -> memref<1x128x128xi32, #tpu.memory_space<vmem>>
        %dma_wait3A_124 = tpu.memref_squeeze %dma_wait3A_123 : memref<1x128x128xi32, #tpu.memory_space<vmem>> -> memref<128x128xi32, #tpu.memory_space<vmem>>
        %dma_wait3A_125 = arith.constant 0 : i32
        %dma_wait3A_126 = tpu.memref_slice %arg6[%add3A_112, %dma_wait3A_125] : memref<40x128xi32, #tpu.memory_space<vmem>> -> memref<1x128xi32, #tpu.memory_space<vmem>>
        %dma_wait3A_127 = tpu.memref_squeeze %dma_wait3A_126 : memref<1x128xi32, #tpu.memory_space<vmem>> -> memref<128xi32, #tpu.memory_space<vmem>>
        %dma_wait3A_128 = arith.constant 0 : i32
        %dma_wait3A_129 = arith.constant 0 : i32
        %dma_wait3A_130 = tpu.memref_slice %arg2[%dma_wait3A_128, %dma_wait3A_129] : memref<10000x128xi32, #tpu.memory_space<hbm>> -> memref<10000x128xi32, #tpu.memory_space<hbm>>
        %dma_wait3A_131 = tpu.memref_slice %arg9[%dma_wait3A_120] : memref<2x!tpu.dma_semaphore, #tpu.memory_space<semaphore_mem>> -> memref<1x!tpu.dma_semaphore, #tpu.memory_space<semaphore_mem>>
        %dma_wait3A_132 = tpu.memref_squeeze %dma_wait3A_131 : memref<1x!tpu.dma_semaphore, #tpu.memory_space<semaphore_mem>> -> memref<!tpu.dma_semaphore, #tpu.memory_space<semaphore_mem>>
        tpu.wait_indirect_dma semaphore(%dma_wait3A_132 : memref<!tpu.dma_semaphore, #tpu.memory_space<semaphore_mem>>) src(%dma_wait3A_130 : memref<10000x128xi32, #tpu.memory_space<hbm>>) dst(%dma_wait3A_124 : memref<128x128xi32, #tpu.memory_space<vmem>>)
        %dma_start3A_133 = arith.constant 0 : i32
        %dma_start3A_134 = arith.constant 0 : i32
        %dma_start3A_135 = arith.constant 0 : i32
        %dma_start3A_136 = arith.constant 0 : i32
        %dma_start3A_137 = tpu.memref_slice %arg8[%dma_start3A_133, %dma_start3A_135, %dma_start3A_136] : memref<2x128x128xi32, #tpu.memory_space<vmem>> -> memref<1x128x128xi32, #tpu.memory_space<vmem>>
        %dma_start3A_138 = tpu.memref_squeeze %dma_start3A_137 : memref<1x128x128xi32, #tpu.memory_space<vmem>> -> memref<128x128xi32, #tpu.memory_space<vmem>>
        %dma_start3A_139 = arith.constant 0 : i32
        %dma_start3A_140 = tpu.memref_slice %arg7[%add3A_112, %dma_start3A_139] : memref<40x128xi32, #tpu.memory_space<vmem>> -> memref<1x128xi32, #tpu.memory_space<vmem>>
        %dma_start3A_141 = tpu.memref_squeeze %dma_start3A_140 : memref<1x128xi32, #tpu.memory_space<vmem>> -> memref<128xi32, #tpu.memory_space<vmem>>
        %dma_start3A_142 = arith.constant 0 : i32
        %dma_start3A_143 = arith.constant 0 : i32
        %dma_start3A_144 = tpu.memref_slice %arg11[%dma_start3A_142, %dma_start3A_143] : memref<10240x128xi32, #tpu.memory_space<vmem_shared>> -> memref<10240x128xi32, #tpu.memory_space<vmem_shared>>
        %dma_start3A_145 = tpu.memref_slice %arg10[%dma_start3A_134] : memref<2x!tpu.dma_semaphore, #tpu.memory_space<semaphore_mem>> -> memref<1x!tpu.dma_semaphore, #tpu.memory_space<semaphore_mem>>
        %dma_start3A_146 = tpu.memref_squeeze %dma_start3A_145 : memref<1x!tpu.dma_semaphore, #tpu.memory_space<semaphore_mem>> -> memref<!tpu.dma_semaphore, #tpu.memory_space<semaphore_mem>>
        tpu.enqueue_indirect_dma source(%dma_start3A_138 : memref<128x128xi32, #tpu.memory_space<vmem>>) target(%dma_start3A_144 : memref<10240x128xi32, #tpu.memory_space<vmem_shared>>) offsets(%dma_start3A_141 : memref<128xi32, #tpu.memory_space<vmem>>) semaphore(%dma_start3A_146 : memref<!tpu.dma_semaphore, #tpu.memory_space<semaphore_mem>>) {add = true}
        %mul3A_147 = arith.constant 2 : i32
        %mul3A_148 = arith.muli %add3A_108, %mul3A_147 : i32
        %add3A_149 = arith.constant 1 : i32
        %add3A_150 = arith.addi %mul3A_148, %add3A_149 : i32
        %add3A_151 = arith.constant 1 : i32
        %add3A_152 = arith.addi %add3A_150, %add3A_151 : i32
        %lt3A_153 = arith.constant 40 : i32
        %lt3A_154 = arith.cmpi slt, %add3A_152, %lt3A_153 : i32
        %convert_element_type3A_155 = arith.extui %lt3A_154 : i1 to i32
        %cond3A_156 = arith.constant 0 : i32
        %cond3A_157 = arith.cmpi ne, %convert_element_type3A_155, %cond3A_156 : i32
        scf.if %cond3A_157 {
          %ge3A = arith.constant 1 : i32
          %ge3A_186 = arith.cmpi sge, %add3A_150, %ge3A : i32
          %convert_element_type3A_187 = arith.extui %ge3A_186 : i1 to i32
          %cond3A_188 = arith.constant 0 : i32
          %cond3A_189 = arith.cmpi ne, %convert_element_type3A_187, %cond3A_188 : i32
          scf.if %cond3A_189 {
            %sub3A = arith.constant 1 : i32
            %sub3A_206 = arith.subi %add3A_150, %sub3A : i32
            %dma_wait3A_207 = arith.constant 0 : i32
            %dma_wait3A_208 = arith.constant 0 : i32
            %dma_wait3A_209 = arith.constant 0 : i32
            %dma_wait3A_210 = arith.constant 0 : i32
            %dma_wait3A_211 = tpu.memref_slice %arg8[%dma_wait3A_207, %dma_wait3A_209, %dma_wait3A_210] : memref<2x128x128xi32, #tpu.memory_space<vmem>> -> memref<1x128x128xi32, #tpu.memory_space<vmem>>
            %dma_wait3A_212 = tpu.memref_squeeze %dma_wait3A_211 : memref<1x128x128xi32, #tpu.memory_space<vmem>> -> memref<128x128xi32, #tpu.memory_space<vmem>>
            %dma_wait3A_213 = arith.constant 0 : i32
            %dma_wait3A_214 = tpu.memref_slice %arg7[%sub3A_206, %dma_wait3A_213] : memref<40x128xi32, #tpu.memory_space<vmem>> -> memref<1x128xi32, #tpu.memory_space<vmem>>
            %dma_wait3A_215 = tpu.memref_squeeze %dma_wait3A_214 : memref<1x128xi32, #tpu.memory_space<vmem>> -> memref<128xi32, #tpu.memory_space<vmem>>
            %dma_wait3A_216 = arith.constant 0 : i32
            %dma_wait3A_217 = arith.constant 0 : i32
            %dma_wait3A_218 = tpu.memref_slice %arg11[%dma_wait3A_216, %dma_wait3A_217] : memref<10240x128xi32, #tpu.memory_space<vmem_shared>> -> memref<10240x128xi32, #tpu.memory_space<vmem_shared>>
            %dma_wait3A_219 = tpu.memref_slice %arg10[%dma_wait3A_208] : memref<2x!tpu.dma_semaphore, #tpu.memory_space<semaphore_mem>> -> memref<1x!tpu.dma_semaphore, #tpu.memory_space<semaphore_mem>>
            %dma_wait3A_220 = tpu.memref_squeeze %dma_wait3A_219 : memref<1x!tpu.dma_semaphore, #tpu.memory_space<semaphore_mem>> -> memref<!tpu.dma_semaphore, #tpu.memory_space<semaphore_mem>>
            tpu.wait_indirect_dma semaphore(%dma_wait3A_220 : memref<!tpu.dma_semaphore, #tpu.memory_space<semaphore_mem>>) src(%dma_wait3A_212 : memref<128x128xi32, #tpu.memory_space<vmem>>) dst(%dma_wait3A_218 : memref<10240x128xi32, #tpu.memory_space<vmem_shared>>)
          } else {
          }
          %add3A_190 = arith.constant 1 : i32
          %add3A_191 = arith.addi %add3A_150, %add3A_190 : i32
          %dma_start3A_192 = arith.constant 0 : i32
          %dma_start3A_193 = arith.constant 0 : i32
          %dma_start3A_194 = arith.constant 0 : i32
          %dma_start3A_195 = arith.constant 0 : i32
          %dma_start3A_196 = tpu.memref_slice %arg8[%dma_start3A_192, %dma_start3A_194, %dma_start3A_195] : memref<2x128x128xi32, #tpu.memory_space<vmem>> -> memref<1x128x128xi32, #tpu.memory_space<vmem>>
          %dma_start3A_197 = tpu.memref_squeeze %dma_start3A_196 : memref<1x128x128xi32, #tpu.memory_space<vmem>> -> memref<128x128xi32, #tpu.memory_space<vmem>>
          %dma_start3A_198 = arith.constant 0 : i32
          %dma_start3A_199 = tpu.memref_slice %arg6[%add3A_191, %dma_start3A_198] : memref<40x128xi32, #tpu.memory_space<vmem>> -> memref<1x128xi32, #tpu.memory_space<vmem>>
          %dma_start3A_200 = tpu.memref_squeeze %dma_start3A_199 : memref<1x128xi32, #tpu.memory_space<vmem>> -> memref<128xi32, #tpu.memory_space<vmem>>
          %dma_start3A_201 = arith.constant 0 : i32
          %dma_start3A_202 = arith.constant 0 : i32
          %dma_start3A_203 = tpu.memref_slice %arg2[%dma_start3A_201, %dma_start3A_202] : memref<10000x128xi32, #tpu.memory_space<hbm>> -> memref<10000x128xi32, #tpu.memory_space<hbm>>
          %dma_start3A_204 = tpu.memref_slice %arg9[%dma_start3A_193] : memref<2x!tpu.dma_semaphore, #tpu.memory_space<semaphore_mem>> -> memref<1x!tpu.dma_semaphore, #tpu.memory_space<semaphore_mem>>
          %dma_start3A_205 = tpu.memref_squeeze %dma_start3A_204 : memref<1x!tpu.dma_semaphore, #tpu.memory_space<semaphore_mem>> -> memref<!tpu.dma_semaphore, #tpu.memory_space<semaphore_mem>>
          tpu.enqueue_indirect_dma source(%dma_start3A_203 : memref<10000x128xi32, #tpu.memory_space<hbm>>) target(%dma_start3A_197 : memref<128x128xi32, #tpu.memory_space<vmem>>) offsets(%dma_start3A_200 : memref<128xi32, #tpu.memory_space<vmem>>) semaphore(%dma_start3A_205 : memref<!tpu.dma_semaphore, #tpu.memory_space<semaphore_mem>>)
        } else {
        }
        %dma_wait3A_158 = arith.constant 1 : i32
        %dma_wait3A_159 = arith.constant 1 : i32
        %dma_wait3A_160 = arith.constant 0 : i32
        %dma_wait3A_161 = arith.constant 0 : i32
        %dma_wait3A_162 = tpu.memref_slice %arg8[%dma_wait3A_158, %dma_wait3A_160, %dma_wait3A_161] : memref<2x128x128xi32, #tpu.memory_space<vmem>> -> memref<1x128x128xi32, #tpu.memory_space<vmem>>
        %dma_wait3A_163 = tpu.memref_squeeze %dma_wait3A_162 : memref<1x128x128xi32, #tpu.memory_space<vmem>> -> memref<128x128xi32, #tpu.memory_space<vmem>>
        %dma_wait3A_164 = arith.constant 0 : i32
        %dma_wait3A_165 = tpu.memref_slice %arg6[%add3A_150, %dma_wait3A_164] : memref<40x128xi32, #tpu.memory_space<vmem>> -> memref<1x128xi32, #tpu.memory_space<vmem>>
        %dma_wait3A_166 = tpu.memref_squeeze %dma_wait3A_165 : memref<1x128xi32, #tpu.memory_space<vmem>> -> memref<128xi32, #tpu.memory_space<vmem>>
        %dma_wait3A_167 = arith.constant 0 : i32
        %dma_wait3A_168 = arith.constant 0 : i32
        %dma_wait3A_169 = tpu.memref_slice %arg2[%dma_wait3A_167, %dma_wait3A_168] : memref<10000x128xi32, #tpu.memory_space<hbm>> -> memref<10000x128xi32, #tpu.memory_space<hbm>>
        %dma_wait3A_170 = tpu.memref_slice %arg9[%dma_wait3A_159] : memref<2x!tpu.dma_semaphore, #tpu.memory_space<semaphore_mem>> -> memref<1x!tpu.dma_semaphore, #tpu.memory_space<semaphore_mem>>
        %dma_wait3A_171 = tpu.memref_squeeze %dma_wait3A_170 : memref<1x!tpu.dma_semaphore, #tpu.memory_space<semaphore_mem>> -> memref<!tpu.dma_semaphore, #tpu.memory_space<semaphore_mem>>
        tpu.wait_indirect_dma semaphore(%dma_wait3A_171 : memref<!tpu.dma_semaphore, #tpu.memory_space<semaphore_mem>>) src(%dma_wait3A_169 : memref<10000x128xi32, #tpu.memory_space<hbm>>) dst(%dma_wait3A_163 : memref<128x128xi32, #tpu.memory_space<vmem>>)
        %dma_start3A_172 = arith.constant 1 : i32
        %dma_start3A_173 = arith.constant 1 : i32
        %dma_start3A_174 = arith.constant 0 : i32
        %dma_start3A_175 = arith.constant 0 : i32
        %dma_start3A_176 = tpu.memref_slice %arg8[%dma_start3A_172, %dma_start3A_174, %dma_start3A_175] : memref<2x128x128xi32, #tpu.memory_space<vmem>> -> memref<1x128x128xi32, #tpu.memory_space<vmem>>
        %dma_start3A_177 = tpu.memref_squeeze %dma_start3A_176 : memref<1x128x128xi32, #tpu.memory_space<vmem>> -> memref<128x128xi32, #tpu.memory_space<vmem>>
        %dma_start3A_178 = arith.constant 0 : i32
        %dma_start3A_179 = tpu.memref_slice %arg7[%add3A_150, %dma_start3A_178] : memref<40x128xi32, #tpu.memory_space<vmem>> -> memref<1x128xi32, #tpu.memory_space<vmem>>
        %dma_start3A_180 = tpu.memref_squeeze %dma_start3A_179 : memref<1x128xi32, #tpu.memory_space<vmem>> -> memref<128xi32, #tpu.memory_space<vmem>>
        %dma_start3A_181 = arith.constant 0 : i32
        %dma_start3A_182 = arith.constant 0 : i32
        %dma_start3A_183 = tpu.memref_slice %arg11[%dma_start3A_181, %dma_start3A_182] : memref<10240x128xi32, #tpu.memory_space<vmem_shared>> -> memref<10240x128xi32, #tpu.memory_space<vmem_shared>>
        %dma_start3A_184 = tpu.memref_slice %arg10[%dma_start3A_173] : memref<2x!tpu.dma_semaphore, #tpu.memory_space<semaphore_mem>> -> memref<1x!tpu.dma_semaphore, #tpu.memory_space<semaphore_mem>>
        %dma_start3A_185 = tpu.memref_squeeze %dma_start3A_184 : memref<1x!tpu.dma_semaphore, #tpu.memory_space<semaphore_mem>> -> memref<!tpu.dma_semaphore, #tpu.memory_space<semaphore_mem>>
        tpu.enqueue_indirect_dma source(%dma_start3A_177 : memref<128x128xi32, #tpu.memory_space<vmem>>) target(%dma_start3A_183 : memref<10240x128xi32, #tpu.memory_space<vmem_shared>>) offsets(%dma_start3A_180 : memref<128xi32, #tpu.memory_space<vmem>>) semaphore(%dma_start3A_185 : memref<!tpu.dma_semaphore, #tpu.memory_space<semaphore_mem>>) {add = true}
      }
      %scan3A_74 = arith.constant 20 : i32
      %dma_wait3A = arith.constant 0 : i32
      %dma_wait3A_75 = arith.constant 38 : i32
      %dma_wait3A_76 = arith.constant 0 : i32
      %dma_wait3A_77 = arith.constant 0 : i32
      %dma_wait3A_78 = arith.constant 0 : i32
      %dma_wait3A_79 = tpu.memref_slice %arg8[%dma_wait3A, %dma_wait3A_77, %dma_wait3A_78] : memref<2x128x128xi32, #tpu.memory_space<vmem>> -> memref<1x128x128xi32, #tpu.memory_space<vmem>>
      %dma_wait3A_80 = tpu.memref_squeeze %dma_wait3A_79 : memref<1x128x128xi32, #tpu.memory_space<vmem>> -> memref<128x128xi32, #tpu.memory_space<vmem>>
      %dma_wait3A_81 = arith.constant 0 : i32
      %dma_wait3A_82 = tpu.memref_slice %arg7[%dma_wait3A_75, %dma_wait3A_81] : memref<40x128xi32, #tpu.memory_space<vmem>> -> memref<1x128xi32, #tpu.memory_space<vmem>>
      %dma_wait3A_83 = tpu.memref_squeeze %dma_wait3A_82 : memref<1x128xi32, #tpu.memory_space<vmem>> -> memref<128xi32, #tpu.memory_space<vmem>>
      %dma_wait3A_84 = arith.constant 0 : i32
      %dma_wait3A_85 = arith.constant 0 : i32
      %dma_wait3A_86 = tpu.memref_slice %arg11[%dma_wait3A_84, %dma_wait3A_85] : memref<10240x128xi32, #tpu.memory_space<vmem_shared>> -> memref<10240x128xi32, #tpu.memory_space<vmem_shared>>
      %dma_wait3A_87 = tpu.memref_slice %arg10[%dma_wait3A_76] : memref<2x!tpu.dma_semaphore, #tpu.memory_space<semaphore_mem>> -> memref<1x!tpu.dma_semaphore, #tpu.memory_space<semaphore_mem>>
      %dma_wait3A_88 = tpu.memref_squeeze %dma_wait3A_87 : memref<1x!tpu.dma_semaphore, #tpu.memory_space<semaphore_mem>> -> memref<!tpu.dma_semaphore, #tpu.memory_space<semaphore_mem>>
      tpu.wait_indirect_dma semaphore(%dma_wait3A_88 : memref<!tpu.dma_semaphore, #tpu.memory_space<semaphore_mem>>) src(%dma_wait3A_80 : memref<128x128xi32, #tpu.memory_space<vmem>>) dst(%dma_wait3A_86 : memref<10240x128xi32, #tpu.memory_space<vmem_shared>>)
      %dma_wait3A_89 = arith.constant 1 : i32
      %dma_wait3A_90 = arith.constant 39 : i32
      %dma_wait3A_91 = arith.constant 1 : i32
      %dma_wait3A_92 = arith.constant 0 : i32
      %dma_wait3A_93 = arith.constant 0 : i32
      %dma_wait3A_94 = tpu.memref_slice %arg8[%dma_wait3A_89, %dma_wait3A_92, %dma_wait3A_93] : memref<2x128x128xi32, #tpu.memory_space<vmem>> -> memref<1x128x128xi32, #tpu.memory_space<vmem>>
      %dma_wait3A_95 = tpu.memref_squeeze %dma_wait3A_94 : memref<1x128x128xi32, #tpu.memory_space<vmem>> -> memref<128x128xi32, #tpu.memory_space<vmem>>
      %dma_wait3A_96 = arith.constant 0 : i32
      %dma_wait3A_97 = tpu.memref_slice %arg7[%dma_wait3A_90, %dma_wait3A_96] : memref<40x128xi32, #tpu.memory_space<vmem>> -> memref<1x128xi32, #tpu.memory_space<vmem>>
      %dma_wait3A_98 = tpu.memref_squeeze %dma_wait3A_97 : memref<1x128xi32, #tpu.memory_space<vmem>> -> memref<128xi32, #tpu.memory_space<vmem>>
      %dma_wait3A_99 = arith.constant 0 : i32
      %dma_wait3A_100 = arith.constant 0 : i32
      %dma_wait3A_101 = tpu.memref_slice %arg11[%dma_wait3A_99, %dma_wait3A_100] : memref<10240x128xi32, #tpu.memory_space<vmem_shared>> -> memref<10240x128xi32, #tpu.memory_space<vmem_shared>>
      %dma_wait3A_102 = tpu.memref_slice %arg10[%dma_wait3A_91] : memref<2x!tpu.dma_semaphore, #tpu.memory_space<semaphore_mem>> -> memref<1x!tpu.dma_semaphore, #tpu.memory_space<semaphore_mem>>
      %dma_wait3A_103 = tpu.memref_squeeze %dma_wait3A_102 : memref<1x!tpu.dma_semaphore, #tpu.memory_space<semaphore_mem>> -> memref<!tpu.dma_semaphore, #tpu.memory_space<semaphore_mem>>
      tpu.wait_indirect_dma semaphore(%dma_wait3A_103 : memref<!tpu.dma_semaphore, #tpu.memory_space<semaphore_mem>>) src(%dma_wait3A_95 : memref<128x128xi32, #tpu.memory_space<vmem>>) dst(%dma_wait3A_101 : memref<10240x128xi32, #tpu.memory_space<vmem_shared>>)
    } else {
    }
    %eq3A_40 = arith.constant 1 : i32
    %eq3A_41 = arith.cmpi eq, %arg0, %eq3A_40 : i32
    %or3A_42 = arith.constant true
    %or3A_43 = arith.ori %eq3A_41, %or3A_42 : i1
    %convert_element_type3A_44 = arith.extui %or3A_43 : i1 to i32
    %cond3A_45 = arith.constant 0 : i32
    %cond3A_46 = arith.cmpi ne, %convert_element_type3A_44, %cond3A_45 : i32
    scf.if %cond3A_46 {
      %add3A_52 = arith.constant 40 : i32
      %add3A_53 = arith.addi %select_n3A, %add3A_52 : i32
      "tpu.region"() ({
        %run_scoped3A_104 = tpu.sem_alloc : memref<!tpu.dma_semaphore, #tpu.memory_space<semaphore_mem>>
        %dma_start3A_105 = arith.constant 0 : i32
        %dma_start3A_106 = tpu.memref_slice %arg3[%add3A_53, %dma_start3A_105] : memref<2560x128xi32, #tpu.memory_space<hbm>> -> memref<40x128xi32, #tpu.memory_space<hbm>>
        %dma_start3A_107 = arith.constant 0 : i32
        %dma_start3A_108 = tpu.memref_slice %arg3[%add3A_53, %dma_start3A_107] : memref<2560x128xi32, #tpu.memory_space<hbm>> -> memref<40x128xi32, #tpu.memory_space<hbm>>
        tpu.enqueue_dma source(%dma_start3A_108 : memref<40x128xi32, #tpu.memory_space<hbm>>) target(%arg6 : memref<40x128xi32, #tpu.memory_space<vmem>>) target_semaphore(%run_scoped3A_104 : memref<!tpu.dma_semaphore, #tpu.memory_space<semaphore_mem>>)
        %dma_wait3A_109 = arith.constant 0 : i32
        %dma_wait3A_110 = tpu.memref_slice %arg3[%add3A_53, %dma_wait3A_109] : memref<2560x128xi32, #tpu.memory_space<hbm>> -> memref<40x128xi32, #tpu.memory_space<hbm>>
        %dma_wait3A_111 = arith.constant 0 : i32
        %dma_wait3A_112 = tpu.memref_slice %arg3[%add3A_53, %dma_wait3A_111] : memref<2560x128xi32, #tpu.memory_space<hbm>> -> memref<40x128xi32, #tpu.memory_space<hbm>>
        tpu.wait_dma2 semaphore(%run_scoped3A_104 : memref<!tpu.dma_semaphore, #tpu.memory_space<semaphore_mem>>) src(%dma_wait3A_112 : memref<40x128xi32, #tpu.memory_space<hbm>>) dst(%arg6 : memref<40x128xi32, #tpu.memory_space<vmem>>)
        tpu.yield
      }) : () -> ()
      %add3A_54 = arith.constant 40 : i32
      %add3A_55 = arith.addi %select_n3A, %add3A_54 : i32
      "tpu.region"() ({
        %run_scoped3A_104 = tpu.sem_alloc : memref<!tpu.dma_semaphore, #tpu.memory_space<semaphore_mem>>
        %dma_start3A_105 = arith.constant 0 : i32
        %dma_start3A_106 = tpu.memref_slice %arg4[%add3A_55, %dma_start3A_105] : memref<2560x128xi32, #tpu.memory_space<hbm>> -> memref<40x128xi32, #tpu.memory_space<hbm>>
        %dma_start3A_107 = arith.constant 0 : i32
        %dma_start3A_108 = tpu.memref_slice %arg4[%add3A_55, %dma_start3A_107] : memref<2560x128xi32, #tpu.memory_space<hbm>> -> memref<40x128xi32, #tpu.memory_space<hbm>>
        tpu.enqueue_dma source(%dma_start3A_108 : memref<40x128xi32, #tpu.memory_space<hbm>>) target(%arg7 : memref<40x128xi32, #tpu.memory_space<vmem>>) target_semaphore(%run_scoped3A_104 : memref<!tpu.dma_semaphore, #tpu.memory_space<semaphore_mem>>)
        %dma_wait3A_109 = arith.constant 0 : i32
        %dma_wait3A_110 = tpu.memref_slice %arg4[%add3A_55, %dma_wait3A_109] : memref<2560x128xi32, #tpu.memory_space<hbm>> -> memref<40x128xi32, #tpu.memory_space<hbm>>
        %dma_wait3A_111 = arith.constant 0 : i32
        %dma_wait3A_112 = tpu.memref_slice %arg4[%add3A_55, %dma_wait3A_111] : memref<2560x128xi32, #tpu.memory_space<hbm>> -> memref<40x128xi32, #tpu.memory_space<hbm>>
        tpu.wait_dma2 semaphore(%run_scoped3A_104 : memref<!tpu.dma_semaphore, #tpu.memory_space<semaphore_mem>>) src(%dma_wait3A_112 : memref<40x128xi32, #tpu.memory_space<hbm>>) dst(%arg7 : memref<40x128xi32, #tpu.memory_space<vmem>>)
        tpu.yield
      }) : () -> ()
      %dma_start3A = arith.constant 0 : i32
      %dma_start3A_56 = arith.constant 0 : i32
      %dma_start3A_57 = arith.constant 0 : i32
      %dma_start3A_58 = arith.constant 0 : i32
      %dma_start3A_59 = arith.constant 0 : i32
      %dma_start3A_60 = tpu.memref_slice %arg8[%dma_start3A_56, %dma_start3A_58, %dma_start3A_59] : memref<2x128x128xi32, #tpu.memory_space<vmem>> -> memref<1x128x128xi32, #tpu.memory_space<vmem>>
      %dma_start3A_61 = tpu.memref_squeeze %dma_start3A_60 : memref<1x128x128xi32, #tpu.memory_space<vmem>> -> memref<128x128xi32, #tpu.memory_space<vmem>>
      %dma_start3A_62 = arith.constant 0 : i32
      %dma_start3A_63 = tpu.memref_slice %arg6[%dma_start3A, %dma_start3A_62] : memref<40x128xi32, #tpu.memory_space<vmem>> -> memref<1x128xi32, #tpu.memory_space<vmem>>
      %dma_start3A_64 = tpu.memref_squeeze %dma_start3A_63 : memref<1x128xi32, #tpu.memory_space<vmem>> -> memref<128xi32, #tpu.memory_space<vmem>>
      %dma_start3A_65 = arith.constant 0 : i32
      %dma_start3A_66 = arith.constant 0 : i32
      %dma_start3A_67 = tpu.memref_slice %arg2[%dma_start3A_65, %dma_start3A_66] : memref<10000x128xi32, #tpu.memory_space<hbm>> -> memref<10000x128xi32, #tpu.memory_space<hbm>>
      %dma_start3A_68 = tpu.memref_slice %arg9[%dma_start3A_57] : memref<2x!tpu.dma_semaphore, #tpu.memory_space<semaphore_mem>> -> memref<1x!tpu.dma_semaphore, #tpu.memory_space<semaphore_mem>>
      %dma_start3A_69 = tpu.memref_squeeze %dma_start3A_68 : memref<1x!tpu.dma_semaphore, #tpu.memory_space<semaphore_mem>> -> memref<!tpu.dma_semaphore, #tpu.memory_space<semaphore_mem>>
      tpu.enqueue_indirect_dma source(%dma_start3A_67 : memref<10000x128xi32, #tpu.memory_space<hbm>>) target(%dma_start3A_61 : memref<128x128xi32, #tpu.memory_space<vmem>>) offsets(%dma_start3A_64 : memref<128xi32, #tpu.memory_space<vmem>>) semaphore(%dma_start3A_69 : memref<!tpu.dma_semaphore, #tpu.memory_space<semaphore_mem>>)
      %scan3A_70 = arith.constant 0 : i32
      %scan3A_71 = arith.constant 20 : i32
      %scan3A_72 = arith.addi %scan3A_70, %scan3A_71 : i32
      %scan3A_73 = arith.constant 1 : i32
      scf.for %scan3A_104 = %scan3A_70 to %scan3A_72 step %scan3A_73  : i32 {
        %mul3A_105 = arith.constant 1 : i32
        %mul3A_106 = arith.muli %scan3A_104, %mul3A_105 : i32
        %add3A_107 = arith.constant 0 : i32
        %add3A_108 = arith.addi %add3A_107, %mul3A_106 : i32
        %mul3A_109 = arith.constant 2 : i32
        %mul3A_110 = arith.muli %add3A_108, %mul3A_109 : i32
        %add3A_111 = arith.constant 0 : i32
        %add3A_112 = arith.addi %mul3A_110, %add3A_111 : i32
        %add3A_113 = arith.constant 1 : i32
        %add3A_114 = arith.addi %add3A_112, %add3A_113 : i32
        %lt3A = arith.constant 40 : i32
        %lt3A_115 = arith.cmpi slt, %add3A_114, %lt3A : i32
        %convert_element_type3A_116 = arith.extui %lt3A_115 : i1 to i32
        %cond3A_117 = arith.constant 0 : i32
        %cond3A_118 = arith.cmpi ne, %convert_element_type3A_116, %cond3A_117 : i32
        scf.if %cond3A_118 {
          %ge3A = arith.constant 1 : i32
          %ge3A_186 = arith.cmpi sge, %add3A_112, %ge3A : i32
          %convert_element_type3A_187 = arith.extui %ge3A_186 : i1 to i32
          %cond3A_188 = arith.constant 0 : i32
          %cond3A_189 = arith.cmpi ne, %convert_element_type3A_187, %cond3A_188 : i32
          scf.if %cond3A_189 {
            %sub3A = arith.constant 1 : i32
            %sub3A_206 = arith.subi %add3A_112, %sub3A : i32
            %dma_wait3A_207 = arith.constant 1 : i32
            %dma_wait3A_208 = arith.constant 1 : i32
            %dma_wait3A_209 = arith.constant 0 : i32
            %dma_wait3A_210 = arith.constant 0 : i32
            %dma_wait3A_211 = tpu.memref_slice %arg8[%dma_wait3A_207, %dma_wait3A_209, %dma_wait3A_210] : memref<2x128x128xi32, #tpu.memory_space<vmem>> -> memref<1x128x128xi32, #tpu.memory_space<vmem>>
            %dma_wait3A_212 = tpu.memref_squeeze %dma_wait3A_211 : memref<1x128x128xi32, #tpu.memory_space<vmem>> -> memref<128x128xi32, #tpu.memory_space<vmem>>
            %dma_wait3A_213 = arith.constant 0 : i32
            %dma_wait3A_214 = tpu.memref_slice %arg7[%sub3A_206, %dma_wait3A_213] : memref<40x128xi32, #tpu.memory_space<vmem>> -> memref<1x128xi32, #tpu.memory_space<vmem>>
            %dma_wait3A_215 = tpu.memref_squeeze %dma_wait3A_214 : memref<1x128xi32, #tpu.memory_space<vmem>> -> memref<128xi32, #tpu.memory_space<vmem>>
            %dma_wait3A_216 = arith.constant 0 : i32
            %dma_wait3A_217 = arith.constant 0 : i32
            %dma_wait3A_218 = tpu.memref_slice %arg11[%dma_wait3A_216, %dma_wait3A_217] : memref<10240x128xi32, #tpu.memory_space<vmem_shared>> -> memref<10240x128xi32, #tpu.memory_space<vmem_shared>>
            %dma_wait3A_219 = tpu.memref_slice %arg10[%dma_wait3A_208] : memref<2x!tpu.dma_semaphore, #tpu.memory_space<semaphore_mem>> -> memref<1x!tpu.dma_semaphore, #tpu.memory_space<semaphore_mem>>
            %dma_wait3A_220 = tpu.memref_squeeze %dma_wait3A_219 : memref<1x!tpu.dma_semaphore, #tpu.memory_space<semaphore_mem>> -> memref<!tpu.dma_semaphore, #tpu.memory_space<semaphore_mem>>
            tpu.wait_indirect_dma semaphore(%dma_wait3A_220 : memref<!tpu.dma_semaphore, #tpu.memory_space<semaphore_mem>>) src(%dma_wait3A_212 : memref<128x128xi32, #tpu.memory_space<vmem>>) dst(%dma_wait3A_218 : memref<10240x128xi32, #tpu.memory_space<vmem_shared>>)
          } else {
          }
          %add3A_190 = arith.constant 1 : i32
          %add3A_191 = arith.addi %add3A_112, %add3A_190 : i32
          %dma_start3A_192 = arith.constant 1 : i32
          %dma_start3A_193 = arith.constant 1 : i32
          %dma_start3A_194 = arith.constant 0 : i32
          %dma_start3A_195 = arith.constant 0 : i32
          %dma_start3A_196 = tpu.memref_slice %arg8[%dma_start3A_192, %dma_start3A_194, %dma_start3A_195] : memref<2x128x128xi32, #tpu.memory_space<vmem>> -> memref<1x128x128xi32, #tpu.memory_space<vmem>>
          %dma_start3A_197 = tpu.memref_squeeze %dma_start3A_196 : memref<1x128x128xi32, #tpu.memory_space<vmem>> -> memref<128x128xi32, #tpu.memory_space<vmem>>
          %dma_start3A_198 = arith.constant 0 : i32
          %dma_start3A_199 = tpu.memref_slice %arg6[%add3A_191, %dma_start3A_198] : memref<40x128xi32, #tpu.memory_space<vmem>> -> memref<1x128xi32, #tpu.memory_space<vmem>>
          %dma_start3A_200 = tpu.memref_squeeze %dma_start3A_199 : memref<1x128xi32, #tpu.memory_space<vmem>> -> memref<128xi32, #tpu.memory_space<vmem>>
          %dma_start3A_201 = arith.constant 0 : i32
          %dma_start3A_202 = arith.constant 0 : i32
          %dma_start3A_203 = tpu.memref_slice %arg2[%dma_start3A_201, %dma_start3A_202] : memref<10000x128xi32, #tpu.memory_space<hbm>> -> memref<10000x128xi32, #tpu.memory_space<hbm>>
          %dma_start3A_204 = tpu.memref_slice %arg9[%dma_start3A_193] : memref<2x!tpu.dma_semaphore, #tpu.memory_space<semaphore_mem>> -> memref<1x!tpu.dma_semaphore, #tpu.memory_space<semaphore_mem>>
          %dma_start3A_205 = tpu.memref_squeeze %dma_start3A_204 : memref<1x!tpu.dma_semaphore, #tpu.memory_space<semaphore_mem>> -> memref<!tpu.dma_semaphore, #tpu.memory_space<semaphore_mem>>
          tpu.enqueue_indirect_dma source(%dma_start3A_203 : memref<10000x128xi32, #tpu.memory_space<hbm>>) target(%dma_start3A_197 : memref<128x128xi32, #tpu.memory_space<vmem>>) offsets(%dma_start3A_200 : memref<128xi32, #tpu.memory_space<vmem>>) semaphore(%dma_start3A_205 : memref<!tpu.dma_semaphore, #tpu.memory_space<semaphore_mem>>)
        } else {
        }
        %dma_wait3A_119 = arith.constant 0 : i32
        %dma_wait3A_120 = arith.constant 0 : i32
        %dma_wait3A_121 = arith.constant 0 : i32
        %dma_wait3A_122 = arith.constant 0 : i32
        %dma_wait3A_123 = tpu.memref_slice %arg8[%dma_wait3A_119, %dma_wait3A_121, %dma_wait3A_122] : memref<2x128x128xi32, #tpu.memory_space<vmem>> -> memref<1x128x128xi32, #tpu.memory_space<vmem>>
        %dma_wait3A_124 = tpu.memref_squeeze %dma_wait3A_123 : memref<1x128x128xi32, #tpu.memory_space<vmem>> -> memref<128x128xi32, #tpu.memory_space<vmem>>
        %dma_wait3A_125 = arith.constant 0 : i32
        %dma_wait3A_126 = tpu.memref_slice %arg6[%add3A_112, %dma_wait3A_125] : memref<40x128xi32, #tpu.memory_space<vmem>> -> memref<1x128xi32, #tpu.memory_space<vmem>>
        %dma_wait3A_127 = tpu.memref_squeeze %dma_wait3A_126 : memref<1x128xi32, #tpu.memory_space<vmem>> -> memref<128xi32, #tpu.memory_space<vmem>>
        %dma_wait3A_128 = arith.constant 0 : i32
        %dma_wait3A_129 = arith.constant 0 : i32
        %dma_wait3A_130 = tpu.memref_slice %arg2[%dma_wait3A_128, %dma_wait3A_129] : memref<10000x128xi32, #tpu.memory_space<hbm>> -> memref<10000x128xi32, #tpu.memory_space<hbm>>
        %dma_wait3A_131 = tpu.memref_slice %arg9[%dma_wait3A_120] : memref<2x!tpu.dma_semaphore, #tpu.memory_space<semaphore_mem>> -> memref<1x!tpu.dma_semaphore, #tpu.memory_space<semaphore_mem>>
        %dma_wait3A_132 = tpu.memref_squeeze %dma_wait3A_131 : memref<1x!tpu.dma_semaphore, #tpu.memory_space<semaphore_mem>> -> memref<!tpu.dma_semaphore, #tpu.memory_space<semaphore_mem>>
        tpu.wait_indirect_dma semaphore(%dma_wait3A_132 : memref<!tpu.dma_semaphore, #tpu.memory_space<semaphore_mem>>) src(%dma_wait3A_130 : memref<10000x128xi32, #tpu.memory_space<hbm>>) dst(%dma_wait3A_124 : memref<128x128xi32, #tpu.memory_space<vmem>>)
        %dma_start3A_133 = arith.constant 0 : i32
        %dma_start3A_134 = arith.constant 0 : i32
        %dma_start3A_135 = arith.constant 0 : i32
        %dma_start3A_136 = arith.constant 0 : i32
        %dma_start3A_137 = tpu.memref_slice %arg8[%dma_start3A_133, %dma_start3A_135, %dma_start3A_136] : memref<2x128x128xi32, #tpu.memory_space<vmem>> -> memref<1x128x128xi32, #tpu.memory_space<vmem>>
        %dma_start3A_138 = tpu.memref_squeeze %dma_start3A_137 : memref<1x128x128xi32, #tpu.memory_space<vmem>> -> memref<128x128xi32, #tpu.memory_space<vmem>>
        %dma_start3A_139 = arith.constant 0 : i32
        %dma_start3A_140 = tpu.memref_slice %arg7[%add3A_112, %dma_start3A_139] : memref<40x128xi32, #tpu.memory_space<vmem>> -> memref<1x128xi32, #tpu.memory_space<vmem>>
        %dma_start3A_141 = tpu.memref_squeeze %dma_start3A_140 : memref<1x128xi32, #tpu.memory_space<vmem>> -> memref<128xi32, #tpu.memory_space<vmem>>
        %dma_start3A_142 = arith.constant 0 : i32
        %dma_start3A_143 = arith.constant 0 : i32
        %dma_start3A_144 = tpu.memref_slice %arg11[%dma_start3A_142, %dma_start3A_143] : memref<10240x128xi32, #tpu.memory_space<vmem_shared>> -> memref<10240x128xi32, #tpu.memory_space<vmem_shared>>
        %dma_start3A_145 = tpu.memref_slice %arg10[%dma_start3A_134] : memref<2x!tpu.dma_semaphore, #tpu.memory_space<semaphore_mem>> -> memref<1x!tpu.dma_semaphore, #tpu.memory_space<semaphore_mem>>
        %dma_start3A_146 = tpu.memref_squeeze %dma_start3A_145 : memref<1x!tpu.dma_semaphore, #tpu.memory_space<semaphore_mem>> -> memref<!tpu.dma_semaphore, #tpu.memory_space<semaphore_mem>>
        tpu.enqueue_indirect_dma source(%dma_start3A_138 : memref<128x128xi32, #tpu.memory_space<vmem>>) target(%dma_start3A_144 : memref<10240x128xi32, #tpu.memory_space<vmem_shared>>) offsets(%dma_start3A_141 : memref<128xi32, #tpu.memory_space<vmem>>) semaphore(%dma_start3A_146 : memref<!tpu.dma_semaphore, #tpu.memory_space<semaphore_mem>>) {add = true}
        %mul3A_147 = arith.constant 2 : i32
        %mul3A_148 = arith.muli %add3A_108, %mul3A_147 : i32
        %add3A_149 = arith.constant 1 : i32
        %add3A_150 = arith.addi %mul3A_148, %add3A_149 : i32
        %add3A_151 = arith.constant 1 : i32
        %add3A_152 = arith.addi %add3A_150, %add3A_151 : i32
        %lt3A_153 = arith.constant 40 : i32
        %lt3A_154 = arith.cmpi slt, %add3A_152, %lt3A_153 : i32
        %convert_element_type3A_155 = arith.extui %lt3A_154 : i1 to i32
        %cond3A_156 = arith.constant 0 : i32
        %cond3A_157 = arith.cmpi ne, %convert_element_type3A_155, %cond3A_156 : i32
        scf.if %cond3A_157 {
          %ge3A = arith.constant 1 : i32
          %ge3A_186 = arith.cmpi sge, %add3A_150, %ge3A : i32
          %convert_element_type3A_187 = arith.extui %ge3A_186 : i1 to i32
          %cond3A_188 = arith.constant 0 : i32
          %cond3A_189 = arith.cmpi ne, %convert_element_type3A_187, %cond3A_188 : i32
          scf.if %cond3A_189 {
            %sub3A = arith.constant 1 : i32
            %sub3A_206 = arith.subi %add3A_150, %sub3A : i32
            %dma_wait3A_207 = arith.constant 0 : i32
            %dma_wait3A_208 = arith.constant 0 : i32
            %dma_wait3A_209 = arith.constant 0 : i32
            %dma_wait3A_210 = arith.constant 0 : i32
            %dma_wait3A_211 = tpu.memref_slice %arg8[%dma_wait3A_207, %dma_wait3A_209, %dma_wait3A_210] : memref<2x128x128xi32, #tpu.memory_space<vmem>> -> memref<1x128x128xi32, #tpu.memory_space<vmem>>
            %dma_wait3A_212 = tpu.memref_squeeze %dma_wait3A_211 : memref<1x128x128xi32, #tpu.memory_space<vmem>> -> memref<128x128xi32, #tpu.memory_space<vmem>>
            %dma_wait3A_213 = arith.constant 0 : i32
            %dma_wait3A_214 = tpu.memref_slice %arg7[%sub3A_206, %dma_wait3A_213] : memref<40x128xi32, #tpu.memory_space<vmem>> -> memref<1x128xi32, #tpu.memory_space<vmem>>
            %dma_wait3A_215 = tpu.memref_squeeze %dma_wait3A_214 : memref<1x128xi32, #tpu.memory_space<vmem>> -> memref<128xi32, #tpu.memory_space<vmem>>
            %dma_wait3A_216 = arith.constant 0 : i32
            %dma_wait3A_217 = arith.constant 0 : i32
            %dma_wait3A_218 = tpu.memref_slice %arg11[%dma_wait3A_216, %dma_wait3A_217] : memref<10240x128xi32, #tpu.memory_space<vmem_shared>> -> memref<10240x128xi32, #tpu.memory_space<vmem_shared>>
            %dma_wait3A_219 = tpu.memref_slice %arg10[%dma_wait3A_208] : memref<2x!tpu.dma_semaphore, #tpu.memory_space<semaphore_mem>> -> memref<1x!tpu.dma_semaphore, #tpu.memory_space<semaphore_mem>>
            %dma_wait3A_220 = tpu.memref_squeeze %dma_wait3A_219 : memref<1x!tpu.dma_semaphore, #tpu.memory_space<semaphore_mem>> -> memref<!tpu.dma_semaphore, #tpu.memory_space<semaphore_mem>>
            tpu.wait_indirect_dma semaphore(%dma_wait3A_220 : memref<!tpu.dma_semaphore, #tpu.memory_space<semaphore_mem>>) src(%dma_wait3A_212 : memref<128x128xi32, #tpu.memory_space<vmem>>) dst(%dma_wait3A_218 : memref<10240x128xi32, #tpu.memory_space<vmem_shared>>)
          } else {
          }
          %add3A_190 = arith.constant 1 : i32
          %add3A_191 = arith.addi %add3A_150, %add3A_190 : i32
          %dma_start3A_192 = arith.constant 0 : i32
          %dma_start3A_193 = arith.constant 0 : i32
          %dma_start3A_194 = arith.constant 0 : i32
          %dma_start3A_195 = arith.constant 0 : i32
          %dma_start3A_196 = tpu.memref_slice %arg8[%dma_start3A_192, %dma_start3A_194, %dma_start3A_195] : memref<2x128x128xi32, #tpu.memory_space<vmem>> -> memref<1x128x128xi32, #tpu.memory_space<vmem>>
          %dma_start3A_197 = tpu.memref_squeeze %dma_start3A_196 : memref<1x128x128xi32, #tpu.memory_space<vmem>> -> memref<128x128xi32, #tpu.memory_space<vmem>>
          %dma_start3A_198 = arith.constant 0 : i32
          %dma_start3A_199 = tpu.memref_slice %arg6[%add3A_191, %dma_start3A_198] : memref<40x128xi32, #tpu.memory_space<vmem>> -> memref<1x128xi32, #tpu.memory_space<vmem>>
          %dma_start3A_200 = tpu.memref_squeeze %dma_start3A_199 : memref<1x128xi32, #tpu.memory_space<vmem>> -> memref<128xi32, #tpu.memory_space<vmem>>
          %dma_start3A_201 = arith.constant 0 : i32
          %dma_start3A_202 = arith.constant 0 : i32
          %dma_start3A_203 = tpu.memref_slice %arg2[%dma_start3A_201, %dma_start3A_202] : memref<10000x128xi32, #tpu.memory_space<hbm>> -> memref<10000x128xi32, #tpu.memory_space<hbm>>
          %dma_start3A_204 = tpu.memref_slice %arg9[%dma_start3A_193] : memref<2x!tpu.dma_semaphore, #tpu.memory_space<semaphore_mem>> -> memref<1x!tpu.dma_semaphore, #tpu.memory_space<semaphore_mem>>
          %dma_start3A_205 = tpu.memref_squeeze %dma_start3A_204 : memref<1x!tpu.dma_semaphore, #tpu.memory_space<semaphore_mem>> -> memref<!tpu.dma_semaphore, #tpu.memory_space<semaphore_mem>>
          tpu.enqueue_indirect_dma source(%dma_start3A_203 : memref<10000x128xi32, #tpu.memory_space<hbm>>) target(%dma_start3A_197 : memref<128x128xi32, #tpu.memory_space<vmem>>) offsets(%dma_start3A_200 : memref<128xi32, #tpu.memory_space<vmem>>) semaphore(%dma_start3A_205 : memref<!tpu.dma_semaphore, #tpu.memory_space<semaphore_mem>>)
        } else {
        }
        %dma_wait3A_158 = arith.constant 1 : i32
        %dma_wait3A_159 = arith.constant 1 : i32
        %dma_wait3A_160 = arith.constant 0 : i32
        %dma_wait3A_161 = arith.constant 0 : i32
        %dma_wait3A_162 = tpu.memref_slice %arg8[%dma_wait3A_158, %dma_wait3A_160, %dma_wait3A_161] : memref<2x128x128xi32, #tpu.memory_space<vmem>> -> memref<1x128x128xi32, #tpu.memory_space<vmem>>
        %dma_wait3A_163 = tpu.memref_squeeze %dma_wait3A_162 : memref<1x128x128xi32, #tpu.memory_space<vmem>> -> memref<128x128xi32, #tpu.memory_space<vmem>>
        %dma_wait3A_164 = arith.constant 0 : i32
        %dma_wait3A_165 = tpu.memref_slice %arg6[%add3A_150, %dma_wait3A_164] : memref<40x128xi32, #tpu.memory_space<vmem>> -> memref<1x128xi32, #tpu.memory_space<vmem>>
        %dma_wait3A_166 = tpu.memref_squeeze %dma_wait3A_165 : memref<1x128xi32, #tpu.memory_space<vmem>> -> memref<128xi32, #tpu.memory_space<vmem>>
        %dma_wait3A_167 = arith.constant 0 : i32
        %dma_wait3A_168 = arith.constant 0 : i32
        %dma_wait3A_169 = tpu.memref_slice %arg2[%dma_wait3A_167, %dma_wait3A_168] : memref<10000x128xi32, #tpu.memory_space<hbm>> -> memref<10000x128xi32, #tpu.memory_space<hbm>>
        %dma_wait3A_170 = tpu.memref_slice %arg9[%dma_wait3A_159] : memref<2x!tpu.dma_semaphore, #tpu.memory_space<semaphore_mem>> -> memref<1x!tpu.dma_semaphore, #tpu.memory_space<semaphore_mem>>
        %dma_wait3A_171 = tpu.memref_squeeze %dma_wait3A_170 : memref<1x!tpu.dma_semaphore, #tpu.memory_space<semaphore_mem>> -> memref<!tpu.dma_semaphore, #tpu.memory_space<semaphore_mem>>
        tpu.wait_indirect_dma semaphore(%dma_wait3A_171 : memref<!tpu.dma_semaphore, #tpu.memory_space<semaphore_mem>>) src(%dma_wait3A_169 : memref<10000x128xi32, #tpu.memory_space<hbm>>) dst(%dma_wait3A_163 : memref<128x128xi32, #tpu.memory_space<vmem>>)
        %dma_start3A_172 = arith.constant 1 : i32
        %dma_start3A_173 = arith.constant 1 : i32
        %dma_start3A_174 = arith.constant 0 : i32
        %dma_start3A_175 = arith.constant 0 : i32
        %dma_start3A_176 = tpu.memref_slice %arg8[%dma_start3A_172, %dma_start3A_174, %dma_start3A_175] : memref<2x128x128xi32, #tpu.memory_space<vmem>> -> memref<1x128x128xi32, #tpu.memory_space<vmem>>
        %dma_start3A_177 = tpu.memref_squeeze %dma_start3A_176 : memref<1x128x128xi32, #tpu.memory_space<vmem>> -> memref<128x128xi32, #tpu.memory_space<vmem>>
        %dma_start3A_178 = arith.constant 0 : i32
        %dma_start3A_179 = tpu.memref_slice %arg7[%add3A_150, %dma_start3A_178] : memref<40x128xi32, #tpu.memory_space<vmem>> -> memref<1x128xi32, #tpu.memory_space<vmem>>
        %dma_start3A_180 = tpu.memref_squeeze %dma_start3A_179 : memref<1x128xi32, #tpu.memory_space<vmem>> -> memref<128xi32, #tpu.memory_space<vmem>>
        %dma_start3A_181 = arith.constant 0 : i32
        %dma_start3A_182 = arith.constant 0 : i32
        %dma_start3A_183 = tpu.memref_slice %arg11[%dma_start3A_181, %dma_start3A_182] : memref<10240x128xi32, #tpu.memory_space<vmem_shared>> -> memref<10240x128xi32, #tpu.memory_space<vmem_shared>>
        %dma_start3A_184 = tpu.memref_slice %arg10[%dma_start3A_173] : memref<2x!tpu.dma_semaphore, #tpu.memory_space<semaphore_mem>> -> memref<1x!tpu.dma_semaphore, #tpu.memory_space<semaphore_mem>>
        %dma_start3A_185 = tpu.memref_squeeze %dma_start3A_184 : memref<1x!tpu.dma_semaphore, #tpu.memory_space<semaphore_mem>> -> memref<!tpu.dma_semaphore, #tpu.memory_space<semaphore_mem>>
        tpu.enqueue_indirect_dma source(%dma_start3A_177 : memref<128x128xi32, #tpu.memory_space<vmem>>) target(%dma_start3A_183 : memref<10240x128xi32, #tpu.memory_space<vmem_shared>>) offsets(%dma_start3A_180 : memref<128xi32, #tpu.memory_space<vmem>>) semaphore(%dma_start3A_185 : memref<!tpu.dma_semaphore, #tpu.memory_space<semaphore_mem>>) {add = true}
      }
      %scan3A_74 = arith.constant 20 : i32
      %dma_wait3A = arith.constant 0 : i32
      %dma_wait3A_75 = arith.constant 38 : i32
      %dma_wait3A_76 = arith.constant 0 : i32
      %dma_wait3A_77 = arith.constant 0 : i32
      %dma_wait3A_78 = arith.constant 0 : i32
      %dma_wait3A_79 = tpu.memref_slice %arg8[%dma_wait3A, %dma_wait3A_77, %dma_wait3A_78] : memref<2x128x128xi32, #tpu.memory_space<vmem>> -> memref<1x128x128xi32, #tpu.memory_space<vmem>>
      %dma_wait3A_80 = tpu.memref_squeeze %dma_wait3A_79 : memref<1x128x128xi32, #tpu.memory_space<vmem>> -> memref<128x128xi32, #tpu.memory_space<vmem>>
      %dma_wait3A_81 = arith.constant 0 : i32
      %dma_wait3A_82 = tpu.memref_slice %arg7[%dma_wait3A_75, %dma_wait3A_81] : memref<40x128xi32, #tpu.memory_space<vmem>> -> memref<1x128xi32, #tpu.memory_space<vmem>>
      %dma_wait3A_83 = tpu.memref_squeeze %dma_wait3A_82 : memref<1x128xi32, #tpu.memory_space<vmem>> -> memref<128xi32, #tpu.memory_space<vmem>>
      %dma_wait3A_84 = arith.constant 0 : i32
      %dma_wait3A_85 = arith.constant 0 : i32
      %dma_wait3A_86 = tpu.memref_slice %arg11[%dma_wait3A_84, %dma_wait3A_85] : memref<10240x128xi32, #tpu.memory_space<vmem_shared>> -> memref<10240x128xi32, #tpu.memory_space<vmem_shared>>
      %dma_wait3A_87 = tpu.memref_slice %arg10[%dma_wait3A_76] : memref<2x!tpu.dma_semaphore, #tpu.memory_space<semaphore_mem>> -> memref<1x!tpu.dma_semaphore, #tpu.memory_space<semaphore_mem>>
      %dma_wait3A_88 = tpu.memref_squeeze %dma_wait3A_87 : memref<1x!tpu.dma_semaphore, #tpu.memory_space<semaphore_mem>> -> memref<!tpu.dma_semaphore, #tpu.memory_space<semaphore_mem>>
      tpu.wait_indirect_dma semaphore(%dma_wait3A_88 : memref<!tpu.dma_semaphore, #tpu.memory_space<semaphore_mem>>) src(%dma_wait3A_80 : memref<128x128xi32, #tpu.memory_space<vmem>>) dst(%dma_wait3A_86 : memref<10240x128xi32, #tpu.memory_space<vmem_shared>>)
      %dma_wait3A_89 = arith.constant 1 : i32
      %dma_wait3A_90 = arith.constant 39 : i32
      %dma_wait3A_91 = arith.constant 1 : i32
      %dma_wait3A_92 = arith.constant 0 : i32
      %dma_wait3A_93 = arith.constant 0 : i32
      %dma_wait3A_94 = tpu.memref_slice %arg8[%dma_wait3A_89, %dma_wait3A_92, %dma_wait3A_93] : memref<2x128x128xi32, #tpu.memory_space<vmem>> -> memref<1x128x128xi32, #tpu.memory_space<vmem>>
      %dma_wait3A_95 = tpu.memref_squeeze %dma_wait3A_94 : memref<1x128x128xi32, #tpu.memory_space<vmem>> -> memref<128x128xi32, #tpu.memory_space<vmem>>
      %dma_wait3A_96 = arith.constant 0 : i32
      %dma_wait3A_97 = tpu.memref_slice %arg7[%dma_wait3A_90, %dma_wait3A_96] : memref<40x128xi32, #tpu.memory_space<vmem>> -> memref<1x128xi32, #tpu.memory_space<vmem>>
      %dma_wait3A_98 = tpu.memref_squeeze %dma_wait3A_97 : memref<1x128xi32, #tpu.memory_space<vmem>> -> memref<128xi32, #tpu.memory_space<vmem>>
      %dma_wait3A_99 = arith.constant 0 : i32
      %dma_wait3A_100 = arith.constant 0 : i32
      %dma_wait3A_101 = tpu.memref_slice %arg11[%dma_wait3A_99, %dma_wait3A_100] : memref<10240x128xi32, #tpu.memory_space<vmem_shared>> -> memref<10240x128xi32, #tpu.memory_space<vmem_shared>>
      %dma_wait3A_102 = tpu.memref_slice %arg10[%dma_wait3A_91] : memref<2x!tpu.dma_semaphore, #tpu.memory_space<semaphore_mem>> -> memref<1x!tpu.dma_semaphore, #tpu.memory_space<semaphore_mem>>
      %dma_wait3A_103 = tpu.memref_squeeze %dma_wait3A_102 : memref<1x!tpu.dma_semaphore, #tpu.memory_space<semaphore_mem>> -> memref<!tpu.dma_semaphore, #tpu.memory_space<semaphore_mem>>
      tpu.wait_indirect_dma semaphore(%dma_wait3A_103 : memref<!tpu.dma_semaphore, #tpu.memory_space<semaphore_mem>>) src(%dma_wait3A_95 : memref<128x128xi32, #tpu.memory_space<vmem>>) dst(%dma_wait3A_101 : memref<10240x128xi32, #tpu.memory_space<vmem_shared>>)
    } else {
    }
    %barrier3A_47 = arith.constant 0 : index
    tpu.barrier barrier_id(%barrier3A_47)
    %mul3A_48 = arith.constant 640 : i32
    %mul3A_49 = arith.muli %arg1, %mul3A_48 : i32
    %mul3A_50 = arith.constant 640 : i32
    %mul3A_51 = arith.muli %arg1, %mul3A_50 : i32
    "tpu.region"() ({
      %run_scoped3A_52 = tpu.sem_alloc : memref<!tpu.dma_semaphore, #tpu.memory_space<semaphore_mem>>
      %dma_start3A = arith.constant 0 : i32
      %dma_start3A_53 = tpu.memref_slice %arg5[%arg0, %mul3A_51, %dma_start3A] : memref<2x10240x128xi32, #tpu.memory_space<hbm>> -> memref<1x640x128xi32, #tpu.memory_space<hbm>>
      %dma_start3A_54 = tpu.memref_squeeze %dma_start3A_53 : memref<1x640x128xi32, #tpu.memory_space<hbm>> -> memref<640x128xi32, #tpu.memory_space<hbm>>
      %dma_start3A_55 = arith.constant 0 : i32
      %dma_start3A_56 = tpu.memref_slice %arg11[%mul3A_49, %dma_start3A_55] : memref<10240x128xi32, #tpu.memory_space<vmem_shared>> -> memref<640x128xi32, #tpu.memory_space<vmem_shared>>
      tpu.enqueue_dma source(%dma_start3A_56 : memref<640x128xi32, #tpu.memory_space<vmem_shared>>) target(%dma_start3A_54 : memref<640x128xi32, #tpu.memory_space<hbm>>) target_semaphore(%run_scoped3A_52 : memref<!tpu.dma_semaphore, #tpu.memory_space<semaphore_mem>>)
      %dma_wait3A = arith.constant 0 : i32
      %dma_wait3A_57 = tpu.memref_slice %arg5[%arg0, %mul3A_51, %dma_wait3A] : memref<2x10240x128xi32, #tpu.memory_space<hbm>> -> memref<1x640x128xi32, #tpu.memory_space<hbm>>
      %dma_wait3A_58 = tpu.memref_squeeze %dma_wait3A_57 : memref<1x640x128xi32, #tpu.memory_space<hbm>> -> memref<640x128xi32, #tpu.memory_space<hbm>>
      %dma_wait3A_59 = arith.constant 0 : i32
      %dma_wait3A_60 = tpu.memref_slice %arg11[%mul3A_49, %dma_wait3A_59] : memref<10240x128xi32, #tpu.memory_space<vmem_shared>> -> memref<640x128xi32, #tpu.memory_space<vmem_shared>>
      tpu.wait_dma2 semaphore(%run_scoped3A_52 : memref<!tpu.dma_semaphore, #tpu.memory_space<semaphore_mem>>) src(%dma_wait3A_60 : memref<640x128xi32, #tpu.memory_space<vmem_shared>>) dst(%dma_wait3A_58 : memref<640x128xi32, #tpu.memory_space<hbm>>)
      tpu.yield
    }) : () -> ()
    return
  }
}

module attributes {stable_mosaic.version = 14 : i64} {
  func.func @_tc1(%arg0: i32, %arg1: memref<2000x128xf32, #tpu.memory_space<vmem>>, %arg2: memref<512x128xf32, #tpu.memory_space<vmem>>, %arg3: memref<128x256xf32, #tpu.memory_space<vmem>>, %arg4: memref<128x256xf32, #tpu.memory_space<vmem>>, %arg5: memref<2x2000x1xf32, #tpu.memory_space<vmem>>, %arg6: memref<2000x256xf32, #tpu.memory_space<vmem>>, %arg7: memref<2000x1xf32, #tpu.memory_space<vmem>>, %arg8: memref<1x1x1xf32, #tpu.memory_space<vmem>>, %arg9: memref<1x1x1xf32, #tpu.memory_space<vmem>>) attributes {dimension_semantics = [#tpu.dimension_semantics<arbitrary>], iteration_bounds = array<i64: 5>, scalar_prefetch = 0 : i64, scratch_operands = 0 : i64, tpu.core_type = #tpu.core_type<tc>, window_params = [{transform_indices = @transform_0, window_bounds = array<i64: 2000, 128>}, {pipeline_mode = #tpu.pipeline_mode<synchronous>, transform_indices = @transform_1, window_bounds = array<i64: 512, 128>}, {pipeline_mode = #tpu.pipeline_mode<synchronous>, transform_indices = @transform_2, window_bounds = array<i64: 128, 256>}, {pipeline_mode = #tpu.pipeline_mode<synchronous>, transform_indices = @transform_3, window_bounds = array<i64: 128, 256>}, {transform_indices = @transform_4, window_bounds = array<i64: 2, 2000, 1>}, {transform_indices = @transform_5, window_bounds = array<i64: 2000, 256>}, {transform_indices = @transform_6, window_bounds = array<i64: 2000, 1>}, {transform_indices = @transform_7, window_bounds = array<i64: 1, 1, 1>}, {transform_indices = @transform_8, window_bounds = array<i64: 1, 1, 1>}]} {
    %get3A = arith.constant 0 : index
    %get3A_0 = arith.constant 0 : index
    %get3A_1 = vector.load %arg1[%get3A, %get3A_0] : memref<2000x128xf32, #tpu.memory_space<vmem>>, vector<2000x128xf32>
    %slice3A = vector.extract_strided_slice %get3A_1 {offsets = [0, 0], sizes = [2000, 1], strides = [1, 1]} : vector<2000x128xf32> to vector<2000x1xf32>
    %convert_element_type3A = arith.fptosi %slice3A : vector<2000x1xf32> to vector<2000x1xi32>
    %iota3A = tpu.iota {dimensions = array<i32: 1>} : vector<2000x512xi32>
    %eq3A = vector.broadcast %convert_element_type3A : vector<2000x1xi32> to vector<2000x512xi32>
    %eq3A_2 = arith.cmpi eq, %eq3A, %iota3A : vector<2000x512xi32>
    %convert_element_type3A_3 = arith.extui %eq3A_2 : vector<2000x512xi1> to vector<2000x512xi32>
    %convert_element_type3A_4 = arith.sitofp %convert_element_type3A_3 : vector<2000x512xi32> to vector<2000x512xf32>
    %get3A_5 = arith.constant 0 : index
    %get3A_6 = arith.constant 0 : index
    %get3A_7 = vector.load %arg2[%get3A_5, %get3A_6] : memref<512x128xf32, #tpu.memory_space<vmem>>, vector<512x128xf32>
    %dot_general3A = arith.constant dense<0.000000e+00> : vector<2000x128xf32>
    %dot_general3A_8 = tpu.matmul %convert_element_type3A_4, %get3A_7, %dot_general3A {dimension_numbers = #tpu.dot_dimension_numbers<[1], [0], [0], [1], [0, 0, 1, 1], [], []>, transpose_lhs_hint = false} : vector<2000x512xf32>, vector<512x128xf32>, vector<2000x128xf32> -> vector<2000x128xf32>
    %get3A_9 = arith.constant 0 : index
    %get3A_10 = arith.constant 0 : index
    %get3A_11 = vector.load %arg3[%get3A_9, %get3A_10] : memref<128x256xf32, #tpu.memory_space<vmem>>, vector<128x256xf32>
    %dot_general3A_12 = arith.constant dense<0.000000e+00> : vector<2000x256xf32>
    %dot_general3A_13 = tpu.matmul %dot_general3A_8, %get3A_11, %dot_general3A_12 {dimension_numbers = #tpu.dot_dimension_numbers<[1], [0], [0], [1], [0, 0, 1, 1], [], []>, transpose_lhs_hint = false} : vector<2000x128xf32>, vector<128x256xf32>, vector<2000x256xf32> -> vector<2000x256xf32>
    %get3A_14 = arith.constant 0 : index
    %get3A_15 = arith.constant 0 : index
    %get3A_16 = vector.load %arg4[%get3A_14, %get3A_15] : memref<128x256xf32, #tpu.memory_space<vmem>>, vector<128x256xf32>
    %dot_general3A_17 = arith.constant dense<0.000000e+00> : vector<2000x256xf32>
    %dot_general3A_18 = tpu.matmul %get3A_1, %get3A_16, %dot_general3A_17 {dimension_numbers = #tpu.dot_dimension_numbers<[1], [0], [0], [1], [0, 0, 1, 1], [], []>, transpose_lhs_hint = false} : vector<2000x128xf32>, vector<128x256xf32>, vector<2000x256xf32> -> vector<2000x256xf32>
    %add3A = arith.addf %dot_general3A_13, %dot_general3A_18 : vector<2000x256xf32>
    %get3A_19 = arith.constant 0 : index
    %get3A_20 = arith.constant 0 : index
    %get3A_21 = arith.constant 0 : index
    %get3A_22 = vector.load %arg5[%get3A_19, %get3A_20, %get3A_21] : memref<2x2000x1xf32, #tpu.memory_space<vmem>>, vector<1x2000x1xf32>
    %get3A_23 = vector.shape_cast %get3A_22 : vector<1x2000x1xf32> to vector<2000x1xf32>
    %get3A_24 = arith.constant 1 : index
    %get3A_25 = arith.constant 0 : index
    %get3A_26 = arith.constant 0 : index
    %get3A_27 = vector.load %arg5[%get3A_24, %get3A_25, %get3A_26] : memref<2x2000x1xf32, #tpu.memory_space<vmem>>, vector<1x2000x1xf32>
    %get3A_28 = vector.shape_cast %get3A_27 : vector<1x2000x1xf32> to vector<2000x1xf32>
    %add3A_29 = arith.addf %get3A_23, %get3A_28 : vector<2000x1xf32>
    %add3A_30 = arith.constant 1.000000e+00 : f32
    %add3A_31 = vector.broadcast %add3A_30 : f32 to vector<2000x1xf32>
    %add3A_32 = arith.addf %add3A_29, %add3A_31 : vector<2000x1xf32>
    %rsqrt3A = math.rsqrt %add3A_32 : vector<2000x1xf32>
    %swap3A = arith.constant 0 : index
    %swap3A_33 = arith.constant 0 : index
    %swap3A_34 = vector.load %arg7[%swap3A, %swap3A_33] : memref<2000x1xf32, #tpu.memory_space<vmem>>, vector<2000x1xf32>
    tpu.vector_store %arg7[%swap3A, %swap3A_33], %rsqrt3A {strides = array<i32>} : memref<2000x1xf32, #tpu.memory_space<vmem>>, vector<2000x1xf32>,
    %mul3A = vector.broadcast %rsqrt3A : vector<2000x1xf32> to vector<2000x256xf32>
    %mul3A_35 = arith.mulf %add3A, %mul3A : vector<2000x256xf32>
    %swap3A_36 = arith.constant 0 : index
    %swap3A_37 = arith.constant 0 : index
    %swap3A_38 = vector.load %arg6[%swap3A_36, %swap3A_37] : memref<2000x256xf32, #tpu.memory_space<vmem>>, vector<2000x256xf32>
    tpu.vector_store %arg6[%swap3A_36, %swap3A_37], %mul3A_35 {strides = array<i32>} : memref<2000x256xf32, #tpu.memory_space<vmem>>, vector<2000x256xf32>,
    %abs3A = math.absf %mul3A_35 : vector<2000x256xf32>
    %reduce_max3A = vector.shape_cast %abs3A : vector<2000x256xf32> to vector<1x2000x256xf32>
    %reduce_max3A_39 = arith.constant dense<0xFF800000> : vector<1xf32>
    %reduce_max3A_40 = vector.multi_reduction <maximumf>, %reduce_max3A, %reduce_max3A_39 [1, 2] : vector<1x2000x256xf32> to vector<1xf32>
    %reduce_max3A_41 = vector.shape_cast %reduce_max3A_40 : vector<1xf32> to vector<1x1x1xf32>
    %reduce_max3A_42 = vector.extract %reduce_max3A_41[0, 0, 0] : f32 from vector<1x1x1xf32>
    %reshape3A = vector.broadcast %reduce_max3A_42 : f32 to vector<1x1x1xf32>
    %swap3A_43 = arith.constant 0 : index
    %swap3A_44 = arith.constant 0 : index
    %swap3A_45 = arith.constant 0 : index
    %swap3A_46 = vector.load %arg8[%swap3A_43, %swap3A_44, %swap3A_45] : memref<1x1x1xf32, #tpu.memory_space<vmem>>, vector<1x1x1xf32>
    tpu.vector_store %arg8[%swap3A_43, %swap3A_44, %swap3A_45], %reshape3A {strides = array<i32>} : memref<1x1x1xf32, #tpu.memory_space<vmem>>, vector<1x1x1xf32>,
    %reduce_max3A_47 = vector.shape_cast %add3A_29 : vector<2000x1xf32> to vector<1x2000x1xf32>
    %reduce_max3A_48 = arith.constant dense<0xFF800000> : vector<1xf32>
    %reduce_max3A_49 = vector.multi_reduction <maximumf>, %reduce_max3A_47, %reduce_max3A_48 [1, 2] : vector<1x2000x1xf32> to vector<1xf32>
    %reduce_max3A_50 = vector.shape_cast %reduce_max3A_49 : vector<1xf32> to vector<1x1x1xf32>
    %reduce_max3A_51 = vector.extract %reduce_max3A_50[0, 0, 0] : f32 from vector<1x1x1xf32>
    %reshape3A_52 = vector.broadcast %reduce_max3A_51 : f32 to vector<1x1x1xf32>
    %swap3A_53 = arith.constant 0 : index
    %swap3A_54 = arith.constant 0 : index
    %swap3A_55 = arith.constant 0 : index
    %swap3A_56 = vector.load %arg9[%swap3A_53, %swap3A_54, %swap3A_55] : memref<1x1x1xf32, #tpu.memory_space<vmem>>, vector<1x1x1xf32>
    tpu.vector_store %arg9[%swap3A_53, %swap3A_54, %swap3A_55], %reshape3A_52 {strides = array<i32>} : memref<1x1x1xf32, #tpu.memory_space<vmem>>, vector<1x1x1xf32>,
    return
  }
  func.func @transform_0(%arg0: i32) -> (i32, i32) {
    %c0_i32 = arith.constant 0 : i32
    %c0_i32_0 = arith.constant 0 : i32
    return %arg0, %c0_i32 : i32, i32
  }
  func.func @transform_1(%arg0: i32) -> (i32, i32) {
    %c0_i32 = arith.constant 0 : i32
    %c0_i32_0 = arith.constant 0 : i32
    %c0_i32_1 = arith.constant 0 : i32
    return %c0_i32, %c0_i32_0 : i32, i32
  }
  func.func @transform_2(%arg0: i32) -> (i32, i32) {
    %c0_i32 = arith.constant 0 : i32
    %c0_i32_0 = arith.constant 0 : i32
    %c0_i32_1 = arith.constant 0 : i32
    return %c0_i32, %c0_i32_0 : i32, i32
  }
  func.func @transform_3(%arg0: i32) -> (i32, i32) {
    %c0_i32 = arith.constant 0 : i32
    %c0_i32_0 = arith.constant 0 : i32
    %c0_i32_1 = arith.constant 0 : i32
    return %c0_i32, %c0_i32_0 : i32, i32
  }
  func.func @transform_4(%arg0: i32) -> (i32, i32, i32) {
    %c0_i32 = arith.constant 0 : i32
    %c0_i32_0 = arith.constant 0 : i32
    %c0_i32_1 = arith.constant 0 : i32
    return %c0_i32, %arg0, %c0_i32_0 : i32, i32, i32
  }
  func.func @transform_5(%arg0: i32) -> (i32, i32) {
    %c0_i32 = arith.constant 0 : i32
    %c0_i32_0 = arith.constant 0 : i32
    return %arg0, %c0_i32 : i32, i32
  }
  func.func @transform_6(%arg0: i32) -> (i32, i32) {
    %c0_i32 = arith.constant 0 : i32
    %c0_i32_0 = arith.constant 0 : i32
    return %arg0, %c0_i32 : i32, i32
  }
  func.func @transform_7(%arg0: i32) -> (i32, i32, i32) {
    %c0_i32 = arith.constant 0 : i32
    %c0_i32_0 = arith.constant 0 : i32
    %c0_i32_1 = arith.constant 0 : i32
    return %arg0, %c0_i32, %c0_i32_0 : i32, i32, i32
  }
  func.func @transform_8(%arg0: i32) -> (i32, i32, i32) {
    %c0_i32 = arith.constant 0 : i32
    %c0_i32_0 = arith.constant 0 : i32
    %c0_i32_1 = arith.constant 0 : i32
    return %arg0, %c0_i32, %c0_i32_0 : i32, i32, i32
  }
}

module attributes {stable_mosaic.version = 14 : i64} {
  func.func @_tc_quant(%arg0: i32, %arg1: memref<2000x256xf32, #tpu.memory_space<vmem>>, %arg2: memref<5x1x1xf32, #tpu.memory_space<vmem>>, %arg3: memref<5x1x1xf32, #tpu.memory_space<vmem>>, %arg4: memref<256x128xf32, #tpu.memory_space<vmem>>, %arg5: memref<256x128xf32, #tpu.memory_space<vmem>>, %arg6: memref<2000x128xi32, #tpu.memory_space<vmem>>, %arg7: memref<1x1xf32, #tpu.memory_space<vmem>>, %arg8: memref<1x1xf32, #tpu.memory_space<vmem>>) attributes {dimension_semantics = [#tpu.dimension_semantics<arbitrary>], iteration_bounds = array<i64: 5>, scalar_prefetch = 0 : i64, scratch_operands = 0 : i64, tpu.core_type = #tpu.core_type<tc>, window_params = [{transform_indices = @transform_0, window_bounds = array<i64: 2000, 256>}, {pipeline_mode = #tpu.pipeline_mode<synchronous>, transform_indices = @transform_1, window_bounds = array<i64: 5, 1, 1>}, {pipeline_mode = #tpu.pipeline_mode<synchronous>, transform_indices = @transform_2, window_bounds = array<i64: 5, 1, 1>}, {pipeline_mode = #tpu.pipeline_mode<synchronous>, transform_indices = @transform_3, window_bounds = array<i64: 256, 128>}, {pipeline_mode = #tpu.pipeline_mode<synchronous>, transform_indices = @transform_4, window_bounds = array<i64: 256, 128>}, {transform_indices = @transform_5, window_bounds = array<i64: 2000, 128>}, {pipeline_mode = #tpu.pipeline_mode<synchronous>, transform_indices = @transform_6, window_bounds = array<i64: 1, 1>}, {pipeline_mode = #tpu.pipeline_mode<synchronous>, transform_indices = @transform_7, window_bounds = array<i64: 1, 1>}]} {
    %get3A = arith.constant 0 : index
    %get3A_0 = arith.constant 0 : index
    %get3A_1 = arith.constant 0 : index
    %get3A_2 = vector.load %arg2[%get3A, %get3A_0, %get3A_1] : memref<5x1x1xf32, #tpu.memory_space<vmem>>, vector<5x1x1xf32>
    %reduce_max3A = vector.shape_cast %get3A_2 : vector<5x1x1xf32> to vector<1x5x1x1xf32>
    %reduce_max3A_3 = arith.constant dense<0xFF800000> : vector<1xf32>
    %reduce_max3A_4 = vector.multi_reduction <maximumf>, %reduce_max3A, %reduce_max3A_3 [1, 2, 3] : vector<1x5x1x1xf32> to vector<1xf32>
    %reduce_max3A_5 = vector.shape_cast %reduce_max3A_4 : vector<1xf32> to vector<1x1x1x1xf32>
    %reduce_max3A_6 = vector.extract %reduce_max3A_5[0, 0, 0, 0] : f32 from vector<1x1x1x1xf32>
    %get3A_7 = arith.constant 0 : index
    %get3A_8 = arith.constant 0 : index
    %get3A_9 = arith.constant 0 : index
    %get3A_10 = vector.load %arg3[%get3A_7, %get3A_8, %get3A_9] : memref<5x1x1xf32, #tpu.memory_space<vmem>>, vector<5x1x1xf32>
    %reduce_max3A_11 = vector.shape_cast %get3A_10 : vector<5x1x1xf32> to vector<1x5x1x1xf32>
    %reduce_max3A_12 = arith.constant dense<0xFF800000> : vector<1xf32>
    %reduce_max3A_13 = vector.multi_reduction <maximumf>, %reduce_max3A_11, %reduce_max3A_12 [1, 2, 3] : vector<1x5x1x1xf32> to vector<1xf32>
    %reduce_max3A_14 = vector.shape_cast %reduce_max3A_13 : vector<1xf32> to vector<1x1x1x1xf32>
    %reduce_max3A_15 = vector.extract %reduce_max3A_14[0, 0, 0, 0] : f32 from vector<1x1x1x1xf32>
    %max3A = arith.constant 1.000000e+00 : f32
    %max3A_16 = arith.maximumf %reduce_max3A_15, %max3A : f32
    %div3A = arith.constant 3.276800e+04 : f32
    %div3A_17 = arith.divf %div3A, %max3A_16 : f32
    %floor3A = math.floor %div3A_17 : f32
    %sub3A = arith.constant 1.500000e+00 : f32
    %sub3A_18 = arith.subf %floor3A, %sub3A : f32
    %max3A_19 = arith.constant 9.99999968E-21 : f32
    %max3A_20 = arith.maximumf %reduce_max3A_6, %max3A_19 : f32
    %div3A_21 = arith.divf %sub3A_18, %max3A_20 : f32
    %get3A_22 = arith.constant 0 : index
    %get3A_23 = arith.constant 0 : index
    %get3A_24 = vector.load %arg1[%get3A_22, %get3A_23] : memref<2000x256xf32, #tpu.memory_space<vmem>>, vector<2000x256xf32>
    %mul3A = vector.broadcast %div3A_21 : f32 to vector<2000x256xf32>
    %mul3A_25 = arith.mulf %get3A_24, %mul3A : vector<2000x256xf32>
    %sub3A_26 = arith.constant 1.500000e+00 : f32
    %sub3A_27 = arith.subf %sub3A_26, %floor3A : f32
    %sub3A_28 = arith.constant 1.500000e+00 : f32
    %sub3A_29 = arith.subf %floor3A, %sub3A_28 : f32
    %max3A_30 = vector.broadcast %sub3A_27 : f32 to vector<2000x256xf32>
    %max3A_31 = arith.maximumf %max3A_30, %mul3A_25 : vector<2000x256xf32>
    %min3A = vector.broadcast %sub3A_29 : f32 to vector<2000x256xf32>
    %min3A_32 = arith.minimumf %min3A, %max3A_31 : vector<2000x256xf32>
    %add3A = vector.broadcast %floor3A : f32 to vector<2000x256xf32>
    %add3A_33 = arith.addf %min3A_32, %add3A : vector<2000x256xf32>
    %add3A_34 = arith.constant 5.000000e-01 : f32
    %add3A_35 = vector.broadcast %add3A_34 : f32 to vector<2000x256xf32>
    %add3A_36 = arith.addf %add3A_33, %add3A_35 : vector<2000x256xf32>
    %convert_element_type3A = arith.fptosi %add3A_36 : vector<2000x256xf32> to vector<2000x256xi32>
    %convert_element_type3A_37 = arith.sitofp %convert_element_type3A : vector<2000x256xi32> to vector<2000x256xf32>
    %get3A_38 = arith.constant 0 : index
    %get3A_39 = arith.constant 0 : index
    %get3A_40 = vector.load %arg4[%get3A_38, %get3A_39] : memref<256x128xf32, #tpu.memory_space<vmem>>, vector<256x128xf32>
    %dot_general3A = arith.constant dense<0.000000e+00> : vector<2000x128xf32>
    %dot_general3A_41 = tpu.matmul %convert_element_type3A_37, %get3A_40, %dot_general3A {dimension_numbers = #tpu.dot_dimension_numbers<[1], [0], [0], [1], [0, 0, 1, 1], [], []>, transpose_lhs_hint = false} : vector<2000x256xf32>, vector<256x128xf32>, vector<2000x128xf32> -> vector<2000x128xf32>
    %get3A_42 = arith.constant 0 : index
    %get3A_43 = arith.constant 0 : index
    %get3A_44 = vector.load %arg5[%get3A_42, %get3A_43] : memref<256x128xf32, #tpu.memory_space<vmem>>, vector<256x128xf32>
    %dot_general3A_45 = arith.constant dense<0.000000e+00> : vector<2000x128xf32>
    %dot_general3A_46 = tpu.matmul %convert_element_type3A_37, %get3A_44, %dot_general3A_45 {dimension_numbers = #tpu.dot_dimension_numbers<[1], [0], [0], [1], [0, 0, 1, 1], [], []>, transpose_lhs_hint = false} : vector<2000x256xf32>, vector<256x128xf32>, vector<2000x128xf32> -> vector<2000x128xf32>
    %convert_element_type3A_47 = arith.fptosi %dot_general3A_41 : vector<2000x128xf32> to vector<2000x128xi32>
    %convert_element_type3A_48 = arith.fptosi %dot_general3A_46 : vector<2000x128xf32> to vector<2000x128xi32>
    %shift_left3A = arith.constant 16 : i32
    %shift_left3A_49 = vector.broadcast %shift_left3A : i32 to vector<2000x128xi32>
    %shift_left3A_50 = arith.shli %convert_element_type3A_48, %shift_left3A_49 : vector<2000x128xi32>
    %or3A = arith.ori %convert_element_type3A_47, %shift_left3A_50 : vector<2000x128xi32>
    %swap3A = arith.constant 0 : index
    %swap3A_51 = arith.constant 0 : index
    %swap3A_52 = vector.load %arg6[%swap3A, %swap3A_51] : memref<2000x128xi32, #tpu.memory_space<vmem>>, vector<2000x128xi32>
    tpu.vector_store %arg6[%swap3A, %swap3A_51], %or3A {strides = array<i32>} : memref<2000x128xi32, #tpu.memory_space<vmem>>, vector<2000x128xi32>,
    %div3A_53 = arith.constant 1.000000e+00 : f32
    %div3A_54 = arith.divf %div3A_53, %div3A_21 : f32
    %reshape3A = vector.broadcast %div3A_54 : f32 to vector<1x1xf32>
    %swap3A_55 = arith.constant 0 : index
    %swap3A_56 = arith.constant 0 : index
    %swap3A_57 = vector.load %arg7[%swap3A_55, %swap3A_56] : memref<1x1xf32, #tpu.memory_space<vmem>>, vector<1x1xf32>
    tpu.vector_store %arg7[%swap3A_55, %swap3A_56], %reshape3A {strides = array<i32>} : memref<1x1xf32, #tpu.memory_space<vmem>>, vector<1x1xf32>,
    %reshape3A_58 = vector.broadcast %floor3A : f32 to vector<1x1xf32>
    %swap3A_59 = arith.constant 0 : index
    %swap3A_60 = arith.constant 0 : index
    %swap3A_61 = vector.load %arg8[%swap3A_59, %swap3A_60] : memref<1x1xf32, #tpu.memory_space<vmem>>, vector<1x1xf32>
    tpu.vector_store %arg8[%swap3A_59, %swap3A_60], %reshape3A_58 {strides = array<i32>} : memref<1x1xf32, #tpu.memory_space<vmem>>, vector<1x1xf32>,
    return
  }
  func.func @transform_0(%arg0: i32) -> (i32, i32) {
    %c0_i32 = arith.constant 0 : i32
    %c0_i32_0 = arith.constant 0 : i32
    return %arg0, %c0_i32 : i32, i32
  }
  func.func @transform_1(%arg0: i32) -> (i32, i32, i32) {
    %c0_i32 = arith.constant 0 : i32
    %c0_i32_0 = arith.constant 0 : i32
    %c0_i32_1 = arith.constant 0 : i32
    %c0_i32_2 = arith.constant 0 : i32
    return %c0_i32, %c0_i32_0, %c0_i32_1 : i32, i32, i32
  }
  func.func @transform_2(%arg0: i32) -> (i32, i32, i32) {
    %c0_i32 = arith.constant 0 : i32
    %c0_i32_0 = arith.constant 0 : i32
    %c0_i32_1 = arith.constant 0 : i32
    %c0_i32_2 = arith.constant 0 : i32
    return %c0_i32, %c0_i32_0, %c0_i32_1 : i32, i32, i32
  }
  func.func @transform_3(%arg0: i32) -> (i32, i32) {
    %c0_i32 = arith.constant 0 : i32
    %c0_i32_0 = arith.constant 0 : i32
    %c0_i32_1 = arith.constant 0 : i32
    return %c0_i32, %c0_i32_0 : i32, i32
  }
  func.func @transform_4(%arg0: i32) -> (i32, i32) {
    %c0_i32 = arith.constant 0 : i32
    %c0_i32_0 = arith.constant 0 : i32
    %c0_i32_1 = arith.constant 0 : i32
    return %c0_i32, %c0_i32_0 : i32, i32
  }
  func.func @transform_5(%arg0: i32) -> (i32, i32) {
    %c0_i32 = arith.constant 0 : i32
    %c0_i32_0 = arith.constant 0 : i32
    return %arg0, %c0_i32 : i32, i32
  }
  func.func @transform_6(%arg0: i32) -> (i32, i32) {
    %c0_i32 = arith.constant 0 : i32
    %c0_i32_0 = arith.constant 0 : i32
    %c0_i32_1 = arith.constant 0 : i32
    return %c0_i32, %c0_i32_0 : i32, i32
  }
  func.func @transform_7(%arg0: i32) -> (i32, i32) {
    %c0_i32 = arith.constant 0 : i32
    %c0_i32_0 = arith.constant 0 : i32
    %c0_i32_1 = arith.constant 0 : i32
    return %c0_i32, %c0_i32_0 : i32, i32
  }
}

module attributes {stable_mosaic.version = 14 : i64} {
  func.func @_tc_mid(%arg0: i32, %arg1: memref<2x2000x128xi32, #tpu.memory_space<vmem>>, %arg2: memref<2x2000x1xf32, #tpu.memory_space<vmem>>, %arg3: memref<2000x256xf32, #tpu.memory_space<vmem>>, %arg4: memref<2000x1xf32, #tpu.memory_space<vmem>>, %arg5: memref<1x1xf32, #tpu.memory_space<vmem>>, %arg6: memref<1x1xf32, #tpu.memory_space<vmem>>, %arg7: memref<128x256xf32, #tpu.memory_space<vmem>>, %arg8: memref<128x256xf32, #tpu.memory_space<vmem>>, %arg9: memref<256x256xf32, #tpu.memory_space<vmem>>, %arg10: memref<1x256xf32, #tpu.memory_space<vmem>>, %arg11: memref<2000x256xf32, #tpu.memory_space<vmem>>, %arg12: memref<1x1x1xf32, #tpu.memory_space<vmem>>) attributes {dimension_semantics = [#tpu.dimension_semantics<arbitrary>], iteration_bounds = array<i64: 5>, scalar_prefetch = 0 : i64, scratch_operands = 0 : i64, tpu.core_type = #tpu.core_type<tc>, window_params = [{transform_indices = @transform_0, window_bounds = array<i64: 2, 2000, 128>}, {transform_indices = @transform_1, window_bounds = array<i64: 2, 2000, 1>}, {transform_indices = @transform_2, window_bounds = array<i64: 2000, 256>}, {transform_indices = @transform_3, window_bounds = array<i64: 2000, 1>}, {pipeline_mode = #tpu.pipeline_mode<synchronous>, transform_indices = @transform_4, window_bounds = array<i64: 1, 1>}, {pipeline_mode = #tpu.pipeline_mode<synchronous>, transform_indices = @transform_5, window_bounds = array<i64: 1, 1>}, {pipeline_mode = #tpu.pipeline_mode<synchronous>, transform_indices = @transform_6, window_bounds = array<i64: 128, 256>}, {pipeline_mode = #tpu.pipeline_mode<synchronous>, transform_indices = @transform_7, window_bounds = array<i64: 128, 256>}, {pipeline_mode = #tpu.pipeline_mode<synchronous>, transform_indices = @transform_8, window_bounds = array<i64: 256, 256>}, {pipeline_mode = #tpu.pipeline_mode<synchronous>, transform_indices = @transform_9, window_bounds = array<i64: 1, 256>}, {transform_indices = @transform_10, window_bounds = array<i64: 2000, 256>}, {transform_indices = @transform_11, window_bounds = array<i64: 1, 1, 1>}]} {
    %get3A = arith.constant 0 : index
    %get3A_0 = arith.constant 0 : index
    %get3A_1 = vector.load %arg5[%get3A, %get3A_0] : memref<1x1xf32, #tpu.memory_space<vmem>>, vector<1x1xf32>
    %get3A_2 = arith.constant 0 : index
    %get3A_3 = arith.constant 0 : index
    %get3A_4 = vector.load %arg6[%get3A_2, %get3A_3] : memref<1x1xf32, #tpu.memory_space<vmem>>, vector<1x1xf32>
    %get3A_5 = arith.constant 0 : index
    %get3A_6 = arith.constant 0 : index
    %get3A_7 = vector.load %arg7[%get3A_5, %get3A_6] : memref<128x256xf32, #tpu.memory_space<vmem>>, vector<128x256xf32>
    %get3A_8 = arith.constant 0 : index
    %get3A_9 = arith.constant 0 : index
    %get3A_10 = vector.load %arg8[%get3A_8, %get3A_9] : memref<128x256xf32, #tpu.memory_space<vmem>>, vector<128x256xf32>
    %broadcast_in_dim3A = arith.constant 0.000000e+00 : f32
    %broadcast_in_dim3A_11 = vector.broadcast %broadcast_in_dim3A : f32 to vector<2000x256xf32>
    %get3A_12 = arith.constant 0 : index
    %get3A_13 = arith.constant 0 : index
    %get3A_14 = arith.constant 0 : index
    %get3A_15 = vector.load %arg1[%get3A_12, %get3A_13, %get3A_14] : memref<2x2000x128xi32, #tpu.memory_space<vmem>>, vector<1x2000x128xi32>
    %get3A_16 = vector.shape_cast %get3A_15 : vector<1x2000x128xi32> to vector<2000x128xi32>
    %get3A_17 = arith.constant 0 : index
    %get3A_18 = arith.constant 0 : index
    %get3A_19 = arith.constant 0 : index
    %get3A_20 = vector.load %arg2[%get3A_17, %get3A_18, %get3A_19] : memref<2x2000x1xf32, #tpu.memory_space<vmem>>, vector<1x2000x1xf32>
    %get3A_21 = vector.shape_cast %get3A_20 : vector<1x2000x1xf32> to vector<2000x1xf32>
    %and3A = arith.constant 65535 : i32
    %and3A_22 = vector.broadcast %and3A : i32 to vector<2000x128xi32>
    %and3A_23 = arith.andi %get3A_16, %and3A_22 : vector<2000x128xi32>
    %convert_element_type3A = arith.sitofp %and3A_23 : vector<2000x128xi32> to vector<2000x128xf32>
    %mul3A = vector.broadcast %get3A_4 : vector<1x1xf32> to vector<2000x1xf32>
    %mul3A_24 = arith.mulf %get3A_21, %mul3A : vector<2000x1xf32>
    %sub3A = vector.broadcast %mul3A_24 : vector<2000x1xf32> to vector<2000x128xf32>
    %sub3A_25 = arith.subf %convert_element_type3A, %sub3A : vector<2000x128xf32>
    %shift_right_logical3A = arith.constant 16 : i32
    %shift_right_logical3A_26 = vector.broadcast %shift_right_logical3A : i32 to vector<2000x128xi32>
    %shift_right_logical3A_27 = arith.shrui %get3A_16, %shift_right_logical3A_26 : vector<2000x128xi32>
    %convert_element_type3A_28 = arith.sitofp %shift_right_logical3A_27 : vector<2000x128xi32> to vector<2000x128xf32>
    %mul3A_29 = vector.broadcast %get3A_4 : vector<1x1xf32> to vector<2000x1xf32>
    %mul3A_30 = arith.mulf %get3A_21, %mul3A_29 : vector<2000x1xf32>
    %sub3A_31 = vector.broadcast %mul3A_30 : vector<2000x1xf32> to vector<2000x128xf32>
    %sub3A_32 = arith.subf %convert_element_type3A_28, %sub3A_31 : vector<2000x128xf32>
    %dot_general3A = arith.constant dense<0.000000e+00> : vector<2000x256xf32>
    %dot_general3A_33 = tpu.matmul %sub3A_25, %get3A_7, %dot_general3A {dimension_numbers = #tpu.dot_dimension_numbers<[1], [0], [0], [1], [0, 0, 1, 1], [], []>, transpose_lhs_hint = false} : vector<2000x128xf32>, vector<128x256xf32>, vector<2000x256xf32> -> vector<2000x256xf32>
    %dot_general3A_34 = arith.constant dense<0.000000e+00> : vector<2000x256xf32>
    %dot_general3A_35 = tpu.matmul %sub3A_32, %get3A_10, %dot_general3A_34 {dimension_numbers = #tpu.dot_dimension_numbers<[1], [0], [0], [1], [0, 0, 1, 1], [], []>, transpose_lhs_hint = false} : vector<2000x128xf32>, vector<128x256xf32>, vector<2000x256xf32> -> vector<2000x256xf32>
    %add3A = arith.addf %dot_general3A_33, %dot_general3A_35 : vector<2000x256xf32>
    %add3A_36 = arith.addf %broadcast_in_dim3A_11, %add3A : vector<2000x256xf32>
    %get3A_37 = arith.constant 1 : index
    %get3A_38 = arith.constant 0 : index
    %get3A_39 = arith.constant 0 : index
    %get3A_40 = vector.load %arg1[%get3A_37, %get3A_38, %get3A_39] : memref<2x2000x128xi32, #tpu.memory_space<vmem>>, vector<1x2000x128xi32>
    %get3A_41 = vector.shape_cast %get3A_40 : vector<1x2000x128xi32> to vector<2000x128xi32>
    %get3A_42 = arith.constant 1 : index
    %get3A_43 = arith.constant 0 : index
    %get3A_44 = arith.constant 0 : index
    %get3A_45 = vector.load %arg2[%get3A_42, %get3A_43, %get3A_44] : memref<2x2000x1xf32, #tpu.memory_space<vmem>>, vector<1x2000x1xf32>
    %get3A_46 = vector.shape_cast %get3A_45 : vector<1x2000x1xf32> to vector<2000x1xf32>
    %and3A_47 = arith.constant 65535 : i32
    %and3A_48 = vector.broadcast %and3A_47 : i32 to vector<2000x128xi32>
    %and3A_49 = arith.andi %get3A_41, %and3A_48 : vector<2000x128xi32>
    %convert_element_type3A_50 = arith.sitofp %and3A_49 : vector<2000x128xi32> to vector<2000x128xf32>
    %mul3A_51 = vector.broadcast %get3A_4 : vector<1x1xf32> to vector<2000x1xf32>
    %mul3A_52 = arith.mulf %get3A_46, %mul3A_51 : vector<2000x1xf32>
    %sub3A_53 = vector.broadcast %mul3A_52 : vector<2000x1xf32> to vector<2000x128xf32>
    %sub3A_54 = arith.subf %convert_element_type3A_50, %sub3A_53 : vector<2000x128xf32>
    %shift_right_logical3A_55 = arith.constant 16 : i32
    %shift_right_logical3A_56 = vector.broadcast %shift_right_logical3A_55 : i32 to vector<2000x128xi32>
    %shift_right_logical3A_57 = arith.shrui %get3A_41, %shift_right_logical3A_56 : vector<2000x128xi32>
    %convert_element_type3A_58 = arith.sitofp %shift_right_logical3A_57 : vector<2000x128xi32> to vector<2000x128xf32>
    %mul3A_59 = vector.broadcast %get3A_4 : vector<1x1xf32> to vector<2000x1xf32>
    %mul3A_60 = arith.mulf %get3A_46, %mul3A_59 : vector<2000x1xf32>
    %sub3A_61 = vector.broadcast %mul3A_60 : vector<2000x1xf32> to vector<2000x128xf32>
    %sub3A_62 = arith.subf %convert_element_type3A_58, %sub3A_61 : vector<2000x128xf32>
    %dot_general3A_63 = arith.constant dense<0.000000e+00> : vector<2000x256xf32>
    %dot_general3A_64 = tpu.matmul %sub3A_54, %get3A_7, %dot_general3A_63 {dimension_numbers = #tpu.dot_dimension_numbers<[1], [0], [0], [1], [0, 0, 1, 1], [], []>, transpose_lhs_hint = false} : vector<2000x128xf32>, vector<128x256xf32>, vector<2000x256xf32> -> vector<2000x256xf32>
    %dot_general3A_65 = arith.constant dense<0.000000e+00> : vector<2000x256xf32>
    %dot_general3A_66 = tpu.matmul %sub3A_62, %get3A_10, %dot_general3A_65 {dimension_numbers = #tpu.dot_dimension_numbers<[1], [0], [0], [1], [0, 0, 1, 1], [], []>, transpose_lhs_hint = false} : vector<2000x128xf32>, vector<128x256xf32>, vector<2000x256xf32> -> vector<2000x256xf32>
    %add3A_67 = arith.addf %dot_general3A_64, %dot_general3A_66 : vector<2000x256xf32>
    %add3A_68 = arith.addf %add3A_36, %add3A_67 : vector<2000x256xf32>
    %mul3A_69 = vector.broadcast %get3A_1 : vector<1x1xf32> to vector<2000x256xf32>
    %mul3A_70 = arith.mulf %add3A_68, %mul3A_69 : vector<2000x256xf32>
    %get3A_71 = arith.constant 0 : index
    %get3A_72 = arith.constant 0 : index
    %get3A_73 = vector.load %arg4[%get3A_71, %get3A_72] : memref<2000x1xf32, #tpu.memory_space<vmem>>, vector<2000x1xf32>
    %get3A_74 = arith.constant 0 : index
    %get3A_75 = arith.constant 0 : index
    %get3A_76 = vector.load %arg3[%get3A_74, %get3A_75] : memref<2000x256xf32, #tpu.memory_space<vmem>>, vector<2000x256xf32>
    %add3A_77 = arith.addf %mul3A_70, %get3A_76 : vector<2000x256xf32>
    %mul3A_78 = vector.broadcast %get3A_73 : vector<2000x1xf32> to vector<2000x256xf32>
    %mul3A_79 = arith.mulf %add3A_77, %mul3A_78 : vector<2000x256xf32>
    %get3A_80 = arith.constant 0 : index
    %get3A_81 = arith.constant 0 : index
    %get3A_82 = vector.load %arg10[%get3A_80, %get3A_81] : memref<1x256xf32, #tpu.memory_space<vmem>>, vector<1x256xf32>
    %add3A_83 = vector.broadcast %get3A_82 : vector<1x256xf32> to vector<2000x256xf32>
    %add3A_84 = arith.addf %mul3A_79, %add3A_83 : vector<2000x256xf32>
    %max3A = arith.constant 0.000000e+00 : f32
    %max3A_85 = vector.broadcast %max3A : f32 to vector<2000x256xf32>
    %max3A_86 = arith.maximumf %add3A_84, %max3A_85 : vector<2000x256xf32>
    %get3A_87 = arith.constant 0 : index
    %get3A_88 = arith.constant 0 : index
    %get3A_89 = vector.load %arg9[%get3A_87, %get3A_88] : memref<256x256xf32, #tpu.memory_space<vmem>>, vector<256x256xf32>
    %dot_general3A_90 = arith.constant dense<0.000000e+00> : vector<2000x256xf32>
    %dot_general3A_91 = tpu.matmul %max3A_86, %get3A_89, %dot_general3A_90 {dimension_numbers = #tpu.dot_dimension_numbers<[1], [0], [0], [1], [0, 0, 1, 1], [], []>, transpose_lhs_hint = false} : vector<2000x256xf32>, vector<256x256xf32>, vector<2000x256xf32> -> vector<2000x256xf32>
    %mul3A_92 = vector.broadcast %get3A_73 : vector<2000x1xf32> to vector<2000x256xf32>
    %mul3A_93 = arith.mulf %dot_general3A_91, %mul3A_92 : vector<2000x256xf32>
    %swap3A = arith.constant 0 : index
    %swap3A_94 = arith.constant 0 : index
    %swap3A_95 = vector.load %arg11[%swap3A, %swap3A_94] : memref<2000x256xf32, #tpu.memory_space<vmem>>, vector<2000x256xf32>
    tpu.vector_store %arg11[%swap3A, %swap3A_94], %mul3A_93 {strides = array<i32>} : memref<2000x256xf32, #tpu.memory_space<vmem>>, vector<2000x256xf32>,
    %abs3A = math.absf %mul3A_93 : vector<2000x256xf32>
    %reduce_max3A = vector.shape_cast %abs3A : vector<2000x256xf32> to vector<1x2000x256xf32>
    %reduce_max3A_96 = arith.constant dense<0xFF800000> : vector<1xf32>
    %reduce_max3A_97 = vector.multi_reduction <maximumf>, %reduce_max3A, %reduce_max3A_96 [1, 2] : vector<1x2000x256xf32> to vector<1xf32>
    %reduce_max3A_98 = vector.shape_cast %reduce_max3A_97 : vector<1xf32> to vector<1x1x1xf32>
    %reduce_max3A_99 = vector.extract %reduce_max3A_98[0, 0, 0] : f32 from vector<1x1x1xf32>
    %reshape3A = vector.broadcast %reduce_max3A_99 : f32 to vector<1x1x1xf32>
    %swap3A_100 = arith.constant 0 : index
    %swap3A_101 = arith.constant 0 : index
    %swap3A_102 = arith.constant 0 : index
    %swap3A_103 = vector.load %arg12[%swap3A_100, %swap3A_101, %swap3A_102] : memref<1x1x1xf32, #tpu.memory_space<vmem>>, vector<1x1x1xf32>
    tpu.vector_store %arg12[%swap3A_100, %swap3A_101, %swap3A_102], %reshape3A {strides = array<i32>} : memref<1x1x1xf32, #tpu.memory_space<vmem>>, vector<1x1x1xf32>,
    return
  }
  func.func @transform_0(%arg0: i32) -> (i32, i32, i32) {
    %c0_i32 = arith.constant 0 : i32
    %c0_i32_0 = arith.constant 0 : i32
    %c0_i32_1 = arith.constant 0 : i32
    return %c0_i32, %arg0, %c0_i32_0 : i32, i32, i32
  }
  func.func @transform_1(%arg0: i32) -> (i32, i32, i32) {
    %c0_i32 = arith.constant 0 : i32
    %c0_i32_0 = arith.constant 0 : i32
    %c0_i32_1 = arith.constant 0 : i32
    return %c0_i32, %arg0, %c0_i32_0 : i32, i32, i32
  }
  func.func @transform_2(%arg0: i32) -> (i32, i32) {
    %c0_i32 = arith.constant 0 : i32
    %c0_i32_0 = arith.constant 0 : i32
    return %arg0, %c0_i32 : i32, i32
  }
  func.func @transform_3(%arg0: i32) -> (i32, i32) {
    %c0_i32 = arith.constant 0 : i32
    %c0_i32_0 = arith.constant 0 : i32
    return %arg0, %c0_i32 : i32, i32
  }
  func.func @transform_4(%arg0: i32) -> (i32, i32) {
    %c0_i32 = arith.constant 0 : i32
    %c0_i32_0 = arith.constant 0 : i32
    %c0_i32_1 = arith.constant 0 : i32
    return %c0_i32, %c0_i32_0 : i32, i32
  }
  func.func @transform_5(%arg0: i32) -> (i32, i32) {
    %c0_i32 = arith.constant 0 : i32
    %c0_i32_0 = arith.constant 0 : i32
    %c0_i32_1 = arith.constant 0 : i32
    return %c0_i32, %c0_i32_0 : i32, i32
  }
  func.func @transform_6(%arg0: i32) -> (i32, i32) {
    %c0_i32 = arith.constant 0 : i32
    %c0_i32_0 = arith.constant 0 : i32
    %c0_i32_1 = arith.constant 0 : i32
    return %c0_i32, %c0_i32_0 : i32, i32
  }
  func.func @transform_7(%arg0: i32) -> (i32, i32) {
    %c0_i32 = arith.constant 0 : i32
    %c0_i32_0 = arith.constant 0 : i32
    %c0_i32_1 = arith.constant 0 : i32
    return %c0_i32, %c0_i32_0 : i32, i32
  }
  func.func @transform_8(%arg0: i32) -> (i32, i32) {
    %c0_i32 = arith.constant 0 : i32
    %c0_i32_0 = arith.constant 0 : i32
    %c0_i32_1 = arith.constant 0 : i32
    return %c0_i32, %c0_i32_0 : i32, i32
  }
  func.func @transform_9(%arg0: i32) -> (i32, i32) {
    %c0_i32 = arith.constant 0 : i32
    %c0_i32_0 = arith.constant 0 : i32
    %c0_i32_1 = arith.constant 0 : i32
    return %c0_i32, %c0_i32_0 : i32, i32
  }
  func.func @transform_10(%arg0: i32) -> (i32, i32) {
    %c0_i32 = arith.constant 0 : i32
    %c0_i32_0 = arith.constant 0 : i32
    return %arg0, %c0_i32 : i32, i32
  }
  func.func @transform_11(%arg0: i32) -> (i32, i32, i32) {
    %c0_i32 = arith.constant 0 : i32
    %c0_i32_0 = arith.constant 0 : i32
    %c0_i32_1 = arith.constant 0 : i32
    return %arg0, %c0_i32, %c0_i32_0 : i32, i32, i32
  }
}

module attributes {stable_mosaic.version = 14 : i64} {
  func.func @_tc4(%arg0: i32, %arg1: memref<2x2000x128xi32, #tpu.memory_space<vmem>>, %arg2: memref<2x2000x1xf32, #tpu.memory_space<vmem>>, %arg3: memref<2000x256xf32, #tpu.memory_space<vmem>>, %arg4: memref<2000x1xf32, #tpu.memory_space<vmem>>, %arg5: memref<1x1xf32, #tpu.memory_space<vmem>>, %arg6: memref<1x1xf32, #tpu.memory_space<vmem>>, %arg7: memref<128x256xf32, #tpu.memory_space<vmem>>, %arg8: memref<128x256xf32, #tpu.memory_space<vmem>>, %arg9: memref<1x256xf32, #tpu.memory_space<vmem>>, %arg10: memref<2000x1xi32, #tpu.memory_space<vmem>>, %arg11: memref<256x2xf32, #tpu.memory_space<vmem>>, %arg12: memref<1x2xf32, #tpu.memory_space<vmem>>, %arg13: memref<64x2xf32, #tpu.memory_space<vmem>>, %arg14: memref<64x256xf32, #tpu.memory_space<vmem>>, %arg15: memref<64x1xf32, #tpu.memory_space<vmem>>) attributes {dimension_semantics = [#tpu.dimension_semantics<arbitrary>], iteration_bounds = array<i64: 5>, scalar_prefetch = 0 : i64, scratch_operands = 2 : i64, tpu.core_type = #tpu.core_type<tc>, window_params = [{transform_indices = @transform_0, window_bounds = array<i64: 2, 2000, 128>}, {transform_indices = @transform_1, window_bounds = array<i64: 2, 2000, 1>}, {transform_indices = @transform_2, window_bounds = array<i64: 2000, 256>}, {transform_indices = @transform_3, window_bounds = array<i64: 2000, 1>}, {pipeline_mode = #tpu.pipeline_mode<synchronous>, transform_indices = @transform_4, window_bounds = array<i64: 1, 1>}, {pipeline_mode = #tpu.pipeline_mode<synchronous>, transform_indices = @transform_5, window_bounds = array<i64: 1, 1>}, {pipeline_mode = #tpu.pipeline_mode<synchronous>, transform_indices = @transform_6, window_bounds = array<i64: 128, 256>}, {pipeline_mode = #tpu.pipeline_mode<synchronous>, transform_indices = @transform_7, window_bounds = array<i64: 128, 256>}, {pipeline_mode = #tpu.pipeline_mode<synchronous>, transform_indices = @transform_8, window_bounds = array<i64: 1, 256>}, {transform_indices = @transform_9, window_bounds = array<i64: 2000, 1>}, {pipeline_mode = #tpu.pipeline_mode<synchronous>, transform_indices = @transform_10, window_bounds = array<i64: 256, 2>}, {pipeline_mode = #tpu.pipeline_mode<synchronous>, transform_indices = @transform_11, window_bounds = array<i64: 1, 2>}, {pipeline_mode = #tpu.pipeline_mode<synchronous>, transform_indices = @transform_12, window_bounds = array<i64: 64, 2>}]} {
    %eq3A = arith.constant 0 : i32
    %eq3A_0 = arith.cmpi eq, %arg0, %eq3A : i32
    %convert_element_type3A = arith.extui %eq3A_0 : i1 to i32
    %cond3A = arith.constant 0 : i32
    %cond3A_1 = arith.cmpi ne, %convert_element_type3A, %cond3A : i32
    scf.if %cond3A_1 {
      %broadcast_in_dim3A_119 = arith.constant 0.000000e+00 : f32
      %broadcast_in_dim3A_120 = vector.broadcast %broadcast_in_dim3A_119 : f32 to vector<64x256xf32>
      %swap3A_121 = arith.constant 0 : index
      %swap3A_122 = arith.constant 0 : index
      %swap3A_123 = vector.load %arg14[%swap3A_121, %swap3A_122] : memref<64x256xf32, #tpu.memory_space<vmem>>, vector<64x256xf32>
      tpu.vector_store %arg14[%swap3A_121, %swap3A_122], %broadcast_in_dim3A_120 {strides = array<i32>} : memref<64x256xf32, #tpu.memory_space<vmem>>, vector<64x256xf32>,
      %broadcast_in_dim3A_124 = arith.constant 0.000000e+00 : f32
      %broadcast_in_dim3A_125 = vector.broadcast %broadcast_in_dim3A_124 : f32 to vector<64x1xf32>
      %swap3A_126 = arith.constant 0 : index
      %swap3A_127 = arith.constant 0 : index
      %swap3A_128 = vector.load %arg15[%swap3A_126, %swap3A_127] : memref<64x1xf32, #tpu.memory_space<vmem>>, vector<64x1xf32>
      tpu.vector_store %arg15[%swap3A_126, %swap3A_127], %broadcast_in_dim3A_125 {strides = array<i32>} : memref<64x1xf32, #tpu.memory_space<vmem>>, vector<64x1xf32>,
    } else {
    }
    %get3A = arith.constant 0 : index
    %get3A_2 = arith.constant 0 : index
    %get3A_3 = vector.load %arg5[%get3A, %get3A_2] : memref<1x1xf32, #tpu.memory_space<vmem>>, vector<1x1xf32>
    %get3A_4 = arith.constant 0 : index
    %get3A_5 = arith.constant 0 : index
    %get3A_6 = vector.load %arg6[%get3A_4, %get3A_5] : memref<1x1xf32, #tpu.memory_space<vmem>>, vector<1x1xf32>
    %get3A_7 = arith.constant 0 : index
    %get3A_8 = arith.constant 0 : index
    %get3A_9 = vector.load %arg7[%get3A_7, %get3A_8] : memref<128x256xf32, #tpu.memory_space<vmem>>, vector<128x256xf32>
    %get3A_10 = arith.constant 0 : index
    %get3A_11 = arith.constant 0 : index
    %get3A_12 = vector.load %arg8[%get3A_10, %get3A_11] : memref<128x256xf32, #tpu.memory_space<vmem>>, vector<128x256xf32>
    %broadcast_in_dim3A = arith.constant 0.000000e+00 : f32
    %broadcast_in_dim3A_13 = vector.broadcast %broadcast_in_dim3A : f32 to vector<2000x256xf32>
    %get3A_14 = arith.constant 0 : index
    %get3A_15 = arith.constant 0 : index
    %get3A_16 = arith.constant 0 : index
    %get3A_17 = vector.load %arg1[%get3A_14, %get3A_15, %get3A_16] : memref<2x2000x128xi32, #tpu.memory_space<vmem>>, vector<1x2000x128xi32>
    %get3A_18 = vector.shape_cast %get3A_17 : vector<1x2000x128xi32> to vector<2000x128xi32>
    %get3A_19 = arith.constant 0 : index
    %get3A_20 = arith.constant 0 : index
    %get3A_21 = arith.constant 0 : index
    %get3A_22 = vector.load %arg2[%get3A_19, %get3A_20, %get3A_21] : memref<2x2000x1xf32, #tpu.memory_space<vmem>>, vector<1x2000x1xf32>
    %get3A_23 = vector.shape_cast %get3A_22 : vector<1x2000x1xf32> to vector<2000x1xf32>
    %and3A = arith.constant 65535 : i32
    %and3A_24 = vector.broadcast %and3A : i32 to vector<2000x128xi32>
    %and3A_25 = arith.andi %get3A_18, %and3A_24 : vector<2000x128xi32>
    %convert_element_type3A_26 = arith.sitofp %and3A_25 : vector<2000x128xi32> to vector<2000x128xf32>
    %mul3A = vector.broadcast %get3A_6 : vector<1x1xf32> to vector<2000x1xf32>
    %mul3A_27 = arith.mulf %get3A_23, %mul3A : vector<2000x1xf32>
    %sub3A = vector.broadcast %mul3A_27 : vector<2000x1xf32> to vector<2000x128xf32>
    %sub3A_28 = arith.subf %convert_element_type3A_26, %sub3A : vector<2000x128xf32>
    %shift_right_logical3A = arith.constant 16 : i32
    %shift_right_logical3A_29 = vector.broadcast %shift_right_logical3A : i32 to vector<2000x128xi32>
    %shift_right_logical3A_30 = arith.shrui %get3A_18, %shift_right_logical3A_29 : vector<2000x128xi32>
    %convert_element_type3A_31 = arith.sitofp %shift_right_logical3A_30 : vector<2000x128xi32> to vector<2000x128xf32>
    %mul3A_32 = vector.broadcast %get3A_6 : vector<1x1xf32> to vector<2000x1xf32>
    %mul3A_33 = arith.mulf %get3A_23, %mul3A_32 : vector<2000x1xf32>
    %sub3A_34 = vector.broadcast %mul3A_33 : vector<2000x1xf32> to vector<2000x128xf32>
    %sub3A_35 = arith.subf %convert_element_type3A_31, %sub3A_34 : vector<2000x128xf32>
    %dot_general3A = arith.constant dense<0.000000e+00> : vector<2000x256xf32>
    %dot_general3A_36 = tpu.matmul %sub3A_28, %get3A_9, %dot_general3A {dimension_numbers = #tpu.dot_dimension_numbers<[1], [0], [0], [1], [0, 0, 1, 1], [], []>, transpose_lhs_hint = false} : vector<2000x128xf32>, vector<128x256xf32>, vector<2000x256xf32> -> vector<2000x256xf32>
    %dot_general3A_37 = arith.constant dense<0.000000e+00> : vector<2000x256xf32>
    %dot_general3A_38 = tpu.matmul %sub3A_35, %get3A_12, %dot_general3A_37 {dimension_numbers = #tpu.dot_dimension_numbers<[1], [0], [0], [1], [0, 0, 1, 1], [], []>, transpose_lhs_hint = false} : vector<2000x128xf32>, vector<128x256xf32>, vector<2000x256xf32> -> vector<2000x256xf32>
    %add3A = arith.addf %dot_general3A_36, %dot_general3A_38 : vector<2000x256xf32>
    %add3A_39 = arith.addf %broadcast_in_dim3A_13, %add3A : vector<2000x256xf32>
    %get3A_40 = arith.constant 1 : index
    %get3A_41 = arith.constant 0 : index
    %get3A_42 = arith.constant 0 : index
    %get3A_43 = vector.load %arg1[%get3A_40, %get3A_41, %get3A_42] : memref<2x2000x128xi32, #tpu.memory_space<vmem>>, vector<1x2000x128xi32>
    %get3A_44 = vector.shape_cast %get3A_43 : vector<1x2000x128xi32> to vector<2000x128xi32>
    %get3A_45 = arith.constant 1 : index
    %get3A_46 = arith.constant 0 : index
    %get3A_47 = arith.constant 0 : index
    %get3A_48 = vector.load %arg2[%get3A_45, %get3A_46, %get3A_47] : memref<2x2000x1xf32, #tpu.memory_space<vmem>>, vector<1x2000x1xf32>
    %get3A_49 = vector.shape_cast %get3A_48 : vector<1x2000x1xf32> to vector<2000x1xf32>
    %and3A_50 = arith.constant 65535 : i32
    %and3A_51 = vector.broadcast %and3A_50 : i32 to vector<2000x128xi32>
    %and3A_52 = arith.andi %get3A_44, %and3A_51 : vector<2000x128xi32>
    %convert_element_type3A_53 = arith.sitofp %and3A_52 : vector<2000x128xi32> to vector<2000x128xf32>
    %mul3A_54 = vector.broadcast %get3A_6 : vector<1x1xf32> to vector<2000x1xf32>
    %mul3A_55 = arith.mulf %get3A_49, %mul3A_54 : vector<2000x1xf32>
    %sub3A_56 = vector.broadcast %mul3A_55 : vector<2000x1xf32> to vector<2000x128xf32>
    %sub3A_57 = arith.subf %convert_element_type3A_53, %sub3A_56 : vector<2000x128xf32>
    %shift_right_logical3A_58 = arith.constant 16 : i32
    %shift_right_logical3A_59 = vector.broadcast %shift_right_logical3A_58 : i32 to vector<2000x128xi32>
    %shift_right_logical3A_60 = arith.shrui %get3A_44, %shift_right_logical3A_59 : vector<2000x128xi32>
    %convert_element_type3A_61 = arith.sitofp %shift_right_logical3A_60 : vector<2000x128xi32> to vector<2000x128xf32>
    %mul3A_62 = vector.broadcast %get3A_6 : vector<1x1xf32> to vector<2000x1xf32>
    %mul3A_63 = arith.mulf %get3A_49, %mul3A_62 : vector<2000x1xf32>
    %sub3A_64 = vector.broadcast %mul3A_63 : vector<2000x1xf32> to vector<2000x128xf32>
    %sub3A_65 = arith.subf %convert_element_type3A_61, %sub3A_64 : vector<2000x128xf32>
    %dot_general3A_66 = arith.constant dense<0.000000e+00> : vector<2000x256xf32>
    %dot_general3A_67 = tpu.matmul %sub3A_57, %get3A_9, %dot_general3A_66 {dimension_numbers = #tpu.dot_dimension_numbers<[1], [0], [0], [1], [0, 0, 1, 1], [], []>, transpose_lhs_hint = false} : vector<2000x128xf32>, vector<128x256xf32>, vector<2000x256xf32> -> vector<2000x256xf32>
    %dot_general3A_68 = arith.constant dense<0.000000e+00> : vector<2000x256xf32>
    %dot_general3A_69 = tpu.matmul %sub3A_65, %get3A_12, %dot_general3A_68 {dimension_numbers = #tpu.dot_dimension_numbers<[1], [0], [0], [1], [0, 0, 1, 1], [], []>, transpose_lhs_hint = false} : vector<2000x128xf32>, vector<128x256xf32>, vector<2000x256xf32> -> vector<2000x256xf32>
    %add3A_70 = arith.addf %dot_general3A_67, %dot_general3A_69 : vector<2000x256xf32>
    %add3A_71 = arith.addf %add3A_39, %add3A_70 : vector<2000x256xf32>
    %mul3A_72 = vector.broadcast %get3A_3 : vector<1x1xf32> to vector<2000x256xf32>
    %mul3A_73 = arith.mulf %add3A_71, %mul3A_72 : vector<2000x256xf32>
    %get3A_74 = arith.constant 0 : index
    %get3A_75 = arith.constant 0 : index
    %get3A_76 = vector.load %arg4[%get3A_74, %get3A_75] : memref<2000x1xf32, #tpu.memory_space<vmem>>, vector<2000x1xf32>
    %get3A_77 = arith.constant 0 : index
    %get3A_78 = arith.constant 0 : index
    %get3A_79 = vector.load %arg3[%get3A_77, %get3A_78] : memref<2000x256xf32, #tpu.memory_space<vmem>>, vector<2000x256xf32>
    %add3A_80 = arith.addf %mul3A_73, %get3A_79 : vector<2000x256xf32>
    %mul3A_81 = vector.broadcast %get3A_76 : vector<2000x1xf32> to vector<2000x256xf32>
    %mul3A_82 = arith.mulf %add3A_80, %mul3A_81 : vector<2000x256xf32>
    %get3A_83 = arith.constant 0 : index
    %get3A_84 = arith.constant 0 : index
    %get3A_85 = vector.load %arg9[%get3A_83, %get3A_84] : memref<1x256xf32, #tpu.memory_space<vmem>>, vector<1x256xf32>
    %add3A_86 = vector.broadcast %get3A_85 : vector<1x256xf32> to vector<2000x256xf32>
    %add3A_87 = arith.addf %mul3A_82, %add3A_86 : vector<2000x256xf32>
    %get3A_88 = arith.constant 0 : index
    %get3A_89 = arith.constant 0 : index
    %get3A_90 = vector.load %arg10[%get3A_88, %get3A_89] : memref<2000x1xi32, #tpu.memory_space<vmem>>, vector<2000x1xi32>
    %iota3A = tpu.iota {dimensions = array<i32: 1>} : vector<2000x64xi32>
    %eq3A_91 = vector.broadcast %get3A_90 : vector<2000x1xi32> to vector<2000x64xi32>
    %eq3A_92 = arith.cmpi eq, %eq3A_91, %iota3A : vector<2000x64xi32>
    %convert_element_type3A_93 = arith.extui %eq3A_92 : vector<2000x64xi1> to vector<2000x64xi32>
    %convert_element_type3A_94 = arith.sitofp %convert_element_type3A_93 : vector<2000x64xi32> to vector<2000x64xf32>
    %get3A_95 = arith.constant 0 : index
    %get3A_96 = arith.constant 0 : index
    %get3A_97 = vector.load %arg14[%get3A_95, %get3A_96] : memref<64x256xf32, #tpu.memory_space<vmem>>, vector<64x256xf32>
    %dot_general3A_98 = arith.constant dense<0.000000e+00> : vector<64x256xf32>
    %dot_general3A_99 = tpu.matmul %convert_element_type3A_94, %add3A_87, %dot_general3A_98 {dimension_numbers = #tpu.dot_dimension_numbers<[0], [0], [1], [1], [0, 1, 1, 1], [], []>, transpose_lhs_hint = false} : vector<2000x64xf32>, vector<2000x256xf32>, vector<64x256xf32> -> vector<64x256xf32>
    %add3A_100 = arith.addf %get3A_97, %dot_general3A_99 : vector<64x256xf32>
    %swap3A = arith.constant 0 : index
    %swap3A_101 = arith.constant 0 : index
    %swap3A_102 = vector.load %arg14[%swap3A, %swap3A_101] : memref<64x256xf32, #tpu.memory_space<vmem>>, vector<64x256xf32>
    tpu.vector_store %arg14[%swap3A, %swap3A_101], %add3A_100 {strides = array<i32>} : memref<64x256xf32, #tpu.memory_space<vmem>>, vector<64x256xf32>,
    %get3A_103 = arith.constant 0 : index
    %get3A_104 = arith.constant 0 : index
    %get3A_105 = vector.load %arg15[%get3A_103, %get3A_104] : memref<64x1xf32, #tpu.memory_space<vmem>>, vector<64x1xf32>
    %broadcast_in_dim3A_106 = arith.constant 1.000000e+00 : f32
    %broadcast_in_dim3A_107 = vector.broadcast %broadcast_in_dim3A_106 : f32 to vector<2000x1xf32>
    %dot_general3A_108 = arith.constant dense<0.000000e+00> : vector<64x1xf32>
    %dot_general3A_109 = tpu.matmul %convert_element_type3A_94, %broadcast_in_dim3A_107, %dot_general3A_108 {dimension_numbers = #tpu.dot_dimension_numbers<[0], [0], [1], [1], [0, 1, 1, 1], [], []>, transpose_lhs_hint = false} : vector<2000x64xf32>, vector<2000x1xf32>, vector<64x1xf32> -> vector<64x1xf32>
    %add3A_110 = arith.addf %get3A_105, %dot_general3A_109 : vector<64x1xf32>
    %swap3A_111 = arith.constant 0 : index
    %swap3A_112 = arith.constant 0 : index
    %swap3A_113 = vector.load %arg15[%swap3A_111, %swap3A_112] : memref<64x1xf32, #tpu.memory_space<vmem>>, vector<64x1xf32>
    tpu.vector_store %arg15[%swap3A_111, %swap3A_112], %add3A_110 {strides = array<i32>} : memref<64x1xf32, #tpu.memory_space<vmem>>, vector<64x1xf32>,
    %eq3A_114 = arith.constant 4 : i32
    %eq3A_115 = arith.cmpi eq, %arg0, %eq3A_114 : i32
    %convert_element_type3A_116 = arith.extui %eq3A_115 : i1 to i32
    %cond3A_117 = arith.constant 0 : i32
    %cond3A_118 = arith.cmpi ne, %convert_element_type3A_116, %cond3A_117 : i32
    scf.if %cond3A_118 {
      %get3A_119 = arith.constant 0 : index
      %get3A_120 = arith.constant 0 : index
      %get3A_121 = vector.load %arg14[%get3A_119, %get3A_120] : memref<64x256xf32, #tpu.memory_space<vmem>>, vector<64x256xf32>
      %get3A_122 = arith.constant 0 : index
      %get3A_123 = arith.constant 0 : index
      %get3A_124 = vector.load %arg15[%get3A_122, %get3A_123] : memref<64x1xf32, #tpu.memory_space<vmem>>, vector<64x1xf32>
      %max3A = arith.constant 1.000000e+00 : f32
      %max3A_125 = vector.broadcast %max3A : f32 to vector<64x1xf32>
      %max3A_126 = arith.maximumf %get3A_124, %max3A_125 : vector<64x1xf32>
      %div3A = arith.constant 1.000000e+00 : f32
      %div3A_127 = vector.broadcast %div3A : f32 to vector<64x1xf32>
      %div3A_128 = arith.divf %div3A_127, %max3A_126 : vector<64x1xf32>
      %mul3A_129 = vector.broadcast %div3A_128 : vector<64x1xf32> to vector<64x256xf32>
      %mul3A_130 = arith.mulf %get3A_121, %mul3A_129 : vector<64x256xf32>
      %get3A_131 = arith.constant 0 : index
      %get3A_132 = arith.constant 0 : index
      %get3A_133 = vector.load %arg11[%get3A_131, %get3A_132] : memref<256x2xf32, #tpu.memory_space<vmem>>, vector<256x2xf32>
      %dot_general3A_134 = arith.constant dense<0.000000e+00> : vector<64x2xf32>
      %dot_general3A_135 = tpu.matmul %mul3A_130, %get3A_133, %dot_general3A_134 {dimension_numbers = #tpu.dot_dimension_numbers<[1], [0], [0], [1], [0, 0, 1, 1], [], []>, transpose_lhs_hint = false} : vector<64x256xf32>, vector<256x2xf32>, vector<64x2xf32> -> vector<64x2xf32>
      %get3A_136 = arith.constant 0 : index
      %get3A_137 = arith.constant 0 : index
      %get3A_138 = vector.load %arg12[%get3A_136, %get3A_137] : memref<1x2xf32, #tpu.memory_space<vmem>>, vector<1x2xf32>
      %add3A_139 = vector.broadcast %get3A_138 : vector<1x2xf32> to vector<64x2xf32>
      %add3A_140 = arith.addf %dot_general3A_135, %add3A_139 : vector<64x2xf32>
      %swap3A_141 = arith.constant 0 : index
      %swap3A_142 = arith.constant 0 : index
      %swap3A_143 = vector.load %arg13[%swap3A_141, %swap3A_142] : memref<64x2xf32, #tpu.memory_space<vmem>>, vector<64x2xf32>
      tpu.vector_store %arg13[%swap3A_141, %swap3A_142], %add3A_140 {strides = array<i32>} : memref<64x2xf32, #tpu.memory_space<vmem>>, vector<64x2xf32>,
    } else {
    }
    return
  }
  func.func @transform_0(%arg0: i32) -> (i32, i32, i32) {
    %c0_i32 = arith.constant 0 : i32
    %c0_i32_0 = arith.constant 0 : i32
    %c0_i32_1 = arith.constant 0 : i32
    return %c0_i32, %arg0, %c0_i32_0 : i32, i32, i32
  }
  func.func @transform_1(%arg0: i32) -> (i32, i32, i32) {
    %c0_i32 = arith.constant 0 : i32
    %c0_i32_0 = arith.constant 0 : i32
    %c0_i32_1 = arith.constant 0 : i32
    return %c0_i32, %arg0, %c0_i32_0 : i32, i32, i32
  }
  func.func @transform_2(%arg0: i32) -> (i32, i32) {
    %c0_i32 = arith.constant 0 : i32
    %c0_i32_0 = arith.constant 0 : i32
    return %arg0, %c0_i32 : i32, i32
  }
  func.func @transform_3(%arg0: i32) -> (i32, i32) {
    %c0_i32 = arith.constant 0 : i32
    %c0_i32_0 = arith.constant 0 : i32
    return %arg0, %c0_i32 : i32, i32
  }
  func.func @transform_4(%arg0: i32) -> (i32, i32) {
    %c0_i32 = arith.constant 0 : i32
    %c0_i32_0 = arith.constant 0 : i32
    %c0_i32_1 = arith.constant 0 : i32
    return %c0_i32, %c0_i32_0 : i32, i32
  }
  func.func @transform_5(%arg0: i32) -> (i32, i32) {
    %c0_i32 = arith.constant 0 : i32
    %c0_i32_0 = arith.constant 0 : i32
    %c0_i32_1 = arith.constant 0 : i32
    return %c0_i32, %c0_i32_0 : i32, i32
  }
  func.func @transform_6(%arg0: i32) -> (i32, i32) {
    %c0_i32 = arith.constant 0 : i32
    %c0_i32_0 = arith.constant 0 : i32
    %c0_i32_1 = arith.constant 0 : i32
    return %c0_i32, %c0_i32_0 : i32, i32
  }
  func.func @transform_7(%arg0: i32) -> (i32, i32) {
    %c0_i32 = arith.constant 0 : i32
    %c0_i32_0 = arith.constant 0 : i32
    %c0_i32_1 = arith.constant 0 : i32
    return %c0_i32, %c0_i32_0 : i32, i32
  }
  func.func @transform_8(%arg0: i32) -> (i32, i32) {
    %c0_i32 = arith.constant 0 : i32
    %c0_i32_0 = arith.constant 0 : i32
    %c0_i32_1 = arith.constant 0 : i32
    return %c0_i32, %c0_i32_0 : i32, i32
  }
  func.func @transform_9(%arg0: i32) -> (i32, i32) {
    %c0_i32 = arith.constant 0 : i32
    %c0_i32_0 = arith.constant 0 : i32
    return %arg0, %c0_i32 : i32, i32
  }
  func.func @transform_10(%arg0: i32) -> (i32, i32) {
    %c0_i32 = arith.constant 0 : i32
    %c0_i32_0 = arith.constant 0 : i32
    %c0_i32_1 = arith.constant 0 : i32
    return %c0_i32, %c0_i32_0 : i32, i32
  }
  func.func @transform_11(%arg0: i32) -> (i32, i32) {
    %c0_i32 = arith.constant 0 : i32
    %c0_i32_0 = arith.constant 0 : i32
    %c0_i32_1 = arith.constant 0 : i32
    return %c0_i32, %c0_i32_0 : i32, i32
  }
  func.func @transform_12(%arg0: i32) -> (i32, i32) {
    %c0_i32 = arith.constant 0 : i32
    %c0_i32_0 = arith.constant 0 : i32
    %c0_i32_1 = arith.constant 0 : i32
    return %c0_i32, %c0_i32_0 : i32, i32
  }
}

</mosaic_0001>

<sc_bundles>
// kernel: kernel.13.cloned.1.call-start
scs
__scs_entry_jumppad:
0x0: {  	(pc) =	sbr.rel $0x88, $3  }
0x1: {  	(tag) =	ssettag $0x0;
	lr =	simm.s32 $0x1  }
0x2: {  	[smem:$0x3F95] =	sst lr;
	_ =	strace $0xD0000000  }
0x3: {  	_ = 	snop  }
0x4: {  	_ = 	snop  }
0x5: {  	_ = 	snop  }
0x6: {  	_ = 	snop  }
0x7: {  	_ = 	snop  }
__scs_overlays_trampoline_lowered:
0x8: {  	[smem:$0x3FA4] =	sst s0  }
0x9: {  	[smem:$0x3FA5] =	sst s1  }
0xa: {  	[smem:$0x3FA6] =	sst s2  }
0xb: {  	[smem:$0x3FA7] =	sst s3  }
0xc: {  	[smem:$0x3FA8] =	sst s4  }
0xd: {  	[smem:$0x3FA9] =	sst s5  }
0xe: {  	[smem:$0x3FAA] =	sst s6  }
0xf: {  	[smem:$0x3FAB] =	sst s7  }
0x10: {  	[smem:$0x3FAC] =	sst s8  }
0x11: {  	[smem:$0x3FAD] =	sst s9;
	s0 =	simm.s32 @!p0 $0x0  }
0x12: {  	s1 =	sld [smem:$0x3F93];
	s0 =	simm.s32 @p0 $0x1  }
0x13: {  	[smem:$0x3FAE] =	sst s0;
	s0 =	simm.s32 @!p1 $0x0  }
0x14: {  	s2 =	sld [smem:$0x3F92];
	s0 =	simm.s32 @p1 $0x1  }
0x15: {  	[smem:$0x3FAF] =	sst s0;
	s0 =	simm.s32 @!p2 $0x0  }
0x16: {  	s3 =	sld [smem:$0x3FDB];
	s0 =	simm.s32 @p2 $0x1  }
0x17: {  	s4 =	simm.s32 $0x1BF5;
	[smem:$0x3FB1] =	sst s0  }
0x18: {  	s0 =	sld [smem:$0x3F94];
	_ =	swait.ge [sflag:s4], $0x0  }
0x19: {  	s7 =	sld [smem:$0x3F95]  }
0x1a: {  	s8 =	sadd.s32 $0xFFFFE003, lr  }
0x1b: {  	s9 =	sadd.s32 $0xFFFFFEF7, lr;
	s5 =	simm.s32 $0xFFFFFFFF;
	p2 =	slt.u32 s8, $0xFFFFF086  }
0x1c: {  	p1 =	slt.u32 s9, $0xF7A;
	s5 =	simm.s32 @!p2 $0x0  }
0x1d: {  	s5 =	simm.s32 @p1 $0x1;
	p0 =	seq.s32 s7, s2  }
0x1e: {  	s7 =	smul.u32 @!p0 $0xF7A, s2;
	p2 =	seq.s32 @!p0 s5, $0x0  }
0x1f: {  	s9 =	smul.u32 $0xF7A, s1;
	s8 =	simm.s32 @!p0 $0x1BF5;
	p2 =	por !p2, p0  }
0x20: {  	[sflag:s8] =	ssyncset.s32 @!p0 $0xFFFFF086;
	s6 =	sadd.s32 @!p0 s3, s7;
	s7 =	simm.s32 @!p0 $0x108  }
0x21: {  	s3 =	sadd.s32 s3, s9;
	s6 =	sadd.s32 @!p0 $0x88, s6;
	s7 =	simm.s32 @p2 $0x1082  }
0x22: {  	[simem:s7], [sflag:s8] =	dma.local @!p0 [hbm:s6], $0xF7A  }
0x23: {  	s9 =	sor.u32 $0xD0000000, s2;
	s6 =	simm.s32 $0x108;
	_ =	swait.ge @!p0 [sflag:s8], $0x0  }
0x24: {  	s3 =	sadd.s32 $0x88, s3;
	s6 =	simm.s32 @!p1 $0x1082;
	[sflag:s4] =	ssyncset.s32 $0xFFFFF086  }
0x25: {  	[simem:s6], [sflag:s4] =	dma.local [hbm:s3], $0xF7A  }
0x26: {  	[smem:$0x3F95] =	sst s1;
	(tag) =	ssettag s2;
	_ =	strace s9  }
0x27: {  	s1 =	sld [smem:$0x3FA5]  }
0x28: {  	s2 =	sld [smem:$0x3FA6]  }
0x29: {  	s4 =	sld [smem:$0x3FA8]  }
0x2a: {  	p0 =	seq.s32 s5, $0x0;
	s5 =	sld [smem:$0x3FA9]  }
0x2b: {  	s6 =	sld [smem:$0x3FAA]  }
0x2c: {  	s7 =	sld [smem:$0x3FAB]  }
0x2d: {  	s3 =	simm.s32 $0x108;
	s8 =	sld [smem:$0x3FAC]  }
0x2e: {  	s3 =	simm.s32 @!p0 $0x1082;
	s9 =	sld [smem:$0x3FAD]  }
0x2f: {  	lr =	sadd.s32 s0, s3;
	s0 =	sld [smem:$0x3FA4]  }
0x30: {  	s3 =	sld [smem:$0x3FA7]  }
0x31: {  	[smem:$0x3FB0] =	sst s10  }
0x32: {  	s10 =	sld [smem:$0x3FAE];
	_ =	sdelay $0x3  }
0x33: {  	p0 =	seq.s32 s10, $0x1;
	s10 =	sld [smem:$0x3FB0];
	_ =	sdelay $0x3  }
0x34: {  	[smem:$0x3FB0] =	sst s10  }
0x35: {  	s10 =	sld [smem:$0x3FAF];
	_ =	sdelay $0x3  }
0x36: {  	p1 =	seq.s32 s10, $0x1;
	s10 =	sld [smem:$0x3FB0];
	_ =	sdelay $0x3  }
0x37: {  	[smem:$0x3FB0] =	sst s10  }
0x38: {  	s10 =	sld [smem:$0x3FB1]  }
0x39: {  	_ = 	snop;
	(pc) =	sbr.ind lr, $3  }
0x3a: {  	_ = 	snop  }
0x3b: {  	_ = 	snop  }
0x3c: {  	p2 =	seq.s32 s10, $0x1;
	s10 =	sld [smem:$0x3FB0]  }
0x3d: {  	_ =	shalt  }
0x3e: {  	_ =	shalt  }
0x3f: {  	_ =	shalt  }
0x40: {  	_ =	shalt  }
0x41: {  	_ =	shalt  }
0x42: {  	_ =	shalt  }
0x43: {  	_ =	shalt  }
0x44: {  	_ =	shalt  }
0x45: {  	_ =	shalt  }
0x46: {  	_ =	shalt  }
0x47: {  	_ =	shalt  }
0x48: {  	_ =	shalt  }
0x49: {  	_ =	shalt  }
0x4a: {  	_ =	shalt  }
0x4b: {  	_ =	shalt  }
0x4c: {  	_ =	shalt  }
0x4d: {  	_ =	shalt  }
0x4e: {  	_ =	shalt  }
0x4f: {  	_ =	shalt  }
0x50: {  	_ =	shalt  }
0x51: {  	_ =	shalt  }
0x52: {  	_ =	shalt  }
0x53: {  	_ =	shalt  }
0x54: {  	_ =	shalt  }
0x55: {  	_ =	shalt  }
0x56: {  	_ =	shalt  }
0x57: {  	_ =	shalt  }
0x58: {  	_ =	shalt  }
0x59: {  	_ =	shalt  }
0x5a: {  	_ =	shalt  }
0x5b: {  	_ =	shalt  }
0x5c: {  	_ =	shalt  }
0x5d: {  	_ =	shalt  }
0x5e: {  	_ =	shalt  }
0x5f: {  	_ =	shalt  }
0x60: {  	_ =	shalt  }
0x61: {  	_ =	shalt  }
0x62: {  	_ =	shalt  }
0x63: {  	_ =	shalt  }
0x64: {  	_ =	shalt  }
0x65: {  	_ =	shalt  }
0x66: {  	_ =	shalt  }
0x67: {  	_ =	shalt  }
0x68: {  	_ =	shalt  }
0x69: {  	_ =	shalt  }
0x6a: {  	_ =	shalt  }
0x6b: {  	_ =	shalt  }
0x6c: {  	_ =	shalt  }
0x6d: {  	_ =	shalt  }
0x6e: {  	_ =	shalt  }
0x6f: {  	_ =	shalt  }
0x70: {  	_ =	shalt  }
0x71: {  	_ =	shalt  }
0x72: {  	_ =	shalt  }
0x73: {  	_ =	shalt  }
0x74: {  	_ =	shalt  }
0x75: {  	_ =	shalt  }
0x76: {  	_ =	shalt  }
0x77: {  	_ =	shalt  }
0x78: {  	_ =	shalt  }
0x79: {  	_ =	shalt  }
0x7a: {  	_ =	shalt  }
0x7b: {  	_ =	shalt  }
0x7c: {  	_ =	shalt  }
0x7d: {  	_ =	shalt  }
0x7e: {  	_ =	shalt  }
0x7f: {  	_ =	shalt  }
0x80: {  	_ =	shalt  }
0x81: {  	_ =	shalt  }
0x82: {  	_ =	shalt  }
0x83: {  	_ =	shalt  }
0x84: {  	_ =	shalt  }
0x85: {  	_ =	shalt  }
0x86: {  	_ =	shalt  }
0x87: {  	_ =	shalt  }
.Lfunc_end0:
.L_simem_size_0:
called_computation_lowered:
.L_overlay_start_0:
0x88: {  	s2 =	sld [smem:$0x3FD9]  }
0x89: {  	s3 =	sld [smem:$0x3FFE];
	_ =	sdelay $0x1  }
0x8a: {  	s1 =	srdreg.scid  }
0x8b: {  	s0 =	sand.u32 $0x1, s1  }
0x8c: {  	s16 =	sshll.u32 s0, $0xA;
	s2 =	sadd.s32 s3, s2  }
0x8d: {  	s2 =	sadd.s32 s2, s16  }
0x8e: {  	[smem:$0x3FBC] =	sst s2  }
0x8f: {  	_ = 	snop  }
0x90: {  	(tm) =	ssettm $0x1  }
0x91: {  	s17 =	sld [smem:$0x3FFB];
	_ =	sdelay $0x3  }
0x92: {  	_ =	strace s17  }
0x93: {  	s2 =	sld [smem:$0x3FFC];
	_ =	sdelay $0x3  }
0x94: {  	_ =	strace s2  }
0x95: {  	s2 =	sld [smem:$0x3FFD];
	_ =	sdelay $0x3  }
0x96: {  	_ =	strace s2  }
0x97: {  	_ =	strace $0x8FFFFFFF  }
0x98: {  	s18 =	sld [smem:$0x3FDB];
	_ =	sdelay $0x1  }
0x99: {  	s19 =	simm.s32 $_scs_section_size  }
0x9a: {  	s4 =	simm.s32 $_size__tile_overlayer_lowered;
	s5 =	simm.s32 $_tile_overlayer_lowered  }
0x9b: {  	s22 =	simm.s32 $0x1BFF;
	s21 =	sshll.u32 s5, $0x1;
	s2 =	sadd.s32 s19, s18  }
0x9c: {  	s6 =	simm.s32 $0x0;
	s20 =	sshll.u32 s4, $0x1;
	s4 =	sadd.s32 s21, s2  }
0x9d: {  	[timem:s6], [sflag:s22] =	dma.local [hbm:s4], s20  }
0x9e: {  	_ =	swait.ge [sflag:s22], s20  }
0x9f: {  	s3 =	ssub.s32 $0x0, s20;
	[sflag:s22] =	ssyncset.done $0x0  }
0xa0: {  	[sflag:s22] =	ssyncadd.s32 s3;
	_ =	sdelay $0x1  }
0xa1: {  	s23 =	simm.s32 $0x1B8B  }
0xa2: {  	_ =	swait.ge [sflag:s23], $0x1  }
0xa3: {  	[sflag:s23] =	ssyncset.done $0x0  }
0xa4: {  	s25 =	simm.s32 $0x1B8E;
	s24 =	sld [smem:$0x3FFE];
	[sflag:s23] =	ssyncadd.s32 $0xFFFFFFFF  }
0xa5: {  	s26 =	simm.s32 $execute0_lowered;
	[smem:$0x3FD2] =	sst s25  }
0xa6: {  	s4 =	sshll.u32 s26, $0x1;
	_ =	strace $0x80000046;
	[dreg:$0x1] =	wrdreg $0xFFFFFFFF  }
0xa7: {  	s28 =	simm.s32 $_size_execute0_lowered;
	s2 =	sadd.s32 s2, s4;
	[dreg:$0x0] =	wrdreg $0x0  }
0xa8: {  	s4 =	sshll.u32 s28, $0x1;
	[dreg:$0x2] =	wrdreg s2  }
0xa9: {  	[dreg:$0x3] =	wrdreg s4  }
0xaa: {  	[dreg:$0x4] =	wrdreg $0xC0  }
0xab: {  	_ =	task [dreg:s6], $0x5FFFF  }
0xac: {  	[dreg:$0x1] =	wrdreg $0xFFFFFFFF  }
0xad: {  	[dreg:$0x0] =	wrdreg $0x60  }
0xae: {  	[dreg:$0x2] =	wrdreg s24  }
0xaf: {  	[dreg:$0x3] =	wrdreg $0x2A800  }
0xb0: {  	[dreg:$0x4] =	wrdreg $0x9  }
0xb1: {  	_ =	task.clear_ibuf [dreg:s6], $0x5FFFF;
	_ =	strace $0x90000046  }
0xb2: {  	s29 =	simm.s32 $0x9;
	_ =	strace $0x80000048  }
0xb3: {  	_ =	swait.ge [sflag:s29], $0x1  }
0xb4: {  	[sflag:s29] =	ssyncadd.s32 $0xFFFFFFFF  }
0xb5: {  	_ =	strace $0x90000048  }
0xb6: {  	_ =	sfence  }
0xb7: {  	s30 =	sld [smem:$0x0];
	_ =	sdelay $0x2  }
0xb8: {  	s31 =	sshll.u32 s1, $0xD;
	s1 =	sshrl.u32 s1, $0x2  }
0xb9: {  	s3 =	sand.u32 $0x4000, s31;
	s1 =	sadd.s32 s1, s30  }
0xba: {  	s0 =	sor.u32 s3, s0;
	s1 =	sshll.u32 s1, $0x11  }
0xbb: {  	s0 =	sor.u32 s1, s0  }
0xbc: {  	s0 =	sadd.s32 $0x8F2B, s0  }
0xbd: {  	[sflag:s0] =	ssyncadd.remote.s32 $0x1  }
0xbe: {  	_ =	sfence.sel $0xFFFF  }
0xbf: {  	[dreg:$0x0] =	wrdreg $0xFFFFFFFF;
	(pc) =	sbr.abs _section_cstart, $3  }
0xc0: {  	[dreg:$0x1] =	wrdreg $0xFFFFFFFF  }
0xc1: {  	_ =	task.clear_ibuf [dreg:s6], $0x2FFFF;
	_ =	strace $0x9FFFFFFF  }
0xc2: {  	(tm) =	ssettm $0x7FFFFFFF  }
0xc3: {  	_ =	shalt  }
tec
execute0_lowered:
.L_overlay_start_1:
0x0: {  	(tag) =	ssettag $0x1  }
0x1: {  	s5 =	rddreg [dreg:$0x0]  }
0x2: {  	s0 =	srdreg.scid;
	s2 =	rddreg [dreg:$0x1]  }
0x3: {  	s3 =	simm.s32 $0x0;
	s10 =	simm.s32 $0x80;
	s13 =	simm.s32 $0x20  }
0x4: {  	s14 =	simm.s32 $0x10;
	s4 =	sand.u32 $0x1, s0;
	s0 =	stileid.u32  }
0x5: {  	s15 =	simm.s32 $0x0;
	[smem:$0x7FF] =	sst s3;
	s7 =	smul.u32 $0x500, s0  }
0x6: {  	s1 =	sshll.u32 s4, $0x4;
	s8 =	sshll.u32 s4, $0x7;
	s9 =	smul.u32 $0xA00, s0  }
0x7: {  	s4 =	ssub.s32 $0x2, s4;
	s11 =	sshll.u32 s0, $0x6;
	s6 =	sor.u32 s0, s1  }
0x8: {  	s1 =	rddreg [dreg:$0x2];
	_ =	strace $0x80000047;
	s31 =	sshrl.u32 s4, $0x1  }
0x9: {  	s11 =	sor.u32 $0x1C01, s11;
	s6 =	smul.u32 $0x500, s6;
	s7 =	sor.u32 s8, s7  }
0xa: {  	s9 =	sshrl.u32 s9, $0x2;
	s8 =	ssub.s32 s4, s31;
	s7 =	sshrl.u32 s7, $0x3  }
0xb: {  	s4 =	sadd.s32 s9, s2;
	s9 =	simm.s32 $0x1;
	s6 =	sadd.s32 s6, s5  }
0xc: {  	s7 =	sadd.s32 s7, s5;
	s12 =	sshrl.u32 s4, $0x3;
	s5 =	sadd.s32 $0x5C00, s6  }
0xd: {  	v0 =	vimm.f32 $0.0e+00;
	v1 =	vimm.f32 $1.000000000e+00;
	s6 =	sadd.s32 $0x19C00, s7;
	s7 =	smax.u32 s8, $0x1;
	s8 =	simm.s32 $0x2800  }
.LBB2_1:
0xe: {  	[tilespmem:$0x2800] =	vst v0  }
0xf: {  	[tilespmem:$0x2810] =	vst v0  }
0x10: {  	[tilespmem:$0x2820] =	vst v0  }
0x11: {  	[tilespmem:$0x2830] =	vst v0  }
0x12: {  	[tilespmem:$0x2840] =	vst v0  }
0x13: {  	[tilespmem:$0x2850] =	vst v0  }
0x14: {  	[tilespmem:$0x2860] =	vst v0  }
0x15: {  	[tilespmem:$0x2870] =	vst v0  }
0x16: {  	[tilespmem:$0x2880] =	vst v0  }
0x17: {  	[tilespmem:$0x2890] =	vst v0  }
0x18: {  	[tilespmem:$0x28A0] =	vst v0  }
0x19: {  	[tilespmem:$0x28B0] =	vst v0  }
0x1a: {  	[tilespmem:$0x28C0] =	vst v0  }
0x1b: {  	[tilespmem:$0x28D0] =	vst v0  }
0x1c: {  	[tilespmem:$0x28E0] =	vst v0  }
0x1d: {  	[tilespmem:$0x28F0] =	vst v0  }
0x1e: {  	[tilespmem:$0x2900] =	vst v0  }
0x1f: {  	[tilespmem:$0x2910] =	vst v0  }
0x20: {  	[tilespmem:$0x2920] =	vst v0  }
0x21: {  	[tilespmem:$0x2930] =	vst v0  }
0x22: {  	[tilespmem:$0x2940] =	vst v0  }
0x23: {  	[tilespmem:$0x2950] =	vst v0  }
0x24: {  	[tilespmem:$0x2960] =	vst v0  }
0x25: {  	[tilespmem:$0x2970] =	vst v0  }
0x26: {  	[tilespmem:$0x2980] =	vst v0  }
0x27: {  	[tilespmem:$0x2990] =	vst v0  }
0x28: {  	[tilespmem:$0x29A0] =	vst v0  }
0x29: {  	[tilespmem:$0x29B0] =	vst v0  }
0x2a: {  	[tilespmem:$0x29C0] =	vst v0  }
0x2b: {  	[tilespmem:$0x29D0] =	vst v0  }
0x2c: {  	[tilespmem:$0x29E0] =	vst v0  }
0x2d: {  	[tilespmem:$0x29F0] =	vst v0  }
0x2e: {  	[tilespmem:$0x2A00] =	vst v0  }
0x2f: {  	[tilespmem:$0x2A10] =	vst v0  }
0x30: {  	[tilespmem:$0x2A20] =	vst v0  }
0x31: {  	[tilespmem:$0x2A30] =	vst v0  }
0x32: {  	[tilespmem:$0x2A40] =	vst v0  }
0x33: {  	[tilespmem:$0x2A50] =	vst v0  }
0x34: {  	[tilespmem:$0x2A60] =	vst v0  }
0x35: {  	[tilespmem:$0x2A70] =	vst v0  }
0x36: {  	[spmem:s4] =	stream.linear.scatter [tilespmem:s8], [sflag:$0x1], $0x280, $0x38;
	[tilespmem:$0x2D00] =	vst v63  }
0x37: {  	_ =	swait.ge [sflag:s9], $0x280  }
0x38: {  	[sflag:s9] =	ssyncset.done $0x0  }
0x39: {  	[sflag:s9] =	ssyncadd.s32 $0xFFFFFD80  }
0x3a: {  	[bflag:$0x0] =	sbarrier.arrive $0xFFFF  }
0x3b: {  	[tilespmem:$0x2800] =	vst v1  }
0x3c: {  	[tilespmem:$0x2810] =	vst v1  }
0x3d: {  	[tilespmem:$0x2820] =	vst v1  }
0x3e: {  	[tilespmem:$0x2830] =	vst v1  }
0x3f: {  	[tilespmem:$0x2840] =	vst v1  }
0x40: {  	[tilespmem:$0x2850] =	vst v1  }
0x41: {  	[tilespmem:$0x2860] =	vst v1  }
0x42: {  	[tilespmem:$0x2870] =	vst v1  }
0x43: {  	[tilespmem:s3], [sflag:$0x1] =	stream.linear.gather [hbm4b:s5+s3], $0x2800, $0x38;
	[tilespmem:$0x2D00] =	vst v63  }
0x44: {  	_ =	swait.ge [sflag:s9], $0x2800  }
0x45: {  	[sflag:s9] =	ssyncset.done $0x0  }
0x46: {  	s16 =	simm.s32 $0x0;
	[sflag:s9] =	ssyncadd.s32 $0xFFFFD800  }
0x47: {  	[spmem:s2] =	stream.indirect.scatter.add.f32 [tilespmem:s8], [sflag:$0x1], $0x1, s16, s10, $0xb8;
	[tilespmem:$0x2D00] =	vst v63  }
0x48: {  	_ =	swait.ge [sflag:s9], $0x80  }
0x49: {  	s16 =	simm.s32 $0x200;
	[sflag:s9] =	ssyncset.done $0x0  }
.LBB2_2:
0x4a: {  	s17 =	sshra.s32 s16, $0x2;
	[sflag:s9] =	ssyncadd.s32 $0xFFFFFF80;
	p0 =	sne.s32 s16, $0x9E00  }
0x4b: {  	[spmem:s2] =	stream.indirect.scatter.add.f32 [tilespmem:s8], [sflag:$0x1], $0x1, s17, s10, $0xb8;
	[tilespmem:$0x2D00] =	vst v63  }
.Ltmp0:
0x4c: {  	_ = 	snop;
	(pc) =	sbr.rel @p0 .LBB2_2-.Ltmp0, $4  }
0x4d: {  	_ = 	snop  }
0x4e: {  	s16 =	sadd.s32 $0x200, s16  }
0x4f: {  	_ =	swait.ge [sflag:s9], $0x80  }
0x50: {  	[sflag:s9] =	ssyncset.done $0x0  }
0x51: {  	s15 =	sadd.s32 $0x1, s15  }
0x52: {  	[sflag:s9] =	ssyncadd.s32 $0xFFFFFF80;
	p0 =	sne.s32 s15, s7  }
.Ltmp1:
0x53: {  	[bflag:$0x0] =	sbarrier.arrive $0xFFFF;
	(pc) =	sbr.rel @p0 .LBB2_1-.Ltmp1, $4  }
0x54: {  	[hbm:s6@s13], [sflag:s11] =	dma.strided [spmem:s12@s14], $0x50, s9, $0x10   }
0x55: {  	_ =	swait.ge [sflag:s9], $0x50  }
0x56: {  	[sflag:s9] =	ssyncset.done $0x0  }
0x57: {  	[sflag:s9] =	ssyncadd.s32 $0xFFFFFFB0  }
0x58: {  	_ =	sfence.sel $0x180000  }
0x59: {  	[bflag:$0x0] =	sbarrier.arrive $0xFFFF  }
0x5a: {  	p0 =	sne.s32 s0, $0x0;
	_ =	strace $0x90000047  }
0x5b: {  	s0 =	sadd.s32 @!p0 $0x100000, s1;
	[bflag:$0x2] =	sbarrier.arrive $0xFFFF  }
0x5c: {  	[sflag:s0] =	ssyncadd.tile.s32 @!p0 $0x1;
	_ =	shalt  }
.Lfunc_end2:
_tile_overlayer_lowered:
.L_overlay_start_2:
0x5d: {  	(tag) =	ssettag $0x2  }
0x5e: {  	s0 =	rddreg [dreg:$0x0];
	s2 =	stileid.u32  }
0x5f: {  	s1 =	rddreg [dreg:$0x1];
	p0 =	sne.s32 s2, $0x0  }
0x60: {  	s3 =	rddreg [dreg:$0x2];
	[bflag:$0x3] =	sbarrier.arrive $0xFFFF;
	s2 =	simm.s32 @!p0 $0x1C01  }
0x61: {  	[timem:s3], [sflag:s2] =	dma.local @!p0 [hbm:s0], s1  }
0x62: {  	s0 =	simm.s32 @!p0 $0x1  }
0x63: {  	_ =	swait.ge @!p0 [sflag:s0], s1  }
0x64: {  	s1 =	ssub.s32 @!p0 $0x0, s1;
	[sflag:s0] =	ssyncset.done @!p0 $0x0  }
0x65: {  	[sflag:s0] =	ssyncadd.s32 @!p0 s1  }
0x66: {  	[bflag:$0x3] =	sbarrier.arrive $0xFFFF  }
0x67: {  	_ =	shalt  }

// kernel: kernel.16.cloned.1.call-start
scs
__scs_entry_jumppad:
0x0: {  	(pc) =	sbr.rel $0x88, $3  }
0x1: {  	(tag) =	ssettag $0x0;
	lr =	simm.s32 $0x1  }
0x2: {  	[smem:$0x3F95] =	sst lr;
	_ =	strace $0xD0000000  }
0x3: {  	_ = 	snop  }
0x4: {  	_ = 	snop  }
0x5: {  	_ = 	snop  }
0x6: {  	_ = 	snop  }
0x7: {  	_ = 	snop  }
__scs_overlays_trampoline_lowered:
0x8: {  	[smem:$0x3FA4] =	sst s0  }
0x9: {  	[smem:$0x3FA5] =	sst s1  }
0xa: {  	[smem:$0x3FA6] =	sst s2  }
0xb: {  	[smem:$0x3FA7] =	sst s3  }
0xc: {  	[smem:$0x3FA8] =	sst s4  }
0xd: {  	[smem:$0x3FA9] =	sst s5  }
0xe: {  	[smem:$0x3FAA] =	sst s6  }
0xf: {  	[smem:$0x3FAB] =	sst s7  }
0x10: {  	[smem:$0x3FAC] =	sst s8  }
0x11: {  	[smem:$0x3FAD] =	sst s9;
	s0 =	simm.s32 @!p0 $0x0  }
0x12: {  	s1 =	sld [smem:$0x3F93];
	s0 =	simm.s32 @p0 $0x1  }
0x13: {  	[smem:$0x3FAE] =	sst s0;
	s0 =	simm.s32 @!p1 $0x0  }
0x14: {  	s2 =	sld [smem:$0x3F92];
	s0 =	simm.s32 @p1 $0x1  }
0x15: {  	[smem:$0x3FAF] =	sst s0;
	s0 =	simm.s32 @!p2 $0x0  }
0x16: {  	s3 =	sld [smem:$0x3FDB];
	s0 =	simm.s32 @p2 $0x1  }
0x17: {  	s4 =	simm.s32 $0x1BF5;
	[smem:$0x3FB1] =	sst s0  }
0x18: {  	s0 =	sld [smem:$0x3F94];
	_ =	swait.ge [sflag:s4], $0x0  }
0x19: {  	s7 =	sld [smem:$0x3F95]  }
0x1a: {  	s8 =	sadd.s32 $0xFFFFE003, lr  }
0x1b: {  	s9 =	sadd.s32 $0xFFFFFEF7, lr;
	s5 =	simm.s32 $0xFFFFFFFF;
	p2 =	slt.u32 s8, $0xFFFFF086  }
0x1c: {  	p1 =	slt.u32 s9, $0xF7A;
	s5 =	simm.s32 @!p2 $0x0  }
0x1d: {  	s5 =	simm.s32 @p1 $0x1;
	p0 =	seq.s32 s7, s2  }
0x1e: {  	s7 =	smul.u32 @!p0 $0xF7A, s2;
	p2 =	seq.s32 @!p0 s5, $0x0  }
0x1f: {  	s9 =	smul.u32 $0xF7A, s1;
	s8 =	simm.s32 @!p0 $0x1BF5;
	p2 =	por !p2, p0  }
0x20: {  	[sflag:s8] =	ssyncset.s32 @!p0 $0xFFFFF086;
	s6 =	sadd.s32 @!p0 s3, s7;
	s7 =	simm.s32 @!p0 $0x108  }
0x21: {  	s3 =	sadd.s32 s3, s9;
	s6 =	sadd.s32 @!p0 $0x88, s6;
	s7 =	simm.s32 @p2 $0x1082  }
0x22: {  	[simem:s7], [sflag:s8] =	dma.local @!p0 [hbm:s6], $0xF7A  }
0x23: {  	s9 =	sor.u32 $0xD0000000, s2;
	s6 =	simm.s32 $0x108;
	_ =	swait.ge @!p0 [sflag:s8], $0x0  }
0x24: {  	s3 =	sadd.s32 $0x88, s3;
	s6 =	simm.s32 @!p1 $0x1082;
	[sflag:s4] =	ssyncset.s32 $0xFFFFF086  }
0x25: {  	[simem:s6], [sflag:s4] =	dma.local [hbm:s3], $0xF7A  }
0x26: {  	[smem:$0x3F95] =	sst s1;
	(tag) =	ssettag s2;
	_ =	strace s9  }
0x27: {  	s1 =	sld [smem:$0x3FA5]  }
0x28: {  	s2 =	sld [smem:$0x3FA6]  }
0x29: {  	s4 =	sld [smem:$0x3FA8]  }
0x2a: {  	p0 =	seq.s32 s5, $0x0;
	s5 =	sld [smem:$0x3FA9]  }
0x2b: {  	s6 =	sld [smem:$0x3FAA]  }
0x2c: {  	s7 =	sld [smem:$0x3FAB]  }
0x2d: {  	s3 =	simm.s32 $0x108;
	s8 =	sld [smem:$0x3FAC]  }
0x2e: {  	s3 =	simm.s32 @!p0 $0x1082;
	s9 =	sld [smem:$0x3FAD]  }
0x2f: {  	lr =	sadd.s32 s0, s3;
	s0 =	sld [smem:$0x3FA4]  }
0x30: {  	s3 =	sld [smem:$0x3FA7]  }
0x31: {  	[smem:$0x3FB0] =	sst s10  }
0x32: {  	s10 =	sld [smem:$0x3FAE];
	_ =	sdelay $0x3  }
0x33: {  	p0 =	seq.s32 s10, $0x1;
	s10 =	sld [smem:$0x3FB0];
	_ =	sdelay $0x3  }
0x34: {  	[smem:$0x3FB0] =	sst s10  }
0x35: {  	s10 =	sld [smem:$0x3FAF];
	_ =	sdelay $0x3  }
0x36: {  	p1 =	seq.s32 s10, $0x1;
	s10 =	sld [smem:$0x3FB0];
	_ =	sdelay $0x3  }
0x37: {  	[smem:$0x3FB0] =	sst s10  }
0x38: {  	s10 =	sld [smem:$0x3FB1]  }
0x39: {  	_ = 	snop;
	(pc) =	sbr.ind lr, $3  }
0x3a: {  	_ = 	snop  }
0x3b: {  	_ = 	snop  }
0x3c: {  	p2 =	seq.s32 s10, $0x1;
	s10 =	sld [smem:$0x3FB0]  }
0x3d: {  	_ =	shalt  }
0x3e: {  	_ =	shalt  }
0x3f: {  	_ =	shalt  }
0x40: {  	_ =	shalt  }
0x41: {  	_ =	shalt  }
0x42: {  	_ =	shalt  }
0x43: {  	_ =	shalt  }
0x44: {  	_ =	shalt  }
0x45: {  	_ =	shalt  }
0x46: {  	_ =	shalt  }
0x47: {  	_ =	shalt  }
0x48: {  	_ =	shalt  }
0x49: {  	_ =	shalt  }
0x4a: {  	_ =	shalt  }
0x4b: {  	_ =	shalt  }
0x4c: {  	_ =	shalt  }
0x4d: {  	_ =	shalt  }
0x4e: {  	_ =	shalt  }
0x4f: {  	_ =	shalt  }
0x50: {  	_ =	shalt  }
0x51: {  	_ =	shalt  }
0x52: {  	_ =	shalt  }
0x53: {  	_ =	shalt  }
0x54: {  	_ =	shalt  }
0x55: {  	_ =	shalt  }
0x56: {  	_ =	shalt  }
0x57: {  	_ =	shalt  }
0x58: {  	_ =	shalt  }
0x59: {  	_ =	shalt  }
0x5a: {  	_ =	shalt  }
0x5b: {  	_ =	shalt  }
0x5c: {  	_ =	shalt  }
0x5d: {  	_ =	shalt  }
0x5e: {  	_ =	shalt  }
0x5f: {  	_ =	shalt  }
0x60: {  	_ =	shalt  }
0x61: {  	_ =	shalt  }
0x62: {  	_ =	shalt  }
0x63: {  	_ =	shalt  }
0x64: {  	_ =	shalt  }
0x65: {  	_ =	shalt  }
0x66: {  	_ =	shalt  }
0x67: {  	_ =	shalt  }
0x68: {  	_ =	shalt  }
0x69: {  	_ =	shalt  }
0x6a: {  	_ =	shalt  }
0x6b: {  	_ =	shalt  }
0x6c: {  	_ =	shalt  }
0x6d: {  	_ =	shalt  }
0x6e: {  	_ =	shalt  }
0x6f: {  	_ =	shalt  }
0x70: {  	_ =	shalt  }
0x71: {  	_ =	shalt  }
0x72: {  	_ =	shalt  }
0x73: {  	_ =	shalt  }
0x74: {  	_ =	shalt  }
0x75: {  	_ =	shalt  }
0x76: {  	_ =	shalt  }
0x77: {  	_ =	shalt  }
0x78: {  	_ =	shalt  }
0x79: {  	_ =	shalt  }
0x7a: {  	_ =	shalt  }
0x7b: {  	_ =	shalt  }
0x7c: {  	_ =	shalt  }
0x7d: {  	_ =	shalt  }
0x7e: {  	_ =	shalt  }
0x7f: {  	_ =	shalt  }
0x80: {  	_ =	shalt  }
0x81: {  	_ =	shalt  }
0x82: {  	_ =	shalt  }
0x83: {  	_ =	shalt  }
0x84: {  	_ =	shalt  }
0x85: {  	_ =	shalt  }
0x86: {  	_ =	shalt  }
0x87: {  	_ =	shalt  }
.Lfunc_end0:
.L_simem_size_0:
called_computation.1_lowered:
.L_overlay_start_0:
0x88: {  	s2 =	sld [smem:$0x3FD9]  }
0x89: {  	s3 =	sld [smem:$0x3FFE];
	_ =	sdelay $0x1  }
0x8a: {  	s1 =	srdreg.scid  }
0x8b: {  	s0 =	sand.u32 $0x1, s1  }
0x8c: {  	s16 =	sshll.u32 s0, $0xA;
	s2 =	sadd.s32 s3, s2  }
0x8d: {  	s2 =	sadd.s32 s2, s16  }
0x8e: {  	[smem:$0x3FBC] =	sst s2  }
0x8f: {  	_ = 	snop  }
0x90: {  	(tm) =	ssettm $0x1  }
0x91: {  	s17 =	sld [smem:$0x3FFB];
	_ =	sdelay $0x3  }
0x92: {  	_ =	strace s17  }
0x93: {  	s2 =	sld [smem:$0x3FFC];
	_ =	sdelay $0x3  }
0x94: {  	_ =	strace s2  }
0x95: {  	s2 =	sld [smem:$0x3FFD];
	_ =	sdelay $0x3  }
0x96: {  	_ =	strace s2  }
0x97: {  	_ =	strace $0x8FFFFFFF  }
0x98: {  	s18 =	sld [smem:$0x3FDB];
	_ =	sdelay $0x1  }
0x99: {  	s19 =	simm.s32 $_scs_section_size  }
0x9a: {  	s4 =	simm.s32 $_size__tile_overlayer_lowered;
	s5 =	simm.s32 $_tile_overlayer_lowered  }
0x9b: {  	s22 =	simm.s32 $0x1BFF;
	s21 =	sshll.u32 s5, $0x1;
	s2 =	sadd.s32 s19, s18  }
0x9c: {  	s6 =	simm.s32 $0x0;
	s20 =	sshll.u32 s4, $0x1;
	s4 =	sadd.s32 s21, s2  }
0x9d: {  	[timem:s6], [sflag:s22] =	dma.local [hbm:s4], s20  }
0x9e: {  	_ =	swait.ge [sflag:s22], s20  }
0x9f: {  	s3 =	ssub.s32 $0x0, s20;
	[sflag:s22] =	ssyncset.done $0x0  }
0xa0: {  	[sflag:s22] =	ssyncadd.s32 s3;
	_ =	sdelay $0x1  }
0xa1: {  	s23 =	simm.s32 $0x1B8B  }
0xa2: {  	_ =	swait.ge [sflag:s23], $0x1  }
0xa3: {  	[sflag:s23] =	ssyncset.done $0x0  }
0xa4: {  	s25 =	simm.s32 $0x1B8E;
	s24 =	sld [smem:$0x3FFE];
	[sflag:s23] =	ssyncadd.s32 $0xFFFFFFFF  }
0xa5: {  	s26 =	simm.s32 $execute0_lowered;
	[smem:$0x3FD2] =	sst s25  }
0xa6: {  	s4 =	sshll.u32 s26, $0x1;
	_ =	strace $0x80000049;
	[dreg:$0x1] =	wrdreg $0xFFFFFFFF  }
0xa7: {  	s28 =	simm.s32 $_size_execute0_lowered;
	s2 =	sadd.s32 s2, s4;
	[dreg:$0x0] =	wrdreg $0x0  }
0xa8: {  	s4 =	sshll.u32 s28, $0x1;
	[dreg:$0x2] =	wrdreg s2  }
0xa9: {  	[dreg:$0x3] =	wrdreg s4  }
0xaa: {  	[dreg:$0x4] =	wrdreg $0xC0  }
0xab: {  	_ =	task [dreg:s6], $0x5FFFF  }
0xac: {  	[dreg:$0x1] =	wrdreg $0xFFFFFFFF  }
0xad: {  	[dreg:$0x0] =	wrdreg $0x60  }
0xae: {  	[dreg:$0x2] =	wrdreg s24  }
0xaf: {  	[dreg:$0x3] =	wrdreg $0xA8000  }
0xb0: {  	[dreg:$0x4] =	wrdreg $0x9  }
0xb1: {  	_ =	task.clear_ibuf [dreg:s6], $0x5FFFF;
	_ =	strace $0x90000049  }
0xb2: {  	s29 =	simm.s32 $0x9;
	_ =	strace $0x8000004B  }
0xb3: {  	_ =	swait.ge [sflag:s29], $0x1  }
0xb4: {  	[sflag:s29] =	ssyncadd.s32 $0xFFFFFFFF  }
0xb5: {  	_ =	strace $0x9000004B  }
0xb6: {  	_ =	sfence  }
0xb7: {  	s30 =	sld [smem:$0x0];
	_ =	sdelay $0x2  }
0xb8: {  	s31 =	sshll.u32 s1, $0xD;
	s1 =	sshrl.u32 s1, $0x2  }
0xb9: {  	s3 =	sand.u32 $0x4000, s31;
	s1 =	sadd.s32 s1, s30  }
0xba: {  	s0 =	sor.u32 s3, s0;
	s1 =	sshll.u32 s1, $0x11  }
0xbb: {  	s0 =	sor.u32 s1, s0  }
0xbc: {  	s0 =	sadd.s32 $0x8F2B, s0  }
0xbd: {  	[sflag:s0] =	ssyncadd.remote.s32 $0x1  }
0xbe: {  	_ =	sfence.sel $0xFFFF  }
0xbf: {  	[dreg:$0x0] =	wrdreg $0xFFFFFFFF;
	(pc) =	sbr.abs _section_cstart, $3  }
0xc0: {  	[dreg:$0x1] =	wrdreg $0xFFFFFFFF  }
0xc1: {  	_ =	task.clear_ibuf [dreg:s6], $0x2FFFF;
	_ =	strace $0x9FFFFFFF  }
0xc2: {  	(tm) =	ssettm $0x7FFFFFFF  }
0xc3: {  	_ =	shalt  }
tec
execute0_lowered:
.L_overlay_start_1:
0x0: {  	(tag) =	ssettag $0x1  }
0x1: {  	s0 =	rddreg [dreg:$0x0]  }
0x2: {  	s1 =	rddreg [dreg:$0x1];
	s3 =	simm.s32 $0x0  }
0x3: {  	s2 =	srdreg.scid;
	s9 =	stileid.u32;
	s16 =	simm.s32 $0x2800  }
0x4: {  	s17 =	simm.s32 $0x5;
	s18 =	simm.s32 $0x1400;
	s19 =	simm.s32 $0x80  }
0x5: {  	s20 =	simm.s32 $0x6800;
	s21 =	simm.s32 $0x1;
	s22 =	simm.s32 $0x3  }
0x6: {  	s28 =	simm.s32 $0x1380;
	s29 =	simm.s32 $0x2700;
	s30 =	simm.s32 $0x2780  }
0x7: {  	s31 =	simm.s32 $0x0;
	[smem:$0x7FF] =	sst s3;
	s6 =	smul.u32 $0x14000, s9  }
0x8: {  	s2 =	sand.u32 $0x1, s2;
	s4 =	sadd.s32 $0xB8800, s0;
	s7 =	smul.u32 $0x50000, s9  }
0x9: {  	s12 =	sadd.s32 $0xFC00, s0;
	s13 =	sadd.s32 $0x5C00, s0;
	s9 =	smul.u32 $0x500, s9  }
0xa: {  	s5 =	smul.u32 $0x140000, s2;
	_ =	strace $0x8000004A;
	s23 =	ssub.s32 $0x2, s2  }
0xb: {  	p0 =	seq.s32 s2, $0x0;
	s8 =	sshrl.u32 s23, $0x1;
	s24 =	sshrl.u32 s7, $0x2  }
0xc: {  	s2 =	sadd.s32 $0x5000, s9;
	s5 =	sadd.s32 s6, s5;
	s6 =	ssub.s32 s23, s8  }
0xd: {  	s2 =	smov.u32 @p0 s9;
	s23 =	simm.s32 $0x100;
	s5 =	sshrl.u32 s5, $0x3  }
0xe: {  	s14 =	sadd.s32 $0x280, s2;
	s10 =	sadd.s32 s12, s2;
	s11 =	sadd.s32 s13, s2  }
0xf: {  	s15 =	smax.u32 s6, $0x1;
	s0 =	sadd.s32 s5, s0;
	s5 =	sadd.s32 s24, s1  }
0x10: {  	s12 =	sadd.s32 s12, s14;
	s13 =	sadd.s32 s13, s14;
	s24 =	simm.s32 $0x2  }
0x11: {  	s25 =	sadd.s32 $0x4000, s5;
	s26 =	sadd.s32 $0x8000, s5;
	s8 =	sadd.s32 $0xC000, s5  }
0x12: {  	s9 =	sadd.s32 $0x10000, s5;
	s14 =	sadd.s32 $0xDFA00, s0;
	[dreg:$0x3] =	wrdreg s25  }
0x13: {  	v0 =	vimm.s32 $0x0;
	[dreg:$0x4] =	wrdreg s26;
	s25 =	simm.s32 $0x1480;
	s26 =	simm.s32 $0x4  }
.LBB2_1:
0x14: {  	s0 =	sand.u32 $0xFE00, s3  }
0x15: {  	s2 =	sand.u32 $0x70, s3;
	s6 =	sshrl.u32 s0, $0x2  }
0x16: {  	s0 =	simm.s32 $0x40;
	s6 =	sor.u32 s2, s6;
	s2 =	simm.s32 $0x0  }
.LBB2_2:
0x17: {  	p0 =	sne.s32 s0, $0xFFC0  }
0x18: {  	[tilespmem:s6+$0x2800] =	vst v0;
	s2 =	sadd.s32 $0x10, s2;
	s6 =	smov.u32 s0;
	s0 =	sadd.s32 $0x40, s0  }
.Ltmp0:
0x19: {  	(pc) =	sbr.rel @p0 .LBB2_2-.Ltmp0, $4  }
0x1a: {  	_ = 	snop  }
0x1b: {  	s6 =	sand.u32 $0xFE00, s6  }
0x1c: {  	s7 =	sand.u32 $0x70, s2;
	s6 =	sshrl.u32 s6, $0x2  }
0x1d: {  	s6 =	sor.u32 s7, s6  }
0x1e: {  	[tilespmem:s6+$0x2800] =	vst v0  }
0x1f: {  	[spmem:s5] =	stream.linear.scatter [tilespmem:s16], [sflag:$0x5], $0x4000, $0x38;
	[tilespmem:$0x1E800] =	vst v63  }
0x20: {  	_ =	swait.ge [sflag:s17], $0x4000  }
0x21: {  	[sflag:s17] =	ssyncset.done $0x0  }
0x22: {  	s0 =	rddreg [dreg:$0x3];
	[sflag:s17] =	ssyncadd.s32 $0xFFFFC000  }
0x23: {  	[spmem:s0] =	stream.linear.scatter [tilespmem:s16], [sflag:$0x5], $0x4000, $0x38;
	[tilespmem:$0x1E800] =	vst v63  }
0x24: {  	_ =	swait.ge [sflag:s17], $0x4000  }
0x25: {  	[sflag:s17] =	ssyncset.done $0x0  }
0x26: {  	s7 =	rddreg [dreg:$0x4];
	[sflag:s17] =	ssyncadd.s32 $0xFFFFC000  }
0x27: {  	[spmem:s7] =	stream.linear.scatter [tilespmem:s16], [sflag:$0x5], $0x4000, $0x38;
	[tilespmem:$0x1E800] =	vst v63  }
0x28: {  	_ =	swait.ge [sflag:s17], $0x4000  }
0x29: {  	[sflag:s17] =	ssyncset.done $0x0  }
0x2a: {  	[sflag:s17] =	ssyncadd.s32 $0xFFFFC000  }
0x2b: {  	[spmem:s8] =	stream.linear.scatter [tilespmem:s16], [sflag:$0x5], $0x4000, $0x38;
	[tilespmem:$0x1E800] =	vst v63  }
0x2c: {  	_ =	swait.ge [sflag:s17], $0x4000  }
0x2d: {  	[sflag:s17] =	ssyncset.done $0x0  }
0x2e: {  	[sflag:s17] =	ssyncadd.s32 $0xFFFFC000  }
0x2f: {  	[spmem:s9] =	stream.linear.scatter [tilespmem:s16], [sflag:$0x5], $0x4000, $0x38;
	[tilespmem:$0x1E800] =	vst v63  }
0x30: {  	_ =	swait.ge [sflag:s17], $0x4000  }
0x31: {  	[sflag:s17] =	ssyncset.done $0x0  }
0x32: {  	[sflag:s17] =	ssyncadd.s32 $0xFFFFC000  }
0x33: {  	[bflag:$0x0] =	sbarrier.arrive $0xFFFF  }
0x34: {  	[tilespmem:s3], [sflag:$0x5] =	stream.linear.gather [hbm4b:s10+s3], $0x1400, $0x38;
	[tilespmem:$0x1E800] =	vst v63  }
0x35: {  	_ =	swait.ge [sflag:s17], $0x1400  }
0x36: {  	[sflag:s17] =	ssyncset.done $0x0  }
0x37: {  	[sflag:s17] =	ssyncadd.s32 $0xFFFFEC00  }
0x38: {  	[tilespmem:s18], [sflag:$0x5] =	stream.linear.gather [hbm4b:s11+s3], $0x1400, $0x38;
	[tilespmem:$0x1E800] =	vst v63  }
0x39: {  	_ =	swait.ge [sflag:s17], $0x1400  }
0x3a: {  	[sflag:s17] =	ssyncset.done $0x0  }
0x3b: {  	[sflag:s17] =	ssyncadd.s32 $0xFFFFEC00  }
0x3c: {  	[tilespmem:s16], [sflag:$0x1] =	stream.indirect.gather [hbm4b:s4+s19], $0x80, s3, s19, $0xb8;
	[tilespmem:$0x1E800] =	vst v63  }
0x3d: {  	_ = 	snop  }
0x3e: {  	[tilespmem:s20], [sflag:$0x2] =	stream.indirect.gather [hbm4b:s4+s19], $0x80, s19, s19, $0xb8;
	[tilespmem:$0x1E800] =	vst v63  }
0x3f: {  	_ =	swait.ge [sflag:s21], $0x4000  }
0x40: {  	[sflag:s21] =	ssyncset.done $0x0  }
0x41: {  	[sflag:s21] =	ssyncadd.s32 $0xFFFFC000  }
0x42: {  	[spmem:s1] =	stream.indirect.scatter.add.s32 [tilespmem:s16], [sflag:$0x3], $0x80, s18, s19, $0xb8;
	[tilespmem:$0x1E800] =	vst v63  }
0x43: {  	_ =	swait.ge [sflag:s22], $0x4000  }
0x44: {  	[sflag:s22] =	ssyncset.done $0x0  }
0x45: {  	[sflag:s22] =	ssyncadd.s32 $0xFFFFC000  }
0x46: {  	[tilespmem:s16], [sflag:$0x1] =	stream.indirect.gather [hbm4b:s4+s19], $0x80, s23, s19, $0xb8;
	[tilespmem:$0x1E800] =	vst v63  }
0x47: {  	_ =	swait.ge [sflag:s24], $0x4000  }
0x48: {  	[sflag:s24] =	ssyncset.done $0x0  }
0x49: {  	[sflag:s24] =	ssyncadd.s32 $0xFFFFC000  }
0x4a: {  	[spmem:s1] =	stream.indirect.scatter.add.s32 [tilespmem:s20], [sflag:$0x4], $0x80, s25, s19, $0xb8;
	[tilespmem:$0x1E800] =	vst v63  }
0x4b: {  	_ =	swait.ge [sflag:s26], $0x4000  }
0x4c: {  	[sflag:s26] =	ssyncset.done $0x0  }
0x4d: {  	s2 =	simm.s32 $0x180;
	[sflag:s26] =	ssyncadd.s32 $0xFFFFC000  }
0x4e: {  	[tilespmem:s20], [sflag:$0x2] =	stream.indirect.gather [hbm4b:s4+s19], $0x80, s2, s19, $0xb8;
	[tilespmem:$0x1E800] =	vst v63  }
0x4f: {  	_ =	swait.ge [sflag:s21], $0x4000  }
0x50: {  	[sflag:s21] =	ssyncset.done $0x0  }
0x51: {  	s6 =	simm.s32 $0x1500;
	[sflag:s21] =	ssyncadd.s32 $0xFFFFC000  }
0x52: {  	[spmem:s1] =	stream.indirect.scatter.add.s32 [tilespmem:s16], [sflag:$0x3], $0x80, s6, s19, $0xb8;
	[tilespmem:$0x1E800] =	vst v63  }
0x53: {  	_ =	swait.ge [sflag:s22], $0x4000  }
0x54: {  	[sflag:s22] =	ssyncset.done $0x0  }
0x55: {  	s7 =	simm.s32 $0x200;
	[sflag:s22] =	ssyncadd.s32 $0xFFFFC000  }
0x56: {  	[tilespmem:s16], [sflag:$0x1] =	stream.indirect.gather [hbm4b:s4+s19], $0x80, s7, s19, $0xb8;
	[tilespmem:$0x1E800] =	vst v63  }
0x57: {  	_ =	swait.ge [sflag:s24], $0x4000  }
0x58: {  	[sflag:s24] =	ssyncset.done $0x0  }
0x59: {  	s0 =	simm.s32 $0xFFFFBC00;
	s2 =	simm.s32 $0x1580;
	[sflag:s24] =	ssyncadd.s32 $0xFFFFC000  }
.LBB2_4:
0x5a: {  	[spmem:s1] =	stream.indirect.scatter.add.s32 [tilespmem:s20], [sflag:$0x4], $0x80, s2, s19, $0xb8;
	[tilespmem:$0x1E800] =	vst v63  }
0x5b: {  	s2 =	smov.u32 s0  }
0x5c: {  	p0 =	sne.s32 s0, $0xFFFFFC00;
	s0 =	sadd.s32 $0x400, s0;
	_ =	swait.ge [sflag:s26], $0x4000  }
0x5d: {  	s2 =	sshra.s32 s2, $0x2;
	[sflag:s26] =	ssyncset.done $0x0  }
0x5e: {  	s6 =	sadd.s32 $0x1380, s2;
	[sflag:s26] =	ssyncadd.s32 $0xFFFFC000  }
0x5f: {  	[tilespmem:s20], [sflag:$0x2] =	stream.indirect.gather [hbm4b:s4+s19], $0x80, s6, s19, $0xb8;
	[tilespmem:$0x1E800] =	vst v63  }
0x60: {  	_ =	swait.ge [sflag:s21], $0x4000  }
0x61: {  	[sflag:s21] =	ssyncset.done $0x0  }
0x62: {  	s6 =	sadd.s32 $0x2700, s2;
	[sflag:s21] =	ssyncadd.s32 $0xFFFFC000  }
0x63: {  	[spmem:s1] =	stream.indirect.scatter.add.s32 [tilespmem:s16], [sflag:$0x3], $0x80, s6, s19, $0xb8;
	[tilespmem:$0x1E800] =	vst v63  }
0x64: {  	_ =	swait.ge [sflag:s22], $0x4000  }
0x65: {  	[sflag:s22] =	ssyncset.done $0x0  }
.Ltmp1:
0x66: {  	s6 =	sadd.s32 $0x1400, s2;
	[sflag:s22] =	ssyncadd.s32 $0xFFFFC000;
	(pc) =	sbr.rel @p0 .LBB2_4-.Ltmp1, $4  }
0x67: {  	[tilespmem:s16], [sflag:$0x1] =	stream.indirect.gather [hbm4b:s4+s19], $0x80, s6, s19, $0xb8;
	[tilespmem:$0x1E800] =	vst v63  }
0x68: {  	_ =	swait.ge [sflag:s24], $0x4000  }
0x69: {  	[sflag:s24] =	ssyncset.done $0x0  }
0x6a: {  	s2 =	sadd.s32 $0x2780, s2;
	[sflag:s24] =	ssyncadd.s32 $0xFFFFC000  }
0x6b: {  	[spmem:s1] =	stream.indirect.scatter.add.s32 [tilespmem:s20], [sflag:$0x4], $0x80, s2, s19, $0xb8;
	[tilespmem:$0x1E800] =	vst v63  }
0x6c: {  	_ =	swait.ge [sflag:s26], $0x4000  }
0x6d: {  	[sflag:s26] =	ssyncset.done $0x0  }
0x6e: {  	[sflag:s26] =	ssyncadd.s32 $0xFFFFC000  }
0x6f: {  	[tilespmem:s20], [sflag:$0x2] =	stream.indirect.gather [hbm4b:s4+s19], $0x80, s28, s19, $0xb8;
	[tilespmem:$0x1E800] =	vst v63  }
0x70: {  	_ =	swait.ge [sflag:s21], $0x4000  }
0x71: {  	[sflag:s21] =	ssyncset.done $0x0  }
0x72: {  	[sflag:s21] =	ssyncadd.s32 $0xFFFFC000  }
0x73: {  	[spmem:s1] =	stream.indirect.scatter.add.s32 [tilespmem:s16], [sflag:$0x3], $0x80, s29, s19, $0xb8;
	[tilespmem:$0x1E800] =	vst v63  }
0x74: {  	_ =	swait.ge [sflag:s24], $0x4000  }
0x75: {  	[sflag:s24] =	ssyncset.done $0x0  }
0x76: {  	[sflag:s24] =	ssyncadd.s32 $0xFFFFC000  }
0x77: {  	[spmem:s1] =	stream.indirect.scatter.add.s32 [tilespmem:s20], [sflag:$0x4], $0x80, s30, s19, $0xb8;
	[tilespmem:$0x1E800] =	vst v63  }
0x78: {  	_ =	swait.ge [sflag:s22], $0x4000  }
0x79: {  	[sflag:s22] =	ssyncset.done $0x0  }
0x7a: {  	[sflag:s22] =	ssyncadd.s32 $0xFFFFC000  }
0x7b: {  	_ =	swait.ge [sflag:s26], $0x4000  }
0x7c: {  	[sflag:s26] =	ssyncset.done $0x0  }
0x7d: {  	[sflag:s26] =	ssyncadd.s32 $0xFFFFC000  }
0x7e: {  	[tilespmem:s3], [sflag:$0x5] =	stream.linear.gather [hbm4b:s12+s3], $0x1400, $0x38;
	[tilespmem:$0x1E800] =	vst v63  }
0x7f: {  	_ =	swait.ge [sflag:s17], $0x1400  }
0x80: {  	[sflag:s17] =	ssyncset.done $0x0  }
0x81: {  	[sflag:s17] =	ssyncadd.s32 $0xFFFFEC00  }
0x82: {  	[tilespmem:s18], [sflag:$0x5] =	stream.linear.gather [hbm4b:s13+s3], $0x1400, $0x38;
	[tilespmem:$0x1E800] =	vst v63  }
0x83: {  	_ =	swait.ge [sflag:s17], $0x1400  }
0x84: {  	[sflag:s17] =	ssyncset.done $0x0  }
0x85: {  	[sflag:s17] =	ssyncadd.s32 $0xFFFFEC00  }
0x86: {  	[tilespmem:s16], [sflag:$0x1] =	stream.indirect.gather [hbm4b:s4+s19], $0x80, s3, s19, $0xb8;
	[tilespmem:$0x1E800] =	vst v63  }
0x87: {  	_ = 	snop  }
0x88: {  	[tilespmem:s20], [sflag:$0x2] =	stream.indirect.gather [hbm4b:s4+s19], $0x80, s19, s19, $0xb8;
	[tilespmem:$0x1E800] =	vst v63  }
0x89: {  	_ =	swait.ge [sflag:s21], $0x4000  }
0x8a: {  	[sflag:s21] =	ssyncset.done $0x0  }
0x8b: {  	[sflag:s21] =	ssyncadd.s32 $0xFFFFC000  }
0x8c: {  	[spmem:s1] =	stream.indirect.scatter.add.s32 [tilespmem:s16], [sflag:$0x3], $0x80, s18, s19, $0xb8;
	[tilespmem:$0x1E800] =	vst v63  }
0x8d: {  	_ =	swait.ge [sflag:s22], $0x4000  }
0x8e: {  	[sflag:s22] =	ssyncset.done $0x0  }
0x8f: {  	[sflag:s22] =	ssyncadd.s32 $0xFFFFC000  }
0x90: {  	[tilespmem:s16], [sflag:$0x1] =	stream.indirect.gather [hbm4b:s4+s19], $0x80, s23, s19, $0xb8;
	[tilespmem:$0x1E800] =	vst v63  }
0x91: {  	_ =	swait.ge [sflag:s24], $0x4000  }
0x92: {  	[sflag:s24] =	ssyncset.done $0x0  }
0x93: {  	[sflag:s24] =	ssyncadd.s32 $0xFFFFC000  }
0x94: {  	[spmem:s1] =	stream.indirect.scatter.add.s32 [tilespmem:s20], [sflag:$0x4], $0x80, s25, s19, $0xb8;
	[tilespmem:$0x1E800] =	vst v63  }
0x95: {  	_ =	swait.ge [sflag:s26], $0x4000  }
0x96: {  	[sflag:s26] =	ssyncset.done $0x0  }
0x97: {  	s0 =	simm.s32 $0x180;
	[sflag:s26] =	ssyncadd.s32 $0xFFFFC000  }
0x98: {  	[tilespmem:s20], [sflag:$0x2] =	stream.indirect.gather [hbm4b:s4+s19], $0x80, s0, s19, $0xb8;
	[tilespmem:$0x1E800] =	vst v63  }
0x99: {  	_ =	swait.ge [sflag:s21], $0x4000  }
0x9a: {  	[sflag:s21] =	ssyncset.done $0x0  }
0x9b: {  	s6 =	simm.s32 $0x1500;
	[sflag:s21] =	ssyncadd.s32 $0xFFFFC000  }
0x9c: {  	[spmem:s1] =	stream.indirect.scatter.add.s32 [tilespmem:s16], [sflag:$0x3], $0x80, s6, s19, $0xb8;
	[tilespmem:$0x1E800] =	vst v63  }
0x9d: {  	_ =	swait.ge [sflag:s22], $0x4000  }
0x9e: {  	[sflag:s22] =	ssyncset.done $0x0  }
0x9f: {  	s7 =	simm.s32 $0x200;
	[sflag:s22] =	ssyncadd.s32 $0xFFFFC000  }
0xa0: {  	[tilespmem:s16], [sflag:$0x1] =	stream.indirect.gather [hbm4b:s4+s19], $0x80, s7, s19, $0xb8;
	[tilespmem:$0x1E800] =	vst v63  }
0xa1: {  	_ =	swait.ge [sflag:s24], $0x4000  }
0xa2: {  	[sflag:s24] =	ssyncset.done $0x0  }
0xa3: {  	s2 =	simm.s32 $0x1580;
	s0 =	simm.s32 $0xFFFFBC00;
	[sflag:s24] =	ssyncadd.s32 $0xFFFFC000  }
.LBB2_6:
0xa4: {  	[spmem:s1] =	stream.indirect.scatter.add.s32 [tilespmem:s20], [sflag:$0x4], $0x80, s2, s19, $0xb8;
	[tilespmem:$0x1E800] =	vst v63  }
0xa5: {  	s2 =	smov.u32 s0  }
0xa6: {  	p0 =	sne.s32 s0, $0xFFFFFC00;
	s0 =	sadd.s32 $0x400, s0;
	_ =	swait.ge [sflag:s26], $0x4000  }
0xa7: {  	s2 =	sshra.s32 s2, $0x2;
	[sflag:s26] =	ssyncset.done $0x0  }
0xa8: {  	s6 =	sadd.s32 $0x1380, s2;
	[sflag:s26] =	ssyncadd.s32 $0xFFFFC000  }
0xa9: {  	[tilespmem:s20], [sflag:$0x2] =	stream.indirect.gather [hbm4b:s4+s19], $0x80, s6, s19, $0xb8;
	[tilespmem:$0x1E800] =	vst v63  }
0xaa: {  	_ =	swait.ge [sflag:s21], $0x4000  }
0xab: {  	[sflag:s21] =	ssyncset.done $0x0  }
0xac: {  	s6 =	sadd.s32 $0x2700, s2;
	[sflag:s21] =	ssyncadd.s32 $0xFFFFC000  }
0xad: {  	[spmem:s1] =	stream.indirect.scatter.add.s32 [tilespmem:s16], [sflag:$0x3], $0x80, s6, s19, $0xb8;
	[tilespmem:$0x1E800] =	vst v63  }
0xae: {  	_ =	swait.ge [sflag:s22], $0x4000  }
0xaf: {  	[sflag:s22] =	ssyncset.done $0x0  }
.Ltmp2:
0xb0: {  	s6 =	sadd.s32 $0x1400, s2;
	[sflag:s22] =	ssyncadd.s32 $0xFFFFC000;
	(pc) =	sbr.rel @p0 .LBB2_6-.Ltmp2, $4  }
0xb1: {  	[tilespmem:s16], [sflag:$0x1] =	stream.indirect.gather [hbm4b:s4+s19], $0x80, s6, s19, $0xb8;
	[tilespmem:$0x1E800] =	vst v63  }
0xb2: {  	_ =	swait.ge [sflag:s24], $0x4000  }
0xb3: {  	[sflag:s24] =	ssyncset.done $0x0  }
0xb4: {  	s2 =	sadd.s32 $0x2780, s2;
	[sflag:s24] =	ssyncadd.s32 $0xFFFFC000  }
0xb5: {  	[spmem:s1] =	stream.indirect.scatter.add.s32 [tilespmem:s20], [sflag:$0x4], $0x80, s2, s19, $0xb8;
	[tilespmem:$0x1E800] =	vst v63  }
0xb6: {  	_ =	swait.ge [sflag:s26], $0x4000  }
0xb7: {  	[sflag:s26] =	ssyncset.done $0x0  }
0xb8: {  	[sflag:s26] =	ssyncadd.s32 $0xFFFFC000  }
0xb9: {  	[tilespmem:s20], [sflag:$0x2] =	stream.indirect.gather [hbm4b:s4+s19], $0x80, s28, s19, $0xb8;
	[tilespmem:$0x1E800] =	vst v63  }
0xba: {  	_ =	swait.ge [sflag:s21], $0x4000  }
0xbb: {  	[sflag:s21] =	ssyncset.done $0x0  }
0xbc: {  	[sflag:s21] =	ssyncadd.s32 $0xFFFFC000  }
0xbd: {  	[spmem:s1] =	stream.indirect.scatter.add.s32 [tilespmem:s16], [sflag:$0x3], $0x80, s29, s19, $0xb8;
	[tilespmem:$0x1E800] =	vst v63  }
0xbe: {  	_ =	swait.ge [sflag:s24], $0x4000  }
0xbf: {  	[sflag:s24] =	ssyncset.done $0x0  }
0xc0: {  	[sflag:s24] =	ssyncadd.s32 $0xFFFFC000  }
0xc1: {  	[spmem:s1] =	stream.indirect.scatter.add.s32 [tilespmem:s20], [sflag:$0x4], $0x80, s30, s19, $0xb8;
	[tilespmem:$0x1E800] =	vst v63  }
0xc2: {  	_ =	swait.ge [sflag:s22], $0x4000  }
0xc3: {  	[sflag:s22] =	ssyncset.done $0x0  }
0xc4: {  	[sflag:s22] =	ssyncadd.s32 $0xFFFFC000  }
0xc5: {  	s0 =	stileid.u32;
	_ =	swait.ge [sflag:s26], $0x4000  }
0xc6: {  	s7 =	sshrl.u32 s5, $0x3;
	s31 =	sadd.s32 $0x1, s31;
	[sflag:s26] =	ssyncset.done $0x0  }
0xc7: {  	s0 =	sshll.u32 s0, $0x6;
	p0 =	sne.s32 s31, s15;
	[sflag:s26] =	ssyncadd.s32 $0xFFFFC000  }
.Ltmp3:
0xc8: {  	s0 =	sor.u32 $0x1C05, s0;
	[bflag:$0x0] =	sbarrier.arrive $0xFFFF;
	(pc) =	sbr.rel @p0 .LBB2_1-.Ltmp3, $4  }
0xc9: {  	[hbm:s14], [sflag:s0] =	dma.local [spmem:s7], $0x2800  }
0xca: {  	_ =	swait.ge [sflag:s17], $0x2800  }
0xcb: {  	[sflag:s17] =	ssyncset.done $0x0  }
0xcc: {  	[sflag:s17] =	ssyncadd.s32 $0xFFFFD800  }
0xcd: {  	_ =	sfence.sel $0x180000  }
0xce: {  	[bflag:$0x0] =	sbarrier.arrive $0xFFFF  }
0xcf: {  	_ =	strace $0x9000004A  }
0xd0: {  	s0 =	stileid.u32;
	[bflag:$0x2] =	sbarrier.arrive $0xFFFF  }
0xd1: {  	p0 =	sne.s32 s0, $0x0;
	s0 =	rddreg [dreg:$0x2]  }
0xd2: {  	s0 =	sadd.s32 @!p0 $0x100000, s0  }
0xd3: {  	[sflag:s0] =	ssyncadd.tile.s32 @!p0 $0x1;
	_ =	shalt  }
.Lfunc_end2:
_tile_overlayer_lowered:
.L_overlay_start_2:
0xd4: {  	(tag) =	ssettag $0x2  }
0xd5: {  	s0 =	rddreg [dreg:$0x0];
	s2 =	stileid.u32  }
0xd6: {  	s1 =	rddreg [dreg:$0x1];
	p0 =	sne.s32 s2, $0x0  }
0xd7: {  	s3 =	rddreg [dreg:$0x2];
	[bflag:$0x3] =	sbarrier.arrive $0xFFFF;
	s2 =	simm.s32 @!p0 $0x1C05  }
0xd8: {  	[timem:s3], [sflag:s2] =	dma.local @!p0 [hbm:s0], s1  }
0xd9: {  	s0 =	simm.s32 @!p0 $0x5  }
0xda: {  	_ =	swait.ge @!p0 [sflag:s0], s1  }
0xdb: {  	s1 =	ssub.s32 @!p0 $0x0, s1;
	[sflag:s0] =	ssyncset.done @!p0 $0x0  }
0xdc: {  	[sflag:s0] =	ssyncadd.s32 @!p0 s1  }
0xdd: {  	[bflag:$0x3] =	sbarrier.arrive $0xFFFF  }
0xde: {  	_ =	shalt  }

// kernel: kernel.19.cloned.1.call-start
scs
__scs_entry_jumppad:
0x0: {  	(pc) =	sbr.rel $0x88, $3  }
0x1: {  	(tag) =	ssettag $0x0;
	lr =	simm.s32 $0x1  }
0x2: {  	[smem:$0x3F95] =	sst lr;
	_ =	strace $0xD0000000  }
0x3: {  	_ = 	snop  }
0x4: {  	_ = 	snop  }
0x5: {  	_ = 	snop  }
0x6: {  	_ = 	snop  }
0x7: {  	_ = 	snop  }
__scs_overlays_trampoline_lowered:
0x8: {  	[smem:$0x3FA4] =	sst s0  }
0x9: {  	[smem:$0x3FA5] =	sst s1  }
0xa: {  	[smem:$0x3FA6] =	sst s2  }
0xb: {  	[smem:$0x3FA7] =	sst s3  }
0xc: {  	[smem:$0x3FA8] =	sst s4  }
0xd: {  	[smem:$0x3FA9] =	sst s5  }
0xe: {  	[smem:$0x3FAA] =	sst s6  }
0xf: {  	[smem:$0x3FAB] =	sst s7  }
0x10: {  	[smem:$0x3FAC] =	sst s8  }
0x11: {  	[smem:$0x3FAD] =	sst s9;
	s0 =	simm.s32 @!p0 $0x0  }
0x12: {  	s1 =	sld [smem:$0x3F93];
	s0 =	simm.s32 @p0 $0x1  }
0x13: {  	[smem:$0x3FAE] =	sst s0;
	s0 =	simm.s32 @!p1 $0x0  }
0x14: {  	s2 =	sld [smem:$0x3F92];
	s0 =	simm.s32 @p1 $0x1  }
0x15: {  	[smem:$0x3FAF] =	sst s0;
	s0 =	simm.s32 @!p2 $0x0  }
0x16: {  	s3 =	sld [smem:$0x3FDB];
	s0 =	simm.s32 @p2 $0x1  }
0x17: {  	s4 =	simm.s32 $0x1BF5;
	[smem:$0x3FB1] =	sst s0  }
0x18: {  	s0 =	sld [smem:$0x3F94];
	_ =	swait.ge [sflag:s4], $0x0  }
0x19: {  	s7 =	sld [smem:$0x3F95]  }
0x1a: {  	s8 =	sadd.s32 $0xFFFFE003, lr  }
0x1b: {  	s9 =	sadd.s32 $0xFFFFFEF7, lr;
	s5 =	simm.s32 $0xFFFFFFFF;
	p2 =	slt.u32 s8, $0xFFFFF086  }
0x1c: {  	p1 =	slt.u32 s9, $0xF7A;
	s5 =	simm.s32 @!p2 $0x0  }
0x1d: {  	s5 =	simm.s32 @p1 $0x1;
	p0 =	seq.s32 s7, s2  }
0x1e: {  	s7 =	smul.u32 @!p0 $0xF7A, s2;
	p2 =	seq.s32 @!p0 s5, $0x0  }
0x1f: {  	s9 =	smul.u32 $0xF7A, s1;
	s8 =	simm.s32 @!p0 $0x1BF5;
	p2 =	por !p2, p0  }
0x20: {  	[sflag:s8] =	ssyncset.s32 @!p0 $0xFFFFF086;
	s6 =	sadd.s32 @!p0 s3, s7;
	s7 =	simm.s32 @!p0 $0x108  }
0x21: {  	s3 =	sadd.s32 s3, s9;
	s6 =	sadd.s32 @!p0 $0x88, s6;
	s7 =	simm.s32 @p2 $0x1082  }
0x22: {  	[simem:s7], [sflag:s8] =	dma.local @!p0 [hbm:s6], $0xF7A  }
0x23: {  	s9 =	sor.u32 $0xD0000000, s2;
	s6 =	simm.s32 $0x108;
	_ =	swait.ge @!p0 [sflag:s8], $0x0  }
0x24: {  	s3 =	sadd.s32 $0x88, s3;
	s6 =	simm.s32 @!p1 $0x1082;
	[sflag:s4] =	ssyncset.s32 $0xFFFFF086  }
0x25: {  	[simem:s6], [sflag:s4] =	dma.local [hbm:s3], $0xF7A  }
0x26: {  	[smem:$0x3F95] =	sst s1;
	(tag) =	ssettag s2;
	_ =	strace s9  }
0x27: {  	s1 =	sld [smem:$0x3FA5]  }
0x28: {  	s2 =	sld [smem:$0x3FA6]  }
0x29: {  	s4 =	sld [smem:$0x3FA8]  }
0x2a: {  	p0 =	seq.s32 s5, $0x0;
	s5 =	sld [smem:$0x3FA9]  }
0x2b: {  	s6 =	sld [smem:$0x3FAA]  }
0x2c: {  	s7 =	sld [smem:$0x3FAB]  }
0x2d: {  	s3 =	simm.s32 $0x108;
	s8 =	sld [smem:$0x3FAC]  }
0x2e: {  	s3 =	simm.s32 @!p0 $0x1082;
	s9 =	sld [smem:$0x3FAD]  }
0x2f: {  	lr =	sadd.s32 s0, s3;
	s0 =	sld [smem:$0x3FA4]  }
0x30: {  	s3 =	sld [smem:$0x3FA7]  }
0x31: {  	[smem:$0x3FB0] =	sst s10  }
0x32: {  	s10 =	sld [smem:$0x3FAE];
	_ =	sdelay $0x3  }
0x33: {  	p0 =	seq.s32 s10, $0x1;
	s10 =	sld [smem:$0x3FB0];
	_ =	sdelay $0x3  }
0x34: {  	[smem:$0x3FB0] =	sst s10  }
0x35: {  	s10 =	sld [smem:$0x3FAF];
	_ =	sdelay $0x3  }
0x36: {  	p1 =	seq.s32 s10, $0x1;
	s10 =	sld [smem:$0x3FB0];
	_ =	sdelay $0x3  }
0x37: {  	[smem:$0x3FB0] =	sst s10  }
0x38: {  	s10 =	sld [smem:$0x3FB1]  }
0x39: {  	_ = 	snop;
	(pc) =	sbr.ind lr, $3  }
0x3a: {  	_ = 	snop  }
0x3b: {  	_ = 	snop  }
0x3c: {  	p2 =	seq.s32 s10, $0x1;
	s10 =	sld [smem:$0x3FB0]  }
0x3d: {  	_ =	shalt  }
0x3e: {  	_ =	shalt  }
0x3f: {  	_ =	shalt  }
0x40: {  	_ =	shalt  }
0x41: {  	_ =	shalt  }
0x42: {  	_ =	shalt  }
0x43: {  	_ =	shalt  }
0x44: {  	_ =	shalt  }
0x45: {  	_ =	shalt  }
0x46: {  	_ =	shalt  }
0x47: {  	_ =	shalt  }
0x48: {  	_ =	shalt  }
0x49: {  	_ =	shalt  }
0x4a: {  	_ =	shalt  }
0x4b: {  	_ =	shalt  }
0x4c: {  	_ =	shalt  }
0x4d: {  	_ =	shalt  }
0x4e: {  	_ =	shalt  }
0x4f: {  	_ =	shalt  }
0x50: {  	_ =	shalt  }
0x51: {  	_ =	shalt  }
0x52: {  	_ =	shalt  }
0x53: {  	_ =	shalt  }
0x54: {  	_ =	shalt  }
0x55: {  	_ =	shalt  }
0x56: {  	_ =	shalt  }
0x57: {  	_ =	shalt  }
0x58: {  	_ =	shalt  }
0x59: {  	_ =	shalt  }
0x5a: {  	_ =	shalt  }
0x5b: {  	_ =	shalt  }
0x5c: {  	_ =	shalt  }
0x5d: {  	_ =	shalt  }
0x5e: {  	_ =	shalt  }
0x5f: {  	_ =	shalt  }
0x60: {  	_ =	shalt  }
0x61: {  	_ =	shalt  }
0x62: {  	_ =	shalt  }
0x63: {  	_ =	shalt  }
0x64: {  	_ =	shalt  }
0x65: {  	_ =	shalt  }
0x66: {  	_ =	shalt  }
0x67: {  	_ =	shalt  }
0x68: {  	_ =	shalt  }
0x69: {  	_ =	shalt  }
0x6a: {  	_ =	shalt  }
0x6b: {  	_ =	shalt  }
0x6c: {  	_ =	shalt  }
0x6d: {  	_ =	shalt  }
0x6e: {  	_ =	shalt  }
0x6f: {  	_ =	shalt  }
0x70: {  	_ =	shalt  }
0x71: {  	_ =	shalt  }
0x72: {  	_ =	shalt  }
0x73: {  	_ =	shalt  }
0x74: {  	_ =	shalt  }
0x75: {  	_ =	shalt  }
0x76: {  	_ =	shalt  }
0x77: {  	_ =	shalt  }
0x78: {  	_ =	shalt  }
0x79: {  	_ =	shalt  }
0x7a: {  	_ =	shalt  }
0x7b: {  	_ =	shalt  }
0x7c: {  	_ =	shalt  }
0x7d: {  	_ =	shalt  }
0x7e: {  	_ =	shalt  }
0x7f: {  	_ =	shalt  }
0x80: {  	_ =	shalt  }
0x81: {  	_ =	shalt  }
0x82: {  	_ =	shalt  }
0x83: {  	_ =	shalt  }
0x84: {  	_ =	shalt  }
0x85: {  	_ =	shalt  }
0x86: {  	_ =	shalt  }
0x87: {  	_ =	shalt  }
.Lfunc_end0:
.L_simem_size_0:
called_computation.2_lowered:
.L_overlay_start_0:
0x88: {  	s2 =	sld [smem:$0x3FD9]  }
0x89: {  	s3 =	sld [smem:$0x3FFE];
	_ =	sdelay $0x1  }
0x8a: {  	s1 =	srdreg.scid  }
0x8b: {  	s0 =	sand.u32 $0x1, s1  }
0x8c: {  	s16 =	sshll.u32 s0, $0xA;
	s2 =	sadd.s32 s3, s2  }
0x8d: {  	s2 =	sadd.s32 s2, s16  }
0x8e: {  	[smem:$0x3FBC] =	sst s2  }
0x8f: {  	_ = 	snop  }
0x90: {  	(tm) =	ssettm $0x1  }
0x91: {  	s17 =	sld [smem:$0x3FFB];
	_ =	sdelay $0x3  }
0x92: {  	_ =	strace s17  }
0x93: {  	s2 =	sld [smem:$0x3FFC];
	_ =	sdelay $0x3  }
0x94: {  	_ =	strace s2  }
0x95: {  	s2 =	sld [smem:$0x3FFD];
	_ =	sdelay $0x3  }
0x96: {  	_ =	strace s2  }
0x97: {  	_ =	strace $0x8FFFFFFF  }
0x98: {  	s18 =	sld [smem:$0x3FDB];
	_ =	sdelay $0x1  }
0x99: {  	s19 =	simm.s32 $_scs_section_size  }
0x9a: {  	s4 =	simm.s32 $_size__tile_overlayer_lowered;
	s5 =	simm.s32 $_tile_overlayer_lowered  }
0x9b: {  	s22 =	simm.s32 $0x1BFF;
	s21 =	sshll.u32 s5, $0x1;
	s2 =	sadd.s32 s19, s18  }
0x9c: {  	s6 =	simm.s32 $0x0;
	s20 =	sshll.u32 s4, $0x1;
	s4 =	sadd.s32 s21, s2  }
0x9d: {  	[timem:s6], [sflag:s22] =	dma.local [hbm:s4], s20  }
0x9e: {  	_ =	swait.ge [sflag:s22], s20  }
0x9f: {  	s3 =	ssub.s32 $0x0, s20;
	[sflag:s22] =	ssyncset.done $0x0  }
0xa0: {  	[sflag:s22] =	ssyncadd.s32 s3;
	_ =	sdelay $0x1  }
0xa1: {  	s23 =	simm.s32 $0x1B8B  }
0xa2: {  	_ =	swait.ge [sflag:s23], $0x1  }
0xa3: {  	[sflag:s23] =	ssyncset.done $0x0  }
0xa4: {  	s25 =	simm.s32 $0x1B8E;
	s24 =	sld [smem:$0x3FFE];
	[sflag:s23] =	ssyncadd.s32 $0xFFFFFFFF  }
0xa5: {  	s26 =	simm.s32 $execute0_lowered;
	[smem:$0x3FD2] =	sst s25  }
0xa6: {  	s4 =	sshll.u32 s26, $0x1;
	_ =	strace $0x8000004C;
	[dreg:$0x1] =	wrdreg $0xFFFFFFFF  }
0xa7: {  	s28 =	simm.s32 $_size_execute0_lowered;
	s2 =	sadd.s32 s2, s4;
	[dreg:$0x0] =	wrdreg $0x0  }
0xa8: {  	s4 =	sshll.u32 s28, $0x1;
	[dreg:$0x2] =	wrdreg s2  }
0xa9: {  	[dreg:$0x3] =	wrdreg s4  }
0xaa: {  	[dreg:$0x4] =	wrdreg $0xC0  }
0xab: {  	_ =	task [dreg:s6], $0x5FFFF  }
0xac: {  	[dreg:$0x1] =	wrdreg $0xFFFFFFFF  }
0xad: {  	[dreg:$0x0] =	wrdreg $0x60  }
0xae: {  	[dreg:$0x2] =	wrdreg s24  }
0xaf: {  	[dreg:$0x3] =	wrdreg $0xA8000  }
0xb0: {  	[dreg:$0x4] =	wrdreg $0x9  }
0xb1: {  	_ =	task.clear_ibuf [dreg:s6], $0x5FFFF;
	_ =	strace $0x9000004C  }
0xb2: {  	s29 =	simm.s32 $0x9;
	_ =	strace $0x8000004E  }
0xb3: {  	_ =	swait.ge [sflag:s29], $0x1  }
0xb4: {  	[sflag:s29] =	ssyncadd.s32 $0xFFFFFFFF  }
0xb5: {  	_ =	strace $0x9000004E  }
0xb6: {  	_ =	sfence  }
0xb7: {  	s30 =	sld [smem:$0x0];
	_ =	sdelay $0x2  }
0xb8: {  	s31 =	sshll.u32 s1, $0xD;
	s1 =	sshrl.u32 s1, $0x2  }
0xb9: {  	s3 =	sand.u32 $0x4000, s31;
	s1 =	sadd.s32 s1, s30  }
0xba: {  	s0 =	sor.u32 s3, s0;
	s1 =	sshll.u32 s1, $0x11  }
0xbb: {  	s0 =	sor.u32 s1, s0  }
0xbc: {  	s0 =	sadd.s32 $0x8F2B, s0  }
0xbd: {  	[sflag:s0] =	ssyncadd.remote.s32 $0x1  }
0xbe: {  	_ =	sfence.sel $0xFFFF  }
0xbf: {  	[dreg:$0x0] =	wrdreg $0xFFFFFFFF;
	(pc) =	sbr.abs _section_cstart, $3  }
0xc0: {  	[dreg:$0x1] =	wrdreg $0xFFFFFFFF  }
0xc1: {  	_ =	task.clear_ibuf [dreg:s6], $0x2FFFF;
	_ =	strace $0x9FFFFFFF  }
0xc2: {  	(tm) =	ssettm $0x7FFFFFFF  }
0xc3: {  	_ =	shalt  }
tec
execute0_lowered:
.L_overlay_start_1:
0x0: {  	(tag) =	ssettag $0x1  }
0x1: {  	s0 =	rddreg [dreg:$0x0]  }
0x2: {  	s1 =	rddreg [dreg:$0x1];
	s3 =	simm.s32 $0x0  }
0x3: {  	s2 =	srdreg.scid;
	s9 =	stileid.u32;
	s16 =	simm.s32 $0x2800  }
0x4: {  	s17 =	simm.s32 $0x5;
	s18 =	simm.s32 $0x1400;
	s19 =	simm.s32 $0x80  }
0x5: {  	s20 =	simm.s32 $0x6800;
	s21 =	simm.s32 $0x1;
	s22 =	simm.s32 $0x3  }
0x6: {  	s28 =	simm.s32 $0x1380;
	s29 =	simm.s32 $0x2700;
	s30 =	simm.s32 $0x2780  }
0x7: {  	s31 =	simm.s32 $0x0;
	[smem:$0x7FF] =	sst s3;
	s6 =	smul.u32 $0x14000, s9  }
0x8: {  	s2 =	sand.u32 $0x1, s2;
	s4 =	sadd.s32 $0xB8800, s0;
	s7 =	smul.u32 $0x50000, s9  }
0x9: {  	s12 =	sadd.s32 $0xFC00, s0;
	s13 =	sadd.s32 $0x5C00, s0;
	s9 =	smul.u32 $0x500, s9  }
0xa: {  	s5 =	smul.u32 $0x140000, s2;
	_ =	strace $0x8000004D;
	s23 =	ssub.s32 $0x2, s2  }
0xb: {  	p0 =	seq.s32 s2, $0x0;
	s8 =	sshrl.u32 s23, $0x1;
	s24 =	sshrl.u32 s7, $0x2  }
0xc: {  	s2 =	sadd.s32 $0x5000, s9;
	s5 =	sadd.s32 s6, s5;
	s6 =	ssub.s32 s23, s8  }
0xd: {  	s2 =	smov.u32 @p0 s9;
	s23 =	simm.s32 $0x100;
	s5 =	sshrl.u32 s5, $0x3  }
0xe: {  	s14 =	sadd.s32 $0x280, s2;
	s10 =	sadd.s32 s12, s2;
	s11 =	sadd.s32 s13, s2  }
0xf: {  	s15 =	smax.u32 s6, $0x1;
	s0 =	sadd.s32 s5, s0;
	s5 =	sadd.s32 s24, s1  }
0x10: {  	s12 =	sadd.s32 s12, s14;
	s13 =	sadd.s32 s13, s14;
	s24 =	simm.s32 $0x2  }
0x11: {  	s25 =	sadd.s32 $0x4000, s5;
	s26 =	sadd.s32 $0x8000, s5;
	s8 =	sadd.s32 $0xC000, s5  }
0x12: {  	s9 =	sadd.s32 $0x10000, s5;
	s14 =	sadd.s32 $0xDFA00, s0;
	[dreg:$0x3] =	wrdreg s25  }
0x13: {  	v0 =	vimm.s32 $0x0;
	[dreg:$0x4] =	wrdreg s26;
	s25 =	simm.s32 $0x1480;
	s26 =	simm.s32 $0x4  }
.LBB2_1:
0x14: {  	s0 =	sand.u32 $0xFE00, s3  }
0x15: {  	s2 =	sand.u32 $0x70, s3;
	s6 =	sshrl.u32 s0, $0x2  }
0x16: {  	s0 =	simm.s32 $0x40;
	s6 =	sor.u32 s2, s6;
	s2 =	simm.s32 $0x0  }
.LBB2_2:
0x17: {  	p0 =	sne.s32 s0, $0xFFC0  }
0x18: {  	[tilespmem:s6+$0x2800] =	vst v0;
	s2 =	sadd.s32 $0x10, s2;
	s6 =	smov.u32 s0;
	s0 =	sadd.s32 $0x40, s0  }
.Ltmp0:
0x19: {  	(pc) =	sbr.rel @p0 .LBB2_2-.Ltmp0, $4  }
0x1a: {  	_ = 	snop  }
0x1b: {  	s6 =	sand.u32 $0xFE00, s6  }
0x1c: {  	s7 =	sand.u32 $0x70, s2;
	s6 =	sshrl.u32 s6, $0x2  }
0x1d: {  	s6 =	sor.u32 s7, s6  }
0x1e: {  	[tilespmem:s6+$0x2800] =	vst v0  }
0x1f: {  	[spmem:s5] =	stream.linear.scatter [tilespmem:s16], [sflag:$0x5], $0x4000, $0x38;
	[tilespmem:$0x1E800] =	vst v63  }
0x20: {  	_ =	swait.ge [sflag:s17], $0x4000  }
0x21: {  	[sflag:s17] =	ssyncset.done $0x0  }
0x22: {  	s0 =	rddreg [dreg:$0x3];
	[sflag:s17] =	ssyncadd.s32 $0xFFFFC000  }
0x23: {  	[spmem:s0] =	stream.linear.scatter [tilespmem:s16], [sflag:$0x5], $0x4000, $0x38;
	[tilespmem:$0x1E800] =	vst v63  }
0x24: {  	_ =	swait.ge [sflag:s17], $0x4000  }
0x25: {  	[sflag:s17] =	ssyncset.done $0x0  }
0x26: {  	s7 =	rddreg [dreg:$0x4];
	[sflag:s17] =	ssyncadd.s32 $0xFFFFC000  }
0x27: {  	[spmem:s7] =	stream.linear.scatter [tilespmem:s16], [sflag:$0x5], $0x4000, $0x38;
	[tilespmem:$0x1E800] =	vst v63  }
0x28: {  	_ =	swait.ge [sflag:s17], $0x4000  }
0x29: {  	[sflag:s17] =	ssyncset.done $0x0  }
0x2a: {  	[sflag:s17] =	ssyncadd.s32 $0xFFFFC000  }
0x2b: {  	[spmem:s8] =	stream.linear.scatter [tilespmem:s16], [sflag:$0x5], $0x4000, $0x38;
	[tilespmem:$0x1E800] =	vst v63  }
0x2c: {  	_ =	swait.ge [sflag:s17], $0x4000  }
0x2d: {  	[sflag:s17] =	ssyncset.done $0x0  }
0x2e: {  	[sflag:s17] =	ssyncadd.s32 $0xFFFFC000  }
0x2f: {  	[spmem:s9] =	stream.linear.scatter [tilespmem:s16], [sflag:$0x5], $0x4000, $0x38;
	[tilespmem:$0x1E800] =	vst v63  }
0x30: {  	_ =	swait.ge [sflag:s17], $0x4000  }
0x31: {  	[sflag:s17] =	ssyncset.done $0x0  }
0x32: {  	[sflag:s17] =	ssyncadd.s32 $0xFFFFC000  }
0x33: {  	[bflag:$0x0] =	sbarrier.arrive $0xFFFF  }
0x34: {  	[tilespmem:s3], [sflag:$0x5] =	stream.linear.gather [hbm4b:s10+s3], $0x1400, $0x38;
	[tilespmem:$0x1E800] =	vst v63  }
0x35: {  	_ =	swait.ge [sflag:s17], $0x1400  }
0x36: {  	[sflag:s17] =	ssyncset.done $0x0  }
0x37: {  	[sflag:s17] =	ssyncadd.s32 $0xFFFFEC00  }
0x38: {  	[tilespmem:s18], [sflag:$0x5] =	stream.linear.gather [hbm4b:s11+s3], $0x1400, $0x38;
	[tilespmem:$0x1E800] =	vst v63  }
0x39: {  	_ =	swait.ge [sflag:s17], $0x1400  }
0x3a: {  	[sflag:s17] =	ssyncset.done $0x0  }
0x3b: {  	[sflag:s17] =	ssyncadd.s32 $0xFFFFEC00  }
0x3c: {  	[tilespmem:s16], [sflag:$0x1] =	stream.indirect.gather [hbm4b:s4+s19], $0x80, s3, s19, $0xb8;
	[tilespmem:$0x1E800] =	vst v63  }
0x3d: {  	_ = 	snop  }
0x3e: {  	[tilespmem:s20], [sflag:$0x2] =	stream.indirect.gather [hbm4b:s4+s19], $0x80, s19, s19, $0xb8;
	[tilespmem:$0x1E800] =	vst v63  }
0x3f: {  	_ =	swait.ge [sflag:s21], $0x4000  }
0x40: {  	[sflag:s21] =	ssyncset.done $0x0  }
0x41: {  	[sflag:s21] =	ssyncadd.s32 $0xFFFFC000  }
0x42: {  	[spmem:s1] =	stream.indirect.scatter.add.s32 [tilespmem:s16], [sflag:$0x3], $0x80, s18, s19, $0xb8;
	[tilespmem:$0x1E800] =	vst v63  }
0x43: {  	_ =	swait.ge [sflag:s22], $0x4000  }
0x44: {  	[sflag:s22] =	ssyncset.done $0x0  }
0x45: {  	[sflag:s22] =	ssyncadd.s32 $0xFFFFC000  }
0x46: {  	[tilespmem:s16], [sflag:$0x1] =	stream.indirect.gather [hbm4b:s4+s19], $0x80, s23, s19, $0xb8;
	[tilespmem:$0x1E800] =	vst v63  }
0x47: {  	_ =	swait.ge [sflag:s24], $0x4000  }
0x48: {  	[sflag:s24] =	ssyncset.done $0x0  }
0x49: {  	[sflag:s24] =	ssyncadd.s32 $0xFFFFC000  }
0x4a: {  	[spmem:s1] =	stream.indirect.scatter.add.s32 [tilespmem:s20], [sflag:$0x4], $0x80, s25, s19, $0xb8;
	[tilespmem:$0x1E800] =	vst v63  }
0x4b: {  	_ =	swait.ge [sflag:s26], $0x4000  }
0x4c: {  	[sflag:s26] =	ssyncset.done $0x0  }
0x4d: {  	s2 =	simm.s32 $0x180;
	[sflag:s26] =	ssyncadd.s32 $0xFFFFC000  }
0x4e: {  	[tilespmem:s20], [sflag:$0x2] =	stream.indirect.gather [hbm4b:s4+s19], $0x80, s2, s19, $0xb8;
	[tilespmem:$0x1E800] =	vst v63  }
0x4f: {  	_ =	swait.ge [sflag:s21], $0x4000  }
0x50: {  	[sflag:s21] =	ssyncset.done $0x0  }
0x51: {  	s6 =	simm.s32 $0x1500;
	[sflag:s21] =	ssyncadd.s32 $0xFFFFC000  }
0x52: {  	[spmem:s1] =	stream.indirect.scatter.add.s32 [tilespmem:s16], [sflag:$0x3], $0x80, s6, s19, $0xb8;
	[tilespmem:$0x1E800] =	vst v63  }
0x53: {  	_ =	swait.ge [sflag:s22], $0x4000  }
0x54: {  	[sflag:s22] =	ssyncset.done $0x0  }
0x55: {  	s7 =	simm.s32 $0x200;
	[sflag:s22] =	ssyncadd.s32 $0xFFFFC000  }
0x56: {  	[tilespmem:s16], [sflag:$0x1] =	stream.indirect.gather [hbm4b:s4+s19], $0x80, s7, s19, $0xb8;
	[tilespmem:$0x1E800] =	vst v63  }
0x57: {  	_ =	swait.ge [sflag:s24], $0x4000  }
0x58: {  	[sflag:s24] =	ssyncset.done $0x0  }
0x59: {  	s0 =	simm.s32 $0xFFFFBC00;
	s2 =	simm.s32 $0x1580;
	[sflag:s24] =	ssyncadd.s32 $0xFFFFC000  }
.LBB2_4:
0x5a: {  	[spmem:s1] =	stream.indirect.scatter.add.s32 [tilespmem:s20], [sflag:$0x4], $0x80, s2, s19, $0xb8;
	[tilespmem:$0x1E800] =	vst v63  }
0x5b: {  	s2 =	smov.u32 s0  }
0x5c: {  	p0 =	sne.s32 s0, $0xFFFFFC00;
	s0 =	sadd.s32 $0x400, s0;
	_ =	swait.ge [sflag:s26], $0x4000  }
0x5d: {  	s2 =	sshra.s32 s2, $0x2;
	[sflag:s26] =	ssyncset.done $0x0  }
0x5e: {  	s6 =	sadd.s32 $0x1380, s2;
	[sflag:s26] =	ssyncadd.s32 $0xFFFFC000  }
0x5f: {  	[tilespmem:s20], [sflag:$0x2] =	stream.indirect.gather [hbm4b:s4+s19], $0x80, s6, s19, $0xb8;
	[tilespmem:$0x1E800] =	vst v63  }
0x60: {  	_ =	swait.ge [sflag:s21], $0x4000  }
0x61: {  	[sflag:s21] =	ssyncset.done $0x0  }
0x62: {  	s6 =	sadd.s32 $0x2700, s2;
	[sflag:s21] =	ssyncadd.s32 $0xFFFFC000  }
0x63: {  	[spmem:s1] =	stream.indirect.scatter.add.s32 [tilespmem:s16], [sflag:$0x3], $0x80, s6, s19, $0xb8;
	[tilespmem:$0x1E800] =	vst v63  }
0x64: {  	_ =	swait.ge [sflag:s22], $0x4000  }
0x65: {  	[sflag:s22] =	ssyncset.done $0x0  }
.Ltmp1:
0x66: {  	s6 =	sadd.s32 $0x1400, s2;
	[sflag:s22] =	ssyncadd.s32 $0xFFFFC000;
	(pc) =	sbr.rel @p0 .LBB2_4-.Ltmp1, $4  }
0x67: {  	[tilespmem:s16], [sflag:$0x1] =	stream.indirect.gather [hbm4b:s4+s19], $0x80, s6, s19, $0xb8;
	[tilespmem:$0x1E800] =	vst v63  }
0x68: {  	_ =	swait.ge [sflag:s24], $0x4000  }
0x69: {  	[sflag:s24] =	ssyncset.done $0x0  }
0x6a: {  	s2 =	sadd.s32 $0x2780, s2;
	[sflag:s24] =	ssyncadd.s32 $0xFFFFC000  }
0x6b: {  	[spmem:s1] =	stream.indirect.scatter.add.s32 [tilespmem:s20], [sflag:$0x4], $0x80, s2, s19, $0xb8;
	[tilespmem:$0x1E800] =	vst v63  }
0x6c: {  	_ =	swait.ge [sflag:s26], $0x4000  }
0x6d: {  	[sflag:s26] =	ssyncset.done $0x0  }
0x6e: {  	[sflag:s26] =	ssyncadd.s32 $0xFFFFC000  }
0x6f: {  	[tilespmem:s20], [sflag:$0x2] =	stream.indirect.gather [hbm4b:s4+s19], $0x80, s28, s19, $0xb8;
	[tilespmem:$0x1E800] =	vst v63  }
0x70: {  	_ =	swait.ge [sflag:s21], $0x4000  }
0x71: {  	[sflag:s21] =	ssyncset.done $0x0  }
0x72: {  	[sflag:s21] =	ssyncadd.s32 $0xFFFFC000  }
0x73: {  	[spmem:s1] =	stream.indirect.scatter.add.s32 [tilespmem:s16], [sflag:$0x3], $0x80, s29, s19, $0xb8;
	[tilespmem:$0x1E800] =	vst v63  }
0x74: {  	_ =	swait.ge [sflag:s24], $0x4000  }
0x75: {  	[sflag:s24] =	ssyncset.done $0x0  }
0x76: {  	[sflag:s24] =	ssyncadd.s32 $0xFFFFC000  }
0x77: {  	[spmem:s1] =	stream.indirect.scatter.add.s32 [tilespmem:s20], [sflag:$0x4], $0x80, s30, s19, $0xb8;
	[tilespmem:$0x1E800] =	vst v63  }
0x78: {  	_ =	swait.ge [sflag:s22], $0x4000  }
0x79: {  	[sflag:s22] =	ssyncset.done $0x0  }
0x7a: {  	[sflag:s22] =	ssyncadd.s32 $0xFFFFC000  }
0x7b: {  	_ =	swait.ge [sflag:s26], $0x4000  }
0x7c: {  	[sflag:s26] =	ssyncset.done $0x0  }
0x7d: {  	[sflag:s26] =	ssyncadd.s32 $0xFFFFC000  }
0x7e: {  	[tilespmem:s3], [sflag:$0x5] =	stream.linear.gather [hbm4b:s12+s3], $0x1400, $0x38;
	[tilespmem:$0x1E800] =	vst v63  }
0x7f: {  	_ =	swait.ge [sflag:s17], $0x1400  }
0x80: {  	[sflag:s17] =	ssyncset.done $0x0  }
0x81: {  	[sflag:s17] =	ssyncadd.s32 $0xFFFFEC00  }
0x82: {  	[tilespmem:s18], [sflag:$0x5] =	stream.linear.gather [hbm4b:s13+s3], $0x1400, $0x38;
	[tilespmem:$0x1E800] =	vst v63  }
0x83: {  	_ =	swait.ge [sflag:s17], $0x1400  }
0x84: {  	[sflag:s17] =	ssyncset.done $0x0  }
0x85: {  	[sflag:s17] =	ssyncadd.s32 $0xFFFFEC00  }
0x86: {  	[tilespmem:s16], [sflag:$0x1] =	stream.indirect.gather [hbm4b:s4+s19], $0x80, s3, s19, $0xb8;
	[tilespmem:$0x1E800] =	vst v63  }
0x87: {  	_ = 	snop  }
0x88: {  	[tilespmem:s20], [sflag:$0x2] =	stream.indirect.gather [hbm4b:s4+s19], $0x80, s19, s19, $0xb8;
	[tilespmem:$0x1E800] =	vst v63  }
0x89: {  	_ =	swait.ge [sflag:s21], $0x4000  }
0x8a: {  	[sflag:s21] =	ssyncset.done $0x0  }
0x8b: {  	[sflag:s21] =	ssyncadd.s32 $0xFFFFC000  }
0x8c: {  	[spmem:s1] =	stream.indirect.scatter.add.s32 [tilespmem:s16], [sflag:$0x3], $0x80, s18, s19, $0xb8;
	[tilespmem:$0x1E800] =	vst v63  }
0x8d: {  	_ =	swait.ge [sflag:s22], $0x4000  }
0x8e: {  	[sflag:s22] =	ssyncset.done $0x0  }
0x8f: {  	[sflag:s22] =	ssyncadd.s32 $0xFFFFC000  }
0x90: {  	[tilespmem:s16], [sflag:$0x1] =	stream.indirect.gather [hbm4b:s4+s19], $0x80, s23, s19, $0xb8;
	[tilespmem:$0x1E800] =	vst v63  }
0x91: {  	_ =	swait.ge [sflag:s24], $0x4000  }
0x92: {  	[sflag:s24] =	ssyncset.done $0x0  }
0x93: {  	[sflag:s24] =	ssyncadd.s32 $0xFFFFC000  }
0x94: {  	[spmem:s1] =	stream.indirect.scatter.add.s32 [tilespmem:s20], [sflag:$0x4], $0x80, s25, s19, $0xb8;
	[tilespmem:$0x1E800] =	vst v63  }
0x95: {  	_ =	swait.ge [sflag:s26], $0x4000  }
0x96: {  	[sflag:s26] =	ssyncset.done $0x0  }
0x97: {  	s0 =	simm.s32 $0x180;
	[sflag:s26] =	ssyncadd.s32 $0xFFFFC000  }
0x98: {  	[tilespmem:s20], [sflag:$0x2] =	stream.indirect.gather [hbm4b:s4+s19], $0x80, s0, s19, $0xb8;
	[tilespmem:$0x1E800] =	vst v63  }
0x99: {  	_ =	swait.ge [sflag:s21], $0x4000  }
0x9a: {  	[sflag:s21] =	ssyncset.done $0x0  }
0x9b: {  	s6 =	simm.s32 $0x1500;
	[sflag:s21] =	ssyncadd.s32 $0xFFFFC000  }
0x9c: {  	[spmem:s1] =	stream.indirect.scatter.add.s32 [tilespmem:s16], [sflag:$0x3], $0x80, s6, s19, $0xb8;
	[tilespmem:$0x1E800] =	vst v63  }
0x9d: {  	_ =	swait.ge [sflag:s22], $0x4000  }
0x9e: {  	[sflag:s22] =	ssyncset.done $0x0  }
0x9f: {  	s7 =	simm.s32 $0x200;
	[sflag:s22] =	ssyncadd.s32 $0xFFFFC000  }
0xa0: {  	[tilespmem:s16], [sflag:$0x1] =	stream.indirect.gather [hbm4b:s4+s19], $0x80, s7, s19, $0xb8;
	[tilespmem:$0x1E800] =	vst v63  }
0xa1: {  	_ =	swait.ge [sflag:s24], $0x4000  }
0xa2: {  	[sflag:s24] =	ssyncset.done $0x0  }
0xa3: {  	s2 =	simm.s32 $0x1580;
	s0 =	simm.s32 $0xFFFFBC00;
	[sflag:s24] =	ssyncadd.s32 $0xFFFFC000  }
.LBB2_6:
0xa4: {  	[spmem:s1] =	stream.indirect.scatter.add.s32 [tilespmem:s20], [sflag:$0x4], $0x80, s2, s19, $0xb8;
	[tilespmem:$0x1E800] =	vst v63  }
0xa5: {  	s2 =	smov.u32 s0  }
0xa6: {  	p0 =	sne.s32 s0, $0xFFFFFC00;
	s0 =	sadd.s32 $0x400, s0;
	_ =	swait.ge [sflag:s26], $0x4000  }
0xa7: {  	s2 =	sshra.s32 s2, $0x2;
	[sflag:s26] =	ssyncset.done $0x0  }
0xa8: {  	s6 =	sadd.s32 $0x1380, s2;
	[sflag:s26] =	ssyncadd.s32 $0xFFFFC000  }
0xa9: {  	[tilespmem:s20], [sflag:$0x2] =	stream.indirect.gather [hbm4b:s4+s19], $0x80, s6, s19, $0xb8;
	[tilespmem:$0x1E800] =	vst v63  }
0xaa: {  	_ =	swait.ge [sflag:s21], $0x4000  }
0xab: {  	[sflag:s21] =	ssyncset.done $0x0  }
0xac: {  	s6 =	sadd.s32 $0x2700, s2;
	[sflag:s21] =	ssyncadd.s32 $0xFFFFC000  }
0xad: {  	[spmem:s1] =	stream.indirect.scatter.add.s32 [tilespmem:s16], [sflag:$0x3], $0x80, s6, s19, $0xb8;
	[tilespmem:$0x1E800] =	vst v63  }
0xae: {  	_ =	swait.ge [sflag:s22], $0x4000  }
0xaf: {  	[sflag:s22] =	ssyncset.done $0x0  }
.Ltmp2:
0xb0: {  	s6 =	sadd.s32 $0x1400, s2;
	[sflag:s22] =	ssyncadd.s32 $0xFFFFC000;
	(pc) =	sbr.rel @p0 .LBB2_6-.Ltmp2, $4  }
0xb1: {  	[tilespmem:s16], [sflag:$0x1] =	stream.indirect.gather [hbm4b:s4+s19], $0x80, s6, s19, $0xb8;
	[tilespmem:$0x1E800] =	vst v63  }
0xb2: {  	_ =	swait.ge [sflag:s24], $0x4000  }
0xb3: {  	[sflag:s24] =	ssyncset.done $0x0  }
0xb4: {  	s2 =	sadd.s32 $0x2780, s2;
	[sflag:s24] =	ssyncadd.s32 $0xFFFFC000  }
0xb5: {  	[spmem:s1] =	stream.indirect.scatter.add.s32 [tilespmem:s20], [sflag:$0x4], $0x80, s2, s19, $0xb8;
	[tilespmem:$0x1E800] =	vst v63  }
0xb6: {  	_ =	swait.ge [sflag:s26], $0x4000  }
0xb7: {  	[sflag:s26] =	ssyncset.done $0x0  }
0xb8: {  	[sflag:s26] =	ssyncadd.s32 $0xFFFFC000  }
0xb9: {  	[tilespmem:s20], [sflag:$0x2] =	stream.indirect.gather [hbm4b:s4+s19], $0x80, s28, s19, $0xb8;
	[tilespmem:$0x1E800] =	vst v63  }
0xba: {  	_ =	swait.ge [sflag:s21], $0x4000  }
0xbb: {  	[sflag:s21] =	ssyncset.done $0x0  }
0xbc: {  	[sflag:s21] =	ssyncadd.s32 $0xFFFFC000  }
0xbd: {  	[spmem:s1] =	stream.indirect.scatter.add.s32 [tilespmem:s16], [sflag:$0x3], $0x80, s29, s19, $0xb8;
	[tilespmem:$0x1E800] =	vst v63  }
0xbe: {  	_ =	swait.ge [sflag:s24], $0x4000  }
0xbf: {  	[sflag:s24] =	ssyncset.done $0x0  }
0xc0: {  	[sflag:s24] =	ssyncadd.s32 $0xFFFFC000  }
0xc1: {  	[spmem:s1] =	stream.indirect.scatter.add.s32 [tilespmem:s20], [sflag:$0x4], $0x80, s30, s19, $0xb8;
	[tilespmem:$0x1E800] =	vst v63  }
0xc2: {  	_ =	swait.ge [sflag:s22], $0x4000  }
0xc3: {  	[sflag:s22] =	ssyncset.done $0x0  }
0xc4: {  	[sflag:s22] =	ssyncadd.s32 $0xFFFFC000  }
0xc5: {  	s0 =	stileid.u32;
	_ =	swait.ge [sflag:s26], $0x4000  }
0xc6: {  	s7 =	sshrl.u32 s5, $0x3;
	s31 =	sadd.s32 $0x1, s31;
	[sflag:s26] =	ssyncset.done $0x0  }
0xc7: {  	s0 =	sshll.u32 s0, $0x6;
	p0 =	sne.s32 s31, s15;
	[sflag:s26] =	ssyncadd.s32 $0xFFFFC000  }
.Ltmp3:
0xc8: {  	s0 =	sor.u32 $0x1C05, s0;
	[bflag:$0x0] =	sbarrier.arrive $0xFFFF;
	(pc) =	sbr.rel @p0 .LBB2_1-.Ltmp3, $4  }
0xc9: {  	[hbm:s14], [sflag:s0] =	dma.local [spmem:s7], $0x2800  }
0xca: {  	_ =	swait.ge [sflag:s17], $0x2800  }
0xcb: {  	[sflag:s17] =	ssyncset.done $0x0  }
0xcc: {  	[sflag:s17] =	ssyncadd.s32 $0xFFFFD800  }
0xcd: {  	_ =	sfence.sel $0x180000  }
0xce: {  	[bflag:$0x0] =	sbarrier.arrive $0xFFFF  }
0xcf: {  	_ =	strace $0x9000004D  }
0xd0: {  	s0 =	stileid.u32;
	[bflag:$0x2] =	sbarrier.arrive $0xFFFF  }
0xd1: {  	p0 =	sne.s32 s0, $0x0;
	s0 =	rddreg [dreg:$0x2]  }
0xd2: {  	s0 =	sadd.s32 @!p0 $0x100000, s0  }
0xd3: {  	[sflag:s0] =	ssyncadd.tile.s32 @!p0 $0x1;
	_ =	shalt  }
.Lfunc_end2:
_tile_overlayer_lowered:
.L_overlay_start_2:
0xd4: {  	(tag) =	ssettag $0x2  }
0xd5: {  	s0 =	rddreg [dreg:$0x0];
	s2 =	stileid.u32  }
0xd6: {  	s1 =	rddreg [dreg:$0x1];
	p0 =	sne.s32 s2, $0x0  }
0xd7: {  	s3 =	rddreg [dreg:$0x2];
	[bflag:$0x3] =	sbarrier.arrive $0xFFFF;
	s2 =	simm.s32 @!p0 $0x1C05  }
0xd8: {  	[timem:s3], [sflag:s2] =	dma.local @!p0 [hbm:s0], s1  }
0xd9: {  	s0 =	simm.s32 @!p0 $0x5  }
0xda: {  	_ =	swait.ge @!p0 [sflag:s0], s1  }
0xdb: {  	s1 =	ssub.s32 @!p0 $0x0, s1;
	[sflag:s0] =	ssyncset.done @!p0 $0x0  }
0xdc: {  	[sflag:s0] =	ssyncadd.s32 @!p0 s1  }
0xdd: {  	[bflag:$0x3] =	sbarrier.arrive $0xFFFF  }
0xde: {  	_ =	shalt  }

// kernel: kernel.22.cloned.1.call-start
scs
__scs_entry_jumppad:
0x0: {  	(pc) =	sbr.rel $0x88, $3  }
0x1: {  	(tag) =	ssettag $0x0;
	lr =	simm.s32 $0x1  }
0x2: {  	[smem:$0x3F95] =	sst lr;
	_ =	strace $0xD0000000  }
0x3: {  	_ = 	snop  }
0x4: {  	_ = 	snop  }
0x5: {  	_ = 	snop  }
0x6: {  	_ = 	snop  }
0x7: {  	_ = 	snop  }
__scs_overlays_trampoline_lowered:
0x8: {  	[smem:$0x3FA4] =	sst s0  }
0x9: {  	[smem:$0x3FA5] =	sst s1  }
0xa: {  	[smem:$0x3FA6] =	sst s2  }
0xb: {  	[smem:$0x3FA7] =	sst s3  }
0xc: {  	[smem:$0x3FA8] =	sst s4  }
0xd: {  	[smem:$0x3FA9] =	sst s5  }
0xe: {  	[smem:$0x3FAA] =	sst s6  }
0xf: {  	[smem:$0x3FAB] =	sst s7  }
0x10: {  	[smem:$0x3FAC] =	sst s8  }
0x11: {  	[smem:$0x3FAD] =	sst s9;
	s0 =	simm.s32 @!p0 $0x0  }
0x12: {  	s1 =	sld [smem:$0x3F93];
	s0 =	simm.s32 @p0 $0x1  }
0x13: {  	[smem:$0x3FAE] =	sst s0;
	s0 =	simm.s32 @!p1 $0x0  }
0x14: {  	s2 =	sld [smem:$0x3F92];
	s0 =	simm.s32 @p1 $0x1  }
0x15: {  	[smem:$0x3FAF] =	sst s0;
	s0 =	simm.s32 @!p2 $0x0  }
0x16: {  	s3 =	sld [smem:$0x3FDB];
	s0 =	simm.s32 @p2 $0x1  }
0x17: {  	s4 =	simm.s32 $0x1BF5;
	[smem:$0x3FB1] =	sst s0  }
0x18: {  	s0 =	sld [smem:$0x3F94];
	_ =	swait.ge [sflag:s4], $0x0  }
0x19: {  	s7 =	sld [smem:$0x3F95]  }
0x1a: {  	s8 =	sadd.s32 $0xFFFFE003, lr  }
0x1b: {  	s9 =	sadd.s32 $0xFFFFFEF7, lr;
	s5 =	simm.s32 $0xFFFFFFFF;
	p2 =	slt.u32 s8, $0xFFFFF086  }
0x1c: {  	p1 =	slt.u32 s9, $0xF7A;
	s5 =	simm.s32 @!p2 $0x0  }
0x1d: {  	s5 =	simm.s32 @p1 $0x1;
	p0 =	seq.s32 s7, s2  }
0x1e: {  	s7 =	smul.u32 @!p0 $0xF7A, s2;
	p2 =	seq.s32 @!p0 s5, $0x0  }
0x1f: {  	s9 =	smul.u32 $0xF7A, s1;
	s8 =	simm.s32 @!p0 $0x1BF5;
	p2 =	por !p2, p0  }
0x20: {  	[sflag:s8] =	ssyncset.s32 @!p0 $0xFFFFF086;
	s6 =	sadd.s32 @!p0 s3, s7;
	s7 =	simm.s32 @!p0 $0x108  }
0x21: {  	s3 =	sadd.s32 s3, s9;
	s6 =	sadd.s32 @!p0 $0x88, s6;
	s7 =	simm.s32 @p2 $0x1082  }
0x22: {  	[simem:s7], [sflag:s8] =	dma.local @!p0 [hbm:s6], $0xF7A  }
0x23: {  	s9 =	sor.u32 $0xD0000000, s2;
	s6 =	simm.s32 $0x108;
	_ =	swait.ge @!p0 [sflag:s8], $0x0  }
0x24: {  	s3 =	sadd.s32 $0x88, s3;
	s6 =	simm.s32 @!p1 $0x1082;
	[sflag:s4] =	ssyncset.s32 $0xFFFFF086  }
0x25: {  	[simem:s6], [sflag:s4] =	dma.local [hbm:s3], $0xF7A  }
0x26: {  	[smem:$0x3F95] =	sst s1;
	(tag) =	ssettag s2;
	_ =	strace s9  }
0x27: {  	s1 =	sld [smem:$0x3FA5]  }
0x28: {  	s2 =	sld [smem:$0x3FA6]  }
0x29: {  	s4 =	sld [smem:$0x3FA8]  }
0x2a: {  	p0 =	seq.s32 s5, $0x0;
	s5 =	sld [smem:$0x3FA9]  }
0x2b: {  	s6 =	sld [smem:$0x3FAA]  }
0x2c: {  	s7 =	sld [smem:$0x3FAB]  }
0x2d: {  	s3 =	simm.s32 $0x108;
	s8 =	sld [smem:$0x3FAC]  }
0x2e: {  	s3 =	simm.s32 @!p0 $0x1082;
	s9 =	sld [smem:$0x3FAD]  }
0x2f: {  	lr =	sadd.s32 s0, s3;
	s0 =	sld [smem:$0x3FA4]  }
0x30: {  	s3 =	sld [smem:$0x3FA7]  }
0x31: {  	[smem:$0x3FB0] =	sst s10  }
0x32: {  	s10 =	sld [smem:$0x3FAE];
	_ =	sdelay $0x3  }
0x33: {  	p0 =	seq.s32 s10, $0x1;
	s10 =	sld [smem:$0x3FB0];
	_ =	sdelay $0x3  }
0x34: {  	[smem:$0x3FB0] =	sst s10  }
0x35: {  	s10 =	sld [smem:$0x3FAF];
	_ =	sdelay $0x3  }
0x36: {  	p1 =	seq.s32 s10, $0x1;
	s10 =	sld [smem:$0x3FB0];
	_ =	sdelay $0x3  }
0x37: {  	[smem:$0x3FB0] =	sst s10  }
0x38: {  	s10 =	sld [smem:$0x3FB1]  }
0x39: {  	_ = 	snop;
	(pc) =	sbr.ind lr, $3  }
0x3a: {  	_ = 	snop  }
0x3b: {  	_ = 	snop  }
0x3c: {  	p2 =	seq.s32 s10, $0x1;
	s10 =	sld [smem:$0x3FB0]  }
0x3d: {  	_ =	shalt  }
0x3e: {  	_ =	shalt  }
0x3f: {  	_ =	shalt  }
0x40: {  	_ =	shalt  }
0x41: {  	_ =	shalt  }
0x42: {  	_ =	shalt  }
0x43: {  	_ =	shalt  }
0x44: {  	_ =	shalt  }
0x45: {  	_ =	shalt  }
0x46: {  	_ =	shalt  }
0x47: {  	_ =	shalt  }
0x48: {  	_ =	shalt  }
0x49: {  	_ =	shalt  }
0x4a: {  	_ =	shalt  }
0x4b: {  	_ =	shalt  }
0x4c: {  	_ =	shalt  }
0x4d: {  	_ =	shalt  }
0x4e: {  	_ =	shalt  }
0x4f: {  	_ =	shalt  }
0x50: {  	_ =	shalt  }
0x51: {  	_ =	shalt  }
0x52: {  	_ =	shalt  }
0x53: {  	_ =	shalt  }
0x54: {  	_ =	shalt  }
0x55: {  	_ =	shalt  }
0x56: {  	_ =	shalt  }
0x57: {  	_ =	shalt  }
0x58: {  	_ =	shalt  }
0x59: {  	_ =	shalt  }
0x5a: {  	_ =	shalt  }
0x5b: {  	_ =	shalt  }
0x5c: {  	_ =	shalt  }
0x5d: {  	_ =	shalt  }
0x5e: {  	_ =	shalt  }
0x5f: {  	_ =	shalt  }
0x60: {  	_ =	shalt  }
0x61: {  	_ =	shalt  }
0x62: {  	_ =	shalt  }
0x63: {  	_ =	shalt  }
0x64: {  	_ =	shalt  }
0x65: {  	_ =	shalt  }
0x66: {  	_ =	shalt  }
0x67: {  	_ =	shalt  }
0x68: {  	_ =	shalt  }
0x69: {  	_ =	shalt  }
0x6a: {  	_ =	shalt  }
0x6b: {  	_ =	shalt  }
0x6c: {  	_ =	shalt  }
0x6d: {  	_ =	shalt  }
0x6e: {  	_ =	shalt  }
0x6f: {  	_ =	shalt  }
0x70: {  	_ =	shalt  }
0x71: {  	_ =	shalt  }
0x72: {  	_ =	shalt  }
0x73: {  	_ =	shalt  }
0x74: {  	_ =	shalt  }
0x75: {  	_ =	shalt  }
0x76: {  	_ =	shalt  }
0x77: {  	_ =	shalt  }
0x78: {  	_ =	shalt  }
0x79: {  	_ =	shalt  }
0x7a: {  	_ =	shalt  }
0x7b: {  	_ =	shalt  }
0x7c: {  	_ =	shalt  }
0x7d: {  	_ =	shalt  }
0x7e: {  	_ =	shalt  }
0x7f: {  	_ =	shalt  }
0x80: {  	_ =	shalt  }
0x81: {  	_ =	shalt  }
0x82: {  	_ =	shalt  }
0x83: {  	_ =	shalt  }
0x84: {  	_ =	shalt  }
0x85: {  	_ =	shalt  }
0x86: {  	_ =	shalt  }
0x87: {  	_ =	shalt  }
.Lfunc_end0:
.L_simem_size_0:
called_computation.3_lowered:
.L_overlay_start_0:
0x88: {  	s2 =	sld [smem:$0x3FD9]  }
0x89: {  	s3 =	sld [smem:$0x3FFE];
	_ =	sdelay $0x1  }
0x8a: {  	s1 =	srdreg.scid  }
0x8b: {  	s0 =	sand.u32 $0x1, s1  }
0x8c: {  	s16 =	sshll.u32 s0, $0xA;
	s2 =	sadd.s32 s3, s2  }
0x8d: {  	s2 =	sadd.s32 s2, s16  }
0x8e: {  	[smem:$0x3FBC] =	sst s2  }
0x8f: {  	_ = 	snop  }
0x90: {  	(tm) =	ssettm $0x1  }
0x91: {  	s17 =	sld [smem:$0x3FFB];
	_ =	sdelay $0x3  }
0x92: {  	_ =	strace s17  }
0x93: {  	s2 =	sld [smem:$0x3FFC];
	_ =	sdelay $0x3  }
0x94: {  	_ =	strace s2  }
0x95: {  	s2 =	sld [smem:$0x3FFD];
	_ =	sdelay $0x3  }
0x96: {  	_ =	strace s2  }
0x97: {  	_ =	strace $0x8FFFFFFF  }
0x98: {  	s18 =	sld [smem:$0x3FDB];
	_ =	sdelay $0x1  }
0x99: {  	s19 =	simm.s32 $_scs_section_size  }
0x9a: {  	s4 =	simm.s32 $_size__tile_overlayer_lowered;
	s5 =	simm.s32 $_tile_overlayer_lowered  }
0x9b: {  	s22 =	simm.s32 $0x1BFF;
	s21 =	sshll.u32 s5, $0x1;
	s2 =	sadd.s32 s19, s18  }
0x9c: {  	s6 =	simm.s32 $0x0;
	s20 =	sshll.u32 s4, $0x1;
	s4 =	sadd.s32 s21, s2  }
0x9d: {  	[timem:s6], [sflag:s22] =	dma.local [hbm:s4], s20  }
0x9e: {  	_ =	swait.ge [sflag:s22], s20  }
0x9f: {  	s3 =	ssub.s32 $0x0, s20;
	[sflag:s22] =	ssyncset.done $0x0  }
0xa0: {  	[sflag:s22] =	ssyncadd.s32 s3;
	_ =	sdelay $0x1  }
0xa1: {  	s23 =	simm.s32 $0x1B8B  }
0xa2: {  	_ =	swait.ge [sflag:s23], $0x1  }
0xa3: {  	[sflag:s23] =	ssyncset.done $0x0  }
0xa4: {  	s25 =	simm.s32 $0x1B8E;
	s24 =	sld [smem:$0x3FFE];
	[sflag:s23] =	ssyncadd.s32 $0xFFFFFFFF  }
0xa5: {  	s26 =	simm.s32 $execute0_lowered;
	[smem:$0x3FD2] =	sst s25  }
0xa6: {  	s4 =	sshll.u32 s26, $0x1;
	_ =	strace $0x8000004F;
	[dreg:$0x1] =	wrdreg $0xFFFFFFFF  }
0xa7: {  	s28 =	simm.s32 $_size_execute0_lowered;
	s2 =	sadd.s32 s2, s4;
	[dreg:$0x0] =	wrdreg $0x0  }
0xa8: {  	s4 =	sshll.u32 s28, $0x1;
	[dreg:$0x2] =	wrdreg s2  }
0xa9: {  	[dreg:$0x3] =	wrdreg s4  }
0xaa: {  	[dreg:$0x4] =	wrdreg $0xC0  }
0xab: {  	_ =	task [dreg:s6], $0x5FFFF  }
0xac: {  	[dreg:$0x1] =	wrdreg $0xFFFFFFFF  }
0xad: {  	[dreg:$0x0] =	wrdreg $0x60  }
0xae: {  	[dreg:$0x2] =	wrdreg s24  }
0xaf: {  	[dreg:$0x3] =	wrdreg $0xA8000  }
0xb0: {  	[dreg:$0x4] =	wrdreg $0x9  }
0xb1: {  	_ =	task.clear_ibuf [dreg:s6], $0x5FFFF;
	_ =	strace $0x9000004F  }
0xb2: {  	s29 =	simm.s32 $0x9;
	_ =	strace $0x80000051  }
0xb3: {  	_ =	swait.ge [sflag:s29], $0x1  }
0xb4: {  	[sflag:s29] =	ssyncadd.s32 $0xFFFFFFFF  }
0xb5: {  	_ =	strace $0x90000051  }
0xb6: {  	_ =	sfence  }
0xb7: {  	s30 =	sld [smem:$0x0];
	_ =	sdelay $0x2  }
0xb8: {  	s31 =	sshll.u32 s1, $0xD;
	s1 =	sshrl.u32 s1, $0x2  }
0xb9: {  	s3 =	sand.u32 $0x4000, s31;
	s1 =	sadd.s32 s1, s30  }
0xba: {  	s0 =	sor.u32 s3, s0;
	s1 =	sshll.u32 s1, $0x11  }
0xbb: {  	s0 =	sor.u32 s1, s0  }
0xbc: {  	s0 =	sadd.s32 $0x8F2B, s0  }
0xbd: {  	[sflag:s0] =	ssyncadd.remote.s32 $0x1  }
0xbe: {  	_ =	sfence.sel $0xFFFF  }
0xbf: {  	[dreg:$0x0] =	wrdreg $0xFFFFFFFF;
	(pc) =	sbr.abs _section_cstart, $3  }
0xc0: {  	[dreg:$0x1] =	wrdreg $0xFFFFFFFF  }
0xc1: {  	_ =	task.clear_ibuf [dreg:s6], $0x2FFFF;
	_ =	strace $0x9FFFFFFF  }
0xc2: {  	(tm) =	ssettm $0x7FFFFFFF  }
0xc3: {  	_ =	shalt  }
tec
execute0_lowered:
.L_overlay_start_1:
0x0: {  	(tag) =	ssettag $0x1  }
0x1: {  	s0 =	rddreg [dreg:$0x0]  }
0x2: {  	s1 =	rddreg [dreg:$0x1];
	s3 =	simm.s32 $0x0  }
0x3: {  	s2 =	srdreg.scid;
	s9 =	stileid.u32;
	s16 =	simm.s32 $0x2800  }
0x4: {  	s17 =	simm.s32 $0x5;
	s18 =	simm.s32 $0x1400;
	s19 =	simm.s32 $0x80  }
0x5: {  	s20 =	simm.s32 $0x6800;
	s21 =	simm.s32 $0x1;
	s22 =	simm.s32 $0x3  }
0x6: {  	s28 =	simm.s32 $0x1380;
	s29 =	simm.s32 $0x2700;
	s30 =	simm.s32 $0x2780  }
0x7: {  	s31 =	simm.s32 $0x0;
	[smem:$0x7FF] =	sst s3;
	s6 =	smul.u32 $0x14000, s9  }
0x8: {  	s2 =	sand.u32 $0x1, s2;
	s4 =	sadd.s32 $0xB8800, s0;
	s7 =	smul.u32 $0x50000, s9  }
0x9: {  	s12 =	sadd.s32 $0xFC00, s0;
	s13 =	sadd.s32 $0x5C00, s0;
	s9 =	smul.u32 $0x500, s9  }
0xa: {  	s5 =	smul.u32 $0x140000, s2;
	_ =	strace $0x80000050;
	s23 =	ssub.s32 $0x2, s2  }
0xb: {  	p0 =	seq.s32 s2, $0x0;
	s8 =	sshrl.u32 s23, $0x1;
	s24 =	sshrl.u32 s7, $0x2  }
0xc: {  	s2 =	sadd.s32 $0x5000, s9;
	s5 =	sadd.s32 s6, s5;
	s6 =	ssub.s32 s23, s8  }
0xd: {  	s2 =	smov.u32 @p0 s9;
	s23 =	simm.s32 $0x100;
	s5 =	sshrl.u32 s5, $0x3  }
0xe: {  	s14 =	sadd.s32 $0x280, s2;
	s10 =	sadd.s32 s12, s2;
	s11 =	sadd.s32 s13, s2  }
0xf: {  	s15 =	smax.u32 s6, $0x1;
	s0 =	sadd.s32 s5, s0;
	s5 =	sadd.s32 s24, s1  }
0x10: {  	s12 =	sadd.s32 s12, s14;
	s13 =	sadd.s32 s13, s14;
	s24 =	simm.s32 $0x2  }
0x11: {  	s25 =	sadd.s32 $0x4000, s5;
	s26 =	sadd.s32 $0x8000, s5;
	s8 =	sadd.s32 $0xC000, s5  }
0x12: {  	s9 =	sadd.s32 $0x10000, s5;
	s14 =	sadd.s32 $0xDFA00, s0;
	[dreg:$0x3] =	wrdreg s25  }
0x13: {  	v0 =	vimm.s32 $0x0;
	[dreg:$0x4] =	wrdreg s26;
	s25 =	simm.s32 $0x1480;
	s26 =	simm.s32 $0x4  }
.LBB2_1:
0x14: {  	s0 =	sand.u32 $0xFE00, s3  }
0x15: {  	s2 =	sand.u32 $0x70, s3;
	s6 =	sshrl.u32 s0, $0x2  }
0x16: {  	s0 =	simm.s32 $0x40;
	s6 =	sor.u32 s2, s6;
	s2 =	simm.s32 $0x0  }
.LBB2_2:
0x17: {  	p0 =	sne.s32 s0, $0xFFC0  }
0x18: {  	[tilespmem:s6+$0x2800] =	vst v0;
	s2 =	sadd.s32 $0x10, s2;
	s6 =	smov.u32 s0;
	s0 =	sadd.s32 $0x40, s0  }
.Ltmp0:
0x19: {  	(pc) =	sbr.rel @p0 .LBB2_2-.Ltmp0, $4  }
0x1a: {  	_ = 	snop  }
0x1b: {  	s6 =	sand.u32 $0xFE00, s6  }
0x1c: {  	s7 =	sand.u32 $0x70, s2;
	s6 =	sshrl.u32 s6, $0x2  }
0x1d: {  	s6 =	sor.u32 s7, s6  }
0x1e: {  	[tilespmem:s6+$0x2800] =	vst v0  }
0x1f: {  	[spmem:s5] =	stream.linear.scatter [tilespmem:s16], [sflag:$0x5], $0x4000, $0x38;
	[tilespmem:$0x1E800] =	vst v63  }
0x20: {  	_ =	swait.ge [sflag:s17], $0x4000  }
0x21: {  	[sflag:s17] =	ssyncset.done $0x0  }
0x22: {  	s0 =	rddreg [dreg:$0x3];
	[sflag:s17] =	ssyncadd.s32 $0xFFFFC000  }
0x23: {  	[spmem:s0] =	stream.linear.scatter [tilespmem:s16], [sflag:$0x5], $0x4000, $0x38;
	[tilespmem:$0x1E800] =	vst v63  }
0x24: {  	_ =	swait.ge [sflag:s17], $0x4000  }
0x25: {  	[sflag:s17] =	ssyncset.done $0x0  }
0x26: {  	s7 =	rddreg [dreg:$0x4];
	[sflag:s17] =	ssyncadd.s32 $0xFFFFC000  }
0x27: {  	[spmem:s7] =	stream.linear.scatter [tilespmem:s16], [sflag:$0x5], $0x4000, $0x38;
	[tilespmem:$0x1E800] =	vst v63  }
0x28: {  	_ =	swait.ge [sflag:s17], $0x4000  }
0x29: {  	[sflag:s17] =	ssyncset.done $0x0  }
0x2a: {  	[sflag:s17] =	ssyncadd.s32 $0xFFFFC000  }
0x2b: {  	[spmem:s8] =	stream.linear.scatter [tilespmem:s16], [sflag:$0x5], $0x4000, $0x38;
	[tilespmem:$0x1E800] =	vst v63  }
0x2c: {  	_ =	swait.ge [sflag:s17], $0x4000  }
0x2d: {  	[sflag:s17] =	ssyncset.done $0x0  }
0x2e: {  	[sflag:s17] =	ssyncadd.s32 $0xFFFFC000  }
0x2f: {  	[spmem:s9] =	stream.linear.scatter [tilespmem:s16], [sflag:$0x5], $0x4000, $0x38;
	[tilespmem:$0x1E800] =	vst v63  }
0x30: {  	_ =	swait.ge [sflag:s17], $0x4000  }
0x31: {  	[sflag:s17] =	ssyncset.done $0x0  }
0x32: {  	[sflag:s17] =	ssyncadd.s32 $0xFFFFC000  }
0x33: {  	[bflag:$0x0] =	sbarrier.arrive $0xFFFF  }
0x34: {  	[tilespmem:s3], [sflag:$0x5] =	stream.linear.gather [hbm4b:s10+s3], $0x1400, $0x38;
	[tilespmem:$0x1E800] =	vst v63  }
0x35: {  	_ =	swait.ge [sflag:s17], $0x1400  }
0x36: {  	[sflag:s17] =	ssyncset.done $0x0  }
0x37: {  	[sflag:s17] =	ssyncadd.s32 $0xFFFFEC00  }
0x38: {  	[tilespmem:s18], [sflag:$0x5] =	stream.linear.gather [hbm4b:s11+s3], $0x1400, $0x38;
	[tilespmem:$0x1E800] =	vst v63  }
0x39: {  	_ =	swait.ge [sflag:s17], $0x1400  }
0x3a: {  	[sflag:s17] =	ssyncset.done $0x0  }
0x3b: {  	[sflag:s17] =	ssyncadd.s32 $0xFFFFEC00  }
0x3c: {  	[tilespmem:s16], [sflag:$0x1] =	stream.indirect.gather [hbm4b:s4+s19], $0x80, s3, s19, $0xb8;
	[tilespmem:$0x1E800] =	vst v63  }
0x3d: {  	_ = 	snop  }
0x3e: {  	[tilespmem:s20], [sflag:$0x2] =	stream.indirect.gather [hbm4b:s4+s19], $0x80, s19, s19, $0xb8;
	[tilespmem:$0x1E800] =	vst v63  }
0x3f: {  	_ =	swait.ge [sflag:s21], $0x4000  }
0x40: {  	[sflag:s21] =	ssyncset.done $0x0  }
0x41: {  	[sflag:s21] =	ssyncadd.s32 $0xFFFFC000  }
0x42: {  	[spmem:s1] =	stream.indirect.scatter.add.s32 [tilespmem:s16], [sflag:$0x3], $0x80, s18, s19, $0xb8;
	[tilespmem:$0x1E800] =	vst v63  }
0x43: {  	_ =	swait.ge [sflag:s22], $0x4000  }
0x44: {  	[sflag:s22] =	ssyncset.done $0x0  }
0x45: {  	[sflag:s22] =	ssyncadd.s32 $0xFFFFC000  }
0x46: {  	[tilespmem:s16], [sflag:$0x1] =	stream.indirect.gather [hbm4b:s4+s19], $0x80, s23, s19, $0xb8;
	[tilespmem:$0x1E800] =	vst v63  }
0x47: {  	_ =	swait.ge [sflag:s24], $0x4000  }
0x48: {  	[sflag:s24] =	ssyncset.done $0x0  }
0x49: {  	[sflag:s24] =	ssyncadd.s32 $0xFFFFC000  }
0x4a: {  	[spmem:s1] =	stream.indirect.scatter.add.s32 [tilespmem:s20], [sflag:$0x4], $0x80, s25, s19, $0xb8;
	[tilespmem:$0x1E800] =	vst v63  }
0x4b: {  	_ =	swait.ge [sflag:s26], $0x4000  }
0x4c: {  	[sflag:s26] =	ssyncset.done $0x0  }
0x4d: {  	s2 =	simm.s32 $0x180;
	[sflag:s26] =	ssyncadd.s32 $0xFFFFC000  }
0x4e: {  	[tilespmem:s20], [sflag:$0x2] =	stream.indirect.gather [hbm4b:s4+s19], $0x80, s2, s19, $0xb8;
	[tilespmem:$0x1E800] =	vst v63  }
0x4f: {  	_ =	swait.ge [sflag:s21], $0x4000  }
0x50: {  	[sflag:s21] =	ssyncset.done $0x0  }
0x51: {  	s6 =	simm.s32 $0x1500;
	[sflag:s21] =	ssyncadd.s32 $0xFFFFC000  }
0x52: {  	[spmem:s1] =	stream.indirect.scatter.add.s32 [tilespmem:s16], [sflag:$0x3], $0x80, s6, s19, $0xb8;
	[tilespmem:$0x1E800] =	vst v63  }
0x53: {  	_ =	swait.ge [sflag:s22], $0x4000  }
0x54: {  	[sflag:s22] =	ssyncset.done $0x0  }
0x55: {  	s7 =	simm.s32 $0x200;
	[sflag:s22] =	ssyncadd.s32 $0xFFFFC000  }
0x56: {  	[tilespmem:s16], [sflag:$0x1] =	stream.indirect.gather [hbm4b:s4+s19], $0x80, s7, s19, $0xb8;
	[tilespmem:$0x1E800] =	vst v63  }
0x57: {  	_ =	swait.ge [sflag:s24], $0x4000  }
0x58: {  	[sflag:s24] =	ssyncset.done $0x0  }
0x59: {  	s0 =	simm.s32 $0xFFFFBC00;
	s2 =	simm.s32 $0x1580;
	[sflag:s24] =	ssyncadd.s32 $0xFFFFC000  }
.LBB2_4:
0x5a: {  	[spmem:s1] =	stream.indirect.scatter.add.s32 [tilespmem:s20], [sflag:$0x4], $0x80, s2, s19, $0xb8;
	[tilespmem:$0x1E800] =	vst v63  }
0x5b: {  	s2 =	smov.u32 s0  }
0x5c: {  	p0 =	sne.s32 s0, $0xFFFFFC00;
	s0 =	sadd.s32 $0x400, s0;
	_ =	swait.ge [sflag:s26], $0x4000  }
0x5d: {  	s2 =	sshra.s32 s2, $0x2;
	[sflag:s26] =	ssyncset.done $0x0  }
0x5e: {  	s6 =	sadd.s32 $0x1380, s2;
	[sflag:s26] =	ssyncadd.s32 $0xFFFFC000  }
0x5f: {  	[tilespmem:s20], [sflag:$0x2] =	stream.indirect.gather [hbm4b:s4+s19], $0x80, s6, s19, $0xb8;
	[tilespmem:$0x1E800] =	vst v63  }
0x60: {  	_ =	swait.ge [sflag:s21], $0x4000  }
0x61: {  	[sflag:s21] =	ssyncset.done $0x0  }
0x62: {  	s6 =	sadd.s32 $0x2700, s2;
	[sflag:s21] =	ssyncadd.s32 $0xFFFFC000  }
0x63: {  	[spmem:s1] =	stream.indirect.scatter.add.s32 [tilespmem:s16], [sflag:$0x3], $0x80, s6, s19, $0xb8;
	[tilespmem:$0x1E800] =	vst v63  }
0x64: {  	_ =	swait.ge [sflag:s22], $0x4000  }
0x65: {  	[sflag:s22] =	ssyncset.done $0x0  }
.Ltmp1:
0x66: {  	s6 =	sadd.s32 $0x1400, s2;
	[sflag:s22] =	ssyncadd.s32 $0xFFFFC000;
	(pc) =	sbr.rel @p0 .LBB2_4-.Ltmp1, $4  }
0x67: {  	[tilespmem:s16], [sflag:$0x1] =	stream.indirect.gather [hbm4b:s4+s19], $0x80, s6, s19, $0xb8;
	[tilespmem:$0x1E800] =	vst v63  }
0x68: {  	_ =	swait.ge [sflag:s24], $0x4000  }
0x69: {  	[sflag:s24] =	ssyncset.done $0x0  }
0x6a: {  	s2 =	sadd.s32 $0x2780, s2;
	[sflag:s24] =	ssyncadd.s32 $0xFFFFC000  }
0x6b: {  	[spmem:s1] =	stream.indirect.scatter.add.s32 [tilespmem:s20], [sflag:$0x4], $0x80, s2, s19, $0xb8;
	[tilespmem:$0x1E800] =	vst v63  }
0x6c: {  	_ =	swait.ge [sflag:s26], $0x4000  }
0x6d: {  	[sflag:s26] =	ssyncset.done $0x0  }
0x6e: {  	[sflag:s26] =	ssyncadd.s32 $0xFFFFC000  }
0x6f: {  	[tilespmem:s20], [sflag:$0x2] =	stream.indirect.gather [hbm4b:s4+s19], $0x80, s28, s19, $0xb8;
	[tilespmem:$0x1E800] =	vst v63  }
0x70: {  	_ =	swait.ge [sflag:s21], $0x4000  }
0x71: {  	[sflag:s21] =	ssyncset.done $0x0  }
0x72: {  	[sflag:s21] =	ssyncadd.s32 $0xFFFFC000  }
0x73: {  	[spmem:s1] =	stream.indirect.scatter.add.s32 [tilespmem:s16], [sflag:$0x3], $0x80, s29, s19, $0xb8;
	[tilespmem:$0x1E800] =	vst v63  }
0x74: {  	_ =	swait.ge [sflag:s24], $0x4000  }
0x75: {  	[sflag:s24] =	ssyncset.done $0x0  }
0x76: {  	[sflag:s24] =	ssyncadd.s32 $0xFFFFC000  }
0x77: {  	[spmem:s1] =	stream.indirect.scatter.add.s32 [tilespmem:s20], [sflag:$0x4], $0x80, s30, s19, $0xb8;
	[tilespmem:$0x1E800] =	vst v63  }
0x78: {  	_ =	swait.ge [sflag:s22], $0x4000  }
0x79: {  	[sflag:s22] =	ssyncset.done $0x0  }
0x7a: {  	[sflag:s22] =	ssyncadd.s32 $0xFFFFC000  }
0x7b: {  	_ =	swait.ge [sflag:s26], $0x4000  }
0x7c: {  	[sflag:s26] =	ssyncset.done $0x0  }
0x7d: {  	[sflag:s26] =	ssyncadd.s32 $0xFFFFC000  }
0x7e: {  	[tilespmem:s3], [sflag:$0x5] =	stream.linear.gather [hbm4b:s12+s3], $0x1400, $0x38;
	[tilespmem:$0x1E800] =	vst v63  }
0x7f: {  	_ =	swait.ge [sflag:s17], $0x1400  }
0x80: {  	[sflag:s17] =	ssyncset.done $0x0  }
0x81: {  	[sflag:s17] =	ssyncadd.s32 $0xFFFFEC00  }
0x82: {  	[tilespmem:s18], [sflag:$0x5] =	stream.linear.gather [hbm4b:s13+s3], $0x1400, $0x38;
	[tilespmem:$0x1E800] =	vst v63  }
0x83: {  	_ =	swait.ge [sflag:s17], $0x1400  }
0x84: {  	[sflag:s17] =	ssyncset.done $0x0  }
0x85: {  	[sflag:s17] =	ssyncadd.s32 $0xFFFFEC00  }
0x86: {  	[tilespmem:s16], [sflag:$0x1] =	stream.indirect.gather [hbm4b:s4+s19], $0x80, s3, s19, $0xb8;
	[tilespmem:$0x1E800] =	vst v63  }
0x87: {  	_ = 	snop  }
0x88: {  	[tilespmem:s20], [sflag:$0x2] =	stream.indirect.gather [hbm4b:s4+s19], $0x80, s19, s19, $0xb8;
	[tilespmem:$0x1E800] =	vst v63  }
0x89: {  	_ =	swait.ge [sflag:s21], $0x4000  }
0x8a: {  	[sflag:s21] =	ssyncset.done $0x0  }
0x8b: {  	[sflag:s21] =	ssyncadd.s32 $0xFFFFC000  }
0x8c: {  	[spmem:s1] =	stream.indirect.scatter.add.s32 [tilespmem:s16], [sflag:$0x3], $0x80, s18, s19, $0xb8;
	[tilespmem:$0x1E800] =	vst v63  }
0x8d: {  	_ =	swait.ge [sflag:s22], $0x4000  }
0x8e: {  	[sflag:s22] =	ssyncset.done $0x0  }
0x8f: {  	[sflag:s22] =	ssyncadd.s32 $0xFFFFC000  }
0x90: {  	[tilespmem:s16], [sflag:$0x1] =	stream.indirect.gather [hbm4b:s4+s19], $0x80, s23, s19, $0xb8;
	[tilespmem:$0x1E800] =	vst v63  }
0x91: {  	_ =	swait.ge [sflag:s24], $0x4000  }
0x92: {  	[sflag:s24] =	ssyncset.done $0x0  }
0x93: {  	[sflag:s24] =	ssyncadd.s32 $0xFFFFC000  }
0x94: {  	[spmem:s1] =	stream.indirect.scatter.add.s32 [tilespmem:s20], [sflag:$0x4], $0x80, s25, s19, $0xb8;
	[tilespmem:$0x1E800] =	vst v63  }
0x95: {  	_ =	swait.ge [sflag:s26], $0x4000  }
0x96: {  	[sflag:s26] =	ssyncset.done $0x0  }
0x97: {  	s0 =	simm.s32 $0x180;
	[sflag:s26] =	ssyncadd.s32 $0xFFFFC000  }
0x98: {  	[tilespmem:s20], [sflag:$0x2] =	stream.indirect.gather [hbm4b:s4+s19], $0x80, s0, s19, $0xb8;
	[tilespmem:$0x1E800] =	vst v63  }
0x99: {  	_ =	swait.ge [sflag:s21], $0x4000  }
0x9a: {  	[sflag:s21] =	ssyncset.done $0x0  }
0x9b: {  	s6 =	simm.s32 $0x1500;
	[sflag:s21] =	ssyncadd.s32 $0xFFFFC000  }
0x9c: {  	[spmem:s1] =	stream.indirect.scatter.add.s32 [tilespmem:s16], [sflag:$0x3], $0x80, s6, s19, $0xb8;
	[tilespmem:$0x1E800] =	vst v63  }
0x9d: {  	_ =	swait.ge [sflag:s22], $0x4000  }
0x9e: {  	[sflag:s22] =	ssyncset.done $0x0  }
0x9f: {  	s7 =	simm.s32 $0x200;
	[sflag:s22] =	ssyncadd.s32 $0xFFFFC000  }
0xa0: {  	[tilespmem:s16], [sflag:$0x1] =	stream.indirect.gather [hbm4b:s4+s19], $0x80, s7, s19, $0xb8;
	[tilespmem:$0x1E800] =	vst v63  }
0xa1: {  	_ =	swait.ge [sflag:s24], $0x4000  }
0xa2: {  	[sflag:s24] =	ssyncset.done $0x0  }
0xa3: {  	s2 =	simm.s32 $0x1580;
	s0 =	simm.s32 $0xFFFFBC00;
	[sflag:s24] =	ssyncadd.s32 $0xFFFFC000  }
.LBB2_6:
0xa4: {  	[spmem:s1] =	stream.indirect.scatter.add.s32 [tilespmem:s20], [sflag:$0x4], $0x80, s2, s19, $0xb8;
	[tilespmem:$0x1E800] =	vst v63  }
0xa5: {  	s2 =	smov.u32 s0  }
0xa6: {  	p0 =	sne.s32 s0, $0xFFFFFC00;
	s0 =	sadd.s32 $0x400, s0;
	_ =	swait.ge [sflag:s26], $0x4000  }
0xa7: {  	s2 =	sshra.s32 s2, $0x2;
	[sflag:s26] =	ssyncset.done $0x0  }
0xa8: {  	s6 =	sadd.s32 $0x1380, s2;
	[sflag:s26] =	ssyncadd.s32 $0xFFFFC000  }
0xa9: {  	[tilespmem:s20], [sflag:$0x2] =	stream.indirect.gather [hbm4b:s4+s19], $0x80, s6, s19, $0xb8;
	[tilespmem:$0x1E800] =	vst v63  }
0xaa: {  	_ =	swait.ge [sflag:s21], $0x4000  }
0xab: {  	[sflag:s21] =	ssyncset.done $0x0  }
0xac: {  	s6 =	sadd.s32 $0x2700, s2;
	[sflag:s21] =	ssyncadd.s32 $0xFFFFC000  }
0xad: {  	[spmem:s1] =	stream.indirect.scatter.add.s32 [tilespmem:s16], [sflag:$0x3], $0x80, s6, s19, $0xb8;
	[tilespmem:$0x1E800] =	vst v63  }
0xae: {  	_ =	swait.ge [sflag:s22], $0x4000  }
0xaf: {  	[sflag:s22] =	ssyncset.done $0x0  }
.Ltmp2:
0xb0: {  	s6 =	sadd.s32 $0x1400, s2;
	[sflag:s22] =	ssyncadd.s32 $0xFFFFC000;
	(pc) =	sbr.rel @p0 .LBB2_6-.Ltmp2, $4  }
0xb1: {  	[tilespmem:s16], [sflag:$0x1] =	stream.indirect.gather [hbm4b:s4+s19], $0x80, s6, s19, $0xb8;
	[tilespmem:$0x1E800] =	vst v63  }
0xb2: {  	_ =	swait.ge [sflag:s24], $0x4000  }
0xb3: {  	[sflag:s24] =	ssyncset.done $0x0  }
0xb4: {  	s2 =	sadd.s32 $0x2780, s2;
	[sflag:s24] =	ssyncadd.s32 $0xFFFFC000  }
0xb5: {  	[spmem:s1] =	stream.indirect.scatter.add.s32 [tilespmem:s20], [sflag:$0x4], $0x80, s2, s19, $0xb8;
	[tilespmem:$0x1E800] =	vst v63  }
0xb6: {  	_ =	swait.ge [sflag:s26], $0x4000  }
0xb7: {  	[sflag:s26] =	ssyncset.done $0x0  }
0xb8: {  	[sflag:s26] =	ssyncadd.s32 $0xFFFFC000  }
0xb9: {  	[tilespmem:s20], [sflag:$0x2] =	stream.indirect.gather [hbm4b:s4+s19], $0x80, s28, s19, $0xb8;
	[tilespmem:$0x1E800] =	vst v63  }
0xba: {  	_ =	swait.ge [sflag:s21], $0x4000  }
0xbb: {  	[sflag:s21] =	ssyncset.done $0x0  }
0xbc: {  	[sflag:s21] =	ssyncadd.s32 $0xFFFFC000  }
0xbd: {  	[spmem:s1] =	stream.indirect.scatter.add.s32 [tilespmem:s16], [sflag:$0x3], $0x80, s29, s19, $0xb8;
	[tilespmem:$0x1E800] =	vst v63  }
0xbe: {  	_ =	swait.ge [sflag:s24], $0x4000  }
0xbf: {  	[sflag:s24] =	ssyncset.done $0x0  }
0xc0: {  	[sflag:s24] =	ssyncadd.s32 $0xFFFFC000  }
0xc1: {  	[spmem:s1] =	stream.indirect.scatter.add.s32 [tilespmem:s20], [sflag:$0x4], $0x80, s30, s19, $0xb8;
	[tilespmem:$0x1E800] =	vst v63  }
0xc2: {  	_ =	swait.ge [sflag:s22], $0x4000  }
0xc3: {  	[sflag:s22] =	ssyncset.done $0x0  }
0xc4: {  	[sflag:s22] =	ssyncadd.s32 $0xFFFFC000  }
0xc5: {  	s0 =	stileid.u32;
	_ =	swait.ge [sflag:s26], $0x4000  }
0xc6: {  	s7 =	sshrl.u32 s5, $0x3;
	s31 =	sadd.s32 $0x1, s31;
	[sflag:s26] =	ssyncset.done $0x0  }
0xc7: {  	s0 =	sshll.u32 s0, $0x6;
	p0 =	sne.s32 s31, s15;
	[sflag:s26] =	ssyncadd.s32 $0xFFFFC000  }
.Ltmp3:
0xc8: {  	s0 =	sor.u32 $0x1C05, s0;
	[bflag:$0x0] =	sbarrier.arrive $0xFFFF;
	(pc) =	sbr.rel @p0 .LBB2_1-.Ltmp3, $4  }
0xc9: {  	[hbm:s14], [sflag:s0] =	dma.local [spmem:s7], $0x2800  }
0xca: {  	_ =	swait.ge [sflag:s17], $0x2800  }
0xcb: {  	[sflag:s17] =	ssyncset.done $0x0  }
0xcc: {  	[sflag:s17] =	ssyncadd.s32 $0xFFFFD800  }
0xcd: {  	_ =	sfence.sel $0x180000  }
0xce: {  	[bflag:$0x0] =	sbarrier.arrive $0xFFFF  }
0xcf: {  	_ =	strace $0x90000050  }
0xd0: {  	s0 =	stileid.u32;
	[bflag:$0x2] =	sbarrier.arrive $0xFFFF  }
0xd1: {  	p0 =	sne.s32 s0, $0x0;
	s0 =	rddreg [dreg:$0x2]  }
0xd2: {  	s0 =	sadd.s32 @!p0 $0x100000, s0  }
0xd3: {  	[sflag:s0] =	ssyncadd.tile.s32 @!p0 $0x1;
	_ =	shalt  }
.Lfunc_end2:
_tile_overlayer_lowered:
.L_overlay_start_2:
0xd4: {  	(tag) =	ssettag $0x2  }
0xd5: {  	s0 =	rddreg [dreg:$0x0];
	s2 =	stileid.u32  }
0xd6: {  	s1 =	rddreg [dreg:$0x1];
	p0 =	sne.s32 s2, $0x0  }
0xd7: {  	s3 =	rddreg [dreg:$0x2];
	[bflag:$0x3] =	sbarrier.arrive $0xFFFF;
	s2 =	simm.s32 @!p0 $0x1C05  }
0xd8: {  	[timem:s3], [sflag:s2] =	dma.local @!p0 [hbm:s0], s1  }
0xd9: {  	s0 =	simm.s32 @!p0 $0x5  }
0xda: {  	_ =	swait.ge @!p0 [sflag:s0], s1  }
0xdb: {  	s1 =	ssub.s32 @!p0 $0x0, s1;
	[sflag:s0] =	ssyncset.done @!p0 $0x0  }
0xdc: {  	[sflag:s0] =	ssyncadd.s32 @!p0 s1  }
0xdd: {  	[bflag:$0x3] =	sbarrier.arrive $0xFFFF  }
0xde: {  	_ =	shalt  }

</sc_bundles>
